<compile_context>
chip_gen: v7x
topology: tpu7x:2x2x1
jax: 0.10.2.dev20260603
libtpu: 0.0.44.dev20260713+nightly
codegen_flags: <defaults>
</compile_context>

<pallas_src>
import functools

import jax
import jax.numpy as jnp
from jax import lax
from jax.experimental import pallas as pl
from jax.experimental.pallas import tpu as pltpu
from jax.experimental.pallas import tpu_sc as plsc

N_N = 10000
N_E = 160000
CS = 256
CZ = 128
CH = 256
EPS = 1e-8

TILE_N = 1000
TILE_E = 800
TW = 384

_F32 = jnp.float32
_IT = False


def _mm(a, b):
    return lax.dot_general(a, b, (((1,), (0,)), ((), ())),
                           preferred_element_type=_F32,
                           precision=lax.Precision.HIGHEST)


def _perm_rows24(W):
    return W.reshape(8, 3, -1).transpose(1, 0, 2).reshape(24, -1)


def _perm_cols24(W):
    return W.reshape(-1, 8, 3).transpose(0, 2, 1).reshape(-1, 24)


def _split_msg1(W):
    Wss = W[0:CS]
    Wsd = W[CS:2 * CS]
    Wz = W[2 * CS:2 * CS + CZ]
    o = 2 * CS + CZ
    Wpl = _perm_rows24(W[o:o + 24]); o += 24
    Wpn = W[o:o + 8]; o += 8
    Wg = jnp.concatenate([Wpl, Wpn], 0)
    Wpd = _perm_rows24(W[o:o + 24]); o += 24
    Wnn = W[o:o + 8]; o += 8
    Wrel = W[o:o + 64]
    Wpair = jnp.concatenate([Wpd, Wnn, Wrel], 0)
    return Wss, Wsd, Wz, Wg, Wpair



def _tables_math(sT, rots9, t01, ptsW, ptsb, Wss, Wg, Wsd):
    ptl = _mm(sT, ptsW) + ptsb
    plx, ply, plz = ptl[:, 0:8], ptl[:, 8:16], ptl[:, 16:24]
    pn = jnp.sqrt((plx + EPS)**2 + (ply + EPS)**2 + (plz + EPS)**2)
    gx = rots9[:, 0:1]*plx + rots9[:, 1:2]*ply + rots9[:, 2:3]*plz + t01[:, 0:1]
    gy = rots9[:, 3:4]*plx + rots9[:, 4:5]*ply + rots9[:, 5:6]*plz + t01[:, 1:2]
    gz = rots9[:, 6:7]*plx + rots9[:, 7:8]*ply + rots9[:, 8:9]*plz + t01[:, 2:3]
    cS = _mm(sT, Wss) + _mm(jnp.concatenate([ptl, pn], 1), Wg)
    cD = _mm(sT, Wsd)
    padS = jnp.zeros((sT.shape[0], 92), _F32)
    padD = jnp.zeros((sT.shape[0], 104), _F32)
    TS = jnp.concatenate([cS, gx, gy, gz, rots9, t01, padS], 1)
    TD = jnp.concatenate([cD, gx, gy, gz, padD], 1)
    return TS, TD


def _node1_body(s_ref, r_ref, t_ref, ptsW, ptsb, Wss, Wg, Wsd,
                TS_ref, TD_ref):
    TS, TD = _tables_math(s_ref[...], r_ref[...], t_ref[...] * 0.1,
                          ptsW[...], ptsb[...], Wss[...], Wg[...], Wsd[...])
    TS_ref[...] = TS
    TD_ref[...] = TD


def _node1_call(s, rots9, trans, ptsW, ptsb, Wss, Wg, Wsd):
    nt = N_N // TILE_N
    row = lambda i: (i, 0)
    full = lambda i: (0, 0)
    return pl.pallas_call(
        _node1_body,
        grid=(nt,),
        in_specs=[
            pl.BlockSpec((TILE_N, CS), row),
            pl.BlockSpec((TILE_N, 9), row),
            pl.BlockSpec((TILE_N, 3), row),
            pl.BlockSpec((CS, 24), full),
            pl.BlockSpec((1, 24), full),
            pl.BlockSpec((CS, CH), full),
            pl.BlockSpec((32, CH), full),
            pl.BlockSpec((CS, CH), full),
        ],
        out_specs=[
            pl.BlockSpec((TILE_N, TW), row),
            pl.BlockSpec((TILE_N, TW), row),
        ],
        out_shape=[
            jax.ShapeDtypeStruct((N_N, TW), _F32),
            jax.ShapeDtypeStruct((N_N, TW), _F32),
        ],
        interpret=_IT,
    )(s, rots9, trans, ptsW, ptsb, Wss, Wg, Wsd)



def _rep8(a):
    return jnp.concatenate(
        [jnp.broadcast_to(a[:, p:p + 1], (a.shape[0], 8)) for p in range(8)], 1)


def _tile8(a):
    return jnp.concatenate([a] * 8, 1)


def _edge_body(fuse_ln, gS, gD, z_ref, Wz, Wp, b1, W2, b2, W3, b3,
               lg, lb, out_ref):
    gSv = gS[...]
    gDv = gD[...]
    O = CH
    gsx, gsy, gsz = gSv[:, O:O+8], gSv[:, O+8:O+16], gSv[:, O+16:O+24]
    gdx, gdy, gdz = gDv[:, O:O+8], gDv[:, O+8:O+16], gDv[:, O+16:O+24]
    dx = gdx - gSv[:, O+33:O+34]
    dy = gdy - gSv[:, O+34:O+35]
    dz = gdz - gSv[:, O+35:O+36]
    px = gSv[:, O+24:O+25]*dx + gSv[:, O+27:O+28]*dy + gSv[:, O+30:O+31]*dz
    py = gSv[:, O+25:O+26]*dx + gSv[:, O+28:O+29]*dy + gSv[:, O+31:O+32]*dz
    pz = gSv[:, O+26:O+27]*dx + gSv[:, O+29:O+30]*dy + gSv[:, O+32:O+33]*dz
    pn = jnp.sqrt((px + EPS)**2 + (py + EPS)**2 + (pz + EPS)**2)
    rx = _rep8(gsx) - _tile8(gdx) + EPS
    ry = _rep8(gsy) - _tile8(gdy) + EPS
    rz = _rep8(gsz) - _tile8(gdz) + EPS
    rel = jnp.sqrt(rx*rx + ry*ry + rz*rz)
    pair = jnp.concatenate([px, py, pz, pn, rel], 1)
    h = gSv[:, 0:CH] + gDv[:, 0:CH] + _mm(z_ref[...], Wz[...]) + _mm(pair, Wp[...]) + b1[...]
    h = jnp.maximum(h, 0.0)
    h = jnp.maximum(_mm(h, W2[...]) + b2[...], 0.0)
    o = _mm(h, W3[...]) + b3[...]
    if fuse_ln:
        x = z_ref[...] + o
        mu = jnp.mean(x, 1, keepdims=True)
        var = jnp.mean((x - mu)**2, 1, keepdims=True)
        o = (x - mu) * lax.rsqrt(var + 1e-5) * lg[...] + lb[...]
    out_ref[...] = o


def _edge_call(fuse_ln, co, gS, gD, z, Wz, Wp, b1, W2, b2, W3, b3,
               lg, lb):
    nt = N_E // TILE_E
    row = lambda i: (i, 0)
    full = lambda i: (0, 0)
    return pl.pallas_call(
        functools.partial(_edge_body, fuse_ln),
        grid=(nt,),
        in_specs=[
            pl.BlockSpec((TILE_E, TW), row),
            pl.BlockSpec((TILE_E, TW), row),
            pl.BlockSpec((TILE_E, CZ), row),
            pl.BlockSpec((CZ, CH), full),
            pl.BlockSpec((96, CH), full),
            pl.BlockSpec((1, CH), full),
            pl.BlockSpec((CH, CH), full),
            pl.BlockSpec((1, CH), full),
            pl.BlockSpec((CH, co), full),
            pl.BlockSpec((1, co), full),
            pl.BlockSpec((1, co), full),
            pl.BlockSpec((1, co), full),
        ],
        out_specs=pl.BlockSpec((TILE_E, co), row),
        out_shape=jax.ShapeDtypeStruct((N_E, co), _F32),
        interpret=_IT,
    )(gS, gD, z, Wz, Wp, b1, W2, b2, W3, b3, lg, lb)



def _gelu(x):
    return 0.5 * x * (1.0 + lax.erf(x * 0.7071067811865476))


def _node2_body(s_ref, sum_ref, cnt_ref, msk_ref, r_ref, t_ref,
                l1g, l1b, Win, bin_, Wout, bout, l2g, l2b,
                ptsW, ptsb, Wss, Wg, Wsd,
                sout_ref, TS_ref, TD_ref):
    m = msk_ref[...]
    upd = sum_ref[...] / jnp.maximum(cnt_ref[:, 0:1], 1.0)
    x = s_ref[...] + upd * m
    mu = jnp.mean(x, 1, keepdims=True)
    var = jnp.mean((x - mu)**2, 1, keepdims=True)
    s1 = (x - mu) * lax.rsqrt(var + 1e-5) * l1g[...] + l1b[...]
    hh = _gelu(_mm(s1, Win[...]) + bin_[...])
    f = _mm(hh, Wout[...]) + bout[...]
    x2 = s1 + f * m
    mu2 = jnp.mean(x2, 1, keepdims=True)
    var2 = jnp.mean((x2 - mu2)**2, 1, keepdims=True)
    s2 = (x2 - mu2) * lax.rsqrt(var2 + 1e-5) * l2g[...] + l2b[...]
    sout_ref[...] = s2
    TS, TD = _tables_math(s2, r_ref[...], t_ref[...] * 0.1,
                          ptsW[...], ptsb[...], Wss[...], Wg[...], Wsd[...])
    TS_ref[...] = TS
    TD_ref[...] = TD


def _node2_call(s, nsum, cnt, maskc, rots9, trans,
                l1g, l1b, Win, bin_, Wout, bout, l2g, l2b,
                ptsW, ptsb, Wss, Wg, Wsd):
    nt = N_N // TILE_N
    row = lambda i: (i, 0)
    full = lambda i: (0, 0)
    return pl.pallas_call(
        _node2_body,
        grid=(nt,),
        in_specs=[
            pl.BlockSpec((TILE_N, CS), row),
            pl.BlockSpec((TILE_N, CS), row),
            pl.BlockSpec((TILE_N, 16), row),
            pl.BlockSpec((TILE_N, 1), row),
            pl.BlockSpec((TILE_N, 9), row),
            pl.BlockSpec((TILE_N, 3), row),
            pl.BlockSpec((1, CS), full),
            pl.BlockSpec((1, CS), full),
            pl.BlockSpec((CS, 4 * CS), full),
            pl.BlockSpec((1, 4 * CS), full),
            pl.BlockSpec((4 * CS, CS), full),
            pl.BlockSpec((1, CS), full),
            pl.BlockSpec((1, CS), full),
            pl.BlockSpec((1, CS), full),
            pl.BlockSpec((CS, 24), full),
            pl.BlockSpec((1, 24), full),
            pl.BlockSpec((CS, CH), full),
            pl.BlockSpec((32, CH), full),
            pl.BlockSpec((CS, CH), full),
        ],
        out_specs=[
            pl.BlockSpec((TILE_N, CS), row),
            pl.BlockSpec((TILE_N, TW), row),
            pl.BlockSpec((TILE_N, TW), row),
        ],
        out_shape=[
            jax.ShapeDtypeStruct((N_N, CS), _F32),
            jax.ShapeDtypeStruct((N_N, TW), _F32),
            jax.ShapeDtypeStruct((N_N, TW), _F32),
        ],
        interpret=_IT,
    )(s, nsum, cnt, maskc, rots9, trans,
      l1g, l1b, Win, bin_, Wout, bout, l2g, l2b,
      ptsW, ptsb, Wss, Wg, Wsd)



def _sc_mesh():
    return plsc.VectorSubcoreMesh(core_axis_name="c", subcore_axis_name="s")


_NW = 32
_EPW = N_E // _NW
_GC = 96
_NGF = _EPW // _GC
_GT = _EPW - _NGF * _GC


def _gather_body(TS_h, TD_h, src_h, dst_h,
                 oS, oD,
                 idxS, idxD, bufS, bufD, gsem):
    wid = lax.axis_index("s") * 2 + lax.axis_index("c")
    base = wid * _EPW
    pltpu.sync_copy(src_h.at[pl.ds(base, _EPW)], idxS)
    pltpu.sync_copy(dst_h.at[pl.ds(base, _EPW)], idxD)

    def chunk(off, cw):
        iS = idxS.at[pl.ds(off, cw)]
        iD = idxD.at[pl.ds(off, cw)]
        bS = bufS.at[pl.ds(0, cw)]
        bD = bufD.at[pl.ds(0, cw)]
        c1 = pltpu.async_copy(TS_h.at[iS], bS, gsem)
        c2 = pltpu.async_copy(TD_h.at[iD], bD, gsem)
        c1.wait(); c2.wait()
        pltpu.sync_copy(bS, oS.at[pl.ds(base + off, cw)])
        pltpu.sync_copy(bD, oD.at[pl.ds(base + off, cw)])

    def loop(g, _):
        chunk(g * _GC, _GC)
        return _

    lax.fori_loop(0, _NGF, loop, None)
    chunk(_NGF * _GC, _GT)


def _gather_call(TS, TD, src, dst):
    f = pl.kernel(
        _gather_body,
        out_type=[
            jax.ShapeDtypeStruct((N_E, TW), _F32),
            jax.ShapeDtypeStruct((N_E, TW), _F32),
        ],
        mesh=_sc_mesh(),
        scratch_types=[
            pltpu.VMEM((_EPW,), jnp.int32),
            pltpu.VMEM((_EPW,), jnp.int32),
            pltpu.VMEM((_GC, TW), _F32),
            pltpu.VMEM((_GC, TW), _F32),
            pltpu.SemaphoreType.DMA,
        ],
    )
    return f(TS, TD, src, dst)



def kernel(s, z, edge_index, r_rots, r_trans, mask, params):
    p = params
    src = edge_index[1].astype(jnp.int32)
    dst = edge_index[0].astype(jnp.int32)
    rots9 = r_rots.reshape(N_N, 9)
    maskc = mask.reshape(N_N, 1)

    def r2(x):
        return x.reshape(1, -1)

    Wss, Wsd, Wz, Wg, Wpair = _split_msg1(p['msg1_W'])
    ptsW1 = _perm_cols24(p['node_pts_W'])
    ptsb1 = _perm_rows24(p['node_pts_b'][:, None]).reshape(1, 24)
    TS, TD = _node1_call(s, rots9, r_trans, ptsW1, ptsb1, Wss, Wg, Wsd)
    gS, gD = _gather_call(TS, TD, src, dst)
    msg = _edge_call(False, CS, gS, gD, z,
                     Wz, Wpair, r2(p['msg1_b']), p['msg2_W'], r2(p['msg2_b']),
                     p['msg3_W'], r2(p['msg3_b']),
                     r2(jnp.zeros((CS,), _F32)), r2(jnp.zeros((CS,), _F32)))
    nsum = jax.ops.segment_sum(msg, src, num_segments=N_N)
    cnt1 = jax.ops.segment_sum(jnp.ones((N_E,), _F32), src, num_segments=N_N)
    cnt = jnp.broadcast_to(cnt1[:, None], (N_N, 16))


    Wss2, Wsd2, Wz2, Wg2, Wpair2 = _split_msg1(p['emsg1_W'])
    ptsW2 = _perm_cols24(p['edge_pts_W'])
    ptsb2 = _perm_rows24(p['edge_pts_b'][:, None]).reshape(1, 24)
    s2, TS2, TD2 = _node2_call(
        s, nsum, cnt, maskc, rots9, r_trans,
        r2(p['ln1_g']), r2(p['ln1_b']), p['ffn_in_W'], r2(p['ffn_in_b']),
        p['ffn_out_W'], r2(p['ffn_out_b']), r2(p['ln2_g']), r2(p['ln2_b']),
        ptsW2, ptsb2, Wss2, Wg2, Wsd2)

    gS2, gD2 = _gather_call(TS2, TD2, src, dst)
    z2 = _edge_call(True, CZ, gS2, gD2, z,
                    Wz2, Wpair2, r2(p['emsg1_b']), p['emsg2_W'], r2(p['emsg2_b']),
                    p['emsg3_W'], r2(p['emsg3_b']),
                    r2(p['eln_g']), r2(p['eln_b']))
    return (s2, z2)

# --- scband reference (transcript-rebuilt; emitter-appended) ---
"""Pipeline reference for scband-ipmp-37134287242033 (READ-ONLY COPY).

The authoritative reference and input builder live on the scoring server;
editing this copy changes nothing except your own understanding.
"""

import jax, jax.numpy as jnp
import numpy as np

N = 10000
E = 160000
CS = 256
CZ = 128
CH = 256
P = 8
PREMSG = 2 * CS + CZ + 8 * P + P * P  # 768


def linear(x, W, b):
    return x @ W + b


def layer_norm(x, g, b, eps=1e-5):
    mu = jnp.mean(x, axis=-1, keepdims=True)
    var = jnp.var(x, axis=-1, keepdims=True)
    return (x - mu) / jnp.sqrt(var + eps) * g + b


def gen_premessage(s, z, edge_index, rots, trans, pts_W, pts_b, eps=1e-8):
    src = edge_index[1]
    dst = edge_index[0]
    s_src = s[src]
    s_dst = s[dst]
    t = trans * 0.1  # r.scale_translation(1/10)
    n_nodes = s.shape[0]
    n_edges = z.shape[0]
    pts_local = (s @ pts_W + pts_b).reshape(n_nodes, -1, 3)
    pts_local_src = pts_local[src]
    pts_norm = jnp.linalg.norm(pts_local_src + eps, axis=-1)
    pts_global = jnp.einsum('nij,npj->npi', rots, pts_local) + t[:, None, :]
    pts_global_dst = pts_global[dst]
    rots_src = rots[src]
    t_src = t[src]
    # invert_apply: R_src^T (p - t_src)
    pts_dst_in_src_local = jnp.einsum('eji,epj->epi', rots_src, pts_global_dst - t_src[:, None, :])
    pdsl_norm = jnp.linalg.norm(pts_dst_in_src_local + eps, axis=-1)
    pts_global_src = pts_global[src]
    pts_rel_dist = jnp.linalg.norm(
        pts_global_src[:, :, None, :] - pts_global_dst[:, None, :, :] + eps, axis=-1
    ).reshape(n_edges, -1)
    return jnp.concatenate([
        s_src, s_dst, z,
        pts_local_src.reshape(n_edges, -1), pts_norm,
        pts_dst_in_src_local.reshape(n_edges, -1), pdsl_norm,
        pts_rel_dist,
    ], axis=-1)


def forward(s, z, edge_index, r_rots, r_trans, mask, p):
    n_nodes = s.shape[0]
    n_edges = z.shape[0]
    # eval mode: dropout and edge dropout are identity
    pm = gen_premessage(s, z, edge_index, r_rots, r_trans, p['node_pts_W'], p['node_pts_b'])
    h = jax.nn.relu(linear(pm, p['msg1_W'], p['msg1_b']))
    h = jax.nn.relu(linear(h, p['msg2_W'], p['msg2_b']))
    node_msg = linear(h, p['msg3_W'], p['msg3_b'])
    src = edge_index[1]
    seg = jax.ops.segment_sum(node_msg, src, num_segments=n_nodes)
    cnt = jax.ops.segment_sum(jnp.ones((n_edges,), jnp.float32), src, num_segments=n_nodes)
    node_update = seg / jnp.maximum(cnt, 1.0)[:, None]
    s = layer_norm(s + node_update * mask[:, None], p['ln1_g'], p['ln1_b'])
    ffn_h = jax.nn.gelu(linear(s, p['ffn_in_W'], p['ffn_in_b']), approximate=False)
    ffn = linear(ffn_h, p['ffn_out_W'], p['ffn_out_b'])
    s = layer_norm(s + ffn * mask[:, None], p['ln2_g'], p['ln2_b'])
    pme = gen_premessage(s, z, edge_index, r_rots, r_trans, p['edge_pts_W'], p['edge_pts_b'])
    he = jax.nn.relu(linear(pme, p['emsg1_W'], p['emsg1_b']))
    he = jax.nn.relu(linear(he, p['emsg2_W'], p['emsg2_b']))
    emsg = linear(he, p['emsg3_W'], p['emsg3_b'])
    z = layer_norm(z + emsg, p['eln_g'], p['eln_b'])
    return (s, z)


def setup_inputs(seed: int = 0) -> dict:
    key = jax.random.key(seed)
    ks = jax.random.split(key, 24)

    def mk(k, shape, scale=0.02):
        return jax.random.normal(k, shape, jnp.float32) * scale

    s = jax.random.normal(ks[0], (N, CS), jnp.float32)
    z = jax.random.normal(ks[1], (E, CZ), jnp.float32)
    edge_index = jax.random.randint(ks[2], (2, E), 0, N)
    A = jax.random.normal(ks[3], (N, 3, 3), jnp.float32)
    r_rots, _ = jnp.linalg.qr(A)  # orthonormal frames (Rigid rotations)
    r_trans = jax.random.normal(ks[4], (N, 3), jnp.float32)
    mask = jnp.ones((N,), jnp.float32)
    params = {
        'node_pts_W': mk(ks[5], (CS, P * 3)), 'node_pts_b': jnp.zeros((P * 3,), jnp.float32),
        'msg1_W': mk(ks[6], (PREMSG, CH)), 'msg1_b': jnp.zeros((CH,), jnp.float32),
        'msg2_W': mk(ks[7], (CH, CH)), 'msg2_b': jnp.zeros((CH,), jnp.float32),
        'msg3_W': mk(ks[8], (CH, CS)), 'msg3_b': jnp.zeros((CS,), jnp.float32),
        'ln1_g': jnp.ones((CS,), jnp.float32), 'ln1_b': jnp.zeros((CS,), jnp.float32),
        'ffn_in_W': mk(ks[9], (CS, 4 * CS)), 'ffn_in_b': jnp.zeros((4 * CS,), jnp.float32),
        'ffn_out_W': mk(ks[10], (4 * CS, CS)), 'ffn_out_b': jnp.zeros((CS,), jnp.float32),
        'ln2_g': jnp.ones((CS,), jnp.float32), 'ln2_b': jnp.zeros((CS,), jnp.float32),
        'edge_pts_W': mk(ks[11], (CS, P * 3)), 'edge_pts_b': jnp.zeros((P * 3,), jnp.float32),
        'emsg1_W': mk(ks[12], (PREMSG, CH)), 'emsg1_b': jnp.zeros((CH,), jnp.float32),
        'emsg2_W': mk(ks[13], (CH, CH)), 'emsg2_b': jnp.zeros((CH,), jnp.float32),
        'emsg3_W': mk(ks[14], (CH, CZ)), 'emsg3_b': jnp.zeros((CZ,), jnp.float32),
        'eln_g': jnp.ones((CZ,), jnp.float32), 'eln_b': jnp.zeros((CZ,), jnp.float32),
    }
    return {'s': s, 'z': z, 'edge_index': edge_index, 'r_rots': r_rots,
            'r_trans': r_trans, 'mask': mask, 'params': params}


def reference(s, z, edge_index, r_rots, r_trans, mask, params):
    return forward(s, z, edge_index, r_rots, r_trans, mask, params)

if __name__ == "__main__":
    import jax
    _d = setup_inputs()
    print(jax.jit(kernel)(*tuple(_d.values())))

</pallas_src>

<mosaic_0001>
#map = affine_map<(d0, d1) -> (0, 0)>
#map1 = affine_map<(d0, d1) -> (0)>
module attributes {stable_mosaic.version = 14 : i64} {
  func.func @_gather_body(%arg0: i32, %arg1: i32, %arg2: memref<10000x384xf32, #tpu.memory_space<hbm>>, %arg3: memref<10000x384xf32, #tpu.memory_space<hbm>>, %arg4: memref<160000xi32, #tpu.memory_space<hbm>>, %arg5: memref<160000xi32, #tpu.memory_space<hbm>>, %arg6: memref<160000x384xf32, #tpu.memory_space<hbm>>, %arg7: memref<160000x384xf32, #tpu.memory_space<hbm>>, %arg8: memref<5000xi32, #tpu.memory_space<vmem>>, %arg9: memref<5000xi32, #tpu.memory_space<vmem>>, %arg10: memref<96x384xf32, #tpu.memory_space<vmem>>, %arg11: memref<96x384xf32, #tpu.memory_space<vmem>>, %arg12: memref<!tpu.dma_semaphore, #tpu.memory_space<semaphore_mem>>) attributes {dimension_semantics = [#tpu.dimension_semantics<core_parallel>, #tpu.dimension_semantics<subcore_parallel>], iteration_bounds = array<i64: 2, 16>, scalar_prefetch = 0 : i64, scratch_operands = 5 : i64, tpu.core_type = #tpu.core_type<sc_vector_subcore>, window_params = [{transform_indices = #map}, {transform_indices = #map}, {transform_indices = #map1}, {transform_indices = #map1}, {transform_indices = #map}, {transform_indices = #map}]} {
    %mul3A = arith.constant 2 : i32
    %mul3A_0 = arith.muli %arg1, %mul3A : i32
    %add3A = arith.addi %mul3A_0, %arg0 : i32
    %mul3A_1 = arith.constant 5000 : i32
    %mul3A_2 = arith.muli %add3A, %mul3A_1 : i32
    "tpu.region"() ({
      %run_scoped3A = tpu.sem_alloc : memref<!tpu.dma_semaphore, #tpu.memory_space<semaphore_mem>>
      %dma_start3A_41 = tpu.memref_slice %arg4[%mul3A_2] : memref<160000xi32, #tpu.memory_space<hbm>> -> memref<5000xi32, #tpu.memory_space<hbm>>
      %dma_start3A_42 = tpu.memref_slice %arg4[%mul3A_2] : memref<160000xi32, #tpu.memory_space<hbm>> -> memref<5000xi32, #tpu.memory_space<hbm>>
      tpu.enqueue_dma source(%dma_start3A_42 : memref<5000xi32, #tpu.memory_space<hbm>>) target(%arg8 : memref<5000xi32, #tpu.memory_space<vmem>>) target_semaphore(%run_scoped3A : memref<!tpu.dma_semaphore, #tpu.memory_space<semaphore_mem>>)
      %dma_wait3A_43 = tpu.memref_slice %arg4[%mul3A_2] : memref<160000xi32, #tpu.memory_space<hbm>> -> memref<5000xi32, #tpu.memory_space<hbm>>
      %dma_wait3A_44 = tpu.memref_slice %arg4[%mul3A_2] : memref<160000xi32, #tpu.memory_space<hbm>> -> memref<5000xi32, #tpu.memory_space<hbm>>
      tpu.wait_dma2 semaphore(%run_scoped3A : memref<!tpu.dma_semaphore, #tpu.memory_space<semaphore_mem>>) src(%dma_wait3A_44 : memref<5000xi32, #tpu.memory_space<hbm>>) dst(%arg8 : memref<5000xi32, #tpu.memory_space<vmem>>)
      tpu.yield
    }) : () -> ()
    "tpu.region"() ({
      %run_scoped3A = tpu.sem_alloc : memref<!tpu.dma_semaphore, #tpu.memory_space<semaphore_mem>>
      %dma_start3A_41 = tpu.memref_slice %arg5[%mul3A_2] : memref<160000xi32, #tpu.memory_space<hbm>> -> memref<5000xi32, #tpu.memory_space<hbm>>
      %dma_start3A_42 = tpu.memref_slice %arg5[%mul3A_2] : memref<160000xi32, #tpu.memory_space<hbm>> -> memref<5000xi32, #tpu.memory_space<hbm>>
      tpu.enqueue_dma source(%dma_start3A_42 : memref<5000xi32, #tpu.memory_space<hbm>>) target(%arg9 : memref<5000xi32, #tpu.memory_space<vmem>>) target_semaphore(%run_scoped3A : memref<!tpu.dma_semaphore, #tpu.memory_space<semaphore_mem>>)
      %dma_wait3A_43 = tpu.memref_slice %arg5[%mul3A_2] : memref<160000xi32, #tpu.memory_space<hbm>> -> memref<5000xi32, #tpu.memory_space<hbm>>
      %dma_wait3A_44 = tpu.memref_slice %arg5[%mul3A_2] : memref<160000xi32, #tpu.memory_space<hbm>> -> memref<5000xi32, #tpu.memory_space<hbm>>
      tpu.wait_dma2 semaphore(%run_scoped3A : memref<!tpu.dma_semaphore, #tpu.memory_space<semaphore_mem>>) src(%dma_wait3A_44 : memref<5000xi32, #tpu.memory_space<hbm>>) dst(%arg9 : memref<5000xi32, #tpu.memory_space<vmem>>)
      tpu.yield
    }) : () -> ()
    %scan3A = arith.constant 0 : i32
    %scan3A_3 = arith.constant 52 : i32
    %scan3A_4 = arith.addi %scan3A, %scan3A_3 : i32
    %scan3A_5 = arith.constant 1 : i32
    scf.for %scan3A_41 = %scan3A to %scan3A_4 step %scan3A_5  : i32 {
      %mul3A_42 = arith.constant 96 : i32
      %mul3A_43 = arith.muli %scan3A_41, %mul3A_42 : i32
      %dma_start3A_44 = arith.constant 0 : i32
      %dma_start3A_45 = arith.constant 0 : i32
      %dma_start3A_46 = tpu.memref_slice %arg10[%dma_start3A_44, %dma_start3A_45] : memref<96x384xf32, #tpu.memory_space<vmem>> -> memref<96x384xf32, #tpu.memory_space<vmem>>
      %dma_start3A_47 = tpu.memref_slice %arg8[%mul3A_43] : memref<5000xi32, #tpu.memory_space<vmem>> -> memref<96xi32, #tpu.memory_space<vmem>>
      %dma_start3A_48 = arith.constant 0 : i32
      %dma_start3A_49 = arith.constant 0 : i32
      %dma_start3A_50 = tpu.memref_slice %arg2[%dma_start3A_48, %dma_start3A_49] : memref<10000x384xf32, #tpu.memory_space<hbm>> -> memref<10000x384xf32, #tpu.memory_space<hbm>>
      tpu.enqueue_indirect_dma source(%dma_start3A_50 : memref<10000x384xf32, #tpu.memory_space<hbm>>) target(%dma_start3A_46 : memref<96x384xf32, #tpu.memory_space<vmem>>) offsets(%dma_start3A_47 : memref<96xi32, #tpu.memory_space<vmem>>) semaphore(%arg12 : memref<!tpu.dma_semaphore, #tpu.memory_space<semaphore_mem>>)
      %dma_start3A_51 = arith.constant 0 : i32
      %dma_start3A_52 = arith.constant 0 : i32
      %dma_start3A_53 = tpu.memref_slice %arg11[%dma_start3A_51, %dma_start3A_52] : memref<96x384xf32, #tpu.memory_space<vmem>> -> memref<96x384xf32, #tpu.memory_space<vmem>>
      %dma_start3A_54 = tpu.memref_slice %arg9[%mul3A_43] : memref<5000xi32, #tpu.memory_space<vmem>> -> memref<96xi32, #tpu.memory_space<vmem>>
      %dma_start3A_55 = arith.constant 0 : i32
      %dma_start3A_56 = arith.constant 0 : i32
      %dma_start3A_57 = tpu.memref_slice %arg3[%dma_start3A_55, %dma_start3A_56] : memref<10000x384xf32, #tpu.memory_space<hbm>> -> memref<10000x384xf32, #tpu.memory_space<hbm>>
      tpu.enqueue_indirect_dma source(%dma_start3A_57 : memref<10000x384xf32, #tpu.memory_space<hbm>>) target(%dma_start3A_53 : memref<96x384xf32, #tpu.memory_space<vmem>>) offsets(%dma_start3A_54 : memref<96xi32, #tpu.memory_space<vmem>>) semaphore(%arg12 : memref<!tpu.dma_semaphore, #tpu.memory_space<semaphore_mem>>)
      %dma_wait3A_58 = arith.constant 0 : i32
      %dma_wait3A_59 = arith.constant 0 : i32
      %dma_wait3A_60 = tpu.memref_slice %arg10[%dma_wait3A_58, %dma_wait3A_59] : memref<96x384xf32, #tpu.memory_space<vmem>> -> memref<96x384xf32, #tpu.memory_space<vmem>>
      %dma_wait3A_61 = tpu.memref_slice %arg8[%mul3A_43] : memref<5000xi32, #tpu.memory_space<vmem>> -> memref<96xi32, #tpu.memory_space<vmem>>
      %dma_wait3A_62 = arith.constant 0 : i32
      %dma_wait3A_63 = arith.constant 0 : i32
      %dma_wait3A_64 = tpu.memref_slice %arg2[%dma_wait3A_62, %dma_wait3A_63] : memref<10000x384xf32, #tpu.memory_space<hbm>> -> memref<10000x384xf32, #tpu.memory_space<hbm>>
      tpu.wait_indirect_dma semaphore(%arg12 : memref<!tpu.dma_semaphore, #tpu.memory_space<semaphore_mem>>) src(%dma_wait3A_64 : memref<10000x384xf32, #tpu.memory_space<hbm>>) dst(%dma_wait3A_60 : memref<96x384xf32, #tpu.memory_space<vmem>>)
      %dma_wait3A_65 = arith.constant 0 : i32
      %dma_wait3A_66 = arith.constant 0 : i32
      %dma_wait3A_67 = tpu.memref_slice %arg11[%dma_wait3A_65, %dma_wait3A_66] : memref<96x384xf32, #tpu.memory_space<vmem>> -> memref<96x384xf32, #tpu.memory_space<vmem>>
      %dma_wait3A_68 = tpu.memref_slice %arg9[%mul3A_43] : memref<5000xi32, #tpu.memory_space<vmem>> -> memref<96xi32, #tpu.memory_space<vmem>>
      %dma_wait3A_69 = arith.constant 0 : i32
      %dma_wait3A_70 = arith.constant 0 : i32
      %dma_wait3A_71 = tpu.memref_slice %arg3[%dma_wait3A_69, %dma_wait3A_70] : memref<10000x384xf32, #tpu.memory_space<hbm>> -> memref<10000x384xf32, #tpu.memory_space<hbm>>
      tpu.wait_indirect_dma semaphore(%arg12 : memref<!tpu.dma_semaphore, #tpu.memory_space<semaphore_mem>>) src(%dma_wait3A_71 : memref<10000x384xf32, #tpu.memory_space<hbm>>) dst(%dma_wait3A_67 : memref<96x384xf32, #tpu.memory_space<vmem>>)
      %add3A_72 = arith.addi %mul3A_2, %mul3A_43 : i32
      "tpu.region"() ({
        %run_scoped3A = tpu.sem_alloc : memref<!tpu.dma_semaphore, #tpu.memory_space<semaphore_mem>>
        %dma_start3A_74 = arith.constant 0 : i32
        %dma_start3A_75 = arith.constant 0 : i32
        %dma_start3A_76 = tpu.memref_slice %arg10[%dma_start3A_74, %dma_start3A_75] : memref<96x384xf32, #tpu.memory_space<vmem>> -> memref<96x384xf32, #tpu.memory_space<vmem>>
        %dma_start3A_77 = arith.constant 0 : i32
        %dma_start3A_78 = tpu.memref_slice %arg6[%add3A_72, %dma_start3A_77] : memref<160000x384xf32, #tpu.memory_space<hbm>> -> memref<96x384xf32, #tpu.memory_space<hbm>>
        %dma_start3A_79 = arith.constant 0 : i32
        %dma_start3A_80 = tpu.memref_slice %arg6[%add3A_72, %dma_start3A_79] : memref<160000x384xf32, #tpu.memory_space<hbm>> -> memref<96x384xf32, #tpu.memory_space<hbm>>
        %dma_start3A_81 = arith.constant 0 : i32
        %dma_start3A_82 = arith.constant 0 : i32
        %dma_start3A_83 = tpu.memref_slice %arg10[%dma_start3A_81, %dma_start3A_82] : memref<96x384xf32, #tpu.memory_space<vmem>> -> memref<96x384xf32, #tpu.memory_space<vmem>>
        tpu.enqueue_dma source(%dma_start3A_83 : memref<96x384xf32, #tpu.memory_space<vmem>>) target(%dma_start3A_80 : memref<96x384xf32, #tpu.memory_space<hbm>>) target_semaphore(%run_scoped3A : memref<!tpu.dma_semaphore, #tpu.memory_space<semaphore_mem>>)
        %dma_wait3A_84 = arith.constant 0 : i32
        %dma_wait3A_85 = arith.constant 0 : i32
        %dma_wait3A_86 = tpu.memref_slice %arg10[%dma_wait3A_84, %dma_wait3A_85] : memref<96x384xf32, #tpu.memory_space<vmem>> -> memref<96x384xf32, #tpu.memory_space<vmem>>
        %dma_wait3A_87 = arith.constant 0 : i32
        %dma_wait3A_88 = tpu.memref_slice %arg6[%add3A_72, %dma_wait3A_87] : memref<160000x384xf32, #tpu.memory_space<hbm>> -> memref<96x384xf32, #tpu.memory_space<hbm>>
        %dma_wait3A_89 = arith.constant 0 : i32
        %dma_wait3A_90 = tpu.memref_slice %arg6[%add3A_72, %dma_wait3A_89] : memref<160000x384xf32, #tpu.memory_space<hbm>> -> memref<96x384xf32, #tpu.memory_space<hbm>>
        %dma_wait3A_91 = arith.constant 0 : i32
        %dma_wait3A_92 = arith.constant 0 : i32
        %dma_wait3A_93 = tpu.memref_slice %arg10[%dma_wait3A_91, %dma_wait3A_92] : memref<96x384xf32, #tpu.memory_space<vmem>> -> memref<96x384xf32, #tpu.memory_space<vmem>>
        tpu.wait_dma2 semaphore(%run_scoped3A : memref<!tpu.dma_semaphore, #tpu.memory_space<semaphore_mem>>) src(%dma_wait3A_93 : memref<96x384xf32, #tpu.memory_space<vmem>>) dst(%dma_wait3A_90 : memref<96x384xf32, #tpu.memory_space<hbm>>)
        tpu.yield
      }) : () -> ()
      %add3A_73 = arith.addi %mul3A_2, %mul3A_43 : i32
      "tpu.region"() ({
        %run_scoped3A = tpu.sem_alloc : memref<!tpu.dma_semaphore, #tpu.memory_space<semaphore_mem>>
        %dma_start3A_74 = arith.constant 0 : i32
        %dma_start3A_75 = arith.constant 0 : i32
        %dma_start3A_76 = tpu.memref_slice %arg11[%dma_start3A_74, %dma_start3A_75] : memref<96x384xf32, #tpu.memory_space<vmem>> -> memref<96x384xf32, #tpu.memory_space<vmem>>
        %dma_start3A_77 = arith.constant 0 : i32
        %dma_start3A_78 = tpu.memref_slice %arg7[%add3A_73, %dma_start3A_77] : memref<160000x384xf32, #tpu.memory_space<hbm>> -> memref<96x384xf32, #tpu.memory_space<hbm>>
        %dma_start3A_79 = arith.constant 0 : i32
        %dma_start3A_80 = tpu.memref_slice %arg7[%add3A_73, %dma_start3A_79] : memref<160000x384xf32, #tpu.memory_space<hbm>> -> memref<96x384xf32, #tpu.memory_space<hbm>>
        %dma_start3A_81 = arith.constant 0 : i32
        %dma_start3A_82 = arith.constant 0 : i32
        %dma_start3A_83 = tpu.memref_slice %arg11[%dma_start3A_81, %dma_start3A_82] : memref<96x384xf32, #tpu.memory_space<vmem>> -> memref<96x384xf32, #tpu.memory_space<vmem>>
        tpu.enqueue_dma source(%dma_start3A_83 : memref<96x384xf32, #tpu.memory_space<vmem>>) target(%dma_start3A_80 : memref<96x384xf32, #tpu.memory_space<hbm>>) target_semaphore(%run_scoped3A : memref<!tpu.dma_semaphore, #tpu.memory_space<semaphore_mem>>)
        %dma_wait3A_84 = arith.constant 0 : i32
        %dma_wait3A_85 = arith.constant 0 : i32
        %dma_wait3A_86 = tpu.memref_slice %arg11[%dma_wait3A_84, %dma_wait3A_85] : memref<96x384xf32, #tpu.memory_space<vmem>> -> memref<96x384xf32, #tpu.memory_space<vmem>>
        %dma_wait3A_87 = arith.constant 0 : i32
        %dma_wait3A_88 = tpu.memref_slice %arg7[%add3A_73, %dma_wait3A_87] : memref<160000x384xf32, #tpu.memory_space<hbm>> -> memref<96x384xf32, #tpu.memory_space<hbm>>
        %dma_wait3A_89 = arith.constant 0 : i32
        %dma_wait3A_90 = tpu.memref_slice %arg7[%add3A_73, %dma_wait3A_89] : memref<160000x384xf32, #tpu.memory_space<hbm>> -> memref<96x384xf32, #tpu.memory_space<hbm>>
        %dma_wait3A_91 = arith.constant 0 : i32
        %dma_wait3A_92 = arith.constant 0 : i32
        %dma_wait3A_93 = tpu.memref_slice %arg11[%dma_wait3A_91, %dma_wait3A_92] : memref<96x384xf32, #tpu.memory_space<vmem>> -> memref<96x384xf32, #tpu.memory_space<vmem>>
        tpu.wait_dma2 semaphore(%run_scoped3A : memref<!tpu.dma_semaphore, #tpu.memory_space<semaphore_mem>>) src(%dma_wait3A_93 : memref<96x384xf32, #tpu.memory_space<vmem>>) dst(%dma_wait3A_90 : memref<96x384xf32, #tpu.memory_space<hbm>>)
        tpu.yield
      }) : () -> ()
    }
    %scan3A_6 = arith.constant 52 : i32
    %dma_start3A = arith.constant 0 : i32
    %dma_start3A_7 = arith.constant 0 : i32
    %dma_start3A_8 = tpu.memref_slice %arg10[%dma_start3A, %dma_start3A_7] : memref<96x384xf32, #tpu.memory_space<vmem>> -> memref<8x384xf32, #tpu.memory_space<vmem>>
    %dma_start3A_9 = arith.constant 4992 : i32
    %dma_start3A_10 = tpu.memref_slice %arg8[%dma_start3A_9] : memref<5000xi32, #tpu.memory_space<vmem>> -> memref<8xi32, #tpu.memory_space<vmem>>
    %dma_start3A_11 = arith.constant 0 : i32
    %dma_start3A_12 = arith.constant 0 : i32
    %dma_start3A_13 = tpu.memref_slice %arg2[%dma_start3A_11, %dma_start3A_12] : memref<10000x384xf32, #tpu.memory_space<hbm>> -> memref<10000x384xf32, #tpu.memory_space<hbm>>
    tpu.enqueue_indirect_dma source(%dma_start3A_13 : memref<10000x384xf32, #tpu.memory_space<hbm>>) target(%dma_start3A_8 : memref<8x384xf32, #tpu.memory_space<vmem>>) offsets(%dma_start3A_10 : memref<8xi32, #tpu.memory_space<vmem>>) semaphore(%arg12 : memref<!tpu.dma_semaphore, #tpu.memory_space<semaphore_mem>>)
    %dma_start3A_14 = arith.constant 0 : i32
    %dma_start3A_15 = arith.constant 0 : i32
    %dma_start3A_16 = tpu.memref_slice %arg11[%dma_start3A_14, %dma_start3A_15] : memref<96x384xf32, #tpu.memory_space<vmem>> -> memref<8x384xf32, #tpu.memory_space<vmem>>
    %dma_start3A_17 = arith.constant 4992 : i32
    %dma_start3A_18 = tpu.memref_slice %arg9[%dma_start3A_17] : memref<5000xi32, #tpu.memory_space<vmem>> -> memref<8xi32, #tpu.memory_space<vmem>>
    %dma_start3A_19 = arith.constant 0 : i32
    %dma_start3A_20 = arith.constant 0 : i32
    %dma_start3A_21 = tpu.memref_slice %arg3[%dma_start3A_19, %dma_start3A_20] : memref<10000x384xf32, #tpu.memory_space<hbm>> -> memref<10000x384xf32, #tpu.memory_space<hbm>>
    tpu.enqueue_indirect_dma source(%dma_start3A_21 : memref<10000x384xf32, #tpu.memory_space<hbm>>) target(%dma_start3A_16 : memref<8x384xf32, #tpu.memory_space<vmem>>) offsets(%dma_start3A_18 : memref<8xi32, #tpu.memory_space<vmem>>) semaphore(%arg12 : memref<!tpu.dma_semaphore, #tpu.memory_space<semaphore_mem>>)
    %dma_wait3A = arith.constant 0 : i32
    %dma_wait3A_22 = arith.constant 0 : i32
    %dma_wait3A_23 = tpu.memref_slice %arg10[%dma_wait3A, %dma_wait3A_22] : memref<96x384xf32, #tpu.memory_space<vmem>> -> memref<8x384xf32, #tpu.memory_space<vmem>>
    %dma_wait3A_24 = arith.constant 4992 : i32
    %dma_wait3A_25 = tpu.memref_slice %arg8[%dma_wait3A_24] : memref<5000xi32, #tpu.memory_space<vmem>> -> memref<8xi32, #tpu.memory_space<vmem>>
    %dma_wait3A_26 = arith.constant 0 : i32
    %dma_wait3A_27 = arith.constant 0 : i32
    %dma_wait3A_28 = tpu.memref_slice %arg2[%dma_wait3A_26, %dma_wait3A_27] : memref<10000x384xf32, #tpu.memory_space<hbm>> -> memref<10000x384xf32, #tpu.memory_space<hbm>>
    tpu.wait_indirect_dma semaphore(%arg12 : memref<!tpu.dma_semaphore, #tpu.memory_space<semaphore_mem>>) src(%dma_wait3A_28 : memref<10000x384xf32, #tpu.memory_space<hbm>>) dst(%dma_wait3A_23 : memref<8x384xf32, #tpu.memory_space<vmem>>)
    %dma_wait3A_29 = arith.constant 0 : i32
    %dma_wait3A_30 = arith.constant 0 : i32
    %dma_wait3A_31 = tpu.memref_slice %arg11[%dma_wait3A_29, %dma_wait3A_30] : memref<96x384xf32, #tpu.memory_space<vmem>> -> memref<8x384xf32, #tpu.memory_space<vmem>>
    %dma_wait3A_32 = arith.constant 4992 : i32
    %dma_wait3A_33 = tpu.memref_slice %arg9[%dma_wait3A_32] : memref<5000xi32, #tpu.memory_space<vmem>> -> memref<8xi32, #tpu.memory_space<vmem>>
    %dma_wait3A_34 = arith.constant 0 : i32
    %dma_wait3A_35 = arith.constant 0 : i32
    %dma_wait3A_36 = tpu.memref_slice %arg3[%dma_wait3A_34, %dma_wait3A_35] : memref<10000x384xf32, #tpu.memory_space<hbm>> -> memref<10000x384xf32, #tpu.memory_space<hbm>>
    tpu.wait_indirect_dma semaphore(%arg12 : memref<!tpu.dma_semaphore, #tpu.memory_space<semaphore_mem>>) src(%dma_wait3A_36 : memref<10000x384xf32, #tpu.memory_space<hbm>>) dst(%dma_wait3A_31 : memref<8x384xf32, #tpu.memory_space<vmem>>)
    %add3A_37 = arith.constant 4992 : i32
    %add3A_38 = arith.addi %mul3A_2, %add3A_37 : i32
    "tpu.region"() ({
      %run_scoped3A = tpu.sem_alloc : memref<!tpu.dma_semaphore, #tpu.memory_space<semaphore_mem>>
      %dma_start3A_41 = arith.constant 0 : i32
      %dma_start3A_42 = arith.constant 0 : i32
      %dma_start3A_43 = tpu.memref_slice %arg10[%dma_start3A_41, %dma_start3A_42] : memref<96x384xf32, #tpu.memory_space<vmem>> -> memref<8x384xf32, #tpu.memory_space<vmem>>
      %dma_start3A_44 = arith.constant 0 : i32
      %dma_start3A_45 = tpu.memref_slice %arg6[%add3A_38, %dma_start3A_44] : memref<160000x384xf32, #tpu.memory_space<hbm>> -> memref<8x384xf32, #tpu.memory_space<hbm>>
      %dma_start3A_46 = arith.constant 0 : i32
      %dma_start3A_47 = tpu.memref_slice %arg6[%add3A_38, %dma_start3A_46] : memref<160000x384xf32, #tpu.memory_space<hbm>> -> memref<8x384xf32, #tpu.memory_space<hbm>>
      %dma_start3A_48 = arith.constant 0 : i32
      %dma_start3A_49 = arith.constant 0 : i32
      %dma_start3A_50 = tpu.memref_slice %arg10[%dma_start3A_48, %dma_start3A_49] : memref<96x384xf32, #tpu.memory_space<vmem>> -> memref<8x384xf32, #tpu.memory_space<vmem>>
      tpu.enqueue_dma source(%dma_start3A_50 : memref<8x384xf32, #tpu.memory_space<vmem>>) target(%dma_start3A_47 : memref<8x384xf32, #tpu.memory_space<hbm>>) target_semaphore(%run_scoped3A : memref<!tpu.dma_semaphore, #tpu.memory_space<semaphore_mem>>)
      %dma_wait3A_51 = arith.constant 0 : i32
      %dma_wait3A_52 = arith.constant 0 : i32
      %dma_wait3A_53 = tpu.memref_slice %arg10[%dma_wait3A_51, %dma_wait3A_52] : memref<96x384xf32, #tpu.memory_space<vmem>> -> memref<8x384xf32, #tpu.memory_space<vmem>>
      %dma_wait3A_54 = arith.constant 0 : i32
      %dma_wait3A_55 = tpu.memref_slice %arg6[%add3A_38, %dma_wait3A_54] : memref<160000x384xf32, #tpu.memory_space<hbm>> -> memref<8x384xf32, #tpu.memory_space<hbm>>
      %dma_wait3A_56 = arith.constant 0 : i32
      %dma_wait3A_57 = tpu.memref_slice %arg6[%add3A_38, %dma_wait3A_56] : memref<160000x384xf32, #tpu.memory_space<hbm>> -> memref<8x384xf32, #tpu.memory_space<hbm>>
      %dma_wait3A_58 = arith.constant 0 : i32
      %dma_wait3A_59 = arith.constant 0 : i32
      %dma_wait3A_60 = tpu.memref_slice %arg10[%dma_wait3A_58, %dma_wait3A_59] : memref<96x384xf32, #tpu.memory_space<vmem>> -> memref<8x384xf32, #tpu.memory_space<vmem>>
      tpu.wait_dma2 semaphore(%run_scoped3A : memref<!tpu.dma_semaphore, #tpu.memory_space<semaphore_mem>>) src(%dma_wait3A_60 : memref<8x384xf32, #tpu.memory_space<vmem>>) dst(%dma_wait3A_57 : memref<8x384xf32, #tpu.memory_space<hbm>>)
      tpu.yield
    }) : () -> ()
    %add3A_39 = arith.constant 4992 : i32
    %add3A_40 = arith.addi %mul3A_2, %add3A_39 : i32
    "tpu.region"() ({
      %run_scoped3A = tpu.sem_alloc : memref<!tpu.dma_semaphore, #tpu.memory_space<semaphore_mem>>
      %dma_start3A_41 = arith.constant 0 : i32
      %dma_start3A_42 = arith.constant 0 : i32
      %dma_start3A_43 = tpu.memref_slice %arg11[%dma_start3A_41, %dma_start3A_42] : memref<96x384xf32, #tpu.memory_space<vmem>> -> memref<8x384xf32, #tpu.memory_space<vmem>>
      %dma_start3A_44 = arith.constant 0 : i32
      %dma_start3A_45 = tpu.memref_slice %arg7[%add3A_40, %dma_start3A_44] : memref<160000x384xf32, #tpu.memory_space<hbm>> -> memref<8x384xf32, #tpu.memory_space<hbm>>
      %dma_start3A_46 = arith.constant 0 : i32
      %dma_start3A_47 = tpu.memref_slice %arg7[%add3A_40, %dma_start3A_46] : memref<160000x384xf32, #tpu.memory_space<hbm>> -> memref<8x384xf32, #tpu.memory_space<hbm>>
      %dma_start3A_48 = arith.constant 0 : i32
      %dma_start3A_49 = arith.constant 0 : i32
      %dma_start3A_50 = tpu.memref_slice %arg11[%dma_start3A_48, %dma_start3A_49] : memref<96x384xf32, #tpu.memory_space<vmem>> -> memref<8x384xf32, #tpu.memory_space<vmem>>
      tpu.enqueue_dma source(%dma_start3A_50 : memref<8x384xf32, #tpu.memory_space<vmem>>) target(%dma_start3A_47 : memref<8x384xf32, #tpu.memory_space<hbm>>) target_semaphore(%run_scoped3A : memref<!tpu.dma_semaphore, #tpu.memory_space<semaphore_mem>>)
      %dma_wait3A_51 = arith.constant 0 : i32
      %dma_wait3A_52 = arith.constant 0 : i32
      %dma_wait3A_53 = tpu.memref_slice %arg11[%dma_wait3A_51, %dma_wait3A_52] : memref<96x384xf32, #tpu.memory_space<vmem>> -> memref<8x384xf32, #tpu.memory_space<vmem>>
      %dma_wait3A_54 = arith.constant 0 : i32
      %dma_wait3A_55 = tpu.memref_slice %arg7[%add3A_40, %dma_wait3A_54] : memref<160000x384xf32, #tpu.memory_space<hbm>> -> memref<8x384xf32, #tpu.memory_space<hbm>>
      %dma_wait3A_56 = arith.constant 0 : i32
      %dma_wait3A_57 = tpu.memref_slice %arg7[%add3A_40, %dma_wait3A_56] : memref<160000x384xf32, #tpu.memory_space<hbm>> -> memref<8x384xf32, #tpu.memory_space<hbm>>
      %dma_wait3A_58 = arith.constant 0 : i32
      %dma_wait3A_59 = arith.constant 0 : i32
      %dma_wait3A_60 = tpu.memref_slice %arg11[%dma_wait3A_58, %dma_wait3A_59] : memref<96x384xf32, #tpu.memory_space<vmem>> -> memref<8x384xf32, #tpu.memory_space<vmem>>
      tpu.wait_dma2 semaphore(%run_scoped3A : memref<!tpu.dma_semaphore, #tpu.memory_space<semaphore_mem>>) src(%dma_wait3A_60 : memref<8x384xf32, #tpu.memory_space<vmem>>) dst(%dma_wait3A_57 : memref<8x384xf32, #tpu.memory_space<hbm>>)
      tpu.yield
    }) : () -> ()
    return
  }
}

#map = affine_map<(d0, d1) -> (0, 0)>
#map1 = affine_map<(d0, d1) -> (0)>
module attributes {stable_mosaic.version = 14 : i64} {
  func.func @_gather_body(%arg0: i32, %arg1: i32, %arg2: memref<10000x384xf32, #tpu.memory_space<hbm>>, %arg3: memref<10000x384xf32, #tpu.memory_space<hbm>>, %arg4: memref<160000xi32, #tpu.memory_space<hbm>>, %arg5: memref<160000xi32, #tpu.memory_space<hbm>>, %arg6: memref<160000x384xf32, #tpu.memory_space<hbm>>, %arg7: memref<160000x384xf32, #tpu.memory_space<hbm>>, %arg8: memref<5000xi32, #tpu.memory_space<vmem>>, %arg9: memref<5000xi32, #tpu.memory_space<vmem>>, %arg10: memref<96x384xf32, #tpu.memory_space<vmem>>, %arg11: memref<96x384xf32, #tpu.memory_space<vmem>>, %arg12: memref<!tpu.dma_semaphore, #tpu.memory_space<semaphore_mem>>) attributes {dimension_semantics = [#tpu.dimension_semantics<core_parallel>, #tpu.dimension_semantics<subcore_parallel>], iteration_bounds = array<i64: 2, 16>, scalar_prefetch = 0 : i64, scratch_operands = 5 : i64, tpu.core_type = #tpu.core_type<sc_vector_subcore>, window_params = [{transform_indices = #map}, {transform_indices = #map}, {transform_indices = #map1}, {transform_indices = #map1}, {transform_indices = #map}, {transform_indices = #map}]} {
    %mul3A = arith.constant 2 : i32
    %mul3A_0 = arith.muli %arg1, %mul3A : i32
    %add3A = arith.addi %mul3A_0, %arg0 : i32
    %mul3A_1 = arith.constant 5000 : i32
    %mul3A_2 = arith.muli %add3A, %mul3A_1 : i32
    "tpu.region"() ({
      %run_scoped3A = tpu.sem_alloc : memref<!tpu.dma_semaphore, #tpu.memory_space<semaphore_mem>>
      %dma_start3A_41 = tpu.memref_slice %arg4[%mul3A_2] : memref<160000xi32, #tpu.memory_space<hbm>> -> memref<5000xi32, #tpu.memory_space<hbm>>
      %dma_start3A_42 = tpu.memref_slice %arg4[%mul3A_2] : memref<160000xi32, #tpu.memory_space<hbm>> -> memref<5000xi32, #tpu.memory_space<hbm>>
      tpu.enqueue_dma source(%dma_start3A_42 : memref<5000xi32, #tpu.memory_space<hbm>>) target(%arg8 : memref<5000xi32, #tpu.memory_space<vmem>>) target_semaphore(%run_scoped3A : memref<!tpu.dma_semaphore, #tpu.memory_space<semaphore_mem>>)
      %dma_wait3A_43 = tpu.memref_slice %arg4[%mul3A_2] : memref<160000xi32, #tpu.memory_space<hbm>> -> memref<5000xi32, #tpu.memory_space<hbm>>
      %dma_wait3A_44 = tpu.memref_slice %arg4[%mul3A_2] : memref<160000xi32, #tpu.memory_space<hbm>> -> memref<5000xi32, #tpu.memory_space<hbm>>
      tpu.wait_dma2 semaphore(%run_scoped3A : memref<!tpu.dma_semaphore, #tpu.memory_space<semaphore_mem>>) src(%dma_wait3A_44 : memref<5000xi32, #tpu.memory_space<hbm>>) dst(%arg8 : memref<5000xi32, #tpu.memory_space<vmem>>)
      tpu.yield
    }) : () -> ()
    "tpu.region"() ({
      %run_scoped3A = tpu.sem_alloc : memref<!tpu.dma_semaphore, #tpu.memory_space<semaphore_mem>>
      %dma_start3A_41 = tpu.memref_slice %arg5[%mul3A_2] : memref<160000xi32, #tpu.memory_space<hbm>> -> memref<5000xi32, #tpu.memory_space<hbm>>
      %dma_start3A_42 = tpu.memref_slice %arg5[%mul3A_2] : memref<160000xi32, #tpu.memory_space<hbm>> -> memref<5000xi32, #tpu.memory_space<hbm>>
      tpu.enqueue_dma source(%dma_start3A_42 : memref<5000xi32, #tpu.memory_space<hbm>>) target(%arg9 : memref<5000xi32, #tpu.memory_space<vmem>>) target_semaphore(%run_scoped3A : memref<!tpu.dma_semaphore, #tpu.memory_space<semaphore_mem>>)
      %dma_wait3A_43 = tpu.memref_slice %arg5[%mul3A_2] : memref<160000xi32, #tpu.memory_space<hbm>> -> memref<5000xi32, #tpu.memory_space<hbm>>
      %dma_wait3A_44 = tpu.memref_slice %arg5[%mul3A_2] : memref<160000xi32, #tpu.memory_space<hbm>> -> memref<5000xi32, #tpu.memory_space<hbm>>
      tpu.wait_dma2 semaphore(%run_scoped3A : memref<!tpu.dma_semaphore, #tpu.memory_space<semaphore_mem>>) src(%dma_wait3A_44 : memref<5000xi32, #tpu.memory_space<hbm>>) dst(%arg9 : memref<5000xi32, #tpu.memory_space<vmem>>)
      tpu.yield
    }) : () -> ()
    %scan3A = arith.constant 0 : i32
    %scan3A_3 = arith.constant 52 : i32
    %scan3A_4 = arith.addi %scan3A, %scan3A_3 : i32
    %scan3A_5 = arith.constant 1 : i32
    scf.for %scan3A_41 = %scan3A to %scan3A_4 step %scan3A_5  : i32 {
      %mul3A_42 = arith.constant 96 : i32
      %mul3A_43 = arith.muli %scan3A_41, %mul3A_42 : i32
      %dma_start3A_44 = arith.constant 0 : i32
      %dma_start3A_45 = arith.constant 0 : i32
      %dma_start3A_46 = tpu.memref_slice %arg10[%dma_start3A_44, %dma_start3A_45] : memref<96x384xf32, #tpu.memory_space<vmem>> -> memref<96x384xf32, #tpu.memory_space<vmem>>
      %dma_start3A_47 = tpu.memref_slice %arg8[%mul3A_43] : memref<5000xi32, #tpu.memory_space<vmem>> -> memref<96xi32, #tpu.memory_space<vmem>>
      %dma_start3A_48 = arith.constant 0 : i32
      %dma_start3A_49 = arith.constant 0 : i32
      %dma_start3A_50 = tpu.memref_slice %arg2[%dma_start3A_48, %dma_start3A_49] : memref<10000x384xf32, #tpu.memory_space<hbm>> -> memref<10000x384xf32, #tpu.memory_space<hbm>>
      tpu.enqueue_indirect_dma source(%dma_start3A_50 : memref<10000x384xf32, #tpu.memory_space<hbm>>) target(%dma_start3A_46 : memref<96x384xf32, #tpu.memory_space<vmem>>) offsets(%dma_start3A_47 : memref<96xi32, #tpu.memory_space<vmem>>) semaphore(%arg12 : memref<!tpu.dma_semaphore, #tpu.memory_space<semaphore_mem>>)
      %dma_start3A_51 = arith.constant 0 : i32
      %dma_start3A_52 = arith.constant 0 : i32
      %dma_start3A_53 = tpu.memref_slice %arg11[%dma_start3A_51, %dma_start3A_52] : memref<96x384xf32, #tpu.memory_space<vmem>> -> memref<96x384xf32, #tpu.memory_space<vmem>>
      %dma_start3A_54 = tpu.memref_slice %arg9[%mul3A_43] : memref<5000xi32, #tpu.memory_space<vmem>> -> memref<96xi32, #tpu.memory_space<vmem>>
      %dma_start3A_55 = arith.constant 0 : i32
      %dma_start3A_56 = arith.constant 0 : i32
      %dma_start3A_57 = tpu.memref_slice %arg3[%dma_start3A_55, %dma_start3A_56] : memref<10000x384xf32, #tpu.memory_space<hbm>> -> memref<10000x384xf32, #tpu.memory_space<hbm>>
      tpu.enqueue_indirect_dma source(%dma_start3A_57 : memref<10000x384xf32, #tpu.memory_space<hbm>>) target(%dma_start3A_53 : memref<96x384xf32, #tpu.memory_space<vmem>>) offsets(%dma_start3A_54 : memref<96xi32, #tpu.memory_space<vmem>>) semaphore(%arg12 : memref<!tpu.dma_semaphore, #tpu.memory_space<semaphore_mem>>)
      %dma_wait3A_58 = arith.constant 0 : i32
      %dma_wait3A_59 = arith.constant 0 : i32
      %dma_wait3A_60 = tpu.memref_slice %arg10[%dma_wait3A_58, %dma_wait3A_59] : memref<96x384xf32, #tpu.memory_space<vmem>> -> memref<96x384xf32, #tpu.memory_space<vmem>>
      %dma_wait3A_61 = tpu.memref_slice %arg8[%mul3A_43] : memref<5000xi32, #tpu.memory_space<vmem>> -> memref<96xi32, #tpu.memory_space<vmem>>
      %dma_wait3A_62 = arith.constant 0 : i32
      %dma_wait3A_63 = arith.constant 0 : i32
      %dma_wait3A_64 = tpu.memref_slice %arg2[%dma_wait3A_62, %dma_wait3A_63] : memref<10000x384xf32, #tpu.memory_space<hbm>> -> memref<10000x384xf32, #tpu.memory_space<hbm>>
      tpu.wait_indirect_dma semaphore(%arg12 : memref<!tpu.dma_semaphore, #tpu.memory_space<semaphore_mem>>) src(%dma_wait3A_64 : memref<10000x384xf32, #tpu.memory_space<hbm>>) dst(%dma_wait3A_60 : memref<96x384xf32, #tpu.memory_space<vmem>>)
      %dma_wait3A_65 = arith.constant 0 : i32
      %dma_wait3A_66 = arith.constant 0 : i32
      %dma_wait3A_67 = tpu.memref_slice %arg11[%dma_wait3A_65, %dma_wait3A_66] : memref<96x384xf32, #tpu.memory_space<vmem>> -> memref<96x384xf32, #tpu.memory_space<vmem>>
      %dma_wait3A_68 = tpu.memref_slice %arg9[%mul3A_43] : memref<5000xi32, #tpu.memory_space<vmem>> -> memref<96xi32, #tpu.memory_space<vmem>>
      %dma_wait3A_69 = arith.constant 0 : i32
      %dma_wait3A_70 = arith.constant 0 : i32
      %dma_wait3A_71 = tpu.memref_slice %arg3[%dma_wait3A_69, %dma_wait3A_70] : memref<10000x384xf32, #tpu.memory_space<hbm>> -> memref<10000x384xf32, #tpu.memory_space<hbm>>
      tpu.wait_indirect_dma semaphore(%arg12 : memref<!tpu.dma_semaphore, #tpu.memory_space<semaphore_mem>>) src(%dma_wait3A_71 : memref<10000x384xf32, #tpu.memory_space<hbm>>) dst(%dma_wait3A_67 : memref<96x384xf32, #tpu.memory_space<vmem>>)
      %add3A_72 = arith.addi %mul3A_2, %mul3A_43 : i32
      "tpu.region"() ({
        %run_scoped3A = tpu.sem_alloc : memref<!tpu.dma_semaphore, #tpu.memory_space<semaphore_mem>>
        %dma_start3A_74 = arith.constant 0 : i32
        %dma_start3A_75 = arith.constant 0 : i32
        %dma_start3A_76 = tpu.memref_slice %arg10[%dma_start3A_74, %dma_start3A_75] : memref<96x384xf32, #tpu.memory_space<vmem>> -> memref<96x384xf32, #tpu.memory_space<vmem>>
        %dma_start3A_77 = arith.constant 0 : i32
        %dma_start3A_78 = tpu.memref_slice %arg6[%add3A_72, %dma_start3A_77] : memref<160000x384xf32, #tpu.memory_space<hbm>> -> memref<96x384xf32, #tpu.memory_space<hbm>>
        %dma_start3A_79 = arith.constant 0 : i32
        %dma_start3A_80 = tpu.memref_slice %arg6[%add3A_72, %dma_start3A_79] : memref<160000x384xf32, #tpu.memory_space<hbm>> -> memref<96x384xf32, #tpu.memory_space<hbm>>
        %dma_start3A_81 = arith.constant 0 : i32
        %dma_start3A_82 = arith.constant 0 : i32
        %dma_start3A_83 = tpu.memref_slice %arg10[%dma_start3A_81, %dma_start3A_82] : memref<96x384xf32, #tpu.memory_space<vmem>> -> memref<96x384xf32, #tpu.memory_space<vmem>>
        tpu.enqueue_dma source(%dma_start3A_83 : memref<96x384xf32, #tpu.memory_space<vmem>>) target(%dma_start3A_80 : memref<96x384xf32, #tpu.memory_space<hbm>>) target_semaphore(%run_scoped3A : memref<!tpu.dma_semaphore, #tpu.memory_space<semaphore_mem>>)
        %dma_wait3A_84 = arith.constant 0 : i32
        %dma_wait3A_85 = arith.constant 0 : i32
        %dma_wait3A_86 = tpu.memref_slice %arg10[%dma_wait3A_84, %dma_wait3A_85] : memref<96x384xf32, #tpu.memory_space<vmem>> -> memref<96x384xf32, #tpu.memory_space<vmem>>
        %dma_wait3A_87 = arith.constant 0 : i32
        %dma_wait3A_88 = tpu.memref_slice %arg6[%add3A_72, %dma_wait3A_87] : memref<160000x384xf32, #tpu.memory_space<hbm>> -> memref<96x384xf32, #tpu.memory_space<hbm>>
        %dma_wait3A_89 = arith.constant 0 : i32
        %dma_wait3A_90 = tpu.memref_slice %arg6[%add3A_72, %dma_wait3A_89] : memref<160000x384xf32, #tpu.memory_space<hbm>> -> memref<96x384xf32, #tpu.memory_space<hbm>>
        %dma_wait3A_91 = arith.constant 0 : i32
        %dma_wait3A_92 = arith.constant 0 : i32
        %dma_wait3A_93 = tpu.memref_slice %arg10[%dma_wait3A_91, %dma_wait3A_92] : memref<96x384xf32, #tpu.memory_space<vmem>> -> memref<96x384xf32, #tpu.memory_space<vmem>>
        tpu.wait_dma2 semaphore(%run_scoped3A : memref<!tpu.dma_semaphore, #tpu.memory_space<semaphore_mem>>) src(%dma_wait3A_93 : memref<96x384xf32, #tpu.memory_space<vmem>>) dst(%dma_wait3A_90 : memref<96x384xf32, #tpu.memory_space<hbm>>)
        tpu.yield
      }) : () -> ()
      %add3A_73 = arith.addi %mul3A_2, %mul3A_43 : i32
      "tpu.region"() ({
        %run_scoped3A = tpu.sem_alloc : memref<!tpu.dma_semaphore, #tpu.memory_space<semaphore_mem>>
        %dma_start3A_74 = arith.constant 0 : i32
        %dma_start3A_75 = arith.constant 0 : i32
        %dma_start3A_76 = tpu.memref_slice %arg11[%dma_start3A_74, %dma_start3A_75] : memref<96x384xf32, #tpu.memory_space<vmem>> -> memref<96x384xf32, #tpu.memory_space<vmem>>
        %dma_start3A_77 = arith.constant 0 : i32
        %dma_start3A_78 = tpu.memref_slice %arg7[%add3A_73, %dma_start3A_77] : memref<160000x384xf32, #tpu.memory_space<hbm>> -> memref<96x384xf32, #tpu.memory_space<hbm>>
        %dma_start3A_79 = arith.constant 0 : i32
        %dma_start3A_80 = tpu.memref_slice %arg7[%add3A_73, %dma_start3A_79] : memref<160000x384xf32, #tpu.memory_space<hbm>> -> memref<96x384xf32, #tpu.memory_space<hbm>>
        %dma_start3A_81 = arith.constant 0 : i32
        %dma_start3A_82 = arith.constant 0 : i32
        %dma_start3A_83 = tpu.memref_slice %arg11[%dma_start3A_81, %dma_start3A_82] : memref<96x384xf32, #tpu.memory_space<vmem>> -> memref<96x384xf32, #tpu.memory_space<vmem>>
        tpu.enqueue_dma source(%dma_start3A_83 : memref<96x384xf32, #tpu.memory_space<vmem>>) target(%dma_start3A_80 : memref<96x384xf32, #tpu.memory_space<hbm>>) target_semaphore(%run_scoped3A : memref<!tpu.dma_semaphore, #tpu.memory_space<semaphore_mem>>)
        %dma_wait3A_84 = arith.constant 0 : i32
        %dma_wait3A_85 = arith.constant 0 : i32
        %dma_wait3A_86 = tpu.memref_slice %arg11[%dma_wait3A_84, %dma_wait3A_85] : memref<96x384xf32, #tpu.memory_space<vmem>> -> memref<96x384xf32, #tpu.memory_space<vmem>>
        %dma_wait3A_87 = arith.constant 0 : i32
        %dma_wait3A_88 = tpu.memref_slice %arg7[%add3A_73, %dma_wait3A_87] : memref<160000x384xf32, #tpu.memory_space<hbm>> -> memref<96x384xf32, #tpu.memory_space<hbm>>
        %dma_wait3A_89 = arith.constant 0 : i32
        %dma_wait3A_90 = tpu.memref_slice %arg7[%add3A_73, %dma_wait3A_89] : memref<160000x384xf32, #tpu.memory_space<hbm>> -> memref<96x384xf32, #tpu.memory_space<hbm>>
        %dma_wait3A_91 = arith.constant 0 : i32
        %dma_wait3A_92 = arith.constant 0 : i32
        %dma_wait3A_93 = tpu.memref_slice %arg11[%dma_wait3A_91, %dma_wait3A_92] : memref<96x384xf32, #tpu.memory_space<vmem>> -> memref<96x384xf32, #tpu.memory_space<vmem>>
        tpu.wait_dma2 semaphore(%run_scoped3A : memref<!tpu.dma_semaphore, #tpu.memory_space<semaphore_mem>>) src(%dma_wait3A_93 : memref<96x384xf32, #tpu.memory_space<vmem>>) dst(%dma_wait3A_90 : memref<96x384xf32, #tpu.memory_space<hbm>>)
        tpu.yield
      }) : () -> ()
    }
    %scan3A_6 = arith.constant 52 : i32
    %dma_start3A = arith.constant 0 : i32
    %dma_start3A_7 = arith.constant 0 : i32
    %dma_start3A_8 = tpu.memref_slice %arg10[%dma_start3A, %dma_start3A_7] : memref<96x384xf32, #tpu.memory_space<vmem>> -> memref<8x384xf32, #tpu.memory_space<vmem>>
    %dma_start3A_9 = arith.constant 4992 : i32
    %dma_start3A_10 = tpu.memref_slice %arg8[%dma_start3A_9] : memref<5000xi32, #tpu.memory_space<vmem>> -> memref<8xi32, #tpu.memory_space<vmem>>
    %dma_start3A_11 = arith.constant 0 : i32
    %dma_start3A_12 = arith.constant 0 : i32
    %dma_start3A_13 = tpu.memref_slice %arg2[%dma_start3A_11, %dma_start3A_12] : memref<10000x384xf32, #tpu.memory_space<hbm>> -> memref<10000x384xf32, #tpu.memory_space<hbm>>
    tpu.enqueue_indirect_dma source(%dma_start3A_13 : memref<10000x384xf32, #tpu.memory_space<hbm>>) target(%dma_start3A_8 : memref<8x384xf32, #tpu.memory_space<vmem>>) offsets(%dma_start3A_10 : memref<8xi32, #tpu.memory_space<vmem>>) semaphore(%arg12 : memref<!tpu.dma_semaphore, #tpu.memory_space<semaphore_mem>>)
    %dma_start3A_14 = arith.constant 0 : i32
    %dma_start3A_15 = arith.constant 0 : i32
    %dma_start3A_16 = tpu.memref_slice %arg11[%dma_start3A_14, %dma_start3A_15] : memref<96x384xf32, #tpu.memory_space<vmem>> -> memref<8x384xf32, #tpu.memory_space<vmem>>
    %dma_start3A_17 = arith.constant 4992 : i32
    %dma_start3A_18 = tpu.memref_slice %arg9[%dma_start3A_17] : memref<5000xi32, #tpu.memory_space<vmem>> -> memref<8xi32, #tpu.memory_space<vmem>>
    %dma_start3A_19 = arith.constant 0 : i32
    %dma_start3A_20 = arith.constant 0 : i32
    %dma_start3A_21 = tpu.memref_slice %arg3[%dma_start3A_19, %dma_start3A_20] : memref<10000x384xf32, #tpu.memory_space<hbm>> -> memref<10000x384xf32, #tpu.memory_space<hbm>>
    tpu.enqueue_indirect_dma source(%dma_start3A_21 : memref<10000x384xf32, #tpu.memory_space<hbm>>) target(%dma_start3A_16 : memref<8x384xf32, #tpu.memory_space<vmem>>) offsets(%dma_start3A_18 : memref<8xi32, #tpu.memory_space<vmem>>) semaphore(%arg12 : memref<!tpu.dma_semaphore, #tpu.memory_space<semaphore_mem>>)
    %dma_wait3A = arith.constant 0 : i32
    %dma_wait3A_22 = arith.constant 0 : i32
    %dma_wait3A_23 = tpu.memref_slice %arg10[%dma_wait3A, %dma_wait3A_22] : memref<96x384xf32, #tpu.memory_space<vmem>> -> memref<8x384xf32, #tpu.memory_space<vmem>>
    %dma_wait3A_24 = arith.constant 4992 : i32
    %dma_wait3A_25 = tpu.memref_slice %arg8[%dma_wait3A_24] : memref<5000xi32, #tpu.memory_space<vmem>> -> memref<8xi32, #tpu.memory_space<vmem>>
    %dma_wait3A_26 = arith.constant 0 : i32
    %dma_wait3A_27 = arith.constant 0 : i32
    %dma_wait3A_28 = tpu.memref_slice %arg2[%dma_wait3A_26, %dma_wait3A_27] : memref<10000x384xf32, #tpu.memory_space<hbm>> -> memref<10000x384xf32, #tpu.memory_space<hbm>>
    tpu.wait_indirect_dma semaphore(%arg12 : memref<!tpu.dma_semaphore, #tpu.memory_space<semaphore_mem>>) src(%dma_wait3A_28 : memref<10000x384xf32, #tpu.memory_space<hbm>>) dst(%dma_wait3A_23 : memref<8x384xf32, #tpu.memory_space<vmem>>)
    %dma_wait3A_29 = arith.constant 0 : i32
    %dma_wait3A_30 = arith.constant 0 : i32
    %dma_wait3A_31 = tpu.memref_slice %arg11[%dma_wait3A_29, %dma_wait3A_30] : memref<96x384xf32, #tpu.memory_space<vmem>> -> memref<8x384xf32, #tpu.memory_space<vmem>>
    %dma_wait3A_32 = arith.constant 4992 : i32
    %dma_wait3A_33 = tpu.memref_slice %arg9[%dma_wait3A_32] : memref<5000xi32, #tpu.memory_space<vmem>> -> memref<8xi32, #tpu.memory_space<vmem>>
    %dma_wait3A_34 = arith.constant 0 : i32
    %dma_wait3A_35 = arith.constant 0 : i32
    %dma_wait3A_36 = tpu.memref_slice %arg3[%dma_wait3A_34, %dma_wait3A_35] : memref<10000x384xf32, #tpu.memory_space<hbm>> -> memref<10000x384xf32, #tpu.memory_space<hbm>>
    tpu.wait_indirect_dma semaphore(%arg12 : memref<!tpu.dma_semaphore, #tpu.memory_space<semaphore_mem>>) src(%dma_wait3A_36 : memref<10000x384xf32, #tpu.memory_space<hbm>>) dst(%dma_wait3A_31 : memref<8x384xf32, #tpu.memory_space<vmem>>)
    %add3A_37 = arith.constant 4992 : i32
    %add3A_38 = arith.addi %mul3A_2, %add3A_37 : i32
    "tpu.region"() ({
      %run_scoped3A = tpu.sem_alloc : memref<!tpu.dma_semaphore, #tpu.memory_space<semaphore_mem>>
      %dma_start3A_41 = arith.constant 0 : i32
      %dma_start3A_42 = arith.constant 0 : i32
      %dma_start3A_43 = tpu.memref_slice %arg10[%dma_start3A_41, %dma_start3A_42] : memref<96x384xf32, #tpu.memory_space<vmem>> -> memref<8x384xf32, #tpu.memory_space<vmem>>
      %dma_start3A_44 = arith.constant 0 : i32
      %dma_start3A_45 = tpu.memref_slice %arg6[%add3A_38, %dma_start3A_44] : memref<160000x384xf32, #tpu.memory_space<hbm>> -> memref<8x384xf32, #tpu.memory_space<hbm>>
      %dma_start3A_46 = arith.constant 0 : i32
      %dma_start3A_47 = tpu.memref_slice %arg6[%add3A_38, %dma_start3A_46] : memref<160000x384xf32, #tpu.memory_space<hbm>> -> memref<8x384xf32, #tpu.memory_space<hbm>>
      %dma_start3A_48 = arith.constant 0 : i32
      %dma_start3A_49 = arith.constant 0 : i32
      %dma_start3A_50 = tpu.memref_slice %arg10[%dma_start3A_48, %dma_start3A_49] : memref<96x384xf32, #tpu.memory_space<vmem>> -> memref<8x384xf32, #tpu.memory_space<vmem>>
      tpu.enqueue_dma source(%dma_start3A_50 : memref<8x384xf32, #tpu.memory_space<vmem>>) target(%dma_start3A_47 : memref<8x384xf32, #tpu.memory_space<hbm>>) target_semaphore(%run_scoped3A : memref<!tpu.dma_semaphore, #tpu.memory_space<semaphore_mem>>)
      %dma_wait3A_51 = arith.constant 0 : i32
      %dma_wait3A_52 = arith.constant 0 : i32
      %dma_wait3A_53 = tpu.memref_slice %arg10[%dma_wait3A_51, %dma_wait3A_52] : memref<96x384xf32, #tpu.memory_space<vmem>> -> memref<8x384xf32, #tpu.memory_space<vmem>>
      %dma_wait3A_54 = arith.constant 0 : i32
      %dma_wait3A_55 = tpu.memref_slice %arg6[%add3A_38, %dma_wait3A_54] : memref<160000x384xf32, #tpu.memory_space<hbm>> -> memref<8x384xf32, #tpu.memory_space<hbm>>
      %dma_wait3A_56 = arith.constant 0 : i32
      %dma_wait3A_57 = tpu.memref_slice %arg6[%add3A_38, %dma_wait3A_56] : memref<160000x384xf32, #tpu.memory_space<hbm>> -> memref<8x384xf32, #tpu.memory_space<hbm>>
      %dma_wait3A_58 = arith.constant 0 : i32
      %dma_wait3A_59 = arith.constant 0 : i32
      %dma_wait3A_60 = tpu.memref_slice %arg10[%dma_wait3A_58, %dma_wait3A_59] : memref<96x384xf32, #tpu.memory_space<vmem>> -> memref<8x384xf32, #tpu.memory_space<vmem>>
      tpu.wait_dma2 semaphore(%run_scoped3A : memref<!tpu.dma_semaphore, #tpu.memory_space<semaphore_mem>>) src(%dma_wait3A_60 : memref<8x384xf32, #tpu.memory_space<vmem>>) dst(%dma_wait3A_57 : memref<8x384xf32, #tpu.memory_space<hbm>>)
      tpu.yield
    }) : () -> ()
    %add3A_39 = arith.constant 4992 : i32
    %add3A_40 = arith.addi %mul3A_2, %add3A_39 : i32
    "tpu.region"() ({
      %run_scoped3A = tpu.sem_alloc : memref<!tpu.dma_semaphore, #tpu.memory_space<semaphore_mem>>
      %dma_start3A_41 = arith.constant 0 : i32
      %dma_start3A_42 = arith.constant 0 : i32
      %dma_start3A_43 = tpu.memref_slice %arg11[%dma_start3A_41, %dma_start3A_42] : memref<96x384xf32, #tpu.memory_space<vmem>> -> memref<8x384xf32, #tpu.memory_space<vmem>>
      %dma_start3A_44 = arith.constant 0 : i32
      %dma_start3A_45 = tpu.memref_slice %arg7[%add3A_40, %dma_start3A_44] : memref<160000x384xf32, #tpu.memory_space<hbm>> -> memref<8x384xf32, #tpu.memory_space<hbm>>
      %dma_start3A_46 = arith.constant 0 : i32
      %dma_start3A_47 = tpu.memref_slice %arg7[%add3A_40, %dma_start3A_46] : memref<160000x384xf32, #tpu.memory_space<hbm>> -> memref<8x384xf32, #tpu.memory_space<hbm>>
      %dma_start3A_48 = arith.constant 0 : i32
      %dma_start3A_49 = arith.constant 0 : i32
      %dma_start3A_50 = tpu.memref_slice %arg11[%dma_start3A_48, %dma_start3A_49] : memref<96x384xf32, #tpu.memory_space<vmem>> -> memref<8x384xf32, #tpu.memory_space<vmem>>
      tpu.enqueue_dma source(%dma_start3A_50 : memref<8x384xf32, #tpu.memory_space<vmem>>) target(%dma_start3A_47 : memref<8x384xf32, #tpu.memory_space<hbm>>) target_semaphore(%run_scoped3A : memref<!tpu.dma_semaphore, #tpu.memory_space<semaphore_mem>>)
      %dma_wait3A_51 = arith.constant 0 : i32
      %dma_wait3A_52 = arith.constant 0 : i32
      %dma_wait3A_53 = tpu.memref_slice %arg11[%dma_wait3A_51, %dma_wait3A_52] : memref<96x384xf32, #tpu.memory_space<vmem>> -> memref<8x384xf32, #tpu.memory_space<vmem>>
      %dma_wait3A_54 = arith.constant 0 : i32
      %dma_wait3A_55 = tpu.memref_slice %arg7[%add3A_40, %dma_wait3A_54] : memref<160000x384xf32, #tpu.memory_space<hbm>> -> memref<8x384xf32, #tpu.memory_space<hbm>>
      %dma_wait3A_56 = arith.constant 0 : i32
      %dma_wait3A_57 = tpu.memref_slice %arg7[%add3A_40, %dma_wait3A_56] : memref<160000x384xf32, #tpu.memory_space<hbm>> -> memref<8x384xf32, #tpu.memory_space<hbm>>
      %dma_wait3A_58 = arith.constant 0 : i32
      %dma_wait3A_59 = arith.constant 0 : i32
      %dma_wait3A_60 = tpu.memref_slice %arg11[%dma_wait3A_58, %dma_wait3A_59] : memref<96x384xf32, #tpu.memory_space<vmem>> -> memref<8x384xf32, #tpu.memory_space<vmem>>
      tpu.wait_dma2 semaphore(%run_scoped3A : memref<!tpu.dma_semaphore, #tpu.memory_space<semaphore_mem>>) src(%dma_wait3A_60 : memref<8x384xf32, #tpu.memory_space<vmem>>) dst(%dma_wait3A_57 : memref<8x384xf32, #tpu.memory_space<hbm>>)
      tpu.yield
    }) : () -> ()
    return
  }
}

module attributes {stable_mosaic.version = 14 : i64} {
  func.func @_node1_body(%arg0: i32, %arg1: memref<1000x256xf32, #tpu.memory_space<vmem>>, %arg2: memref<1000x9xf32, #tpu.memory_space<vmem>>, %arg3: memref<1000x3xf32, #tpu.memory_space<vmem>>, %arg4: memref<256x24xf32, #tpu.memory_space<vmem>>, %arg5: memref<1x24xf32, #tpu.memory_space<vmem>>, %arg6: memref<256x256xf32, #tpu.memory_space<vmem>>, %arg7: memref<32x256xf32, #tpu.memory_space<vmem>>, %arg8: memref<256x256xf32, #tpu.memory_space<vmem>>, %arg9: memref<1000x384xf32, #tpu.memory_space<vmem>>, %arg10: memref<1000x384xf32, #tpu.memory_space<vmem>>) attributes {dimension_semantics = [#tpu.dimension_semantics<arbitrary>], iteration_bounds = array<i64: 10>, scalar_prefetch = 0 : i64, scratch_operands = 0 : i64, tpu.core_type = #tpu.core_type<tc>, window_params = [{transform_indices = @transform_0, window_bounds = array<i64: 1000, 256>}, {transform_indices = @transform_1, window_bounds = array<i64: 1000, 9>}, {transform_indices = @transform_2, window_bounds = array<i64: 1000, 3>}, {pipeline_mode = #tpu.pipeline_mode<synchronous>, transform_indices = @transform_3, window_bounds = array<i64: 256, 24>}, {pipeline_mode = #tpu.pipeline_mode<synchronous>, transform_indices = @transform_4, window_bounds = array<i64: 1, 24>}, {pipeline_mode = #tpu.pipeline_mode<synchronous>, transform_indices = @transform_5, window_bounds = array<i64: 256, 256>}, {pipeline_mode = #tpu.pipeline_mode<synchronous>, transform_indices = @transform_6, window_bounds = array<i64: 32, 256>}, {pipeline_mode = #tpu.pipeline_mode<synchronous>, transform_indices = @transform_7, window_bounds = array<i64: 256, 256>}, {transform_indices = @transform_8, window_bounds = array<i64: 1000, 384>}, {transform_indices = @transform_9, window_bounds = array<i64: 1000, 384>}]} {
    %get3A = arith.constant 0 : index
    %get3A_0 = arith.constant 0 : index
    %get3A_1 = vector.load %arg1[%get3A, %get3A_0] : memref<1000x256xf32, #tpu.memory_space<vmem>>, vector<1000x256xf32>
    %get3A_2 = arith.constant 0 : index
    %get3A_3 = arith.constant 0 : index
    %get3A_4 = vector.load %arg2[%get3A_2, %get3A_3] : memref<1000x9xf32, #tpu.memory_space<vmem>>, vector<1000x9xf32>
    %get3A_5 = arith.constant 0 : index
    %get3A_6 = arith.constant 0 : index
    %get3A_7 = vector.load %arg3[%get3A_5, %get3A_6] : memref<1000x3xf32, #tpu.memory_space<vmem>>, vector<1000x3xf32>
    %mul3A = arith.constant 1.000000e-01 : f32
    %mul3A_8 = vector.broadcast %mul3A : f32 to vector<1000x3xf32>
    %mul3A_9 = arith.mulf %get3A_7, %mul3A_8 : vector<1000x3xf32>
    %get3A_10 = arith.constant 0 : index
    %get3A_11 = arith.constant 0 : index
    %get3A_12 = vector.load %arg4[%get3A_10, %get3A_11] : memref<256x24xf32, #tpu.memory_space<vmem>>, vector<256x24xf32>
    %get3A_13 = arith.constant 0 : index
    %get3A_14 = arith.constant 0 : index
    %get3A_15 = vector.load %arg5[%get3A_13, %get3A_14] : memref<1x24xf32, #tpu.memory_space<vmem>>, vector<1x24xf32>
    %get3A_16 = arith.constant 0 : index
    %get3A_17 = arith.constant 0 : index
    %get3A_18 = vector.load %arg6[%get3A_16, %get3A_17] : memref<256x256xf32, #tpu.memory_space<vmem>>, vector<256x256xf32>
    %get3A_19 = arith.constant 0 : index
    %get3A_20 = arith.constant 0 : index
    %get3A_21 = vector.load %arg7[%get3A_19, %get3A_20] : memref<32x256xf32, #tpu.memory_space<vmem>>, vector<32x256xf32>
    %get3A_22 = arith.constant 0 : index
    %get3A_23 = arith.constant 0 : index
    %get3A_24 = vector.load %arg8[%get3A_22, %get3A_23] : memref<256x256xf32, #tpu.memory_space<vmem>>, vector<256x256xf32>
    %dot_general3A = arith.constant dense<0.000000e+00> : vector<1000x24xf32>
    %dot_general3A_25 = tpu.matmul %get3A_1, %get3A_12, %dot_general3A {dimension_numbers = #tpu.dot_dimension_numbers<[1], [0], [0], [1], [0, 0, 1, 1], [], []>, precision = #tpu.contract_precision<fp32>, transpose_lhs_hint = false} : vector<1000x256xf32>, vector<256x24xf32>, vector<1000x24xf32> -> vector<1000x24xf32>
    %add3A = vector.broadcast %get3A_15 : vector<1x24xf32> to vector<1000x24xf32>
    %add3A_26 = arith.addf %dot_general3A_25, %add3A : vector<1000x24xf32>
    %slice3A = vector.extract_strided_slice %add3A_26 {offsets = [0, 0], sizes = [1000, 8], strides = [1, 1]} : vector<1000x24xf32> to vector<1000x8xf32>
    %slice3A_27 = vector.extract_strided_slice %add3A_26 {offsets = [0, 8], sizes = [1000, 8], strides = [1, 1]} : vector<1000x24xf32> to vector<1000x8xf32>
    %slice3A_28 = vector.extract_strided_slice %add3A_26 {offsets = [0, 16], sizes = [1000, 8], strides = [1, 1]} : vector<1000x24xf32> to vector<1000x8xf32>
    %add3A_29 = arith.constant 9.99999993E-9 : f32
    %add3A_30 = vector.broadcast %add3A_29 : f32 to vector<1000x8xf32>
    %add3A_31 = arith.addf %slice3A, %add3A_30 : vector<1000x8xf32>
    %integer_pow3A = arith.mulf %add3A_31, %add3A_31 : vector<1000x8xf32>
    %add3A_32 = arith.constant 9.99999993E-9 : f32
    %add3A_33 = vector.broadcast %add3A_32 : f32 to vector<1000x8xf32>
    %add3A_34 = arith.addf %slice3A_27, %add3A_33 : vector<1000x8xf32>
    %integer_pow3A_35 = arith.mulf %add3A_34, %add3A_34 : vector<1000x8xf32>
    %add3A_36 = arith.addf %integer_pow3A, %integer_pow3A_35 : vector<1000x8xf32>
    %add3A_37 = arith.constant 9.99999993E-9 : f32
    %add3A_38 = vector.broadcast %add3A_37 : f32 to vector<1000x8xf32>
    %add3A_39 = arith.addf %slice3A_28, %add3A_38 : vector<1000x8xf32>
    %integer_pow3A_40 = arith.mulf %add3A_39, %add3A_39 : vector<1000x8xf32>
    %add3A_41 = arith.addf %add3A_36, %integer_pow3A_40 : vector<1000x8xf32>
    %sqrt3A = math.sqrt %add3A_41 : vector<1000x8xf32>
    %slice3A_42 = vector.extract_strided_slice %get3A_4 {offsets = [0, 0], sizes = [1000, 1], strides = [1, 1]} : vector<1000x9xf32> to vector<1000x1xf32>
    %mul3A_43 = vector.broadcast %slice3A_42 : vector<1000x1xf32> to vector<1000x8xf32>
    %mul3A_44 = arith.mulf %mul3A_43, %slice3A : vector<1000x8xf32>
    %slice3A_45 = vector.extract_strided_slice %get3A_4 {offsets = [0, 1], sizes = [1000, 1], strides = [1, 1]} : vector<1000x9xf32> to vector<1000x1xf32>
    %mul3A_46 = vector.broadcast %slice3A_45 : vector<1000x1xf32> to vector<1000x8xf32>
    %mul3A_47 = arith.mulf %mul3A_46, %slice3A_27 : vector<1000x8xf32>
    %add3A_48 = arith.addf %mul3A_44, %mul3A_47 : vector<1000x8xf32>
    %slice3A_49 = vector.extract_strided_slice %get3A_4 {offsets = [0, 2], sizes = [1000, 1], strides = [1, 1]} : vector<1000x9xf32> to vector<1000x1xf32>
    %mul3A_50 = vector.broadcast %slice3A_49 : vector<1000x1xf32> to vector<1000x8xf32>
    %mul3A_51 = arith.mulf %mul3A_50, %slice3A_28 : vector<1000x8xf32>
    %add3A_52 = arith.addf %add3A_48, %mul3A_51 : vector<1000x8xf32>
    %slice3A_53 = vector.extract_strided_slice %mul3A_9 {offsets = [0, 0], sizes = [1000, 1], strides = [1, 1]} : vector<1000x3xf32> to vector<1000x1xf32>
    %add3A_54 = vector.broadcast %slice3A_53 : vector<1000x1xf32> to vector<1000x8xf32>
    %add3A_55 = arith.addf %add3A_52, %add3A_54 : vector<1000x8xf32>
    %slice3A_56 = vector.extract_strided_slice %get3A_4 {offsets = [0, 3], sizes = [1000, 1], strides = [1, 1]} : vector<1000x9xf32> to vector<1000x1xf32>
    %mul3A_57 = vector.broadcast %slice3A_56 : vector<1000x1xf32> to vector<1000x8xf32>
    %mul3A_58 = arith.mulf %mul3A_57, %slice3A : vector<1000x8xf32>
    %slice3A_59 = vector.extract_strided_slice %get3A_4 {offsets = [0, 4], sizes = [1000, 1], strides = [1, 1]} : vector<1000x9xf32> to vector<1000x1xf32>
    %mul3A_60 = vector.broadcast %slice3A_59 : vector<1000x1xf32> to vector<1000x8xf32>
    %mul3A_61 = arith.mulf %mul3A_60, %slice3A_27 : vector<1000x8xf32>
    %add3A_62 = arith.addf %mul3A_58, %mul3A_61 : vector<1000x8xf32>
    %slice3A_63 = vector.extract_strided_slice %get3A_4 {offsets = [0, 5], sizes = [1000, 1], strides = [1, 1]} : vector<1000x9xf32> to vector<1000x1xf32>
    %mul3A_64 = vector.broadcast %slice3A_63 : vector<1000x1xf32> to vector<1000x8xf32>
    %mul3A_65 = arith.mulf %mul3A_64, %slice3A_28 : vector<1000x8xf32>
    %add3A_66 = arith.addf %add3A_62, %mul3A_65 : vector<1000x8xf32>
    %slice3A_67 = vector.extract_strided_slice %mul3A_9 {offsets = [0, 1], sizes = [1000, 1], strides = [1, 1]} : vector<1000x3xf32> to vector<1000x1xf32>
    %add3A_68 = vector.broadcast %slice3A_67 : vector<1000x1xf32> to vector<1000x8xf32>
    %add3A_69 = arith.addf %add3A_66, %add3A_68 : vector<1000x8xf32>
    %slice3A_70 = vector.extract_strided_slice %get3A_4 {offsets = [0, 6], sizes = [1000, 1], strides = [1, 1]} : vector<1000x9xf32> to vector<1000x1xf32>
    %mul3A_71 = vector.broadcast %slice3A_70 : vector<1000x1xf32> to vector<1000x8xf32>
    %mul3A_72 = arith.mulf %mul3A_71, %slice3A : vector<1000x8xf32>
    %slice3A_73 = vector.extract_strided_slice %get3A_4 {offsets = [0, 7], sizes = [1000, 1], strides = [1, 1]} : vector<1000x9xf32> to vector<1000x1xf32>
    %mul3A_74 = vector.broadcast %slice3A_73 : vector<1000x1xf32> to vector<1000x8xf32>
    %mul3A_75 = arith.mulf %mul3A_74, %slice3A_27 : vector<1000x8xf32>
    %add3A_76 = arith.addf %mul3A_72, %mul3A_75 : vector<1000x8xf32>
    %slice3A_77 = vector.extract_strided_slice %get3A_4 {offsets = [0, 8], sizes = [1000, 1], strides = [1, 1]} : vector<1000x9xf32> to vector<1000x1xf32>
    %mul3A_78 = vector.broadcast %slice3A_77 : vector<1000x1xf32> to vector<1000x8xf32>
    %mul3A_79 = arith.mulf %mul3A_78, %slice3A_28 : vector<1000x8xf32>
    %add3A_80 = arith.addf %add3A_76, %mul3A_79 : vector<1000x8xf32>
    %slice3A_81 = vector.extract_strided_slice %mul3A_9 {offsets = [0, 2], sizes = [1000, 1], strides = [1, 1]} : vector<1000x3xf32> to vector<1000x1xf32>
    %add3A_82 = vector.broadcast %slice3A_81 : vector<1000x1xf32> to vector<1000x8xf32>
    %add3A_83 = arith.addf %add3A_80, %add3A_82 : vector<1000x8xf32>
    %dot_general3A_84 = arith.constant dense<0.000000e+00> : vector<1000x256xf32>
    %dot_general3A_85 = tpu.matmul %get3A_1, %get3A_18, %dot_general3A_84 {dimension_numbers = #tpu.dot_dimension_numbers<[1], [0], [0], [1], [0, 0, 1, 1], [], []>, precision = #tpu.contract_precision<fp32>, transpose_lhs_hint = false} : vector<1000x256xf32>, vector<256x256xf32>, vector<1000x256xf32> -> vector<1000x256xf32>
    %concatenate3A = tpu.concatenate %add3A_26, %sqrt3A in 1 : vector<1000x24xf32>, vector<1000x8xf32> -> vector<1000x32xf32>
    %dot_general3A_86 = arith.constant dense<0.000000e+00> : vector<1000x256xf32>
    %dot_general3A_87 = tpu.matmul %concatenate3A, %get3A_21, %dot_general3A_86 {dimension_numbers = #tpu.dot_dimension_numbers<[1], [0], [0], [1], [0, 0, 1, 1], [], []>, precision = #tpu.contract_precision<fp32>, transpose_lhs_hint = false} : vector<1000x32xf32>, vector<32x256xf32>, vector<1000x256xf32> -> vector<1000x256xf32>
    %add3A_88 = arith.addf %dot_general3A_85, %dot_general3A_87 : vector<1000x256xf32>
    %dot_general3A_89 = arith.constant dense<0.000000e+00> : vector<1000x256xf32>
    %dot_general3A_90 = tpu.matmul %get3A_1, %get3A_24, %dot_general3A_89 {dimension_numbers = #tpu.dot_dimension_numbers<[1], [0], [0], [1], [0, 0, 1, 1], [], []>, precision = #tpu.contract_precision<fp32>, transpose_lhs_hint = false} : vector<1000x256xf32>, vector<256x256xf32>, vector<1000x256xf32> -> vector<1000x256xf32>
    %broadcast_in_dim3A = arith.constant 0.000000e+00 : f32
    %broadcast_in_dim3A_91 = vector.broadcast %broadcast_in_dim3A : f32 to vector<1000x92xf32>
    %broadcast_in_dim3A_92 = arith.constant 0.000000e+00 : f32
    %broadcast_in_dim3A_93 = vector.broadcast %broadcast_in_dim3A_92 : f32 to vector<1000x104xf32>
    %concatenate3A_94 = tpu.concatenate %add3A_88, %add3A_55, %add3A_69, %add3A_83, %get3A_4, %mul3A_9, %broadcast_in_dim3A_91 in 1 : vector<1000x256xf32>, vector<1000x8xf32>, vector<1000x8xf32>, vector<1000x8xf32>, vector<1000x9xf32>, vector<1000x3xf32>, vector<1000x92xf32> -> vector<1000x384xf32>
    %concatenate3A_95 = tpu.concatenate %dot_general3A_90, %add3A_55, %add3A_69, %add3A_83, %broadcast_in_dim3A_93 in 1 : vector<1000x256xf32>, vector<1000x8xf32>, vector<1000x8xf32>, vector<1000x8xf32>, vector<1000x104xf32> -> vector<1000x384xf32>
    %swap3A = arith.constant 0 : index
    %swap3A_96 = arith.constant 0 : index
    %swap3A_97 = vector.load %arg9[%swap3A, %swap3A_96] : memref<1000x384xf32, #tpu.memory_space<vmem>>, vector<1000x384xf32>
    tpu.vector_store %arg9[%swap3A, %swap3A_96], %concatenate3A_94 {strides = array<i32>} : memref<1000x384xf32, #tpu.memory_space<vmem>>, vector<1000x384xf32>,
    %swap3A_98 = arith.constant 0 : index
    %swap3A_99 = arith.constant 0 : index
    %swap3A_100 = vector.load %arg10[%swap3A_98, %swap3A_99] : memref<1000x384xf32, #tpu.memory_space<vmem>>, vector<1000x384xf32>
    tpu.vector_store %arg10[%swap3A_98, %swap3A_99], %concatenate3A_95 {strides = array<i32>} : memref<1000x384xf32, #tpu.memory_space<vmem>>, vector<1000x384xf32>,
    return
  }
  func.func @transform_0(%arg0: i32) -> (i32, i32) {
    %c0_i32 = arith.constant 0 : i32
    %c0_i32_0 = arith.constant 0 : i32
    return %arg0, %c0_i32 : i32, i32
  }
  func.func @transform_1(%arg0: i32) -> (i32, i32) {
    %c0_i32 = arith.constant 0 : i32
    %c0_i32_0 = arith.constant 0 : i32
    return %arg0, %c0_i32 : i32, i32
  }
  func.func @transform_2(%arg0: i32) -> (i32, i32) {
    %c0_i32 = arith.constant 0 : i32
    %c0_i32_0 = arith.constant 0 : i32
    return %arg0, %c0_i32 : i32, i32
  }
  func.func @transform_3(%arg0: i32) -> (i32, i32) {
    %c0_i32 = arith.constant 0 : i32
    %c0_i32_0 = arith.constant 0 : i32
    %c0_i32_1 = arith.constant 0 : i32
    return %c0_i32, %c0_i32_0 : i32, i32
  }
  func.func @transform_4(%arg0: i32) -> (i32, i32) {
    %c0_i32 = arith.constant 0 : i32
    %c0_i32_0 = arith.constant 0 : i32
    %c0_i32_1 = arith.constant 0 : i32
    return %c0_i32, %c0_i32_0 : i32, i32
  }
  func.func @transform_5(%arg0: i32) -> (i32, i32) {
    %c0_i32 = arith.constant 0 : i32
    %c0_i32_0 = arith.constant 0 : i32
    %c0_i32_1 = arith.constant 0 : i32
    return %c0_i32, %c0_i32_0 : i32, i32
  }
  func.func @transform_6(%arg0: i32) -> (i32, i32) {
    %c0_i32 = arith.constant 0 : i32
    %c0_i32_0 = arith.constant 0 : i32
    %c0_i32_1 = arith.constant 0 : i32
    return %c0_i32, %c0_i32_0 : i32, i32
  }
  func.func @transform_7(%arg0: i32) -> (i32, i32) {
    %c0_i32 = arith.constant 0 : i32
    %c0_i32_0 = arith.constant 0 : i32
    %c0_i32_1 = arith.constant 0 : i32
    return %c0_i32, %c0_i32_0 : i32, i32
  }
  func.func @transform_8(%arg0: i32) -> (i32, i32) {
    %c0_i32 = arith.constant 0 : i32
    %c0_i32_0 = arith.constant 0 : i32
    return %arg0, %c0_i32 : i32, i32
  }
  func.func @transform_9(%arg0: i32) -> (i32, i32) {
    %c0_i32 = arith.constant 0 : i32
    %c0_i32_0 = arith.constant 0 : i32
    return %arg0, %c0_i32 : i32, i32
  }
}

module attributes {stable_mosaic.version = 14 : i64} {
  func.func @_edge_body(%arg0: i32, %arg1: memref<800x384xf32, #tpu.memory_space<vmem>>, %arg2: memref<800x384xf32, #tpu.memory_space<vmem>>, %arg3: memref<800x128xf32, #tpu.memory_space<vmem>>, %arg4: memref<128x256xf32, #tpu.memory_space<vmem>>, %arg5: memref<96x256xf32, #tpu.memory_space<vmem>>, %arg6: memref<1x256xf32, #tpu.memory_space<vmem>>, %arg7: memref<256x256xf32, #tpu.memory_space<vmem>>, %arg8: memref<1x256xf32, #tpu.memory_space<vmem>>, %arg9: memref<256x256xf32, #tpu.memory_space<vmem>>, %arg10: memref<1x256xf32, #tpu.memory_space<vmem>>, %arg11: memref<1x256xf32, #tpu.memory_space<vmem>>, %arg12: memref<1x256xf32, #tpu.memory_space<vmem>>, %arg13: memref<800x256xf32, #tpu.memory_space<vmem>>) attributes {dimension_semantics = [#tpu.dimension_semantics<arbitrary>], iteration_bounds = array<i64: 200>, scalar_prefetch = 0 : i64, scratch_operands = 0 : i64, tpu.core_type = #tpu.core_type<tc>, window_params = [{transform_indices = @transform_0, window_bounds = array<i64: 800, 384>}, {transform_indices = @transform_1, window_bounds = array<i64: 800, 384>}, {transform_indices = @transform_2, window_bounds = array<i64: 800, 128>}, {pipeline_mode = #tpu.pipeline_mode<synchronous>, transform_indices = @transform_3, window_bounds = array<i64: 128, 256>}, {pipeline_mode = #tpu.pipeline_mode<synchronous>, transform_indices = @transform_4, window_bounds = array<i64: 96, 256>}, {pipeline_mode = #tpu.pipeline_mode<synchronous>, transform_indices = @transform_5, window_bounds = array<i64: 1, 256>}, {pipeline_mode = #tpu.pipeline_mode<synchronous>, transform_indices = @transform_6, window_bounds = array<i64: 256, 256>}, {pipeline_mode = #tpu.pipeline_mode<synchronous>, transform_indices = @transform_7, window_bounds = array<i64: 1, 256>}, {pipeline_mode = #tpu.pipeline_mode<synchronous>, transform_indices = @transform_8, window_bounds = array<i64: 256, 256>}, {pipeline_mode = #tpu.pipeline_mode<synchronous>, transform_indices = @transform_9, window_bounds = array<i64: 1, 256>}, {pipeline_mode = #tpu.pipeline_mode<synchronous>, transform_indices = @transform_10, window_bounds = array<i64: 1, 256>}, {pipeline_mode = #tpu.pipeline_mode<synchronous>, transform_indices = @transform_11, window_bounds = array<i64: 1, 256>}, {transform_indices = @transform_12, window_bounds = array<i64: 800, 256>}]} {
    %get3A = arith.constant 0 : index
    %get3A_0 = arith.constant 0 : index
    %get3A_1 = vector.load %arg1[%get3A, %get3A_0] : memref<800x384xf32, #tpu.memory_space<vmem>>, vector<800x384xf32>
    %get3A_2 = arith.constant 0 : index
    %get3A_3 = arith.constant 0 : index
    %get3A_4 = vector.load %arg2[%get3A_2, %get3A_3] : memref<800x384xf32, #tpu.memory_space<vmem>>, vector<800x384xf32>
    %slice3A = vector.extract_strided_slice %get3A_1 {offsets = [0, 256], sizes = [800, 8], strides = [1, 1]} : vector<800x384xf32> to vector<800x8xf32>
    %slice3A_5 = vector.extract_strided_slice %get3A_1 {offsets = [0, 264], sizes = [800, 8], strides = [1, 1]} : vector<800x384xf32> to vector<800x8xf32>
    %slice3A_6 = vector.extract_strided_slice %get3A_1 {offsets = [0, 272], sizes = [800, 8], strides = [1, 1]} : vector<800x384xf32> to vector<800x8xf32>
    %slice3A_7 = vector.extract_strided_slice %get3A_4 {offsets = [0, 256], sizes = [800, 8], strides = [1, 1]} : vector<800x384xf32> to vector<800x8xf32>
    %slice3A_8 = vector.extract_strided_slice %get3A_4 {offsets = [0, 264], sizes = [800, 8], strides = [1, 1]} : vector<800x384xf32> to vector<800x8xf32>
    %slice3A_9 = vector.extract_strided_slice %get3A_4 {offsets = [0, 272], sizes = [800, 8], strides = [1, 1]} : vector<800x384xf32> to vector<800x8xf32>
    %slice3A_10 = vector.extract_strided_slice %get3A_1 {offsets = [0, 289], sizes = [800, 1], strides = [1, 1]} : vector<800x384xf32> to vector<800x1xf32>
    %sub3A = vector.broadcast %slice3A_10 : vector<800x1xf32> to vector<800x8xf32>
    %sub3A_11 = arith.subf %slice3A_7, %sub3A : vector<800x8xf32>
    %slice3A_12 = vector.extract_strided_slice %get3A_1 {offsets = [0, 290], sizes = [800, 1], strides = [1, 1]} : vector<800x384xf32> to vector<800x1xf32>
    %sub3A_13 = vector.broadcast %slice3A_12 : vector<800x1xf32> to vector<800x8xf32>
    %sub3A_14 = arith.subf %slice3A_8, %sub3A_13 : vector<800x8xf32>
    %slice3A_15 = vector.extract_strided_slice %get3A_1 {offsets = [0, 291], sizes = [800, 1], strides = [1, 1]} : vector<800x384xf32> to vector<800x1xf32>
    %sub3A_16 = vector.broadcast %slice3A_15 : vector<800x1xf32> to vector<800x8xf32>
    %sub3A_17 = arith.subf %slice3A_9, %sub3A_16 : vector<800x8xf32>
    %slice3A_18 = vector.extract_strided_slice %get3A_1 {offsets = [0, 280], sizes = [800, 1], strides = [1, 1]} : vector<800x384xf32> to vector<800x1xf32>
    %mul3A = vector.broadcast %slice3A_18 : vector<800x1xf32> to vector<800x8xf32>
    %mul3A_19 = arith.mulf %mul3A, %sub3A_11 : vector<800x8xf32>
    %slice3A_20 = vector.extract_strided_slice %get3A_1 {offsets = [0, 283], sizes = [800, 1], strides = [1, 1]} : vector<800x384xf32> to vector<800x1xf32>
    %mul3A_21 = vector.broadcast %slice3A_20 : vector<800x1xf32> to vector<800x8xf32>
    %mul3A_22 = arith.mulf %mul3A_21, %sub3A_14 : vector<800x8xf32>
    %add3A = arith.addf %mul3A_19, %mul3A_22 : vector<800x8xf32>
    %slice3A_23 = vector.extract_strided_slice %get3A_1 {offsets = [0, 286], sizes = [800, 1], strides = [1, 1]} : vector<800x384xf32> to vector<800x1xf32>
    %mul3A_24 = vector.broadcast %slice3A_23 : vector<800x1xf32> to vector<800x8xf32>
    %mul3A_25 = arith.mulf %mul3A_24, %sub3A_17 : vector<800x8xf32>
    %add3A_26 = arith.addf %add3A, %mul3A_25 : vector<800x8xf32>
    %slice3A_27 = vector.extract_strided_slice %get3A_1 {offsets = [0, 281], sizes = [800, 1], strides = [1, 1]} : vector<800x384xf32> to vector<800x1xf32>
    %mul3A_28 = vector.broadcast %slice3A_27 : vector<800x1xf32> to vector<800x8xf32>
    %mul3A_29 = arith.mulf %mul3A_28, %sub3A_11 : vector<800x8xf32>
    %slice3A_30 = vector.extract_strided_slice %get3A_1 {offsets = [0, 284], sizes = [800, 1], strides = [1, 1]} : vector<800x384xf32> to vector<800x1xf32>
    %mul3A_31 = vector.broadcast %slice3A_30 : vector<800x1xf32> to vector<800x8xf32>
    %mul3A_32 = arith.mulf %mul3A_31, %sub3A_14 : vector<800x8xf32>
    %add3A_33 = arith.addf %mul3A_29, %mul3A_32 : vector<800x8xf32>
    %slice3A_34 = vector.extract_strided_slice %get3A_1 {offsets = [0, 287], sizes = [800, 1], strides = [1, 1]} : vector<800x384xf32> to vector<800x1xf32>
    %mul3A_35 = vector.broadcast %slice3A_34 : vector<800x1xf32> to vector<800x8xf32>
    %mul3A_36 = arith.mulf %mul3A_35, %sub3A_17 : vector<800x8xf32>
    %add3A_37 = arith.addf %add3A_33, %mul3A_36 : vector<800x8xf32>
    %slice3A_38 = vector.extract_strided_slice %get3A_1 {offsets = [0, 282], sizes = [800, 1], strides = [1, 1]} : vector<800x384xf32> to vector<800x1xf32>
    %mul3A_39 = vector.broadcast %slice3A_38 : vector<800x1xf32> to vector<800x8xf32>
    %mul3A_40 = arith.mulf %mul3A_39, %sub3A_11 : vector<800x8xf32>
    %slice3A_41 = vector.extract_strided_slice %get3A_1 {offsets = [0, 285], sizes = [800, 1], strides = [1, 1]} : vector<800x384xf32> to vector<800x1xf32>
    %mul3A_42 = vector.broadcast %slice3A_41 : vector<800x1xf32> to vector<800x8xf32>
    %mul3A_43 = arith.mulf %mul3A_42, %sub3A_14 : vector<800x8xf32>
    %add3A_44 = arith.addf %mul3A_40, %mul3A_43 : vector<800x8xf32>
    %slice3A_45 = vector.extract_strided_slice %get3A_1 {offsets = [0, 288], sizes = [800, 1], strides = [1, 1]} : vector<800x384xf32> to vector<800x1xf32>
    %mul3A_46 = vector.broadcast %slice3A_45 : vector<800x1xf32> to vector<800x8xf32>
    %mul3A_47 = arith.mulf %mul3A_46, %sub3A_17 : vector<800x8xf32>
    %add3A_48 = arith.addf %add3A_44, %mul3A_47 : vector<800x8xf32>
    %add3A_49 = arith.constant 9.99999993E-9 : f32
    %add3A_50 = vector.broadcast %add3A_49 : f32 to vector<800x8xf32>
    %add3A_51 = arith.addf %add3A_26, %add3A_50 : vector<800x8xf32>
    %integer_pow3A = arith.mulf %add3A_51, %add3A_51 : vector<800x8xf32>
    %add3A_52 = arith.constant 9.99999993E-9 : f32
    %add3A_53 = vector.broadcast %add3A_52 : f32 to vector<800x8xf32>
    %add3A_54 = arith.addf %add3A_37, %add3A_53 : vector<800x8xf32>
    %integer_pow3A_55 = arith.mulf %add3A_54, %add3A_54 : vector<800x8xf32>
    %add3A_56 = arith.addf %integer_pow3A, %integer_pow3A_55 : vector<800x8xf32>
    %add3A_57 = arith.constant 9.99999993E-9 : f32
    %add3A_58 = vector.broadcast %add3A_57 : f32 to vector<800x8xf32>
    %add3A_59 = arith.addf %add3A_48, %add3A_58 : vector<800x8xf32>
    %integer_pow3A_60 = arith.mulf %add3A_59, %add3A_59 : vector<800x8xf32>
    %add3A_61 = arith.addf %add3A_56, %integer_pow3A_60 : vector<800x8xf32>
    %sqrt3A = math.sqrt %add3A_61 : vector<800x8xf32>
    %slice3A_62 = vector.extract_strided_slice %slice3A {offsets = [0, 0], sizes = [800, 1], strides = [1, 1]} : vector<800x8xf32> to vector<800x1xf32>
    %broadcast_in_dim3A = vector.shape_cast %slice3A_62 : vector<800x1xf32> to vector<800x1xf32>
    %broadcast_in_dim3A_63 = vector.broadcast %broadcast_in_dim3A : vector<800x1xf32> to vector<800x8xf32>
    %slice3A_64 = vector.extract_strided_slice %slice3A {offsets = [0, 1], sizes = [800, 1], strides = [1, 1]} : vector<800x8xf32> to vector<800x1xf32>
    %broadcast_in_dim3A_65 = vector.shape_cast %slice3A_64 : vector<800x1xf32> to vector<800x1xf32>
    %broadcast_in_dim3A_66 = vector.broadcast %broadcast_in_dim3A_65 : vector<800x1xf32> to vector<800x8xf32>
    %slice3A_67 = vector.extract_strided_slice %slice3A {offsets = [0, 2], sizes = [800, 1], strides = [1, 1]} : vector<800x8xf32> to vector<800x1xf32>
    %broadcast_in_dim3A_68 = vector.shape_cast %slice3A_67 : vector<800x1xf32> to vector<800x1xf32>
    %broadcast_in_dim3A_69 = vector.broadcast %broadcast_in_dim3A_68 : vector<800x1xf32> to vector<800x8xf32>
    %slice3A_70 = vector.extract_strided_slice %slice3A {offsets = [0, 3], sizes = [800, 1], strides = [1, 1]} : vector<800x8xf32> to vector<800x1xf32>
    %broadcast_in_dim3A_71 = vector.shape_cast %slice3A_70 : vector<800x1xf32> to vector<800x1xf32>
    %broadcast_in_dim3A_72 = vector.broadcast %broadcast_in_dim3A_71 : vector<800x1xf32> to vector<800x8xf32>
    %slice3A_73 = vector.extract_strided_slice %slice3A {offsets = [0, 4], sizes = [800, 1], strides = [1, 1]} : vector<800x8xf32> to vector<800x1xf32>
    %broadcast_in_dim3A_74 = vector.shape_cast %slice3A_73 : vector<800x1xf32> to vector<800x1xf32>
    %broadcast_in_dim3A_75 = vector.broadcast %broadcast_in_dim3A_74 : vector<800x1xf32> to vector<800x8xf32>
    %slice3A_76 = vector.extract_strided_slice %slice3A {offsets = [0, 5], sizes = [800, 1], strides = [1, 1]} : vector<800x8xf32> to vector<800x1xf32>
    %broadcast_in_dim3A_77 = vector.shape_cast %slice3A_76 : vector<800x1xf32> to vector<800x1xf32>
    %broadcast_in_dim3A_78 = vector.broadcast %broadcast_in_dim3A_77 : vector<800x1xf32> to vector<800x8xf32>
    %slice3A_79 = vector.extract_strided_slice %slice3A {offsets = [0, 6], sizes = [800, 1], strides = [1, 1]} : vector<800x8xf32> to vector<800x1xf32>
    %broadcast_in_dim3A_80 = vector.shape_cast %slice3A_79 : vector<800x1xf32> to vector<800x1xf32>
    %broadcast_in_dim3A_81 = vector.broadcast %broadcast_in_dim3A_80 : vector<800x1xf32> to vector<800x8xf32>
    %slice3A_82 = vector.extract_strided_slice %slice3A {offsets = [0, 7], sizes = [800, 1], strides = [1, 1]} : vector<800x8xf32> to vector<800x1xf32>
    %broadcast_in_dim3A_83 = vector.shape_cast %slice3A_82 : vector<800x1xf32> to vector<800x1xf32>
    %broadcast_in_dim3A_84 = vector.broadcast %broadcast_in_dim3A_83 : vector<800x1xf32> to vector<800x8xf32>
    %concatenate3A = tpu.concatenate %broadcast_in_dim3A_63, %broadcast_in_dim3A_66, %broadcast_in_dim3A_69, %broadcast_in_dim3A_72, %broadcast_in_dim3A_75, %broadcast_in_dim3A_78, %broadcast_in_dim3A_81, %broadcast_in_dim3A_84 in 1 : vector<800x8xf32>, vector<800x8xf32>, vector<800x8xf32>, vector<800x8xf32>, vector<800x8xf32>, vector<800x8xf32>, vector<800x8xf32>, vector<800x8xf32> -> vector<800x64xf32>
    %concatenate3A_85 = tpu.concatenate %slice3A_7, %slice3A_7, %slice3A_7, %slice3A_7, %slice3A_7, %slice3A_7, %slice3A_7, %slice3A_7 in 1 : vector<800x8xf32>, vector<800x8xf32>, vector<800x8xf32>, vector<800x8xf32>, vector<800x8xf32>, vector<800x8xf32>, vector<800x8xf32>, vector<800x8xf32> -> vector<800x64xf32>
    %sub3A_86 = arith.subf %concatenate3A, %concatenate3A_85 : vector<800x64xf32>
    %add3A_87 = arith.constant 9.99999993E-9 : f32
    %add3A_88 = vector.broadcast %add3A_87 : f32 to vector<800x64xf32>
    %add3A_89 = arith.addf %sub3A_86, %add3A_88 : vector<800x64xf32>
    %slice3A_90 = vector.extract_strided_slice %slice3A_5 {offsets = [0, 0], sizes = [800, 1], strides = [1, 1]} : vector<800x8xf32> to vector<800x1xf32>
    %broadcast_in_dim3A_91 = vector.shape_cast %slice3A_90 : vector<800x1xf32> to vector<800x1xf32>
    %broadcast_in_dim3A_92 = vector.broadcast %broadcast_in_dim3A_91 : vector<800x1xf32> to vector<800x8xf32>
    %slice3A_93 = vector.extract_strided_slice %slice3A_5 {offsets = [0, 1], sizes = [800, 1], strides = [1, 1]} : vector<800x8xf32> to vector<800x1xf32>
    %broadcast_in_dim3A_94 = vector.shape_cast %slice3A_93 : vector<800x1xf32> to vector<800x1xf32>
    %broadcast_in_dim3A_95 = vector.broadcast %broadcast_in_dim3A_94 : vector<800x1xf32> to vector<800x8xf32>
    %slice3A_96 = vector.extract_strided_slice %slice3A_5 {offsets = [0, 2], sizes = [800, 1], strides = [1, 1]} : vector<800x8xf32> to vector<800x1xf32>
    %broadcast_in_dim3A_97 = vector.shape_cast %slice3A_96 : vector<800x1xf32> to vector<800x1xf32>
    %broadcast_in_dim3A_98 = vector.broadcast %broadcast_in_dim3A_97 : vector<800x1xf32> to vector<800x8xf32>
    %slice3A_99 = vector.extract_strided_slice %slice3A_5 {offsets = [0, 3], sizes = [800, 1], strides = [1, 1]} : vector<800x8xf32> to vector<800x1xf32>
    %broadcast_in_dim3A_100 = vector.shape_cast %slice3A_99 : vector<800x1xf32> to vector<800x1xf32>
    %broadcast_in_dim3A_101 = vector.broadcast %broadcast_in_dim3A_100 : vector<800x1xf32> to vector<800x8xf32>
    %slice3A_102 = vector.extract_strided_slice %slice3A_5 {offsets = [0, 4], sizes = [800, 1], strides = [1, 1]} : vector<800x8xf32> to vector<800x1xf32>
    %broadcast_in_dim3A_103 = vector.shape_cast %slice3A_102 : vector<800x1xf32> to vector<800x1xf32>
    %broadcast_in_dim3A_104 = vector.broadcast %broadcast_in_dim3A_103 : vector<800x1xf32> to vector<800x8xf32>
    %slice3A_105 = vector.extract_strided_slice %slice3A_5 {offsets = [0, 5], sizes = [800, 1], strides = [1, 1]} : vector<800x8xf32> to vector<800x1xf32>
    %broadcast_in_dim3A_106 = vector.shape_cast %slice3A_105 : vector<800x1xf32> to vector<800x1xf32>
    %broadcast_in_dim3A_107 = vector.broadcast %broadcast_in_dim3A_106 : vector<800x1xf32> to vector<800x8xf32>
    %slice3A_108 = vector.extract_strided_slice %slice3A_5 {offsets = [0, 6], sizes = [800, 1], strides = [1, 1]} : vector<800x8xf32> to vector<800x1xf32>
    %broadcast_in_dim3A_109 = vector.shape_cast %slice3A_108 : vector<800x1xf32> to vector<800x1xf32>
    %broadcast_in_dim3A_110 = vector.broadcast %broadcast_in_dim3A_109 : vector<800x1xf32> to vector<800x8xf32>
    %slice3A_111 = vector.extract_strided_slice %slice3A_5 {offsets = [0, 7], sizes = [800, 1], strides = [1, 1]} : vector<800x8xf32> to vector<800x1xf32>
    %broadcast_in_dim3A_112 = vector.shape_cast %slice3A_111 : vector<800x1xf32> to vector<800x1xf32>
    %broadcast_in_dim3A_113 = vector.broadcast %broadcast_in_dim3A_112 : vector<800x1xf32> to vector<800x8xf32>
    %concatenate3A_114 = tpu.concatenate %broadcast_in_dim3A_92, %broadcast_in_dim3A_95, %broadcast_in_dim3A_98, %broadcast_in_dim3A_101, %broadcast_in_dim3A_104, %broadcast_in_dim3A_107, %broadcast_in_dim3A_110, %broadcast_in_dim3A_113 in 1 : vector<800x8xf32>, vector<800x8xf32>, vector<800x8xf32>, vector<800x8xf32>, vector<800x8xf32>, vector<800x8xf32>, vector<800x8xf32>, vector<800x8xf32> -> vector<800x64xf32>
    %concatenate3A_115 = tpu.concatenate %slice3A_8, %slice3A_8, %slice3A_8, %slice3A_8, %slice3A_8, %slice3A_8, %slice3A_8, %slice3A_8 in 1 : vector<800x8xf32>, vector<800x8xf32>, vector<800x8xf32>, vector<800x8xf32>, vector<800x8xf32>, vector<800x8xf32>, vector<800x8xf32>, vector<800x8xf32> -> vector<800x64xf32>
    %sub3A_116 = arith.subf %concatenate3A_114, %concatenate3A_115 : vector<800x64xf32>
    %add3A_117 = arith.constant 9.99999993E-9 : f32
    %add3A_118 = vector.broadcast %add3A_117 : f32 to vector<800x64xf32>
    %add3A_119 = arith.addf %sub3A_116, %add3A_118 : vector<800x64xf32>
    %slice3A_120 = vector.extract_strided_slice %slice3A_6 {offsets = [0, 0], sizes = [800, 1], strides = [1, 1]} : vector<800x8xf32> to vector<800x1xf32>
    %broadcast_in_dim3A_121 = vector.shape_cast %slice3A_120 : vector<800x1xf32> to vector<800x1xf32>
    %broadcast_in_dim3A_122 = vector.broadcast %broadcast_in_dim3A_121 : vector<800x1xf32> to vector<800x8xf32>
    %slice3A_123 = vector.extract_strided_slice %slice3A_6 {offsets = [0, 1], sizes = [800, 1], strides = [1, 1]} : vector<800x8xf32> to vector<800x1xf32>
    %broadcast_in_dim3A_124 = vector.shape_cast %slice3A_123 : vector<800x1xf32> to vector<800x1xf32>
    %broadcast_in_dim3A_125 = vector.broadcast %broadcast_in_dim3A_124 : vector<800x1xf32> to vector<800x8xf32>
    %slice3A_126 = vector.extract_strided_slice %slice3A_6 {offsets = [0, 2], sizes = [800, 1], strides = [1, 1]} : vector<800x8xf32> to vector<800x1xf32>
    %broadcast_in_dim3A_127 = vector.shape_cast %slice3A_126 : vector<800x1xf32> to vector<800x1xf32>
    %broadcast_in_dim3A_128 = vector.broadcast %broadcast_in_dim3A_127 : vector<800x1xf32> to vector<800x8xf32>
    %slice3A_129 = vector.extract_strided_slice %slice3A_6 {offsets = [0, 3], sizes = [800, 1], strides = [1, 1]} : vector<800x8xf32> to vector<800x1xf32>
    %broadcast_in_dim3A_130 = vector.shape_cast %slice3A_129 : vector<800x1xf32> to vector<800x1xf32>
    %broadcast_in_dim3A_131 = vector.broadcast %broadcast_in_dim3A_130 : vector<800x1xf32> to vector<800x8xf32>
    %slice3A_132 = vector.extract_strided_slice %slice3A_6 {offsets = [0, 4], sizes = [800, 1], strides = [1, 1]} : vector<800x8xf32> to vector<800x1xf32>
    %broadcast_in_dim3A_133 = vector.shape_cast %slice3A_132 : vector<800x1xf32> to vector<800x1xf32>
    %broadcast_in_dim3A_134 = vector.broadcast %broadcast_in_dim3A_133 : vector<800x1xf32> to vector<800x8xf32>
    %slice3A_135 = vector.extract_strided_slice %slice3A_6 {offsets = [0, 5], sizes = [800, 1], strides = [1, 1]} : vector<800x8xf32> to vector<800x1xf32>
    %broadcast_in_dim3A_136 = vector.shape_cast %slice3A_135 : vector<800x1xf32> to vector<800x1xf32>
    %broadcast_in_dim3A_137 = vector.broadcast %broadcast_in_dim3A_136 : vector<800x1xf32> to vector<800x8xf32>
    %slice3A_138 = vector.extract_strided_slice %slice3A_6 {offsets = [0, 6], sizes = [800, 1], strides = [1, 1]} : vector<800x8xf32> to vector<800x1xf32>
    %broadcast_in_dim3A_139 = vector.shape_cast %slice3A_138 : vector<800x1xf32> to vector<800x1xf32>
    %broadcast_in_dim3A_140 = vector.broadcast %broadcast_in_dim3A_139 : vector<800x1xf32> to vector<800x8xf32>
    %slice3A_141 = vector.extract_strided_slice %slice3A_6 {offsets = [0, 7], sizes = [800, 1], strides = [1, 1]} : vector<800x8xf32> to vector<800x1xf32>
    %broadcast_in_dim3A_142 = vector.shape_cast %slice3A_141 : vector<800x1xf32> to vector<800x1xf32>
    %broadcast_in_dim3A_143 = vector.broadcast %broadcast_in_dim3A_142 : vector<800x1xf32> to vector<800x8xf32>
    %concatenate3A_144 = tpu.concatenate %broadcast_in_dim3A_122, %broadcast_in_dim3A_125, %broadcast_in_dim3A_128, %broadcast_in_dim3A_131, %broadcast_in_dim3A_134, %broadcast_in_dim3A_137, %broadcast_in_dim3A_140, %broadcast_in_dim3A_143 in 1 : vector<800x8xf32>, vector<800x8xf32>, vector<800x8xf32>, vector<800x8xf32>, vector<800x8xf32>, vector<800x8xf32>, vector<800x8xf32>, vector<800x8xf32> -> vector<800x64xf32>
    %concatenate3A_145 = tpu.concatenate %slice3A_9, %slice3A_9, %slice3A_9, %slice3A_9, %slice3A_9, %slice3A_9, %slice3A_9, %slice3A_9 in 1 : vector<800x8xf32>, vector<800x8xf32>, vector<800x8xf32>, vector<800x8xf32>, vector<800x8xf32>, vector<800x8xf32>, vector<800x8xf32>, vector<800x8xf32> -> vector<800x64xf32>
    %sub3A_146 = arith.subf %concatenate3A_144, %concatenate3A_145 : vector<800x64xf32>
    %add3A_147 = arith.constant 9.99999993E-9 : f32
    %add3A_148 = vector.broadcast %add3A_147 : f32 to vector<800x64xf32>
    %add3A_149 = arith.addf %sub3A_146, %add3A_148 : vector<800x64xf32>
    %mul3A_150 = arith.mulf %add3A_89, %add3A_89 : vector<800x64xf32>
    %mul3A_151 = arith.mulf %add3A_119, %add3A_119 : vector<800x64xf32>
    %add3A_152 = arith.addf %mul3A_150, %mul3A_151 : vector<800x64xf32>
    %mul3A_153 = arith.mulf %add3A_149, %add3A_149 : vector<800x64xf32>
    %add3A_154 = arith.addf %add3A_152, %mul3A_153 : vector<800x64xf32>
    %sqrt3A_155 = math.sqrt %add3A_154 : vector<800x64xf32>
    %concatenate3A_156 = tpu.concatenate %add3A_26, %add3A_37, %add3A_48, %sqrt3A, %sqrt3A_155 in 1 : vector<800x8xf32>, vector<800x8xf32>, vector<800x8xf32>, vector<800x8xf32>, vector<800x64xf32> -> vector<800x96xf32>
    %slice3A_157 = vector.extract_strided_slice %get3A_1 {offsets = [0, 0], sizes = [800, 256], strides = [1, 1]} : vector<800x384xf32> to vector<800x256xf32>
    %slice3A_158 = vector.extract_strided_slice %get3A_4 {offsets = [0, 0], sizes = [800, 256], strides = [1, 1]} : vector<800x384xf32> to vector<800x256xf32>
    %add3A_159 = arith.addf %slice3A_157, %slice3A_158 : vector<800x256xf32>
    %get3A_160 = arith.constant 0 : index
    %get3A_161 = arith.constant 0 : index
    %get3A_162 = vector.load %arg3[%get3A_160, %get3A_161] : memref<800x128xf32, #tpu.memory_space<vmem>>, vector<800x128xf32>
    %get3A_163 = arith.constant 0 : index
    %get3A_164 = arith.constant 0 : index
    %get3A_165 = vector.load %arg4[%get3A_163, %get3A_164] : memref<128x256xf32, #tpu.memory_space<vmem>>, vector<128x256xf32>
    %dot_general3A = arith.constant dense<0.000000e+00> : vector<800x256xf32>
    %dot_general3A_166 = tpu.matmul %get3A_162, %get3A_165, %dot_general3A {dimension_numbers = #tpu.dot_dimension_numbers<[1], [0], [0], [1], [0, 0, 1, 1], [], []>, precision = #tpu.contract_precision<fp32>, transpose_lhs_hint = false} : vector<800x128xf32>, vector<128x256xf32>, vector<800x256xf32> -> vector<800x256xf32>
    %add3A_167 = arith.addf %add3A_159, %dot_general3A_166 : vector<800x256xf32>
    %get3A_168 = arith.constant 0 : index
    %get3A_169 = arith.constant 0 : index
    %get3A_170 = vector.load %arg5[%get3A_168, %get3A_169] : memref<96x256xf32, #tpu.memory_space<vmem>>, vector<96x256xf32>
    %dot_general3A_171 = arith.constant dense<0.000000e+00> : vector<800x256xf32>
    %dot_general3A_172 = tpu.matmul %concatenate3A_156, %get3A_170, %dot_general3A_171 {dimension_numbers = #tpu.dot_dimension_numbers<[1], [0], [0], [1], [0, 0, 1, 1], [], []>, precision = #tpu.contract_precision<fp32>, transpose_lhs_hint = false} : vector<800x96xf32>, vector<96x256xf32>, vector<800x256xf32> -> vector<800x256xf32>
    %add3A_173 = arith.addf %add3A_167, %dot_general3A_172 : vector<800x256xf32>
    %get3A_174 = arith.constant 0 : index
    %get3A_175 = arith.constant 0 : index
    %get3A_176 = vector.load %arg6[%get3A_174, %get3A_175] : memref<1x256xf32, #tpu.memory_space<vmem>>, vector<1x256xf32>
    %add3A_177 = vector.broadcast %get3A_176 : vector<1x256xf32> to vector<800x256xf32>
    %add3A_178 = arith.addf %add3A_173, %add3A_177 : vector<800x256xf32>
    %max3A = arith.constant 0.000000e+00 : f32
    %max3A_179 = vector.broadcast %max3A : f32 to vector<800x256xf32>
    %max3A_180 = arith.maximumf %add3A_178, %max3A_179 : vector<800x256xf32>
    %get3A_181 = arith.constant 0 : index
    %get3A_182 = arith.constant 0 : index
    %get3A_183 = vector.load %arg7[%get3A_181, %get3A_182] : memref<256x256xf32, #tpu.memory_space<vmem>>, vector<256x256xf32>
    %dot_general3A_184 = arith.constant dense<0.000000e+00> : vector<800x256xf32>
    %dot_general3A_185 = tpu.matmul %max3A_180, %get3A_183, %dot_general3A_184 {dimension_numbers = #tpu.dot_dimension_numbers<[1], [0], [0], [1], [0, 0, 1, 1], [], []>, precision = #tpu.contract_precision<fp32>, transpose_lhs_hint = false} : vector<800x256xf32>, vector<256x256xf32>, vector<800x256xf32> -> vector<800x256xf32>
    %get3A_186 = arith.constant 0 : index
    %get3A_187 = arith.constant 0 : index
    %get3A_188 = vector.load %arg8[%get3A_186, %get3A_187] : memref<1x256xf32, #tpu.memory_space<vmem>>, vector<1x256xf32>
    %add3A_189 = vector.broadcast %get3A_188 : vector<1x256xf32> to vector<800x256xf32>
    %add3A_190 = arith.addf %dot_general3A_185, %add3A_189 : vector<800x256xf32>
    %max3A_191 = arith.constant 0.000000e+00 : f32
    %max3A_192 = vector.broadcast %max3A_191 : f32 to vector<800x256xf32>
    %max3A_193 = arith.maximumf %add3A_190, %max3A_192 : vector<800x256xf32>
    %get3A_194 = arith.constant 0 : index
    %get3A_195 = arith.constant 0 : index
    %get3A_196 = vector.load %arg9[%get3A_194, %get3A_195] : memref<256x256xf32, #tpu.memory_space<vmem>>, vector<256x256xf32>
    %dot_general3A_197 = arith.constant dense<0.000000e+00> : vector<800x256xf32>
    %dot_general3A_198 = tpu.matmul %max3A_193, %get3A_196, %dot_general3A_197 {dimension_numbers = #tpu.dot_dimension_numbers<[1], [0], [0], [1], [0, 0, 1, 1], [], []>, precision = #tpu.contract_precision<fp32>, transpose_lhs_hint = false} : vector<800x256xf32>, vector<256x256xf32>, vector<800x256xf32> -> vector<800x256xf32>
    %get3A_199 = arith.constant 0 : index
    %get3A_200 = arith.constant 0 : index
    %get3A_201 = vector.load %arg10[%get3A_199, %get3A_200] : memref<1x256xf32, #tpu.memory_space<vmem>>, vector<1x256xf32>
    %add3A_202 = vector.broadcast %get3A_201 : vector<1x256xf32> to vector<800x256xf32>
    %add3A_203 = arith.addf %dot_general3A_198, %add3A_202 : vector<800x256xf32>
    %swap3A = arith.constant 0 : index
    %swap3A_204 = arith.constant 0 : index
    %swap3A_205 = vector.load %arg13[%swap3A, %swap3A_204] : memref<800x256xf32, #tpu.memory_space<vmem>>, vector<800x256xf32>
    tpu.vector_store %arg13[%swap3A, %swap3A_204], %add3A_203 {strides = array<i32>} : memref<800x256xf32, #tpu.memory_space<vmem>>, vector<800x256xf32>,
    return
  }
  func.func @transform_0(%arg0: i32) -> (i32, i32) {
    %c0_i32 = arith.constant 0 : i32
    %c0_i32_0 = arith.constant 0 : i32
    return %arg0, %c0_i32 : i32, i32
  }
  func.func @transform_1(%arg0: i32) -> (i32, i32) {
    %c0_i32 = arith.constant 0 : i32
    %c0_i32_0 = arith.constant 0 : i32
    return %arg0, %c0_i32 : i32, i32
  }
  func.func @transform_2(%arg0: i32) -> (i32, i32) {
    %c0_i32 = arith.constant 0 : i32
    %c0_i32_0 = arith.constant 0 : i32
    return %arg0, %c0_i32 : i32, i32
  }
  func.func @transform_3(%arg0: i32) -> (i32, i32) {
    %c0_i32 = arith.constant 0 : i32
    %c0_i32_0 = arith.constant 0 : i32
    %c0_i32_1 = arith.constant 0 : i32
    return %c0_i32, %c0_i32_0 : i32, i32
  }
  func.func @transform_4(%arg0: i32) -> (i32, i32) {
    %c0_i32 = arith.constant 0 : i32
    %c0_i32_0 = arith.constant 0 : i32
    %c0_i32_1 = arith.constant 0 : i32
    return %c0_i32, %c0_i32_0 : i32, i32
  }
  func.func @transform_5(%arg0: i32) -> (i32, i32) {
    %c0_i32 = arith.constant 0 : i32
    %c0_i32_0 = arith.constant 0 : i32
    %c0_i32_1 = arith.constant 0 : i32
    return %c0_i32, %c0_i32_0 : i32, i32
  }
  func.func @transform_6(%arg0: i32) -> (i32, i32) {
    %c0_i32 = arith.constant 0 : i32
    %c0_i32_0 = arith.constant 0 : i32
    %c0_i32_1 = arith.constant 0 : i32
    return %c0_i32, %c0_i32_0 : i32, i32
  }
  func.func @transform_7(%arg0: i32) -> (i32, i32) {
    %c0_i32 = arith.constant 0 : i32
    %c0_i32_0 = arith.constant 0 : i32
    %c0_i32_1 = arith.constant 0 : i32
    return %c0_i32, %c0_i32_0 : i32, i32
  }
  func.func @transform_8(%arg0: i32) -> (i32, i32) {
    %c0_i32 = arith.constant 0 : i32
    %c0_i32_0 = arith.constant 0 : i32
    %c0_i32_1 = arith.constant 0 : i32
    return %c0_i32, %c0_i32_0 : i32, i32
  }
  func.func @transform_9(%arg0: i32) -> (i32, i32) {
    %c0_i32 = arith.constant 0 : i32
    %c0_i32_0 = arith.constant 0 : i32
    %c0_i32_1 = arith.constant 0 : i32
    return %c0_i32, %c0_i32_0 : i32, i32
  }
  func.func @transform_10(%arg0: i32) -> (i32, i32) {
    %c0_i32 = arith.constant 0 : i32
    %c0_i32_0 = arith.constant 0 : i32
    %c0_i32_1 = arith.constant 0 : i32
    return %c0_i32, %c0_i32_0 : i32, i32
  }
  func.func @transform_11(%arg0: i32) -> (i32, i32) {
    %c0_i32 = arith.constant 0 : i32
    %c0_i32_0 = arith.constant 0 : i32
    %c0_i32_1 = arith.constant 0 : i32
    return %c0_i32, %c0_i32_0 : i32, i32
  }
  func.func @transform_12(%arg0: i32) -> (i32, i32) {
    %c0_i32 = arith.constant 0 : i32
    %c0_i32_0 = arith.constant 0 : i32
    return %arg0, %c0_i32 : i32, i32
  }
}

module attributes {stable_mosaic.version = 14 : i64} {
  func.func @_node2_body(%arg0: i32, %arg1: memref<1000x256xf32, #tpu.memory_space<vmem>>, %arg2: memref<1000x256xf32, #tpu.memory_space<vmem>>, %arg3: memref<1000x16xf32, #tpu.memory_space<vmem>>, %arg4: memref<1000x1xf32, #tpu.memory_space<vmem>>, %arg5: memref<1000x9xf32, #tpu.memory_space<vmem>>, %arg6: memref<1000x3xf32, #tpu.memory_space<vmem>>, %arg7: memref<1x256xf32, #tpu.memory_space<vmem>>, %arg8: memref<1x256xf32, #tpu.memory_space<vmem>>, %arg9: memref<256x1024xf32, #tpu.memory_space<vmem>>, %arg10: memref<1x1024xf32, #tpu.memory_space<vmem>>, %arg11: memref<1024x256xf32, #tpu.memory_space<vmem>>, %arg12: memref<1x256xf32, #tpu.memory_space<vmem>>, %arg13: memref<1x256xf32, #tpu.memory_space<vmem>>, %arg14: memref<1x256xf32, #tpu.memory_space<vmem>>, %arg15: memref<256x24xf32, #tpu.memory_space<vmem>>, %arg16: memref<1x24xf32, #tpu.memory_space<vmem>>, %arg17: memref<256x256xf32, #tpu.memory_space<vmem>>, %arg18: memref<32x256xf32, #tpu.memory_space<vmem>>, %arg19: memref<256x256xf32, #tpu.memory_space<vmem>>, %arg20: memref<1000x256xf32, #tpu.memory_space<vmem>>, %arg21: memref<1000x384xf32, #tpu.memory_space<vmem>>, %arg22: memref<1000x384xf32, #tpu.memory_space<vmem>>) attributes {dimension_semantics = [#tpu.dimension_semantics<arbitrary>], iteration_bounds = array<i64: 10>, scalar_prefetch = 0 : i64, scratch_operands = 0 : i64, tpu.core_type = #tpu.core_type<tc>, window_params = [{transform_indices = @transform_0, window_bounds = array<i64: 1000, 256>}, {transform_indices = @transform_1, window_bounds = array<i64: 1000, 256>}, {transform_indices = @transform_2, window_bounds = array<i64: 1000, 16>}, {transform_indices = @transform_3, window_bounds = array<i64: 1000, 1>}, {transform_indices = @transform_4, window_bounds = array<i64: 1000, 9>}, {transform_indices = @transform_5, window_bounds = array<i64: 1000, 3>}, {pipeline_mode = #tpu.pipeline_mode<synchronous>, transform_indices = @transform_6, window_bounds = array<i64: 1, 256>}, {pipeline_mode = #tpu.pipeline_mode<synchronous>, transform_indices = @transform_7, window_bounds = array<i64: 1, 256>}, {pipeline_mode = #tpu.pipeline_mode<synchronous>, transform_indices = @transform_8, window_bounds = array<i64: 256, 1024>}, {pipeline_mode = #tpu.pipeline_mode<synchronous>, transform_indices = @transform_9, window_bounds = array<i64: 1, 1024>}, {pipeline_mode = #tpu.pipeline_mode<synchronous>, transform_indices = @transform_10, window_bounds = array<i64: 1024, 256>}, {pipeline_mode = #tpu.pipeline_mode<synchronous>, transform_indices = @transform_11, window_bounds = array<i64: 1, 256>}, {pipeline_mode = #tpu.pipeline_mode<synchronous>, transform_indices = @transform_12, window_bounds = array<i64: 1, 256>}, {pipeline_mode = #tpu.pipeline_mode<synchronous>, transform_indices = @transform_13, window_bounds = array<i64: 1, 256>}, {pipeline_mode = #tpu.pipeline_mode<synchronous>, transform_indices = @transform_14, window_bounds = array<i64: 256, 24>}, {pipeline_mode = #tpu.pipeline_mode<synchronous>, transform_indices = @transform_15, window_bounds = array<i64: 1, 24>}, {pipeline_mode = #tpu.pipeline_mode<synchronous>, transform_indices = @transform_16, window_bounds = array<i64: 256, 256>}, {pipeline_mode = #tpu.pipeline_mode<synchronous>, transform_indices = @transform_17, window_bounds = array<i64: 32, 256>}, {pipeline_mode = #tpu.pipeline_mode<synchronous>, transform_indices = @transform_18, window_bounds = array<i64: 256, 256>}, {transform_indices = @transform_19, window_bounds = array<i64: 1000, 256>}, {transform_indices = @transform_20, window_bounds = array<i64: 1000, 384>}, {transform_indices = @transform_21, window_bounds = array<i64: 1000, 384>}]} {
    %get3A = arith.constant 0 : index
    %get3A_0 = arith.constant 0 : index
    %get3A_1 = vector.load %arg4[%get3A, %get3A_0] : memref<1000x1xf32, #tpu.memory_space<vmem>>, vector<1000x1xf32>
    %get3A_2 = arith.constant 0 : index
    %get3A_3 = arith.constant 0 : index
    %get3A_4 = vector.load %arg2[%get3A_2, %get3A_3] : memref<1000x256xf32, #tpu.memory_space<vmem>>, vector<1000x256xf32>
    %get3A_5 = arith.constant 0 : index
    %get3A_6 = arith.constant 0 : index
    %get3A_7 = vector.load %arg3[%get3A_5, %get3A_6] : memref<1000x16xf32, #tpu.memory_space<vmem>>, vector<1000x1xf32>
    %max3A = arith.constant 1.000000e+00 : f32
    %max3A_8 = vector.broadcast %max3A : f32 to vector<1000x1xf32>
    %max3A_9 = arith.maximumf %get3A_7, %max3A_8 : vector<1000x1xf32>
    %div3A = vector.broadcast %max3A_9 : vector<1000x1xf32> to vector<1000x256xf32>
    %div3A_10 = arith.divf %get3A_4, %div3A : vector<1000x256xf32>
    %get3A_11 = arith.constant 0 : index
    %get3A_12 = arith.constant 0 : index
    %get3A_13 = vector.load %arg1[%get3A_11, %get3A_12] : memref<1000x256xf32, #tpu.memory_space<vmem>>, vector<1000x256xf32>
    %mul3A = vector.broadcast %get3A_1 : vector<1000x1xf32> to vector<1000x256xf32>
    %mul3A_14 = arith.mulf %div3A_10, %mul3A : vector<1000x256xf32>
    %add3A = arith.addf %get3A_13, %mul3A_14 : vector<1000x256xf32>
    %reduce_sum3A = arith.constant dense<0.000000e+00> : vector<1000xf32>
    %reduce_sum3A_15 = vector.multi_reduction <add>, %add3A, %reduce_sum3A [1] : vector<1000x256xf32> to vector<1000xf32>
    %broadcast_in_dim3A = vector.shape_cast %reduce_sum3A_15 : vector<1000xf32> to vector<1000x1xf32>
    %div3A_16 = arith.constant 2.560000e+02 : f32
    %div3A_17 = vector.broadcast %div3A_16 : f32 to vector<1000x1xf32>
    %div3A_18 = arith.divf %broadcast_in_dim3A, %div3A_17 : vector<1000x1xf32>
    %sub3A = vector.broadcast %div3A_18 : vector<1000x1xf32> to vector<1000x256xf32>
    %sub3A_19 = arith.subf %add3A, %sub3A : vector<1000x256xf32>
    %integer_pow3A = arith.mulf %sub3A_19, %sub3A_19 : vector<1000x256xf32>
    %reduce_sum3A_20 = arith.constant dense<0.000000e+00> : vector<1000xf32>
    %reduce_sum3A_21 = vector.multi_reduction <add>, %integer_pow3A, %reduce_sum3A_20 [1] : vector<1000x256xf32> to vector<1000xf32>
    %broadcast_in_dim3A_22 = vector.shape_cast %reduce_sum3A_21 : vector<1000xf32> to vector<1000x1xf32>
    %div3A_23 = arith.constant 2.560000e+02 : f32
    %div3A_24 = vector.broadcast %div3A_23 : f32 to vector<1000x1xf32>
    %div3A_25 = arith.divf %broadcast_in_dim3A_22, %div3A_24 : vector<1000x1xf32>
    %sub3A_26 = vector.broadcast %div3A_18 : vector<1000x1xf32> to vector<1000x256xf32>
    %sub3A_27 = arith.subf %add3A, %sub3A_26 : vector<1000x256xf32>
    %add3A_28 = arith.constant 9.99999974E-6 : f32
    %add3A_29 = vector.broadcast %add3A_28 : f32 to vector<1000x1xf32>
    %add3A_30 = arith.addf %div3A_25, %add3A_29 : vector<1000x1xf32>
    %rsqrt3A = math.rsqrt %add3A_30 : vector<1000x1xf32>
    %mul3A_31 = vector.broadcast %rsqrt3A : vector<1000x1xf32> to vector<1000x256xf32>
    %mul3A_32 = arith.mulf %sub3A_27, %mul3A_31 : vector<1000x256xf32>
    %get3A_33 = arith.constant 0 : index
    %get3A_34 = arith.constant 0 : index
    %get3A_35 = vector.load %arg7[%get3A_33, %get3A_34] : memref<1x256xf32, #tpu.memory_space<vmem>>, vector<1x256xf32>
    %mul3A_36 = vector.broadcast %get3A_35 : vector<1x256xf32> to vector<1000x256xf32>
    %mul3A_37 = arith.mulf %mul3A_32, %mul3A_36 : vector<1000x256xf32>
    %get3A_38 = arith.constant 0 : index
    %get3A_39 = arith.constant 0 : index
    %get3A_40 = vector.load %arg8[%get3A_38, %get3A_39] : memref<1x256xf32, #tpu.memory_space<vmem>>, vector<1x256xf32>
    %add3A_41 = vector.broadcast %get3A_40 : vector<1x256xf32> to vector<1000x256xf32>
    %add3A_42 = arith.addf %mul3A_37, %add3A_41 : vector<1000x256xf32>
    %get3A_43 = arith.constant 0 : index
    %get3A_44 = arith.constant 0 : index
    %get3A_45 = vector.load %arg9[%get3A_43, %get3A_44] : memref<256x1024xf32, #tpu.memory_space<vmem>>, vector<256x1024xf32>
    %dot_general3A = arith.constant dense<0.000000e+00> : vector<1000x1024xf32>
    %dot_general3A_46 = tpu.matmul %add3A_42, %get3A_45, %dot_general3A {dimension_numbers = #tpu.dot_dimension_numbers<[1], [0], [0], [1], [0, 0, 1, 1], [], []>, precision = #tpu.contract_precision<fp32>, transpose_lhs_hint = false} : vector<1000x256xf32>, vector<256x1024xf32>, vector<1000x1024xf32> -> vector<1000x1024xf32>
    %get3A_47 = arith.constant 0 : index
    %get3A_48 = arith.constant 0 : index
    %get3A_49 = vector.load %arg10[%get3A_47, %get3A_48] : memref<1x1024xf32, #tpu.memory_space<vmem>>, vector<1x1024xf32>
    %add3A_50 = vector.broadcast %get3A_49 : vector<1x1024xf32> to vector<1000x1024xf32>
    %add3A_51 = arith.addf %dot_general3A_46, %add3A_50 : vector<1000x1024xf32>
    %mul3A_52 = arith.constant 5.000000e-01 : f32
    %mul3A_53 = vector.broadcast %mul3A_52 : f32 to vector<1000x1024xf32>
    %mul3A_54 = arith.mulf %mul3A_53, %add3A_51 : vector<1000x1024xf32>
    %mul3A_55 = arith.constant 0.707106769 : f32
    %mul3A_56 = vector.broadcast %mul3A_55 : f32 to vector<1000x1024xf32>
    %mul3A_57 = arith.mulf %add3A_51, %mul3A_56 : vector<1000x1024xf32>
    %erf3A = math.erf %mul3A_57 : vector<1000x1024xf32>
    %add3A_58 = arith.constant 1.000000e+00 : f32
    %add3A_59 = vector.broadcast %add3A_58 : f32 to vector<1000x1024xf32>
    %add3A_60 = arith.addf %add3A_59, %erf3A : vector<1000x1024xf32>
    %mul3A_61 = arith.mulf %mul3A_54, %add3A_60 : vector<1000x1024xf32>
    %get3A_62 = arith.constant 0 : index
    %get3A_63 = arith.constant 0 : index
    %get3A_64 = vector.load %arg11[%get3A_62, %get3A_63] : memref<1024x256xf32, #tpu.memory_space<vmem>>, vector<1024x256xf32>
    %dot_general3A_65 = arith.constant dense<0.000000e+00> : vector<1000x256xf32>
    %dot_general3A_66 = tpu.matmul %mul3A_61, %get3A_64, %dot_general3A_65 {dimension_numbers = #tpu.dot_dimension_numbers<[1], [0], [0], [1], [0, 0, 1, 1], [], []>, precision = #tpu.contract_precision<fp32>, transpose_lhs_hint = false} : vector<1000x1024xf32>, vector<1024x256xf32>, vector<1000x256xf32> -> vector<1000x256xf32>
    %get3A_67 = arith.constant 0 : index
    %get3A_68 = arith.constant 0 : index
    %get3A_69 = vector.load %arg12[%get3A_67, %get3A_68] : memref<1x256xf32, #tpu.memory_space<vmem>>, vector<1x256xf32>
    %add3A_70 = vector.broadcast %get3A_69 : vector<1x256xf32> to vector<1000x256xf32>
    %add3A_71 = arith.addf %dot_general3A_66, %add3A_70 : vector<1000x256xf32>
    %mul3A_72 = vector.broadcast %get3A_1 : vector<1000x1xf32> to vector<1000x256xf32>
    %mul3A_73 = arith.mulf %add3A_71, %mul3A_72 : vector<1000x256xf32>
    %add3A_74 = arith.addf %add3A_42, %mul3A_73 : vector<1000x256xf32>
    %reduce_sum3A_75 = arith.constant dense<0.000000e+00> : vector<1000xf32>
    %reduce_sum3A_76 = vector.multi_reduction <add>, %add3A_74, %reduce_sum3A_75 [1] : vector<1000x256xf32> to vector<1000xf32>
    %broadcast_in_dim3A_77 = vector.shape_cast %reduce_sum3A_76 : vector<1000xf32> to vector<1000x1xf32>
    %div3A_78 = arith.constant 2.560000e+02 : f32
    %div3A_79 = vector.broadcast %div3A_78 : f32 to vector<1000x1xf32>
    %div3A_80 = arith.divf %broadcast_in_dim3A_77, %div3A_79 : vector<1000x1xf32>
    %sub3A_81 = vector.broadcast %div3A_80 : vector<1000x1xf32> to vector<1000x256xf32>
    %sub3A_82 = arith.subf %add3A_74, %sub3A_81 : vector<1000x256xf32>
    %integer_pow3A_83 = arith.mulf %sub3A_82, %sub3A_82 : vector<1000x256xf32>
    %reduce_sum3A_84 = arith.constant dense<0.000000e+00> : vector<1000xf32>
    %reduce_sum3A_85 = vector.multi_reduction <add>, %integer_pow3A_83, %reduce_sum3A_84 [1] : vector<1000x256xf32> to vector<1000xf32>
    %broadcast_in_dim3A_86 = vector.shape_cast %reduce_sum3A_85 : vector<1000xf32> to vector<1000x1xf32>
    %div3A_87 = arith.constant 2.560000e+02 : f32
    %div3A_88 = vector.broadcast %div3A_87 : f32 to vector<1000x1xf32>
    %div3A_89 = arith.divf %broadcast_in_dim3A_86, %div3A_88 : vector<1000x1xf32>
    %sub3A_90 = vector.broadcast %div3A_80 : vector<1000x1xf32> to vector<1000x256xf32>
    %sub3A_91 = arith.subf %add3A_74, %sub3A_90 : vector<1000x256xf32>
    %add3A_92 = arith.constant 9.99999974E-6 : f32
    %add3A_93 = vector.broadcast %add3A_92 : f32 to vector<1000x1xf32>
    %add3A_94 = arith.addf %div3A_89, %add3A_93 : vector<1000x1xf32>
    %rsqrt3A_95 = math.rsqrt %add3A_94 : vector<1000x1xf32>
    %mul3A_96 = vector.broadcast %rsqrt3A_95 : vector<1000x1xf32> to vector<1000x256xf32>
    %mul3A_97 = arith.mulf %sub3A_91, %mul3A_96 : vector<1000x256xf32>
    %get3A_98 = arith.constant 0 : index
    %get3A_99 = arith.constant 0 : index
    %get3A_100 = vector.load %arg13[%get3A_98, %get3A_99] : memref<1x256xf32, #tpu.memory_space<vmem>>, vector<1x256xf32>
    %mul3A_101 = vector.broadcast %get3A_100 : vector<1x256xf32> to vector<1000x256xf32>
    %mul3A_102 = arith.mulf %mul3A_97, %mul3A_101 : vector<1000x256xf32>
    %get3A_103 = arith.constant 0 : index
    %get3A_104 = arith.constant 0 : index
    %get3A_105 = vector.load %arg14[%get3A_103, %get3A_104] : memref<1x256xf32, #tpu.memory_space<vmem>>, vector<1x256xf32>
    %add3A_106 = vector.broadcast %get3A_105 : vector<1x256xf32> to vector<1000x256xf32>
    %add3A_107 = arith.addf %mul3A_102, %add3A_106 : vector<1000x256xf32>
    %swap3A = arith.constant 0 : index
    %swap3A_108 = arith.constant 0 : index
    %swap3A_109 = vector.load %arg20[%swap3A, %swap3A_108] : memref<1000x256xf32, #tpu.memory_space<vmem>>, vector<1000x256xf32>
    tpu.vector_store %arg20[%swap3A, %swap3A_108], %add3A_107 {strides = array<i32>} : memref<1000x256xf32, #tpu.memory_space<vmem>>, vector<1000x256xf32>,
    %get3A_110 = arith.constant 0 : index
    %get3A_111 = arith.constant 0 : index
    %get3A_112 = vector.load %arg5[%get3A_110, %get3A_111] : memref<1000x9xf32, #tpu.memory_space<vmem>>, vector<1000x9xf32>
    %get3A_113 = arith.constant 0 : index
    %get3A_114 = arith.constant 0 : index
    %get3A_115 = vector.load %arg6[%get3A_113, %get3A_114] : memref<1000x3xf32, #tpu.memory_space<vmem>>, vector<1000x3xf32>
    %mul3A_116 = arith.constant 1.000000e-01 : f32
    %mul3A_117 = vector.broadcast %mul3A_116 : f32 to vector<1000x3xf32>
    %mul3A_118 = arith.mulf %get3A_115, %mul3A_117 : vector<1000x3xf32>
    %get3A_119 = arith.constant 0 : index
    %get3A_120 = arith.constant 0 : index
    %get3A_121 = vector.load %arg15[%get3A_119, %get3A_120] : memref<256x24xf32, #tpu.memory_space<vmem>>, vector<256x24xf32>
    %get3A_122 = arith.constant 0 : index
    %get3A_123 = arith.constant 0 : index
    %get3A_124 = vector.load %arg16[%get3A_122, %get3A_123] : memref<1x24xf32, #tpu.memory_space<vmem>>, vector<1x24xf32>
    %get3A_125 = arith.constant 0 : index
    %get3A_126 = arith.constant 0 : index
    %get3A_127 = vector.load %arg17[%get3A_125, %get3A_126] : memref<256x256xf32, #tpu.memory_space<vmem>>, vector<256x256xf32>
    %get3A_128 = arith.constant 0 : index
    %get3A_129 = arith.constant 0 : index
    %get3A_130 = vector.load %arg18[%get3A_128, %get3A_129] : memref<32x256xf32, #tpu.memory_space<vmem>>, vector<32x256xf32>
    %get3A_131 = arith.constant 0 : index
    %get3A_132 = arith.constant 0 : index
    %get3A_133 = vector.load %arg19[%get3A_131, %get3A_132] : memref<256x256xf32, #tpu.memory_space<vmem>>, vector<256x256xf32>
    %dot_general3A_134 = arith.constant dense<0.000000e+00> : vector<1000x24xf32>
    %dot_general3A_135 = tpu.matmul %add3A_107, %get3A_121, %dot_general3A_134 {dimension_numbers = #tpu.dot_dimension_numbers<[1], [0], [0], [1], [0, 0, 1, 1], [], []>, precision = #tpu.contract_precision<fp32>, transpose_lhs_hint = false} : vector<1000x256xf32>, vector<256x24xf32>, vector<1000x24xf32> -> vector<1000x24xf32>
    %add3A_136 = vector.broadcast %get3A_124 : vector<1x24xf32> to vector<1000x24xf32>
    %add3A_137 = arith.addf %dot_general3A_135, %add3A_136 : vector<1000x24xf32>
    %slice3A = vector.extract_strided_slice %add3A_137 {offsets = [0, 0], sizes = [1000, 8], strides = [1, 1]} : vector<1000x24xf32> to vector<1000x8xf32>
    %slice3A_138 = vector.extract_strided_slice %add3A_137 {offsets = [0, 8], sizes = [1000, 8], strides = [1, 1]} : vector<1000x24xf32> to vector<1000x8xf32>
    %slice3A_139 = vector.extract_strided_slice %add3A_137 {offsets = [0, 16], sizes = [1000, 8], strides = [1, 1]} : vector<1000x24xf32> to vector<1000x8xf32>
    %add3A_140 = arith.constant 9.99999993E-9 : f32
    %add3A_141 = vector.broadcast %add3A_140 : f32 to vector<1000x8xf32>
    %add3A_142 = arith.addf %slice3A, %add3A_141 : vector<1000x8xf32>
    %integer_pow3A_143 = arith.mulf %add3A_142, %add3A_142 : vector<1000x8xf32>
    %add3A_144 = arith.constant 9.99999993E-9 : f32
    %add3A_145 = vector.broadcast %add3A_144 : f32 to vector<1000x8xf32>
    %add3A_146 = arith.addf %slice3A_138, %add3A_145 : vector<1000x8xf32>
    %integer_pow3A_147 = arith.mulf %add3A_146, %add3A_146 : vector<1000x8xf32>
    %add3A_148 = arith.addf %integer_pow3A_143, %integer_pow3A_147 : vector<1000x8xf32>
    %add3A_149 = arith.constant 9.99999993E-9 : f32
    %add3A_150 = vector.broadcast %add3A_149 : f32 to vector<1000x8xf32>
    %add3A_151 = arith.addf %slice3A_139, %add3A_150 : vector<1000x8xf32>
    %integer_pow3A_152 = arith.mulf %add3A_151, %add3A_151 : vector<1000x8xf32>
    %add3A_153 = arith.addf %add3A_148, %integer_pow3A_152 : vector<1000x8xf32>
    %sqrt3A = math.sqrt %add3A_153 : vector<1000x8xf32>
    %slice3A_154 = vector.extract_strided_slice %get3A_112 {offsets = [0, 0], sizes = [1000, 1], strides = [1, 1]} : vector<1000x9xf32> to vector<1000x1xf32>
    %mul3A_155 = vector.broadcast %slice3A_154 : vector<1000x1xf32> to vector<1000x8xf32>
    %mul3A_156 = arith.mulf %mul3A_155, %slice3A : vector<1000x8xf32>
    %slice3A_157 = vector.extract_strided_slice %get3A_112 {offsets = [0, 1], sizes = [1000, 1], strides = [1, 1]} : vector<1000x9xf32> to vector<1000x1xf32>
    %mul3A_158 = vector.broadcast %slice3A_157 : vector<1000x1xf32> to vector<1000x8xf32>
    %mul3A_159 = arith.mulf %mul3A_158, %slice3A_138 : vector<1000x8xf32>
    %add3A_160 = arith.addf %mul3A_156, %mul3A_159 : vector<1000x8xf32>
    %slice3A_161 = vector.extract_strided_slice %get3A_112 {offsets = [0, 2], sizes = [1000, 1], strides = [1, 1]} : vector<1000x9xf32> to vector<1000x1xf32>
    %mul3A_162 = vector.broadcast %slice3A_161 : vector<1000x1xf32> to vector<1000x8xf32>
    %mul3A_163 = arith.mulf %mul3A_162, %slice3A_139 : vector<1000x8xf32>
    %add3A_164 = arith.addf %add3A_160, %mul3A_163 : vector<1000x8xf32>
    %slice3A_165 = vector.extract_strided_slice %mul3A_118 {offsets = [0, 0], sizes = [1000, 1], strides = [1, 1]} : vector<1000x3xf32> to vector<1000x1xf32>
    %add3A_166 = vector.broadcast %slice3A_165 : vector<1000x1xf32> to vector<1000x8xf32>
    %add3A_167 = arith.addf %add3A_164, %add3A_166 : vector<1000x8xf32>
    %slice3A_168 = vector.extract_strided_slice %get3A_112 {offsets = [0, 3], sizes = [1000, 1], strides = [1, 1]} : vector<1000x9xf32> to vector<1000x1xf32>
    %mul3A_169 = vector.broadcast %slice3A_168 : vector<1000x1xf32> to vector<1000x8xf32>
    %mul3A_170 = arith.mulf %mul3A_169, %slice3A : vector<1000x8xf32>
    %slice3A_171 = vector.extract_strided_slice %get3A_112 {offsets = [0, 4], sizes = [1000, 1], strides = [1, 1]} : vector<1000x9xf32> to vector<1000x1xf32>
    %mul3A_172 = vector.broadcast %slice3A_171 : vector<1000x1xf32> to vector<1000x8xf32>
    %mul3A_173 = arith.mulf %mul3A_172, %slice3A_138 : vector<1000x8xf32>
    %add3A_174 = arith.addf %mul3A_170, %mul3A_173 : vector<1000x8xf32>
    %slice3A_175 = vector.extract_strided_slice %get3A_112 {offsets = [0, 5], sizes = [1000, 1], strides = [1, 1]} : vector<1000x9xf32> to vector<1000x1xf32>
    %mul3A_176 = vector.broadcast %slice3A_175 : vector<1000x1xf32> to vector<1000x8xf32>
    %mul3A_177 = arith.mulf %mul3A_176, %slice3A_139 : vector<1000x8xf32>
    %add3A_178 = arith.addf %add3A_174, %mul3A_177 : vector<1000x8xf32>
    %slice3A_179 = vector.extract_strided_slice %mul3A_118 {offsets = [0, 1], sizes = [1000, 1], strides = [1, 1]} : vector<1000x3xf32> to vector<1000x1xf32>
    %add3A_180 = vector.broadcast %slice3A_179 : vector<1000x1xf32> to vector<1000x8xf32>
    %add3A_181 = arith.addf %add3A_178, %add3A_180 : vector<1000x8xf32>
    %slice3A_182 = vector.extract_strided_slice %get3A_112 {offsets = [0, 6], sizes = [1000, 1], strides = [1, 1]} : vector<1000x9xf32> to vector<1000x1xf32>
    %mul3A_183 = vector.broadcast %slice3A_182 : vector<1000x1xf32> to vector<1000x8xf32>
    %mul3A_184 = arith.mulf %mul3A_183, %slice3A : vector<1000x8xf32>
    %slice3A_185 = vector.extract_strided_slice %get3A_112 {offsets = [0, 7], sizes = [1000, 1], strides = [1, 1]} : vector<1000x9xf32> to vector<1000x1xf32>
    %mul3A_186 = vector.broadcast %slice3A_185 : vector<1000x1xf32> to vector<1000x8xf32>
    %mul3A_187 = arith.mulf %mul3A_186, %slice3A_138 : vector<1000x8xf32>
    %add3A_188 = arith.addf %mul3A_184, %mul3A_187 : vector<1000x8xf32>
    %slice3A_189 = vector.extract_strided_slice %get3A_112 {offsets = [0, 8], sizes = [1000, 1], strides = [1, 1]} : vector<1000x9xf32> to vector<1000x1xf32>
    %mul3A_190 = vector.broadcast %slice3A_189 : vector<1000x1xf32> to vector<1000x8xf32>
    %mul3A_191 = arith.mulf %mul3A_190, %slice3A_139 : vector<1000x8xf32>
    %add3A_192 = arith.addf %add3A_188, %mul3A_191 : vector<1000x8xf32>
    %slice3A_193 = vector.extract_strided_slice %mul3A_118 {offsets = [0, 2], sizes = [1000, 1], strides = [1, 1]} : vector<1000x3xf32> to vector<1000x1xf32>
    %add3A_194 = vector.broadcast %slice3A_193 : vector<1000x1xf32> to vector<1000x8xf32>
    %add3A_195 = arith.addf %add3A_192, %add3A_194 : vector<1000x8xf32>
    %dot_general3A_196 = arith.constant dense<0.000000e+00> : vector<1000x256xf32>
    %dot_general3A_197 = tpu.matmul %add3A_107, %get3A_127, %dot_general3A_196 {dimension_numbers = #tpu.dot_dimension_numbers<[1], [0], [0], [1], [0, 0, 1, 1], [], []>, precision = #tpu.contract_precision<fp32>, transpose_lhs_hint = false} : vector<1000x256xf32>, vector<256x256xf32>, vector<1000x256xf32> -> vector<1000x256xf32>
    %concatenate3A = tpu.concatenate %add3A_137, %sqrt3A in 1 : vector<1000x24xf32>, vector<1000x8xf32> -> vector<1000x32xf32>
    %dot_general3A_198 = arith.constant dense<0.000000e+00> : vector<1000x256xf32>
    %dot_general3A_199 = tpu.matmul %concatenate3A, %get3A_130, %dot_general3A_198 {dimension_numbers = #tpu.dot_dimension_numbers<[1], [0], [0], [1], [0, 0, 1, 1], [], []>, precision = #tpu.contract_precision<fp32>, transpose_lhs_hint = false} : vector<1000x32xf32>, vector<32x256xf32>, vector<1000x256xf32> -> vector<1000x256xf32>
    %add3A_200 = arith.addf %dot_general3A_197, %dot_general3A_199 : vector<1000x256xf32>
    %dot_general3A_201 = arith.constant dense<0.000000e+00> : vector<1000x256xf32>
    %dot_general3A_202 = tpu.matmul %add3A_107, %get3A_133, %dot_general3A_201 {dimension_numbers = #tpu.dot_dimension_numbers<[1], [0], [0], [1], [0, 0, 1, 1], [], []>, precision = #tpu.contract_precision<fp32>, transpose_lhs_hint = false} : vector<1000x256xf32>, vector<256x256xf32>, vector<1000x256xf32> -> vector<1000x256xf32>
    %broadcast_in_dim3A_203 = arith.constant 0.000000e+00 : f32
    %broadcast_in_dim3A_204 = vector.broadcast %broadcast_in_dim3A_203 : f32 to vector<1000x92xf32>
    %broadcast_in_dim3A_205 = arith.constant 0.000000e+00 : f32
    %broadcast_in_dim3A_206 = vector.broadcast %broadcast_in_dim3A_205 : f32 to vector<1000x104xf32>
    %concatenate3A_207 = tpu.concatenate %add3A_200, %add3A_167, %add3A_181, %add3A_195, %get3A_112, %mul3A_118, %broadcast_in_dim3A_204 in 1 : vector<1000x256xf32>, vector<1000x8xf32>, vector<1000x8xf32>, vector<1000x8xf32>, vector<1000x9xf32>, vector<1000x3xf32>, vector<1000x92xf32> -> vector<1000x384xf32>
    %concatenate3A_208 = tpu.concatenate %dot_general3A_202, %add3A_167, %add3A_181, %add3A_195, %broadcast_in_dim3A_206 in 1 : vector<1000x256xf32>, vector<1000x8xf32>, vector<1000x8xf32>, vector<1000x8xf32>, vector<1000x104xf32> -> vector<1000x384xf32>
    %swap3A_209 = arith.constant 0 : index
    %swap3A_210 = arith.constant 0 : index
    %swap3A_211 = vector.load %arg21[%swap3A_209, %swap3A_210] : memref<1000x384xf32, #tpu.memory_space<vmem>>, vector<1000x384xf32>
    tpu.vector_store %arg21[%swap3A_209, %swap3A_210], %concatenate3A_207 {strides = array<i32>} : memref<1000x384xf32, #tpu.memory_space<vmem>>, vector<1000x384xf32>,
    %swap3A_212 = arith.constant 0 : index
    %swap3A_213 = arith.constant 0 : index
    %swap3A_214 = vector.load %arg22[%swap3A_212, %swap3A_213] : memref<1000x384xf32, #tpu.memory_space<vmem>>, vector<1000x384xf32>
    tpu.vector_store %arg22[%swap3A_212, %swap3A_213], %concatenate3A_208 {strides = array<i32>} : memref<1000x384xf32, #tpu.memory_space<vmem>>, vector<1000x384xf32>,
    return
  }
  func.func @transform_0(%arg0: i32) -> (i32, i32) {
    %c0_i32 = arith.constant 0 : i32
    %c0_i32_0 = arith.constant 0 : i32
    return %arg0, %c0_i32 : i32, i32
  }
  func.func @transform_1(%arg0: i32) -> (i32, i32) {
    %c0_i32 = arith.constant 0 : i32
    %c0_i32_0 = arith.constant 0 : i32
    return %arg0, %c0_i32 : i32, i32
  }
  func.func @transform_2(%arg0: i32) -> (i32, i32) {
    %c0_i32 = arith.constant 0 : i32
    %c0_i32_0 = arith.constant 0 : i32
    return %arg0, %c0_i32 : i32, i32
  }
  func.func @transform_3(%arg0: i32) -> (i32, i32) {
    %c0_i32 = arith.constant 0 : i32
    %c0_i32_0 = arith.constant 0 : i32
    return %arg0, %c0_i32 : i32, i32
  }
  func.func @transform_4(%arg0: i32) -> (i32, i32) {
    %c0_i32 = arith.constant 0 : i32
    %c0_i32_0 = arith.constant 0 : i32
    return %arg0, %c0_i32 : i32, i32
  }
  func.func @transform_5(%arg0: i32) -> (i32, i32) {
    %c0_i32 = arith.constant 0 : i32
    %c0_i32_0 = arith.constant 0 : i32
    return %arg0, %c0_i32 : i32, i32
  }
  func.func @transform_6(%arg0: i32) -> (i32, i32) {
    %c0_i32 = arith.constant 0 : i32
    %c0_i32_0 = arith.constant 0 : i32
    %c0_i32_1 = arith.constant 0 : i32
    return %c0_i32, %c0_i32_0 : i32, i32
  }
  func.func @transform_7(%arg0: i32) -> (i32, i32) {
    %c0_i32 = arith.constant 0 : i32
    %c0_i32_0 = arith.constant 0 : i32
    %c0_i32_1 = arith.constant 0 : i32
    return %c0_i32, %c0_i32_0 : i32, i32
  }
  func.func @transform_8(%arg0: i32) -> (i32, i32) {
    %c0_i32 = arith.constant 0 : i32
    %c0_i32_0 = arith.constant 0 : i32
    %c0_i32_1 = arith.constant 0 : i32
    return %c0_i32, %c0_i32_0 : i32, i32
  }
  func.func @transform_9(%arg0: i32) -> (i32, i32) {
    %c0_i32 = arith.constant 0 : i32
    %c0_i32_0 = arith.constant 0 : i32
    %c0_i32_1 = arith.constant 0 : i32
    return %c0_i32, %c0_i32_0 : i32, i32
  }
  func.func @transform_10(%arg0: i32) -> (i32, i32) {
    %c0_i32 = arith.constant 0 : i32
    %c0_i32_0 = arith.constant 0 : i32
    %c0_i32_1 = arith.constant 0 : i32
    return %c0_i32, %c0_i32_0 : i32, i32
  }
  func.func @transform_11(%arg0: i32) -> (i32, i32) {
    %c0_i32 = arith.constant 0 : i32
    %c0_i32_0 = arith.constant 0 : i32
    %c0_i32_1 = arith.constant 0 : i32
    return %c0_i32, %c0_i32_0 : i32, i32
  }
  func.func @transform_12(%arg0: i32) -> (i32, i32) {
    %c0_i32 = arith.constant 0 : i32
    %c0_i32_0 = arith.constant 0 : i32
    %c0_i32_1 = arith.constant 0 : i32
    return %c0_i32, %c0_i32_0 : i32, i32
  }
  func.func @transform_13(%arg0: i32) -> (i32, i32) {
    %c0_i32 = arith.constant 0 : i32
    %c0_i32_0 = arith.constant 0 : i32
    %c0_i32_1 = arith.constant 0 : i32
    return %c0_i32, %c0_i32_0 : i32, i32
  }
  func.func @transform_14(%arg0: i32) -> (i32, i32) {
    %c0_i32 = arith.constant 0 : i32
    %c0_i32_0 = arith.constant 0 : i32
    %c0_i32_1 = arith.constant 0 : i32
    return %c0_i32, %c0_i32_0 : i32, i32
  }
  func.func @transform_15(%arg0: i32) -> (i32, i32) {
    %c0_i32 = arith.constant 0 : i32
    %c0_i32_0 = arith.constant 0 : i32
    %c0_i32_1 = arith.constant 0 : i32
    return %c0_i32, %c0_i32_0 : i32, i32
  }
  func.func @transform_16(%arg0: i32) -> (i32, i32) {
    %c0_i32 = arith.constant 0 : i32
    %c0_i32_0 = arith.constant 0 : i32
    %c0_i32_1 = arith.constant 0 : i32
    return %c0_i32, %c0_i32_0 : i32, i32
  }
  func.func @transform_17(%arg0: i32) -> (i32, i32) {
    %c0_i32 = arith.constant 0 : i32
    %c0_i32_0 = arith.constant 0 : i32
    %c0_i32_1 = arith.constant 0 : i32
    return %c0_i32, %c0_i32_0 : i32, i32
  }
  func.func @transform_18(%arg0: i32) -> (i32, i32) {
    %c0_i32 = arith.constant 0 : i32
    %c0_i32_0 = arith.constant 0 : i32
    %c0_i32_1 = arith.constant 0 : i32
    return %c0_i32, %c0_i32_0 : i32, i32
  }
  func.func @transform_19(%arg0: i32) -> (i32, i32) {
    %c0_i32 = arith.constant 0 : i32
    %c0_i32_0 = arith.constant 0 : i32
    return %arg0, %c0_i32 : i32, i32
  }
  func.func @transform_20(%arg0: i32) -> (i32, i32) {
    %c0_i32 = arith.constant 0 : i32
    %c0_i32_0 = arith.constant 0 : i32
    return %arg0, %c0_i32 : i32, i32
  }
  func.func @transform_21(%arg0: i32) -> (i32, i32) {
    %c0_i32 = arith.constant 0 : i32
    %c0_i32_0 = arith.constant 0 : i32
    return %arg0, %c0_i32 : i32, i32
  }
}

module attributes {stable_mosaic.version = 14 : i64} {
  func.func @_edge_body(%arg0: i32, %arg1: memref<800x384xf32, #tpu.memory_space<vmem>>, %arg2: memref<800x384xf32, #tpu.memory_space<vmem>>, %arg3: memref<800x128xf32, #tpu.memory_space<vmem>>, %arg4: memref<128x256xf32, #tpu.memory_space<vmem>>, %arg5: memref<96x256xf32, #tpu.memory_space<vmem>>, %arg6: memref<1x256xf32, #tpu.memory_space<vmem>>, %arg7: memref<256x256xf32, #tpu.memory_space<vmem>>, %arg8: memref<1x256xf32, #tpu.memory_space<vmem>>, %arg9: memref<256x128xf32, #tpu.memory_space<vmem>>, %arg10: memref<1x128xf32, #tpu.memory_space<vmem>>, %arg11: memref<1x128xf32, #tpu.memory_space<vmem>>, %arg12: memref<1x128xf32, #tpu.memory_space<vmem>>, %arg13: memref<800x128xf32, #tpu.memory_space<vmem>>) attributes {dimension_semantics = [#tpu.dimension_semantics<arbitrary>], iteration_bounds = array<i64: 200>, scalar_prefetch = 0 : i64, scratch_operands = 0 : i64, tpu.core_type = #tpu.core_type<tc>, window_params = [{transform_indices = @transform_0, window_bounds = array<i64: 800, 384>}, {transform_indices = @transform_1, window_bounds = array<i64: 800, 384>}, {transform_indices = @transform_2, window_bounds = array<i64: 800, 128>}, {pipeline_mode = #tpu.pipeline_mode<synchronous>, transform_indices = @transform_3, window_bounds = array<i64: 128, 256>}, {pipeline_mode = #tpu.pipeline_mode<synchronous>, transform_indices = @transform_4, window_bounds = array<i64: 96, 256>}, {pipeline_mode = #tpu.pipeline_mode<synchronous>, transform_indices = @transform_5, window_bounds = array<i64: 1, 256>}, {pipeline_mode = #tpu.pipeline_mode<synchronous>, transform_indices = @transform_6, window_bounds = array<i64: 256, 256>}, {pipeline_mode = #tpu.pipeline_mode<synchronous>, transform_indices = @transform_7, window_bounds = array<i64: 1, 256>}, {pipeline_mode = #tpu.pipeline_mode<synchronous>, transform_indices = @transform_8, window_bounds = array<i64: 256, 128>}, {pipeline_mode = #tpu.pipeline_mode<synchronous>, transform_indices = @transform_9, window_bounds = array<i64: 1, 128>}, {pipeline_mode = #tpu.pipeline_mode<synchronous>, transform_indices = @transform_10, window_bounds = array<i64: 1, 128>}, {pipeline_mode = #tpu.pipeline_mode<synchronous>, transform_indices = @transform_11, window_bounds = array<i64: 1, 128>}, {transform_indices = @transform_12, window_bounds = array<i64: 800, 128>}]} {
    %get3A = arith.constant 0 : index
    %get3A_0 = arith.constant 0 : index
    %get3A_1 = vector.load %arg1[%get3A, %get3A_0] : memref<800x384xf32, #tpu.memory_space<vmem>>, vector<800x384xf32>
    %get3A_2 = arith.constant 0 : index
    %get3A_3 = arith.constant 0 : index
    %get3A_4 = vector.load %arg2[%get3A_2, %get3A_3] : memref<800x384xf32, #tpu.memory_space<vmem>>, vector<800x384xf32>
    %slice3A = vector.extract_strided_slice %get3A_1 {offsets = [0, 256], sizes = [800, 8], strides = [1, 1]} : vector<800x384xf32> to vector<800x8xf32>
    %slice3A_5 = vector.extract_strided_slice %get3A_1 {offsets = [0, 264], sizes = [800, 8], strides = [1, 1]} : vector<800x384xf32> to vector<800x8xf32>
    %slice3A_6 = vector.extract_strided_slice %get3A_1 {offsets = [0, 272], sizes = [800, 8], strides = [1, 1]} : vector<800x384xf32> to vector<800x8xf32>
    %slice3A_7 = vector.extract_strided_slice %get3A_4 {offsets = [0, 256], sizes = [800, 8], strides = [1, 1]} : vector<800x384xf32> to vector<800x8xf32>
    %slice3A_8 = vector.extract_strided_slice %get3A_4 {offsets = [0, 264], sizes = [800, 8], strides = [1, 1]} : vector<800x384xf32> to vector<800x8xf32>
    %slice3A_9 = vector.extract_strided_slice %get3A_4 {offsets = [0, 272], sizes = [800, 8], strides = [1, 1]} : vector<800x384xf32> to vector<800x8xf32>
    %slice3A_10 = vector.extract_strided_slice %get3A_1 {offsets = [0, 289], sizes = [800, 1], strides = [1, 1]} : vector<800x384xf32> to vector<800x1xf32>
    %sub3A = vector.broadcast %slice3A_10 : vector<800x1xf32> to vector<800x8xf32>
    %sub3A_11 = arith.subf %slice3A_7, %sub3A : vector<800x8xf32>
    %slice3A_12 = vector.extract_strided_slice %get3A_1 {offsets = [0, 290], sizes = [800, 1], strides = [1, 1]} : vector<800x384xf32> to vector<800x1xf32>
    %sub3A_13 = vector.broadcast %slice3A_12 : vector<800x1xf32> to vector<800x8xf32>
    %sub3A_14 = arith.subf %slice3A_8, %sub3A_13 : vector<800x8xf32>
    %slice3A_15 = vector.extract_strided_slice %get3A_1 {offsets = [0, 291], sizes = [800, 1], strides = [1, 1]} : vector<800x384xf32> to vector<800x1xf32>
    %sub3A_16 = vector.broadcast %slice3A_15 : vector<800x1xf32> to vector<800x8xf32>
    %sub3A_17 = arith.subf %slice3A_9, %sub3A_16 : vector<800x8xf32>
    %slice3A_18 = vector.extract_strided_slice %get3A_1 {offsets = [0, 280], sizes = [800, 1], strides = [1, 1]} : vector<800x384xf32> to vector<800x1xf32>
    %mul3A = vector.broadcast %slice3A_18 : vector<800x1xf32> to vector<800x8xf32>
    %mul3A_19 = arith.mulf %mul3A, %sub3A_11 : vector<800x8xf32>
    %slice3A_20 = vector.extract_strided_slice %get3A_1 {offsets = [0, 283], sizes = [800, 1], strides = [1, 1]} : vector<800x384xf32> to vector<800x1xf32>
    %mul3A_21 = vector.broadcast %slice3A_20 : vector<800x1xf32> to vector<800x8xf32>
    %mul3A_22 = arith.mulf %mul3A_21, %sub3A_14 : vector<800x8xf32>
    %add3A = arith.addf %mul3A_19, %mul3A_22 : vector<800x8xf32>
    %slice3A_23 = vector.extract_strided_slice %get3A_1 {offsets = [0, 286], sizes = [800, 1], strides = [1, 1]} : vector<800x384xf32> to vector<800x1xf32>
    %mul3A_24 = vector.broadcast %slice3A_23 : vector<800x1xf32> to vector<800x8xf32>
    %mul3A_25 = arith.mulf %mul3A_24, %sub3A_17 : vector<800x8xf32>
    %add3A_26 = arith.addf %add3A, %mul3A_25 : vector<800x8xf32>
    %slice3A_27 = vector.extract_strided_slice %get3A_1 {offsets = [0, 281], sizes = [800, 1], strides = [1, 1]} : vector<800x384xf32> to vector<800x1xf32>
    %mul3A_28 = vector.broadcast %slice3A_27 : vector<800x1xf32> to vector<800x8xf32>
    %mul3A_29 = arith.mulf %mul3A_28, %sub3A_11 : vector<800x8xf32>
    %slice3A_30 = vector.extract_strided_slice %get3A_1 {offsets = [0, 284], sizes = [800, 1], strides = [1, 1]} : vector<800x384xf32> to vector<800x1xf32>
    %mul3A_31 = vector.broadcast %slice3A_30 : vector<800x1xf32> to vector<800x8xf32>
    %mul3A_32 = arith.mulf %mul3A_31, %sub3A_14 : vector<800x8xf32>
    %add3A_33 = arith.addf %mul3A_29, %mul3A_32 : vector<800x8xf32>
    %slice3A_34 = vector.extract_strided_slice %get3A_1 {offsets = [0, 287], sizes = [800, 1], strides = [1, 1]} : vector<800x384xf32> to vector<800x1xf32>
    %mul3A_35 = vector.broadcast %slice3A_34 : vector<800x1xf32> to vector<800x8xf32>
    %mul3A_36 = arith.mulf %mul3A_35, %sub3A_17 : vector<800x8xf32>
    %add3A_37 = arith.addf %add3A_33, %mul3A_36 : vector<800x8xf32>
    %slice3A_38 = vector.extract_strided_slice %get3A_1 {offsets = [0, 282], sizes = [800, 1], strides = [1, 1]} : vector<800x384xf32> to vector<800x1xf32>
    %mul3A_39 = vector.broadcast %slice3A_38 : vector<800x1xf32> to vector<800x8xf32>
    %mul3A_40 = arith.mulf %mul3A_39, %sub3A_11 : vector<800x8xf32>
    %slice3A_41 = vector.extract_strided_slice %get3A_1 {offsets = [0, 285], sizes = [800, 1], strides = [1, 1]} : vector<800x384xf32> to vector<800x1xf32>
    %mul3A_42 = vector.broadcast %slice3A_41 : vector<800x1xf32> to vector<800x8xf32>
    %mul3A_43 = arith.mulf %mul3A_42, %sub3A_14 : vector<800x8xf32>
    %add3A_44 = arith.addf %mul3A_40, %mul3A_43 : vector<800x8xf32>
    %slice3A_45 = vector.extract_strided_slice %get3A_1 {offsets = [0, 288], sizes = [800, 1], strides = [1, 1]} : vector<800x384xf32> to vector<800x1xf32>
    %mul3A_46 = vector.broadcast %slice3A_45 : vector<800x1xf32> to vector<800x8xf32>
    %mul3A_47 = arith.mulf %mul3A_46, %sub3A_17 : vector<800x8xf32>
    %add3A_48 = arith.addf %add3A_44, %mul3A_47 : vector<800x8xf32>
    %add3A_49 = arith.constant 9.99999993E-9 : f32
    %add3A_50 = vector.broadcast %add3A_49 : f32 to vector<800x8xf32>
    %add3A_51 = arith.addf %add3A_26, %add3A_50 : vector<800x8xf32>
    %integer_pow3A = arith.mulf %add3A_51, %add3A_51 : vector<800x8xf32>
    %add3A_52 = arith.constant 9.99999993E-9 : f32
    %add3A_53 = vector.broadcast %add3A_52 : f32 to vector<800x8xf32>
    %add3A_54 = arith.addf %add3A_37, %add3A_53 : vector<800x8xf32>
    %integer_pow3A_55 = arith.mulf %add3A_54, %add3A_54 : vector<800x8xf32>
    %add3A_56 = arith.addf %integer_pow3A, %integer_pow3A_55 : vector<800x8xf32>
    %add3A_57 = arith.constant 9.99999993E-9 : f32
    %add3A_58 = vector.broadcast %add3A_57 : f32 to vector<800x8xf32>
    %add3A_59 = arith.addf %add3A_48, %add3A_58 : vector<800x8xf32>
    %integer_pow3A_60 = arith.mulf %add3A_59, %add3A_59 : vector<800x8xf32>
    %add3A_61 = arith.addf %add3A_56, %integer_pow3A_60 : vector<800x8xf32>
    %sqrt3A = math.sqrt %add3A_61 : vector<800x8xf32>
    %slice3A_62 = vector.extract_strided_slice %slice3A {offsets = [0, 0], sizes = [800, 1], strides = [1, 1]} : vector<800x8xf32> to vector<800x1xf32>
    %broadcast_in_dim3A = vector.shape_cast %slice3A_62 : vector<800x1xf32> to vector<800x1xf32>
    %broadcast_in_dim3A_63 = vector.broadcast %broadcast_in_dim3A : vector<800x1xf32> to vector<800x8xf32>
    %slice3A_64 = vector.extract_strided_slice %slice3A {offsets = [0, 1], sizes = [800, 1], strides = [1, 1]} : vector<800x8xf32> to vector<800x1xf32>
    %broadcast_in_dim3A_65 = vector.shape_cast %slice3A_64 : vector<800x1xf32> to vector<800x1xf32>
    %broadcast_in_dim3A_66 = vector.broadcast %broadcast_in_dim3A_65 : vector<800x1xf32> to vector<800x8xf32>
    %slice3A_67 = vector.extract_strided_slice %slice3A {offsets = [0, 2], sizes = [800, 1], strides = [1, 1]} : vector<800x8xf32> to vector<800x1xf32>
    %broadcast_in_dim3A_68 = vector.shape_cast %slice3A_67 : vector<800x1xf32> to vector<800x1xf32>
    %broadcast_in_dim3A_69 = vector.broadcast %broadcast_in_dim3A_68 : vector<800x1xf32> to vector<800x8xf32>
    %slice3A_70 = vector.extract_strided_slice %slice3A {offsets = [0, 3], sizes = [800, 1], strides = [1, 1]} : vector<800x8xf32> to vector<800x1xf32>
    %broadcast_in_dim3A_71 = vector.shape_cast %slice3A_70 : vector<800x1xf32> to vector<800x1xf32>
    %broadcast_in_dim3A_72 = vector.broadcast %broadcast_in_dim3A_71 : vector<800x1xf32> to vector<800x8xf32>
    %slice3A_73 = vector.extract_strided_slice %slice3A {offsets = [0, 4], sizes = [800, 1], strides = [1, 1]} : vector<800x8xf32> to vector<800x1xf32>
    %broadcast_in_dim3A_74 = vector.shape_cast %slice3A_73 : vector<800x1xf32> to vector<800x1xf32>
    %broadcast_in_dim3A_75 = vector.broadcast %broadcast_in_dim3A_74 : vector<800x1xf32> to vector<800x8xf32>
    %slice3A_76 = vector.extract_strided_slice %slice3A {offsets = [0, 5], sizes = [800, 1], strides = [1, 1]} : vector<800x8xf32> to vector<800x1xf32>
    %broadcast_in_dim3A_77 = vector.shape_cast %slice3A_76 : vector<800x1xf32> to vector<800x1xf32>
    %broadcast_in_dim3A_78 = vector.broadcast %broadcast_in_dim3A_77 : vector<800x1xf32> to vector<800x8xf32>
    %slice3A_79 = vector.extract_strided_slice %slice3A {offsets = [0, 6], sizes = [800, 1], strides = [1, 1]} : vector<800x8xf32> to vector<800x1xf32>
    %broadcast_in_dim3A_80 = vector.shape_cast %slice3A_79 : vector<800x1xf32> to vector<800x1xf32>
    %broadcast_in_dim3A_81 = vector.broadcast %broadcast_in_dim3A_80 : vector<800x1xf32> to vector<800x8xf32>
    %slice3A_82 = vector.extract_strided_slice %slice3A {offsets = [0, 7], sizes = [800, 1], strides = [1, 1]} : vector<800x8xf32> to vector<800x1xf32>
    %broadcast_in_dim3A_83 = vector.shape_cast %slice3A_82 : vector<800x1xf32> to vector<800x1xf32>
    %broadcast_in_dim3A_84 = vector.broadcast %broadcast_in_dim3A_83 : vector<800x1xf32> to vector<800x8xf32>
    %concatenate3A = tpu.concatenate %broadcast_in_dim3A_63, %broadcast_in_dim3A_66, %broadcast_in_dim3A_69, %broadcast_in_dim3A_72, %broadcast_in_dim3A_75, %broadcast_in_dim3A_78, %broadcast_in_dim3A_81, %broadcast_in_dim3A_84 in 1 : vector<800x8xf32>, vector<800x8xf32>, vector<800x8xf32>, vector<800x8xf32>, vector<800x8xf32>, vector<800x8xf32>, vector<800x8xf32>, vector<800x8xf32> -> vector<800x64xf32>
    %concatenate3A_85 = tpu.concatenate %slice3A_7, %slice3A_7, %slice3A_7, %slice3A_7, %slice3A_7, %slice3A_7, %slice3A_7, %slice3A_7 in 1 : vector<800x8xf32>, vector<800x8xf32>, vector<800x8xf32>, vector<800x8xf32>, vector<800x8xf32>, vector<800x8xf32>, vector<800x8xf32>, vector<800x8xf32> -> vector<800x64xf32>
    %sub3A_86 = arith.subf %concatenate3A, %concatenate3A_85 : vector<800x64xf32>
    %add3A_87 = arith.constant 9.99999993E-9 : f32
    %add3A_88 = vector.broadcast %add3A_87 : f32 to vector<800x64xf32>
    %add3A_89 = arith.addf %sub3A_86, %add3A_88 : vector<800x64xf32>
    %slice3A_90 = vector.extract_strided_slice %slice3A_5 {offsets = [0, 0], sizes = [800, 1], strides = [1, 1]} : vector<800x8xf32> to vector<800x1xf32>
    %broadcast_in_dim3A_91 = vector.shape_cast %slice3A_90 : vector<800x1xf32> to vector<800x1xf32>
    %broadcast_in_dim3A_92 = vector.broadcast %broadcast_in_dim3A_91 : vector<800x1xf32> to vector<800x8xf32>
    %slice3A_93 = vector.extract_strided_slice %slice3A_5 {offsets = [0, 1], sizes = [800, 1], strides = [1, 1]} : vector<800x8xf32> to vector<800x1xf32>
    %broadcast_in_dim3A_94 = vector.shape_cast %slice3A_93 : vector<800x1xf32> to vector<800x1xf32>
    %broadcast_in_dim3A_95 = vector.broadcast %broadcast_in_dim3A_94 : vector<800x1xf32> to vector<800x8xf32>
    %slice3A_96 = vector.extract_strided_slice %slice3A_5 {offsets = [0, 2], sizes = [800, 1], strides = [1, 1]} : vector<800x8xf32> to vector<800x1xf32>
    %broadcast_in_dim3A_97 = vector.shape_cast %slice3A_96 : vector<800x1xf32> to vector<800x1xf32>
    %broadcast_in_dim3A_98 = vector.broadcast %broadcast_in_dim3A_97 : vector<800x1xf32> to vector<800x8xf32>
    %slice3A_99 = vector.extract_strided_slice %slice3A_5 {offsets = [0, 3], sizes = [800, 1], strides = [1, 1]} : vector<800x8xf32> to vector<800x1xf32>
    %broadcast_in_dim3A_100 = vector.shape_cast %slice3A_99 : vector<800x1xf32> to vector<800x1xf32>
    %broadcast_in_dim3A_101 = vector.broadcast %broadcast_in_dim3A_100 : vector<800x1xf32> to vector<800x8xf32>
    %slice3A_102 = vector.extract_strided_slice %slice3A_5 {offsets = [0, 4], sizes = [800, 1], strides = [1, 1]} : vector<800x8xf32> to vector<800x1xf32>
    %broadcast_in_dim3A_103 = vector.shape_cast %slice3A_102 : vector<800x1xf32> to vector<800x1xf32>
    %broadcast_in_dim3A_104 = vector.broadcast %broadcast_in_dim3A_103 : vector<800x1xf32> to vector<800x8xf32>
    %slice3A_105 = vector.extract_strided_slice %slice3A_5 {offsets = [0, 5], sizes = [800, 1], strides = [1, 1]} : vector<800x8xf32> to vector<800x1xf32>
    %broadcast_in_dim3A_106 = vector.shape_cast %slice3A_105 : vector<800x1xf32> to vector<800x1xf32>
    %broadcast_in_dim3A_107 = vector.broadcast %broadcast_in_dim3A_106 : vector<800x1xf32> to vector<800x8xf32>
    %slice3A_108 = vector.extract_strided_slice %slice3A_5 {offsets = [0, 6], sizes = [800, 1], strides = [1, 1]} : vector<800x8xf32> to vector<800x1xf32>
    %broadcast_in_dim3A_109 = vector.shape_cast %slice3A_108 : vector<800x1xf32> to vector<800x1xf32>
    %broadcast_in_dim3A_110 = vector.broadcast %broadcast_in_dim3A_109 : vector<800x1xf32> to vector<800x8xf32>
    %slice3A_111 = vector.extract_strided_slice %slice3A_5 {offsets = [0, 7], sizes = [800, 1], strides = [1, 1]} : vector<800x8xf32> to vector<800x1xf32>
    %broadcast_in_dim3A_112 = vector.shape_cast %slice3A_111 : vector<800x1xf32> to vector<800x1xf32>
    %broadcast_in_dim3A_113 = vector.broadcast %broadcast_in_dim3A_112 : vector<800x1xf32> to vector<800x8xf32>
    %concatenate3A_114 = tpu.concatenate %broadcast_in_dim3A_92, %broadcast_in_dim3A_95, %broadcast_in_dim3A_98, %broadcast_in_dim3A_101, %broadcast_in_dim3A_104, %broadcast_in_dim3A_107, %broadcast_in_dim3A_110, %broadcast_in_dim3A_113 in 1 : vector<800x8xf32>, vector<800x8xf32>, vector<800x8xf32>, vector<800x8xf32>, vector<800x8xf32>, vector<800x8xf32>, vector<800x8xf32>, vector<800x8xf32> -> vector<800x64xf32>
    %concatenate3A_115 = tpu.concatenate %slice3A_8, %slice3A_8, %slice3A_8, %slice3A_8, %slice3A_8, %slice3A_8, %slice3A_8, %slice3A_8 in 1 : vector<800x8xf32>, vector<800x8xf32>, vector<800x8xf32>, vector<800x8xf32>, vector<800x8xf32>, vector<800x8xf32>, vector<800x8xf32>, vector<800x8xf32> -> vector<800x64xf32>
    %sub3A_116 = arith.subf %concatenate3A_114, %concatenate3A_115 : vector<800x64xf32>
    %add3A_117 = arith.constant 9.99999993E-9 : f32
    %add3A_118 = vector.broadcast %add3A_117 : f32 to vector<800x64xf32>
    %add3A_119 = arith.addf %sub3A_116, %add3A_118 : vector<800x64xf32>
    %slice3A_120 = vector.extract_strided_slice %slice3A_6 {offsets = [0, 0], sizes = [800, 1], strides = [1, 1]} : vector<800x8xf32> to vector<800x1xf32>
    %broadcast_in_dim3A_121 = vector.shape_cast %slice3A_120 : vector<800x1xf32> to vector<800x1xf32>
    %broadcast_in_dim3A_122 = vector.broadcast %broadcast_in_dim3A_121 : vector<800x1xf32> to vector<800x8xf32>
    %slice3A_123 = vector.extract_strided_slice %slice3A_6 {offsets = [0, 1], sizes = [800, 1], strides = [1, 1]} : vector<800x8xf32> to vector<800x1xf32>
    %broadcast_in_dim3A_124 = vector.shape_cast %slice3A_123 : vector<800x1xf32> to vector<800x1xf32>
    %broadcast_in_dim3A_125 = vector.broadcast %broadcast_in_dim3A_124 : vector<800x1xf32> to vector<800x8xf32>
    %slice3A_126 = vector.extract_strided_slice %slice3A_6 {offsets = [0, 2], sizes = [800, 1], strides = [1, 1]} : vector<800x8xf32> to vector<800x1xf32>
    %broadcast_in_dim3A_127 = vector.shape_cast %slice3A_126 : vector<800x1xf32> to vector<800x1xf32>
    %broadcast_in_dim3A_128 = vector.broadcast %broadcast_in_dim3A_127 : vector<800x1xf32> to vector<800x8xf32>
    %slice3A_129 = vector.extract_strided_slice %slice3A_6 {offsets = [0, 3], sizes = [800, 1], strides = [1, 1]} : vector<800x8xf32> to vector<800x1xf32>
    %broadcast_in_dim3A_130 = vector.shape_cast %slice3A_129 : vector<800x1xf32> to vector<800x1xf32>
    %broadcast_in_dim3A_131 = vector.broadcast %broadcast_in_dim3A_130 : vector<800x1xf32> to vector<800x8xf32>
    %slice3A_132 = vector.extract_strided_slice %slice3A_6 {offsets = [0, 4], sizes = [800, 1], strides = [1, 1]} : vector<800x8xf32> to vector<800x1xf32>
    %broadcast_in_dim3A_133 = vector.shape_cast %slice3A_132 : vector<800x1xf32> to vector<800x1xf32>
    %broadcast_in_dim3A_134 = vector.broadcast %broadcast_in_dim3A_133 : vector<800x1xf32> to vector<800x8xf32>
    %slice3A_135 = vector.extract_strided_slice %slice3A_6 {offsets = [0, 5], sizes = [800, 1], strides = [1, 1]} : vector<800x8xf32> to vector<800x1xf32>
    %broadcast_in_dim3A_136 = vector.shape_cast %slice3A_135 : vector<800x1xf32> to vector<800x1xf32>
    %broadcast_in_dim3A_137 = vector.broadcast %broadcast_in_dim3A_136 : vector<800x1xf32> to vector<800x8xf32>
    %slice3A_138 = vector.extract_strided_slice %slice3A_6 {offsets = [0, 6], sizes = [800, 1], strides = [1, 1]} : vector<800x8xf32> to vector<800x1xf32>
    %broadcast_in_dim3A_139 = vector.shape_cast %slice3A_138 : vector<800x1xf32> to vector<800x1xf32>
    %broadcast_in_dim3A_140 = vector.broadcast %broadcast_in_dim3A_139 : vector<800x1xf32> to vector<800x8xf32>
    %slice3A_141 = vector.extract_strided_slice %slice3A_6 {offsets = [0, 7], sizes = [800, 1], strides = [1, 1]} : vector<800x8xf32> to vector<800x1xf32>
    %broadcast_in_dim3A_142 = vector.shape_cast %slice3A_141 : vector<800x1xf32> to vector<800x1xf32>
    %broadcast_in_dim3A_143 = vector.broadcast %broadcast_in_dim3A_142 : vector<800x1xf32> to vector<800x8xf32>
    %concatenate3A_144 = tpu.concatenate %broadcast_in_dim3A_122, %broadcast_in_dim3A_125, %broadcast_in_dim3A_128, %broadcast_in_dim3A_131, %broadcast_in_dim3A_134, %broadcast_in_dim3A_137, %broadcast_in_dim3A_140, %broadcast_in_dim3A_143 in 1 : vector<800x8xf32>, vector<800x8xf32>, vector<800x8xf32>, vector<800x8xf32>, vector<800x8xf32>, vector<800x8xf32>, vector<800x8xf32>, vector<800x8xf32> -> vector<800x64xf32>
    %concatenate3A_145 = tpu.concatenate %slice3A_9, %slice3A_9, %slice3A_9, %slice3A_9, %slice3A_9, %slice3A_9, %slice3A_9, %slice3A_9 in 1 : vector<800x8xf32>, vector<800x8xf32>, vector<800x8xf32>, vector<800x8xf32>, vector<800x8xf32>, vector<800x8xf32>, vector<800x8xf32>, vector<800x8xf32> -> vector<800x64xf32>
    %sub3A_146 = arith.subf %concatenate3A_144, %concatenate3A_145 : vector<800x64xf32>
    %add3A_147 = arith.constant 9.99999993E-9 : f32
    %add3A_148 = vector.broadcast %add3A_147 : f32 to vector<800x64xf32>
    %add3A_149 = arith.addf %sub3A_146, %add3A_148 : vector<800x64xf32>
    %mul3A_150 = arith.mulf %add3A_89, %add3A_89 : vector<800x64xf32>
    %mul3A_151 = arith.mulf %add3A_119, %add3A_119 : vector<800x64xf32>
    %add3A_152 = arith.addf %mul3A_150, %mul3A_151 : vector<800x64xf32>
    %mul3A_153 = arith.mulf %add3A_149, %add3A_149 : vector<800x64xf32>
    %add3A_154 = arith.addf %add3A_152, %mul3A_153 : vector<800x64xf32>
    %sqrt3A_155 = math.sqrt %add3A_154 : vector<800x64xf32>
    %concatenate3A_156 = tpu.concatenate %add3A_26, %add3A_37, %add3A_48, %sqrt3A, %sqrt3A_155 in 1 : vector<800x8xf32>, vector<800x8xf32>, vector<800x8xf32>, vector<800x8xf32>, vector<800x64xf32> -> vector<800x96xf32>
    %slice3A_157 = vector.extract_strided_slice %get3A_1 {offsets = [0, 0], sizes = [800, 256], strides = [1, 1]} : vector<800x384xf32> to vector<800x256xf32>
    %slice3A_158 = vector.extract_strided_slice %get3A_4 {offsets = [0, 0], sizes = [800, 256], strides = [1, 1]} : vector<800x384xf32> to vector<800x256xf32>
    %add3A_159 = arith.addf %slice3A_157, %slice3A_158 : vector<800x256xf32>
    %get3A_160 = arith.constant 0 : index
    %get3A_161 = arith.constant 0 : index
    %get3A_162 = vector.load %arg3[%get3A_160, %get3A_161] : memref<800x128xf32, #tpu.memory_space<vmem>>, vector<800x128xf32>
    %get3A_163 = arith.constant 0 : index
    %get3A_164 = arith.constant 0 : index
    %get3A_165 = vector.load %arg4[%get3A_163, %get3A_164] : memref<128x256xf32, #tpu.memory_space<vmem>>, vector<128x256xf32>
    %dot_general3A = arith.constant dense<0.000000e+00> : vector<800x256xf32>
    %dot_general3A_166 = tpu.matmul %get3A_162, %get3A_165, %dot_general3A {dimension_numbers = #tpu.dot_dimension_numbers<[1], [0], [0], [1], [0, 0, 1, 1], [], []>, precision = #tpu.contract_precision<fp32>, transpose_lhs_hint = false} : vector<800x128xf32>, vector<128x256xf32>, vector<800x256xf32> -> vector<800x256xf32>
    %add3A_167 = arith.addf %add3A_159, %dot_general3A_166 : vector<800x256xf32>
    %get3A_168 = arith.constant 0 : index
    %get3A_169 = arith.constant 0 : index
    %get3A_170 = vector.load %arg5[%get3A_168, %get3A_169] : memref<96x256xf32, #tpu.memory_space<vmem>>, vector<96x256xf32>
    %dot_general3A_171 = arith.constant dense<0.000000e+00> : vector<800x256xf32>
    %dot_general3A_172 = tpu.matmul %concatenate3A_156, %get3A_170, %dot_general3A_171 {dimension_numbers = #tpu.dot_dimension_numbers<[1], [0], [0], [1], [0, 0, 1, 1], [], []>, precision = #tpu.contract_precision<fp32>, transpose_lhs_hint = false} : vector<800x96xf32>, vector<96x256xf32>, vector<800x256xf32> -> vector<800x256xf32>
    %add3A_173 = arith.addf %add3A_167, %dot_general3A_172 : vector<800x256xf32>
    %get3A_174 = arith.constant 0 : index
    %get3A_175 = arith.constant 0 : index
    %get3A_176 = vector.load %arg6[%get3A_174, %get3A_175] : memref<1x256xf32, #tpu.memory_space<vmem>>, vector<1x256xf32>
    %add3A_177 = vector.broadcast %get3A_176 : vector<1x256xf32> to vector<800x256xf32>
    %add3A_178 = arith.addf %add3A_173, %add3A_177 : vector<800x256xf32>
    %max3A = arith.constant 0.000000e+00 : f32
    %max3A_179 = vector.broadcast %max3A : f32 to vector<800x256xf32>
    %max3A_180 = arith.maximumf %add3A_178, %max3A_179 : vector<800x256xf32>
    %get3A_181 = arith.constant 0 : index
    %get3A_182 = arith.constant 0 : index
    %get3A_183 = vector.load %arg7[%get3A_181, %get3A_182] : memref<256x256xf32, #tpu.memory_space<vmem>>, vector<256x256xf32>
    %dot_general3A_184 = arith.constant dense<0.000000e+00> : vector<800x256xf32>
    %dot_general3A_185 = tpu.matmul %max3A_180, %get3A_183, %dot_general3A_184 {dimension_numbers = #tpu.dot_dimension_numbers<[1], [0], [0], [1], [0, 0, 1, 1], [], []>, precision = #tpu.contract_precision<fp32>, transpose_lhs_hint = false} : vector<800x256xf32>, vector<256x256xf32>, vector<800x256xf32> -> vector<800x256xf32>
    %get3A_186 = arith.constant 0 : index
    %get3A_187 = arith.constant 0 : index
    %get3A_188 = vector.load %arg8[%get3A_186, %get3A_187] : memref<1x256xf32, #tpu.memory_space<vmem>>, vector<1x256xf32>
    %add3A_189 = vector.broadcast %get3A_188 : vector<1x256xf32> to vector<800x256xf32>
    %add3A_190 = arith.addf %dot_general3A_185, %add3A_189 : vector<800x256xf32>
    %max3A_191 = arith.constant 0.000000e+00 : f32
    %max3A_192 = vector.broadcast %max3A_191 : f32 to vector<800x256xf32>
    %max3A_193 = arith.maximumf %add3A_190, %max3A_192 : vector<800x256xf32>
    %get3A_194 = arith.constant 0 : index
    %get3A_195 = arith.constant 0 : index
    %get3A_196 = vector.load %arg9[%get3A_194, %get3A_195] : memref<256x128xf32, #tpu.memory_space<vmem>>, vector<256x128xf32>
    %dot_general3A_197 = arith.constant dense<0.000000e+00> : vector<800x128xf32>
    %dot_general3A_198 = tpu.matmul %max3A_193, %get3A_196, %dot_general3A_197 {dimension_numbers = #tpu.dot_dimension_numbers<[1], [0], [0], [1], [0, 0, 1, 1], [], []>, precision = #tpu.contract_precision<fp32>, transpose_lhs_hint = false} : vector<800x256xf32>, vector<256x128xf32>, vector<800x128xf32> -> vector<800x128xf32>
    %get3A_199 = arith.constant 0 : index
    %get3A_200 = arith.constant 0 : index
    %get3A_201 = vector.load %arg10[%get3A_199, %get3A_200] : memref<1x128xf32, #tpu.memory_space<vmem>>, vector<1x128xf32>
    %add3A_202 = vector.broadcast %get3A_201 : vector<1x128xf32> to vector<800x128xf32>
    %add3A_203 = arith.addf %dot_general3A_198, %add3A_202 : vector<800x128xf32>
    %get3A_204 = arith.constant 0 : index
    %get3A_205 = arith.constant 0 : index
    %get3A_206 = vector.load %arg3[%get3A_204, %get3A_205] : memref<800x128xf32, #tpu.memory_space<vmem>>, vector<800x128xf32>
    %add3A_207 = arith.addf %get3A_206, %add3A_203 : vector<800x128xf32>
    %reduce_sum3A = arith.constant dense<0.000000e+00> : vector<800xf32>
    %reduce_sum3A_208 = vector.multi_reduction <add>, %add3A_207, %reduce_sum3A [1] : vector<800x128xf32> to vector<800xf32>
    %broadcast_in_dim3A_209 = vector.shape_cast %reduce_sum3A_208 : vector<800xf32> to vector<800x1xf32>
    %div3A = arith.constant 1.280000e+02 : f32
    %div3A_210 = vector.broadcast %div3A : f32 to vector<800x1xf32>
    %div3A_211 = arith.divf %broadcast_in_dim3A_209, %div3A_210 : vector<800x1xf32>
    %sub3A_212 = vector.broadcast %div3A_211 : vector<800x1xf32> to vector<800x128xf32>
    %sub3A_213 = arith.subf %add3A_207, %sub3A_212 : vector<800x128xf32>
    %integer_pow3A_214 = arith.mulf %sub3A_213, %sub3A_213 : vector<800x128xf32>
    %reduce_sum3A_215 = arith.constant dense<0.000000e+00> : vector<800xf32>
    %reduce_sum3A_216 = vector.multi_reduction <add>, %integer_pow3A_214, %reduce_sum3A_215 [1] : vector<800x128xf32> to vector<800xf32>
    %broadcast_in_dim3A_217 = vector.shape_cast %reduce_sum3A_216 : vector<800xf32> to vector<800x1xf32>
    %div3A_218 = arith.constant 1.280000e+02 : f32
    %div3A_219 = vector.broadcast %div3A_218 : f32 to vector<800x1xf32>
    %div3A_220 = arith.divf %broadcast_in_dim3A_217, %div3A_219 : vector<800x1xf32>
    %sub3A_221 = vector.broadcast %div3A_211 : vector<800x1xf32> to vector<800x128xf32>
    %sub3A_222 = arith.subf %add3A_207, %sub3A_221 : vector<800x128xf32>
    %add3A_223 = arith.constant 9.99999974E-6 : f32
    %add3A_224 = vector.broadcast %add3A_223 : f32 to vector<800x1xf32>
    %add3A_225 = arith.addf %div3A_220, %add3A_224 : vector<800x1xf32>
    %rsqrt3A = math.rsqrt %add3A_225 : vector<800x1xf32>
    %mul3A_226 = vector.broadcast %rsqrt3A : vector<800x1xf32> to vector<800x128xf32>
    %mul3A_227 = arith.mulf %sub3A_222, %mul3A_226 : vector<800x128xf32>
    %get3A_228 = arith.constant 0 : index
    %get3A_229 = arith.constant 0 : index
    %get3A_230 = vector.load %arg11[%get3A_228, %get3A_229] : memref<1x128xf32, #tpu.memory_space<vmem>>, vector<1x128xf32>
    %mul3A_231 = vector.broadcast %get3A_230 : vector<1x128xf32> to vector<800x128xf32>
    %mul3A_232 = arith.mulf %mul3A_227, %mul3A_231 : vector<800x128xf32>
    %get3A_233 = arith.constant 0 : index
    %get3A_234 = arith.constant 0 : index
    %get3A_235 = vector.load %arg12[%get3A_233, %get3A_234] : memref<1x128xf32, #tpu.memory_space<vmem>>, vector<1x128xf32>
    %add3A_236 = vector.broadcast %get3A_235 : vector<1x128xf32> to vector<800x128xf32>
    %add3A_237 = arith.addf %mul3A_232, %add3A_236 : vector<800x128xf32>
    %swap3A = arith.constant 0 : index
    %swap3A_238 = arith.constant 0 : index
    %swap3A_239 = vector.load %arg13[%swap3A, %swap3A_238] : memref<800x128xf32, #tpu.memory_space<vmem>>, vector<800x128xf32>
    tpu.vector_store %arg13[%swap3A, %swap3A_238], %add3A_237 {strides = array<i32>} : memref<800x128xf32, #tpu.memory_space<vmem>>, vector<800x128xf32>,
    return
  }
  func.func @transform_0(%arg0: i32) -> (i32, i32) {
    %c0_i32 = arith.constant 0 : i32
    %c0_i32_0 = arith.constant 0 : i32
    return %arg0, %c0_i32 : i32, i32
  }
  func.func @transform_1(%arg0: i32) -> (i32, i32) {
    %c0_i32 = arith.constant 0 : i32
    %c0_i32_0 = arith.constant 0 : i32
    return %arg0, %c0_i32 : i32, i32
  }
  func.func @transform_2(%arg0: i32) -> (i32, i32) {
    %c0_i32 = arith.constant 0 : i32
    %c0_i32_0 = arith.constant 0 : i32
    return %arg0, %c0_i32 : i32, i32
  }
  func.func @transform_3(%arg0: i32) -> (i32, i32) {
    %c0_i32 = arith.constant 0 : i32
    %c0_i32_0 = arith.constant 0 : i32
    %c0_i32_1 = arith.constant 0 : i32
    return %c0_i32, %c0_i32_0 : i32, i32
  }
  func.func @transform_4(%arg0: i32) -> (i32, i32) {
    %c0_i32 = arith.constant 0 : i32
    %c0_i32_0 = arith.constant 0 : i32
    %c0_i32_1 = arith.constant 0 : i32
    return %c0_i32, %c0_i32_0 : i32, i32
  }
  func.func @transform_5(%arg0: i32) -> (i32, i32) {
    %c0_i32 = arith.constant 0 : i32
    %c0_i32_0 = arith.constant 0 : i32
    %c0_i32_1 = arith.constant 0 : i32
    return %c0_i32, %c0_i32_0 : i32, i32
  }
  func.func @transform_6(%arg0: i32) -> (i32, i32) {
    %c0_i32 = arith.constant 0 : i32
    %c0_i32_0 = arith.constant 0 : i32
    %c0_i32_1 = arith.constant 0 : i32
    return %c0_i32, %c0_i32_0 : i32, i32
  }
  func.func @transform_7(%arg0: i32) -> (i32, i32) {
    %c0_i32 = arith.constant 0 : i32
    %c0_i32_0 = arith.constant 0 : i32
    %c0_i32_1 = arith.constant 0 : i32
    return %c0_i32, %c0_i32_0 : i32, i32
  }
  func.func @transform_8(%arg0: i32) -> (i32, i32) {
    %c0_i32 = arith.constant 0 : i32
    %c0_i32_0 = arith.constant 0 : i32
    %c0_i32_1 = arith.constant 0 : i32
    return %c0_i32, %c0_i32_0 : i32, i32
  }
  func.func @transform_9(%arg0: i32) -> (i32, i32) {
    %c0_i32 = arith.constant 0 : i32
    %c0_i32_0 = arith.constant 0 : i32
    %c0_i32_1 = arith.constant 0 : i32
    return %c0_i32, %c0_i32_0 : i32, i32
  }
  func.func @transform_10(%arg0: i32) -> (i32, i32) {
    %c0_i32 = arith.constant 0 : i32
    %c0_i32_0 = arith.constant 0 : i32
    %c0_i32_1 = arith.constant 0 : i32
    return %c0_i32, %c0_i32_0 : i32, i32
  }
  func.func @transform_11(%arg0: i32) -> (i32, i32) {
    %c0_i32 = arith.constant 0 : i32
    %c0_i32_0 = arith.constant 0 : i32
    %c0_i32_1 = arith.constant 0 : i32
    return %c0_i32, %c0_i32_0 : i32, i32
  }
  func.func @transform_12(%arg0: i32) -> (i32, i32) {
    %c0_i32 = arith.constant 0 : i32
    %c0_i32_0 = arith.constant 0 : i32
    return %arg0, %c0_i32 : i32, i32
  }
}

</mosaic_0001>

<sc_bundles>
// kernel: kernel.11.cloned.1.call-start
scs
__scs_entry_jumppad:
0x0: {  	(pc) =	sbr.rel $0x88, $3  }
0x1: {  	(tag) =	ssettag $0x0;
	lr =	simm.s32 $0x1  }
0x2: {  	[smem:$0x3F81] =	sst lr;
	_ =	strace $0xD0000000  }
0x3: {  	_ = 	snop  }
0x4: {  	_ = 	snop  }
0x5: {  	_ = 	snop  }
0x6: {  	_ = 	snop  }
0x7: {  	_ = 	snop  }
__scs_overlays_trampoline_lowered:
0x8: {  	[smem:$0x3F90] =	sst s0  }
0x9: {  	[smem:$0x3F91] =	sst s1  }
0xa: {  	[smem:$0x3F92] =	sst s2  }
0xb: {  	[smem:$0x3F93] =	sst s3  }
0xc: {  	[smem:$0x3F94] =	sst s4  }
0xd: {  	[smem:$0x3F95] =	sst s5  }
0xe: {  	[smem:$0x3F96] =	sst s6  }
0xf: {  	[smem:$0x3F97] =	sst s7  }
0x10: {  	[smem:$0x3F98] =	sst s8  }
0x11: {  	[smem:$0x3F99] =	sst s9;
	s0 =	simm.s32 @!p0 $0x0  }
0x12: {  	s1 =	sld [smem:$0x3F7F];
	s0 =	simm.s32 @p0 $0x1  }
0x13: {  	[smem:$0x3F9A] =	sst s0;
	s0 =	simm.s32 @!p1 $0x0  }
0x14: {  	s2 =	sld [smem:$0x3F7E];
	s0 =	simm.s32 @p1 $0x1  }
0x15: {  	[smem:$0x3F9B] =	sst s0;
	s0 =	simm.s32 @!p2 $0x0  }
0x16: {  	s3 =	sld [smem:$0x3FDB];
	s0 =	simm.s32 @p2 $0x1  }
0x17: {  	s4 =	simm.s32 $0x1BF5;
	[smem:$0x3F9D] =	sst s0  }
0x18: {  	s0 =	sld [smem:$0x3F80];
	_ =	swait.ge [sflag:s4], $0x0  }
0x19: {  	s7 =	sld [smem:$0x3F81]  }
0x1a: {  	s8 =	sadd.s32 $0xFFFFE003, lr  }
0x1b: {  	s9 =	sadd.s32 $0xFFFFFEF7, lr;
	s5 =	simm.s32 $0xFFFFFFFF;
	p2 =	slt.u32 s8, $0xFFFFF086  }
0x1c: {  	p1 =	slt.u32 s9, $0xF7A;
	s5 =	simm.s32 @!p2 $0x0  }
0x1d: {  	s5 =	simm.s32 @p1 $0x1;
	p0 =	seq.s32 s7, s2  }
0x1e: {  	s7 =	smul.u32 @!p0 $0xF7A, s2;
	p2 =	seq.s32 @!p0 s5, $0x0  }
0x1f: {  	s9 =	smul.u32 $0xF7A, s1;
	s8 =	simm.s32 @!p0 $0x1BF5;
	p2 =	por !p2, p0  }
0x20: {  	[sflag:s8] =	ssyncset.s32 @!p0 $0xFFFFF086;
	s6 =	sadd.s32 @!p0 s3, s7;
	s7 =	simm.s32 @!p0 $0x108  }
0x21: {  	s3 =	sadd.s32 s3, s9;
	s6 =	sadd.s32 @!p0 $0x88, s6;
	s7 =	simm.s32 @p2 $0x1082  }
0x22: {  	[simem:s7], [sflag:s8] =	dma.local @!p0 [hbm:s6], $0xF7A  }
0x23: {  	s9 =	sor.u32 $0xD0000000, s2;
	s6 =	simm.s32 $0x108;
	_ =	swait.ge @!p0 [sflag:s8], $0x0  }
0x24: {  	s3 =	sadd.s32 $0x88, s3;
	s6 =	simm.s32 @!p1 $0x1082;
	[sflag:s4] =	ssyncset.s32 $0xFFFFF086  }
0x25: {  	[simem:s6], [sflag:s4] =	dma.local [hbm:s3], $0xF7A  }
0x26: {  	[smem:$0x3F81] =	sst s1;
	(tag) =	ssettag s2;
	_ =	strace s9  }
0x27: {  	s1 =	sld [smem:$0x3F91]  }
0x28: {  	s2 =	sld [smem:$0x3F92]  }
0x29: {  	s4 =	sld [smem:$0x3F94]  }
0x2a: {  	p0 =	seq.s32 s5, $0x0;
	s5 =	sld [smem:$0x3F95]  }
0x2b: {  	s6 =	sld [smem:$0x3F96]  }
0x2c: {  	s7 =	sld [smem:$0x3F97]  }
0x2d: {  	s3 =	simm.s32 $0x108;
	s8 =	sld [smem:$0x3F98]  }
0x2e: {  	s3 =	simm.s32 @!p0 $0x1082;
	s9 =	sld [smem:$0x3F99]  }
0x2f: {  	lr =	sadd.s32 s0, s3;
	s0 =	sld [smem:$0x3F90]  }
0x30: {  	s3 =	sld [smem:$0x3F93]  }
0x31: {  	[smem:$0x3F9C] =	sst s10  }
0x32: {  	s10 =	sld [smem:$0x3F9A];
	_ =	sdelay $0x3  }
0x33: {  	p0 =	seq.s32 s10, $0x1;
	s10 =	sld [smem:$0x3F9C];
	_ =	sdelay $0x3  }
0x34: {  	[smem:$0x3F9C] =	sst s10  }
0x35: {  	s10 =	sld [smem:$0x3F9B];
	_ =	sdelay $0x3  }
0x36: {  	p1 =	seq.s32 s10, $0x1;
	s10 =	sld [smem:$0x3F9C];
	_ =	sdelay $0x3  }
0x37: {  	[smem:$0x3F9C] =	sst s10  }
0x38: {  	s10 =	sld [smem:$0x3F9D]  }
0x39: {  	_ = 	snop;
	(pc) =	sbr.ind lr, $3  }
0x3a: {  	_ = 	snop  }
0x3b: {  	_ = 	snop  }
0x3c: {  	p2 =	seq.s32 s10, $0x1;
	s10 =	sld [smem:$0x3F9C]  }
0x3d: {  	_ =	shalt  }
0x3e: {  	_ =	shalt  }
0x3f: {  	_ =	shalt  }
0x40: {  	_ =	shalt  }
0x41: {  	_ =	shalt  }
0x42: {  	_ =	shalt  }
0x43: {  	_ =	shalt  }
0x44: {  	_ =	shalt  }
0x45: {  	_ =	shalt  }
0x46: {  	_ =	shalt  }
0x47: {  	_ =	shalt  }
0x48: {  	_ =	shalt  }
0x49: {  	_ =	shalt  }
0x4a: {  	_ =	shalt  }
0x4b: {  	_ =	shalt  }
0x4c: {  	_ =	shalt  }
0x4d: {  	_ =	shalt  }
0x4e: {  	_ =	shalt  }
0x4f: {  	_ =	shalt  }
0x50: {  	_ =	shalt  }
0x51: {  	_ =	shalt  }
0x52: {  	_ =	shalt  }
0x53: {  	_ =	shalt  }
0x54: {  	_ =	shalt  }
0x55: {  	_ =	shalt  }
0x56: {  	_ =	shalt  }
0x57: {  	_ =	shalt  }
0x58: {  	_ =	shalt  }
0x59: {  	_ =	shalt  }
0x5a: {  	_ =	shalt  }
0x5b: {  	_ =	shalt  }
0x5c: {  	_ =	shalt  }
0x5d: {  	_ =	shalt  }
0x5e: {  	_ =	shalt  }
0x5f: {  	_ =	shalt  }
0x60: {  	_ =	shalt  }
0x61: {  	_ =	shalt  }
0x62: {  	_ =	shalt  }
0x63: {  	_ =	shalt  }
0x64: {  	_ =	shalt  }
0x65: {  	_ =	shalt  }
0x66: {  	_ =	shalt  }
0x67: {  	_ =	shalt  }
0x68: {  	_ =	shalt  }
0x69: {  	_ =	shalt  }
0x6a: {  	_ =	shalt  }
0x6b: {  	_ =	shalt  }
0x6c: {  	_ =	shalt  }
0x6d: {  	_ =	shalt  }
0x6e: {  	_ =	shalt  }
0x6f: {  	_ =	shalt  }
0x70: {  	_ =	shalt  }
0x71: {  	_ =	shalt  }
0x72: {  	_ =	shalt  }
0x73: {  	_ =	shalt  }
0x74: {  	_ =	shalt  }
0x75: {  	_ =	shalt  }
0x76: {  	_ =	shalt  }
0x77: {  	_ =	shalt  }
0x78: {  	_ =	shalt  }
0x79: {  	_ =	shalt  }
0x7a: {  	_ =	shalt  }
0x7b: {  	_ =	shalt  }
0x7c: {  	_ =	shalt  }
0x7d: {  	_ =	shalt  }
0x7e: {  	_ =	shalt  }
0x7f: {  	_ =	shalt  }
0x80: {  	_ =	shalt  }
0x81: {  	_ =	shalt  }
0x82: {  	_ =	shalt  }
0x83: {  	_ =	shalt  }
0x84: {  	_ =	shalt  }
0x85: {  	_ =	shalt  }
0x86: {  	_ =	shalt  }
0x87: {  	_ =	shalt  }
.Lfunc_end0:
.L_simem_size_0:
called_computation.3_lowered:
.L_overlay_start_0:
0x88: {  	s2 =	sld [smem:$0x3FD9]  }
0x89: {  	s3 =	sld [smem:$0x3FFE];
	_ =	sdelay $0x1  }
0x8a: {  	s1 =	srdreg.scid  }
0x8b: {  	s0 =	sand.u32 $0x1, s1  }
0x8c: {  	s14 =	sshll.u32 s0, $0xA;
	s2 =	sadd.s32 s3, s2  }
0x8d: {  	s2 =	sadd.s32 s2, s14  }
0x8e: {  	[smem:$0x3FA8] =	sst s2  }
0x8f: {  	_ = 	snop  }
0x90: {  	s2 =	sld [smem:$0x3FD0];
	_ =	sdelay $0x2  }
0x91: {  	s15 =	simm.s32 $0xB;
	s4 =	simm.s32 $0x10  }
0x92: {  	[smem:s4], [sflag:s15] =	dma.local [hbm:s2], $0x1  }
0x93: {  	_ =	swait.eq [sflag:s15], $0x1  }
0x94: {  	[sflag:s15] =	ssyncset.done $0x0  }
0x95: {  	[sflag:s15] =	ssyncadd.s32 $0xFFFFFFFF  }
0x96: {  	s16 =	sld [smem:$0x11];
	(tm) =	ssettm $0x1  }
0x97: {  	s17 =	sld [smem:$0x3FFB];
	_ =	sdelay $0x3  }
0x98: {  	_ =	strace s17  }
0x99: {  	s3 =	sld [smem:$0x3FFC];
	_ =	sdelay $0x3  }
0x9a: {  	_ =	strace s3  }
0x9b: {  	s3 =	sld [smem:$0x3FFD];
	_ =	sdelay $0x3  }
0x9c: {  	_ =	strace s3  }
0x9d: {  	_ =	strace $0x8FFFFFFF  }
0x9e: {  	s18 =	sld [smem:$0x3FDB];
	_ =	sdelay $0x1  }
0x9f: {  	s19 =	simm.s32 $_scs_section_size  }
0xa0: {  	s5 =	simm.s32 $_size__tile_overlayer_lowered;
	s6 =	simm.s32 $_tile_overlayer_lowered  }
0xa1: {  	s22 =	simm.s32 $0x1BFF;
	s21 =	sshll.u32 s6, $0x1;
	s3 =	sadd.s32 s19, s18  }
0xa2: {  	s7 =	simm.s32 $0x0;
	s20 =	sshll.u32 s5, $0x1;
	s5 =	sadd.s32 s21, s3  }
0xa3: {  	[timem:s7], [sflag:s22] =	dma.local [hbm:s5], s20  }
0xa4: {  	_ =	swait.ge [sflag:s22], s20  }
0xa5: {  	s4 =	ssub.s32 $0x0, s20;
	[sflag:s22] =	ssyncset.done $0x0  }
0xa6: {  	[sflag:s22] =	ssyncadd.s32 s4;
	_ =	sdelay $0x1  }
0xa7: {  	s23 =	simm.s32 $0x1B8B  }
0xa8: {  	_ =	swait.ge [sflag:s23], $0x1  }
0xa9: {  	[sflag:s23] =	ssyncset.done $0x0  }
0xaa: {  	s25 =	simm.s32 $0x1B8E;
	s24 =	sld [smem:$0x3FFE];
	[sflag:s23] =	ssyncadd.s32 $0xFFFFFFFF  }
0xab: {  	s26 =	simm.s32 $execute0_lowered;
	[smem:$0x3FD2] =	sst s25  }
0xac: {  	s5 =	sshll.u32 s26, $0x1;
	_ =	strace $0x8000004F;
	[dreg:$0x1] =	wrdreg $0xFFFFFFFF  }
0xad: {  	s28 =	simm.s32 $_size_execute0_lowered;
	s3 =	sadd.s32 s3, s5;
	[dreg:$0x0] =	wrdreg $0x0  }
0xae: {  	s5 =	sshll.u32 s28, $0x1;
	[dreg:$0x2] =	wrdreg s3  }
0xaf: {  	[dreg:$0x3] =	wrdreg s5  }
0xb0: {  	[dreg:$0x4] =	wrdreg $0xC0  }
0xb1: {  	_ =	task [dreg:s7], $0x5FFFF  }
0xb2: {  	[dreg:$0x1] =	wrdreg $0xFFFFFFFF  }
0xb3: {  	[dreg:$0x0] =	wrdreg $0x60  }
0xb4: {  	[dreg:$0x2] =	wrdreg s16  }
0xb5: {  	[dreg:$0x3] =	wrdreg s24  }
0xb6: {  	[dreg:$0x4] =	wrdreg $0x9  }
0xb7: {  	_ =	task.clear_ibuf [dreg:s7], $0x5FFFF;
	_ =	strace $0x9000004F  }
0xb8: {  	s29 =	simm.s32 $0x9;
	_ =	strace $0x80000051  }
0xb9: {  	_ =	swait.ge [sflag:s29], $0x1  }
0xba: {  	[sflag:s29] =	ssyncadd.s32 $0xFFFFFFFF  }
0xbb: {  	_ =	strace $0x90000051  }
0xbc: {  	_ =	sfence  }
0xbd: {  	s30 =	sld [smem:$0x0];
	_ =	sdelay $0x2  }
0xbe: {  	s31 =	sshll.u32 s1, $0xD;
	s1 =	sshrl.u32 s1, $0x2  }
0xbf: {  	s3 =	sand.u32 $0x4000, s31;
	s1 =	sadd.s32 s1, s30  }
0xc0: {  	s0 =	sor.u32 s3, s0;
	s1 =	sshll.u32 s1, $0x11  }
0xc1: {  	s0 =	sor.u32 s1, s0  }
0xc2: {  	s0 =	sadd.s32 $0x8F2B, s0  }
0xc3: {  	[sflag:s0] =	ssyncadd.remote.s32 $0x1  }
0xc4: {  	_ =	sfence.sel $0xFFFF  }
0xc5: {  	[dreg:$0x0] =	wrdreg $0xFFFFFFFF;
	(pc) =	sbr.abs _section_cstart, $3  }
0xc6: {  	[dreg:$0x1] =	wrdreg $0xFFFFFFFF  }
0xc7: {  	_ =	task.clear_ibuf [dreg:s7], $0x2FFFF;
	_ =	strace $0x9FFFFFFF  }
0xc8: {  	(tm) =	ssettm $0x7FFFFFFF  }
0xc9: {  	_ =	shalt  }
tec
execute0_lowered:
.L_overlay_start_1:
0x0: {  	(tag) =	ssettag $0x1  }
0x1: {  	s0 =	srdreg.scid;
	s8 =	stileid.u32  }
0x2: {  	s6 =	sand.u32 $0x1, s0;
	s24 =	smul.u32 $0x2710, s8  }
0x3: {  	s2 =	rddreg [dreg:$0x0];
	s3 =	simm.s32 $0x0;
	s1 =	smul.u32 $0x1388, s6  }
0x4: {  	[smem:$0x7FF] =	sst s3  }
0x5: {  	s25 =	simm.s32 $0x3400;
	s0 =	sadd.s32 s1, s24;
	s1 =	rddreg [dreg:$0x1]  }
0x6: {  	s26 =	simm.s32 $0x3C00;
	_ =	strace $0x80000050;
	[dreg:$0x5] =	wrdreg s25  }
0x7: {  	s9 =	simm.s32 $0x4800;
	[dreg:$0x6] =	wrdreg s26  }
0x8: {  	s10 =	simm.s32 $0x4C00;
	[dreg:$0x8] =	wrdreg s9  }
0x9: {  	s11 =	simm.s32 $0x5400;
	[dreg:$0x9] =	wrdreg s10  }
0xa: {  	s12 =	simm.s32 $0x5800;
	[dreg:$0xa] =	wrdreg s11  }
0xb: {  	s13 =	simm.s32 $0x6000;
	[dreg:$0xb] =	wrdreg s12  }
0xc: {  	s15 =	simm.s32 $0x6400;
	[dreg:$0xc] =	wrdreg s13  }
0xd: {  	s16 =	simm.s32 $0x6C00;
	[dreg:$0xd] =	wrdreg s15  }
0xe: {  	s17 =	simm.s32 $0x7000;
	[dreg:$0xe] =	wrdreg s16  }
0xf: {  	s18 =	simm.s32 $0x7800;
	[dreg:$0xf] =	wrdreg s17  }
0x10: {  	s19 =	simm.s32 $0x7C00;
	[dreg:$0x10] =	wrdreg s18  }
0x11: {  	s21 =	simm.s32 $0x8400;
	[dreg:$0x11] =	wrdreg s19  }
0x12: {  	s22 =	simm.s32 $0x8800;
	[dreg:$0x12] =	wrdreg s21  }
0x13: {  	s23 =	simm.s32 $0x9000;
	[dreg:$0x13] =	wrdreg s22  }
0x14: {  	[dreg:$0x14] =	wrdreg s23;
	s24 =	simm.s32 $0x9400  }
0x15: {  	s28 =	simm.s32 $0x13800;
	s26 =	simm.s32 $0x9C00;
	[dreg:$0x15] =	wrdreg s24  }
0x16: {  	s29 =	simm.s32 $0x13C00;
	s12 =	simm.s32 $0xA000;
	[dreg:$0x16] =	wrdreg s26  }
0x17: {  	s30 =	simm.s32 $0x14400;
	s13 =	simm.s32 $0xA800;
	[dreg:$0x17] =	wrdreg s12  }
0x18: {  	s31 =	simm.s32 $0x1;
	s15 =	simm.s32 $0xB400;
	[dreg:$0x18] =	wrdreg s13  }
0x19: {  	s14 =	sshll.u32 s8, $0x1;
	s17 =	simm.s32 $0xC400;
	[dreg:$0x1a] =	wrdreg s15  }
0x1a: {  	s18 =	simm.s32 $0xCC00;
	s19 =	simm.s32 $0xD000;
	[dreg:$0x1b] =	wrdreg s17  }
0x1b: {  	s21 =	simm.s32 $0xDC00;
	s22 =	simm.s32 $0xE400;
	[dreg:$0x1c] =	wrdreg s18  }
0x1c: {  	s23 =	simm.s32 $0xE800;
	s0 =	sshrl.u32 s0, $0x3;
	[dreg:$0x1d] =	wrdreg s19  }
0x1d: {  	s5 =	sadd.s32 $0xF8E00, s1;
	s8 =	sadd.s32 $0x83B00, s1;
	[dreg:$0x1f] =	wrdreg s21  }
0x1e: {  	s12 =	simm.s32 $0x2;
	[smem:$0x7F9] =	sst s22;
	s15 =	simm.s32 $0x3000  }
0x1f: {  	[smem:$0x7FA] =	sst s23;
	s24 =	simm.s32 $0xF000;
	s17 =	simm.s32 $0xC000  }
0x20: {  	s26 =	simm.s32 $0xFC00;
	s18 =	simm.s32 $0x10000;
	s19 =	simm.s32 $0x10800  }
0x21: {  	s21 =	simm.s32 $0x11400;
	s22 =	simm.s32 $0x11800;
	s4 =	smul.u32 $0x180, s0  }
0x22: {  	s23 =	simm.s32 $0x12000;
	s0 =	sadd.s32 $0x84BE00, s1;
	[smem:$0x7FB] =	sst s24  }
0x23: {  	[smem:$0x7FD] =	sst s26;
	s24 =	simm.s32 $0x12400;
	s7 =	sadd.s32 s4, s0  }
0x24: {  	s26 =	simm.s32 $0x13000;
	[dreg:$0x3] =	wrdreg s7;
	s7 =	simm.s32 $0x4000  }
0x25: {  	s4 =	sadd.s32 s4, s5;
	[dreg:$0x7] =	wrdreg s7;
	s7 =	sor.u32 s6, s14  }
0x26: {  	[dreg:$0x4] =	wrdreg s4;
	s6 =	ssub.s32 $0x2, s6;
	s7 =	smul.u32 $0x1388, s7  }
0x27: {  	s4 =	sadd.s32 $0x83A00, s1;
	s14 =	simm.s32 $0xAC00;
	s10 =	sshrl.u32 s6, $0x1  }
0x28: {  	[dreg:$0x19] =	wrdreg s14;
	s14 =	simm.s32 $0x2800;
	s9 =	sshrl.u32 s7, $0x3  }
0x29: {  	s11 =	ssub.s32 s6, s10;
	s7 =	sadd.s32 $0x100, s2;
	s20 =	sadd.s32 s9, s1  }
0x2a: {  	s11 =	smax.u32 s11, $0x1;
	s9 =	smul.u32 $0x180, s9;
	s25 =	sadd.s32 $0x30800, s20  }
0x2b: {  	s1 =	simm.s32 $0x0;
	s10 =	sadd.s32 $0x2B800, s20;
	[smem:$0x7F6] =	sst s25  }
0x2c: {  	s20 =	simm.s32 $0xD800;
	[smem:$0x7F7] =	sst s10;
	s16 =	sadd.s32 $0x3A800, s9  }
0x2d: {  	v2 =	vlaneseq.u32;
	[dreg:$0x1e] =	wrdreg s20;
	s25 =	simm.s32 $0xF400;
	s20 =	simm.s32 $0x10C00  }
0x2e: {  	vm0 =	vmmov $0xffff;
	vm1 =	vmmov $0xff;
	v1 =	vshrl.u32 v2, $0x3;
	s5 =	sadd.s32 s5, s16;
	s10 =	sadd.s32 s0, s16;
	[smem:$0x7FC] =	sst s25  }
0x2f: {  	v0 =	vand.u32 $0x7, v2;
	v2 =	vor.u32 $0x8, v2;
	v1 =	vmul.u32 $0x8, v1;
	s16 =	simm.s32 $0xB800;
	s25 =	simm.s32 $0x12C00;
	[smem:$0x7F8] =	sst s5  }
.LBB2_1:
0x30: {  	s0 =	sld [smem:$0x7F6];
	_ =	sdelay $0x2  }
0x31: {  	[tilespmem:s3], [sflag:$0x2] =	stream.linear.gather [hbm4b:s0+s3], $0x1388, $0x38;
	[tilespmem:$0x14800] =	vst v63  }
0x32: {  	_ =	swait.ge [sflag:s12], $0x1388  }
0x33: {  	s13 =	sld [smem:$0x7F7]  }
0x34: {  	[sflag:s12] =	ssyncset.done $0x0  }
0x35: {  	s5 =	simm.s32 $0x1400;
	[sflag:s12] =	ssyncadd.s32 $0xFFFFEC78  }
0x36: {  	[tilespmem:s5], [sflag:$0x2] =	stream.linear.gather [hbm4b:s13+s3], $0x1388, $0x38;
	[tilespmem:$0x14800] =	vst v63  }
0x37: {  	_ =	swait.ge [sflag:s12], $0x1388  }
0x38: {  	s0 =	simm.s32 $0x30;
	[sflag:s12] =	ssyncset.done $0x0  }
0x39: {  	s13 =	simm.s32 $0x1430;
	s5 =	simm.s32 $0x0;
	[sflag:s12] =	ssyncadd.s32 $0xFFFFEC78  }
.LBB2_2:
0x3a: {  	v3 =	vld [tilespmem:s0+$0xFFFFFFD0];
	_ =	sdelay $0x4  }
0x3b: {  	v4 =	vshrl.u32 v3, $0x3  }
0x3c: {  	v4 =	vmul.u32 $0x18, v4  }
0x3d: {  	v3 =	vand.u32 $0x7, v3  }
0x3e: {  	v3 =	vor.u32 v3, v4  }
0x3f: {  	v4 =	vperm.xlane v3, v0;
	_ =	sdelay $0x1  }
0x40: {  	v4 =	vadd.s32 v1, v4;
	_ =	sdelay $0x1  }
0x41: {  	v3 =	vperm.xlane v3, v2;
	_ =	sdelay $0x1  }
0x42: {  	v3 =	vadd.s32 v1, v3  }
0x43: {  	[tilespmem:s14], [sflag:$0x1] =	stream.indirect_vreg.gather [hbm4b:s2+s3], $0x80, v4, vm0, $0xb8;
	[tilespmem:$0x14800] =	vst v63  }
0x44: {  	_ = 	snop  }
0x45: {  	[tilespmem:s15], [sflag:$0x1] =	stream.indirect_vreg.gather [hbm4b:s7+s3], $0x80, v4, vm1, $0xb8;
	[tilespmem:$0x14800] =	vst v63  }
0x46: {  	s6 =	rddreg [dreg:$0x5]  }
0x47: {  	[tilespmem:s6], [sflag:$0x1] =	stream.indirect_vreg.gather [hbm4b:s2+s3], $0x80, v3, vm0, $0xb8;
	[tilespmem:$0x14800] =	vst v63  }
0x48: {  	s9 =	rddreg [dreg:$0x6]  }
0x49: {  	[tilespmem:s9], [sflag:$0x1] =	stream.indirect_vreg.gather [hbm4b:s7+s3], $0x80, v3, vm1, $0xb8;
	[tilespmem:$0x14800] =	vst v63  }
0x4a: {  	v3 =	vld [tilespmem:s0+$0xFFFFFFE0];
	_ =	sdelay $0x4  }
0x4b: {  	v53 =	vshrl.u32 v3, $0x3  }
0x4c: {  	v4 =	vmul.u32 $0x18, v53  }
0x4d: {  	v3 =	vand.u32 $0x7, v3  }
0x4e: {  	v3 =	vor.u32 v3, v4  }
0x4f: {  	v4 =	vperm.xlane v3, v0;
	_ =	sdelay $0x1  }
0x50: {  	v4 =	vadd.s32 v1, v4;
	_ =	sdelay $0x1  }
0x51: {  	v3 =	vperm.xlane v3, v2;
	_ =	sdelay $0x1  }
0x52: {  	s6 =	rddreg [dreg:$0x7];
	v3 =	vadd.s32 v1, v3  }
0x53: {  	[tilespmem:s6], [sflag:$0x1] =	stream.indirect_vreg.gather [hbm4b:s2+s3], $0x80, v4, vm0, $0xb8;
	[tilespmem:$0x14800] =	vst v63  }
0x54: {  	s9 =	rddreg [dreg:$0x8]  }
0x55: {  	[tilespmem:s9], [sflag:$0x1] =	stream.indirect_vreg.gather [hbm4b:s7+s3], $0x80, v4, vm1, $0xb8;
	[tilespmem:$0x14800] =	vst v63  }
0x56: {  	s6 =	rddreg [dreg:$0x9]  }
0x57: {  	[tilespmem:s6], [sflag:$0x1] =	stream.indirect_vreg.gather [hbm4b:s2+s3], $0x80, v3, vm0, $0xb8;
	[tilespmem:$0x14800] =	vst v63  }
0x58: {  	s9 =	rddreg [dreg:$0xa]  }
0x59: {  	[tilespmem:s9], [sflag:$0x1] =	stream.indirect_vreg.gather [hbm4b:s7+s3], $0x80, v3, vm1, $0xb8;
	[tilespmem:$0x14800] =	vst v63  }
0x5a: {  	v3 =	vld [tilespmem:s0+$0xFFFFFFF0];
	_ =	sdelay $0x4  }
0x5b: {  	v54 =	vshrl.u32 v3, $0x3  }
0x5c: {  	v4 =	vmul.u32 $0x18, v54  }
0x5d: {  	v3 =	vand.u32 $0x7, v3  }
0x5e: {  	v3 =	vor.u32 v3, v4  }
0x5f: {  	v4 =	vperm.xlane v3, v0;
	_ =	sdelay $0x1  }
0x60: {  	v4 =	vadd.s32 v1, v4;
	_ =	sdelay $0x1  }
0x61: {  	v3 =	vperm.xlane v3, v2;
	_ =	sdelay $0x1  }
0x62: {  	s6 =	rddreg [dreg:$0xb];
	v3 =	vadd.s32 v1, v3  }
0x63: {  	[tilespmem:s6], [sflag:$0x1] =	stream.indirect_vreg.gather [hbm4b:s2+s3], $0x80, v4, vm0, $0xb8;
	[tilespmem:$0x14800] =	vst v63  }
0x64: {  	s9 =	rddreg [dreg:$0xc]  }
0x65: {  	[tilespmem:s9], [sflag:$0x1] =	stream.indirect_vreg.gather [hbm4b:s7+s3], $0x80, v4, vm1, $0xb8;
	[tilespmem:$0x14800] =	vst v63  }
0x66: {  	s6 =	rddreg [dreg:$0xd]  }
0x67: {  	[tilespmem:s6], [sflag:$0x1] =	stream.indirect_vreg.gather [hbm4b:s2+s3], $0x80, v3, vm0, $0xb8;
	[tilespmem:$0x14800] =	vst v63  }
0x68: {  	s9 =	rddreg [dreg:$0xe]  }
0x69: {  	[tilespmem:s9], [sflag:$0x1] =	stream.indirect_vreg.gather [hbm4b:s7+s3], $0x80, v3, vm1, $0xb8;
	[tilespmem:$0x14800] =	vst v63  }
0x6a: {  	v3 =	vld [tilespmem:s0+$0x0];
	_ =	sdelay $0x4  }
0x6b: {  	v55 =	vshrl.u32 v3, $0x3  }
0x6c: {  	v4 =	vmul.u32 $0x18, v55  }
0x6d: {  	v3 =	vand.u32 $0x7, v3  }
0x6e: {  	v3 =	vor.u32 v3, v4  }
0x6f: {  	v4 =	vperm.xlane v3, v0;
	_ =	sdelay $0x1  }
0x70: {  	v4 =	vadd.s32 v1, v4;
	_ =	sdelay $0x1  }
0x71: {  	v3 =	vperm.xlane v3, v2;
	_ =	sdelay $0x1  }
0x72: {  	s6 =	rddreg [dreg:$0xf];
	v3 =	vadd.s32 v1, v3  }
0x73: {  	[tilespmem:s6], [sflag:$0x1] =	stream.indirect_vreg.gather [hbm4b:s2+s3], $0x80, v4, vm0, $0xb8;
	[tilespmem:$0x14800] =	vst v63  }
0x74: {  	s9 =	rddreg [dreg:$0x10]  }
0x75: {  	[tilespmem:s9], [sflag:$0x1] =	stream.indirect_vreg.gather [hbm4b:s7+s3], $0x80, v4, vm1, $0xb8;
	[tilespmem:$0x14800] =	vst v63  }
0x76: {  	s6 =	rddreg [dreg:$0x11]  }
0x77: {  	[tilespmem:s6], [sflag:$0x1] =	stream.indirect_vreg.gather [hbm4b:s2+s3], $0x80, v3, vm0, $0xb8;
	[tilespmem:$0x14800] =	vst v63  }
0x78: {  	s9 =	rddreg [dreg:$0x12]  }
0x79: {  	[tilespmem:s9], [sflag:$0x1] =	stream.indirect_vreg.gather [hbm4b:s7+s3], $0x80, v3, vm1, $0xb8;
	[tilespmem:$0x14800] =	vst v63  }
0x7a: {  	v3 =	vld [tilespmem:s0+$0x10];
	_ =	sdelay $0x4  }
0x7b: {  	v56 =	vshrl.u32 v3, $0x3  }
0x7c: {  	v4 =	vmul.u32 $0x18, v56  }
0x7d: {  	v3 =	vand.u32 $0x7, v3  }
0x7e: {  	v3 =	vor.u32 v3, v4  }
0x7f: {  	v4 =	vperm.xlane v3, v0;
	_ =	sdelay $0x1  }
0x80: {  	v4 =	vadd.s32 v1, v4;
	_ =	sdelay $0x1  }
0x81: {  	v3 =	vperm.xlane v3, v2;
	_ =	sdelay $0x1  }
0x82: {  	s6 =	rddreg [dreg:$0x13];
	v3 =	vadd.s32 v1, v3  }
0x83: {  	[tilespmem:s6], [sflag:$0x1] =	stream.indirect_vreg.gather [hbm4b:s2+s3], $0x80, v4, vm0, $0xb8;
	[tilespmem:$0x14800] =	vst v63  }
0x84: {  	s9 =	rddreg [dreg:$0x14]  }
0x85: {  	[tilespmem:s9], [sflag:$0x1] =	stream.indirect_vreg.gather [hbm4b:s7+s3], $0x80, v4, vm1, $0xb8;
	[tilespmem:$0x14800] =	vst v63  }
0x86: {  	s6 =	rddreg [dreg:$0x15]  }
0x87: {  	[tilespmem:s6], [sflag:$0x1] =	stream.indirect_vreg.gather [hbm4b:s2+s3], $0x80, v3, vm0, $0xb8;
	[tilespmem:$0x14800] =	vst v63  }
0x88: {  	s9 =	rddreg [dreg:$0x16]  }
0x89: {  	[tilespmem:s9], [sflag:$0x1] =	stream.indirect_vreg.gather [hbm4b:s7+s3], $0x80, v3, vm1, $0xb8;
	[tilespmem:$0x14800] =	vst v63  }
0x8a: {  	v3 =	vld [tilespmem:s0+$0x20];
	_ =	sdelay $0x4  }
0x8b: {  	v57 =	vshrl.u32 v3, $0x3  }
0x8c: {  	v4 =	vmul.u32 $0x18, v57  }
0x8d: {  	v3 =	vand.u32 $0x7, v3  }
0x8e: {  	v3 =	vor.u32 v3, v4  }
0x8f: {  	v4 =	vperm.xlane v3, v0;
	_ =	sdelay $0x1  }
0x90: {  	v4 =	vadd.s32 v1, v4;
	_ =	sdelay $0x1  }
0x91: {  	v3 =	vperm.xlane v3, v2;
	_ =	sdelay $0x1  }
0x92: {  	s6 =	rddreg [dreg:$0x17];
	v3 =	vadd.s32 v1, v3  }
0x93: {  	[tilespmem:s6], [sflag:$0x1] =	stream.indirect_vreg.gather [hbm4b:s2+s3], $0x80, v4, vm0, $0xb8;
	[tilespmem:$0x14800] =	vst v63  }
0x94: {  	s9 =	rddreg [dreg:$0x18]  }
0x95: {  	[tilespmem:s9], [sflag:$0x1] =	stream.indirect_vreg.gather [hbm4b:s7+s3], $0x80, v4, vm1, $0xb8;
	[tilespmem:$0x14800] =	vst v63  }
0x96: {  	s6 =	rddreg [dreg:$0x19]  }
0x97: {  	[tilespmem:s6], [sflag:$0x1] =	stream.indirect_vreg.gather [hbm4b:s2+s3], $0x80, v3, vm0, $0xb8;
	[tilespmem:$0x14800] =	vst v63  }
0x98: {  	s9 =	rddreg [dreg:$0x1a]  }
0x99: {  	[tilespmem:s9], [sflag:$0x1] =	stream.indirect_vreg.gather [hbm4b:s7+s3], $0x80, v3, vm1, $0xb8;
	[tilespmem:$0x14800] =	vst v63  }
0x9a: {  	v3 =	vld [tilespmem:s13+$0xFFFFFFD0];
	_ =	sdelay $0x4  }
0x9b: {  	v58 =	vshrl.u32 v3, $0x3  }
0x9c: {  	v4 =	vmul.u32 $0x18, v58  }
0x9d: {  	v3 =	vand.u32 $0x7, v3  }
0x9e: {  	v3 =	vor.u32 v3, v4  }
0x9f: {  	v4 =	vperm.xlane v3, v0;
	_ =	sdelay $0x1  }
0xa0: {  	v4 =	vadd.s32 v1, v4;
	_ =	sdelay $0x1  }
0xa1: {  	v3 =	vperm.xlane v3, v2;
	_ =	sdelay $0x1  }
0xa2: {  	v3 =	vadd.s32 v1, v3  }
0xa3: {  	[tilespmem:s16], [sflag:$0x1] =	stream.indirect_vreg.gather [hbm4b:s4+s3], $0x80, v4, vm0, $0xb8;
	[tilespmem:$0x14800] =	vst v63  }
0xa4: {  	_ = 	snop  }
0xa5: {  	[tilespmem:s17], [sflag:$0x1] =	stream.indirect_vreg.gather [hbm4b:s8+s3], $0x80, v4, vm1, $0xb8;
	[tilespmem:$0x14800] =	vst v63  }
0xa6: {  	s6 =	rddreg [dreg:$0x1b]  }
0xa7: {  	[tilespmem:s6], [sflag:$0x1] =	stream.indirect_vreg.gather [hbm4b:s4+s3], $0x80, v3, vm0, $0xb8;
	[tilespmem:$0x14800] =	vst v63  }
0xa8: {  	s9 =	rddreg [dreg:$0x1c]  }
0xa9: {  	[tilespmem:s9], [sflag:$0x1] =	stream.indirect_vreg.gather [hbm4b:s8+s3], $0x80, v3, vm1, $0xb8;
	[tilespmem:$0x14800] =	vst v63  }
0xaa: {  	v3 =	vld [tilespmem:s13+$0xFFFFFFE0];
	_ =	sdelay $0x4  }
0xab: {  	v59 =	vshrl.u32 v3, $0x3  }
0xac: {  	v4 =	vmul.u32 $0x18, v59  }
0xad: {  	v3 =	vand.u32 $0x7, v3  }
0xae: {  	v3 =	vor.u32 v3, v4  }
0xaf: {  	v4 =	vperm.xlane v3, v0;
	_ =	sdelay $0x1  }
0xb0: {  	v4 =	vadd.s32 v1, v4;
	_ =	sdelay $0x1  }
0xb1: {  	v3 =	vperm.xlane v3, v2  }
0xb2: {  	s6 =	rddreg [dreg:$0x1d]  }
0xb3: {  	s9 =	rddreg [dreg:$0x1e];
	v3 =	vadd.s32 v1, v3  }
0xb4: {  	[tilespmem:s6], [sflag:$0x1] =	stream.indirect_vreg.gather [hbm4b:s4+s3], $0x80, v4, vm0, $0xb8;
	[tilespmem:$0x14800] =	vst v63  }
0xb5: {  	s6 =	rddreg [dreg:$0x1f]  }
0xb6: {  	[tilespmem:s9], [sflag:$0x1] =	stream.indirect_vreg.gather [hbm4b:s8+s3], $0x80, v4, vm1, $0xb8;
	[tilespmem:$0x14800] =	vst v63  }
0xb7: {  	s9 =	sld [smem:$0x7F9]  }
0xb8: {  	[tilespmem:s6], [sflag:$0x1] =	stream.indirect_vreg.gather [hbm4b:s4+s3], $0x80, v3, vm0, $0xb8;
	[tilespmem:$0x14800] =	vst v63  }
0xb9: {  	_ = 	snop  }
0xba: {  	[tilespmem:s9], [sflag:$0x1] =	stream.indirect_vreg.gather [hbm4b:s8+s3], $0x80, v3, vm1, $0xb8;
	[tilespmem:$0x14800] =	vst v63  }
0xbb: {  	v3 =	vld [tilespmem:s13+$0xFFFFFFF0];
	_ =	sdelay $0x4  }
0xbc: {  	v60 =	vshrl.u32 v3, $0x3  }
0xbd: {  	v4 =	vmul.u32 $0x18, v60  }
0xbe: {  	v3 =	vand.u32 $0x7, v3  }
0xbf: {  	v3 =	vor.u32 v3, v4  }
0xc0: {  	v4 =	vperm.xlane v3, v0;
	_ =	sdelay $0x1  }
0xc1: {  	v4 =	vadd.s32 v1, v4;
	_ =	sdelay $0x1  }
0xc2: {  	s6 =	sld [smem:$0x7FA];
	v3 =	vperm.xlane v3, v2;
	_ =	sdelay $0x1  }
0xc3: {  	s9 =	sld [smem:$0x7FB];
	v3 =	vadd.s32 v1, v3  }
0xc4: {  	[tilespmem:s6], [sflag:$0x1] =	stream.indirect_vreg.gather [hbm4b:s4+s3], $0x80, v4, vm0, $0xb8;
	[tilespmem:$0x14800] =	vst v63  }
0xc5: {  	s6 =	sld [smem:$0x7FC]  }
0xc6: {  	[tilespmem:s9], [sflag:$0x1] =	stream.indirect_vreg.gather [hbm4b:s8+s3], $0x80, v4, vm1, $0xb8;
	[tilespmem:$0x14800] =	vst v63  }
0xc7: {  	s9 =	sld [smem:$0x7FD]  }
0xc8: {  	[tilespmem:s6], [sflag:$0x1] =	stream.indirect_vreg.gather [hbm4b:s4+s3], $0x80, v3, vm0, $0xb8;
	[tilespmem:$0x14800] =	vst v63  }
0xc9: {  	_ = 	snop  }
0xca: {  	[tilespmem:s9], [sflag:$0x1] =	stream.indirect_vreg.gather [hbm4b:s8+s3], $0x80, v3, vm1, $0xb8;
	[tilespmem:$0x14800] =	vst v63  }
0xcb: {  	v3 =	vld [tilespmem:s13+$0x0];
	_ =	sdelay $0x4  }
0xcc: {  	v61 =	vshrl.u32 v3, $0x3  }
0xcd: {  	v4 =	vmul.u32 $0x18, v61  }
0xce: {  	v3 =	vand.u32 $0x7, v3  }
0xcf: {  	v3 =	vor.u32 v3, v4  }
0xd0: {  	v4 =	vperm.xlane v3, v0;
	_ =	sdelay $0x1  }
0xd1: {  	v4 =	vadd.s32 v1, v4;
	_ =	sdelay $0x1  }
0xd2: {  	v3 =	vperm.xlane v3, v2;
	_ =	sdelay $0x1  }
0xd3: {  	v3 =	vadd.s32 v1, v3  }
0xd4: {  	[tilespmem:s18], [sflag:$0x1] =	stream.indirect_vreg.gather [hbm4b:s4+s3], $0x80, v4, vm0, $0xb8;
	[tilespmem:$0x14800] =	vst v63  }
0xd5: {  	_ = 	snop  }
0xd6: {  	[tilespmem:s19], [sflag:$0x1] =	stream.indirect_vreg.gather [hbm4b:s8+s3], $0x80, v4, vm1, $0xb8;
	[tilespmem:$0x14800] =	vst v63  }
0xd7: {  	_ = 	snop  }
0xd8: {  	[tilespmem:s20], [sflag:$0x1] =	stream.indirect_vreg.gather [hbm4b:s4+s3], $0x80, v3, vm0, $0xb8;
	[tilespmem:$0x14800] =	vst v63  }
0xd9: {  	_ = 	snop  }
0xda: {  	[tilespmem:s21], [sflag:$0x1] =	stream.indirect_vreg.gather [hbm4b:s8+s3], $0x80, v3, vm1, $0xb8;
	[tilespmem:$0x14800] =	vst v63  }
0xdb: {  	v3 =	vld [tilespmem:s13+$0x10];
	_ =	sdelay $0x4  }
0xdc: {  	v62 =	vshrl.u32 v3, $0x3  }
0xdd: {  	v4 =	vmul.u32 $0x18, v62  }
0xde: {  	v3 =	vand.u32 $0x7, v3  }
0xdf: {  	v3 =	vor.u32 v3, v4  }
0xe0: {  	v4 =	vperm.xlane v3, v0;
	_ =	sdelay $0x1  }
0xe1: {  	v4 =	vadd.s32 v1, v4;
	_ =	sdelay $0x1  }
0xe2: {  	v3 =	vperm.xlane v3, v2;
	_ =	sdelay $0x1  }
0xe3: {  	v3 =	vadd.s32 v1, v3  }
0xe4: {  	[tilespmem:s22], [sflag:$0x1] =	stream.indirect_vreg.gather [hbm4b:s4+s3], $0x80, v4, vm0, $0xb8;
	[tilespmem:$0x14800] =	vst v63  }
0xe5: {  	_ = 	snop  }
0xe6: {  	[tilespmem:s23], [sflag:$0x1] =	stream.indirect_vreg.gather [hbm4b:s8+s3], $0x80, v4, vm1, $0xb8;
	[tilespmem:$0x14800] =	vst v63  }
0xe7: {  	_ = 	snop  }
0xe8: {  	[tilespmem:s24], [sflag:$0x1] =	stream.indirect_vreg.gather [hbm4b:s4+s3], $0x80, v3, vm0, $0xb8;
	[tilespmem:$0x14800] =	vst v63  }
0xe9: {  	_ = 	snop  }
0xea: {  	[tilespmem:s25], [sflag:$0x1] =	stream.indirect_vreg.gather [hbm4b:s8+s3], $0x80, v3, vm1, $0xb8;
	[tilespmem:$0x14800] =	vst v63  }
0xeb: {  	v3 =	vld [tilespmem:s13+$0x20];
	_ =	sdelay $0x4  }
0xec: {  	v63 =	vshrl.u32 v3, $0x3  }
0xed: {  	v4 =	vmul.u32 $0x18, v63  }
0xee: {  	v3 =	vand.u32 $0x7, v3  }
0xef: {  	v3 =	vor.u32 v3, v4  }
0xf0: {  	v4 =	vperm.xlane v3, v0;
	_ =	sdelay $0x1  }
0xf1: {  	v4 =	vadd.s32 v1, v4;
	_ =	sdelay $0x1  }
0xf2: {  	v3 =	vperm.xlane v3, v2;
	_ =	sdelay $0x1  }
0xf3: {  	v3 =	vadd.s32 v1, v3  }
0xf4: {  	[tilespmem:s26], [sflag:$0x1] =	stream.indirect_vreg.gather [hbm4b:s4+s3], $0x80, v4, vm0, $0xb8;
	[tilespmem:$0x14800] =	vst v63  }
0xf5: {  	_ = 	snop  }
0xf6: {  	[tilespmem:s28], [sflag:$0x1] =	stream.indirect_vreg.gather [hbm4b:s8+s3], $0x80, v4, vm1, $0xb8;
	[tilespmem:$0x14800] =	vst v63  }
0xf7: {  	_ = 	snop  }
0xf8: {  	[tilespmem:s29], [sflag:$0x1] =	stream.indirect_vreg.gather [hbm4b:s4+s3], $0x80, v3, vm0, $0xb8;
	[tilespmem:$0x14800] =	vst v63  }
0xf9: {  	_ = 	snop  }
0xfa: {  	[tilespmem:s30], [sflag:$0x1] =	stream.indirect_vreg.gather [hbm4b:s8+s3], $0x80, v3, vm1, $0xb8;
	[tilespmem:$0x14800] =	vst v63  }
0xfb: {  	_ =	swait.ge [sflag:s31], $0x9000  }
0xfc: {  	[sflag:s31] =	ssyncset.done $0x0  }
0xfd: {  	[sflag:s31] =	ssyncadd.s32 $0xFFFF7000  }
0xfe: {  	_ =	swait.ge [sflag:s31], $0x9000  }
0xff: {  	s9 =	rddreg [dreg:$0x4];
	[sflag:s31] =	ssyncset.done $0x0  }
0x100: {  	[sflag:s31] =	ssyncadd.s32 $0xFFFF7000;
	s6 =	sadd.s32 s5, s9  }
0x101: {  	[hbm4b:s6+s3] =	stream.linear.scatter [tilespmem:s14], [sflag:$0x2], $0x9000, $0x38;
	[tilespmem:$0x14800] =	vst v63  }
0x102: {  	_ =	swait.ge [sflag:s12], $0x9000  }
0x103: {  	p0 =	sne.s32 s5, $0x39600;
	s9 =	rddreg [dreg:$0x3];
	[sflag:s12] =	ssyncset.done $0x0  }
.Ltmp0:
0x104: {  	[sflag:s12] =	ssyncadd.s32 $0xFFFF7000;
	s6 =	sadd.s32 s5, s9;
	(pc) =	sbr.rel @p0 .LBB2_2-.Ltmp0, $4  }
0x105: {  	[hbm4b:s6+s3] =	stream.linear.scatter [tilespmem:s16], [sflag:$0x2], $0x9000, $0x38;
	[tilespmem:$0x14800] =	vst v63  }
0x106: {  	_ =	swait.ge [sflag:s12], $0x9000  }
0x107: {  	s0 =	sadd.s32 $0x60, s0;
	[sflag:s12] =	ssyncset.done $0x0  }
0x108: {  	s13 =	sadd.s32 $0x60, s13;
	s5 =	sadd.s32 $0x1200, s5;
	[sflag:s12] =	ssyncadd.s32 $0xFFFF7000  }
0x109: {  	v3 =	vld.msk [tilespmem:$0x1380], $0xff;
	_ =	sdelay $0x4  }
0x10a: {  	v4 =	vshrl.u32 v3, $0x3  }
0x10b: {  	v4 =	vmul.u32 $0x18, v4  }
0x10c: {  	v3 =	vand.u32 $0x7, v3  }
0x10d: {  	v3 =	vor.u32 v3, v4  }
0x10e: {  	v3 =	vperm.xlane v3, v0;
	_ =	sdelay $0x1  }
0x10f: {  	v3 =	vadd.s32 v1, v3;
	_ =	sdelay $0x4  }
0x110: {  	[tilespmem:s14], [sflag:$0x1] =	stream.indirect_vreg.gather [hbm4b:s2+s3], $0x80, v3, vm0, $0xb8;
	[tilespmem:$0x14800] =	vst v63  }
0x111: {  	_ = 	snop  }
0x112: {  	[tilespmem:s15], [sflag:$0x1] =	stream.indirect_vreg.gather [hbm4b:s7+s3], $0x80, v3, vm1, $0xb8;
	[tilespmem:$0x14800] =	vst v63  }
0x113: {  	v3 =	vld.msk [tilespmem:$0x2780], $0xff;
	_ =	sdelay $0x4  }
0x114: {  	v63 =	vshrl.u32 v3, $0x3  }
0x115: {  	v4 =	vmul.u32 $0x18, v63  }
0x116: {  	v3 =	vand.u32 $0x7, v3  }
0x117: {  	v3 =	vor.u32 v3, v4  }
0x118: {  	v3 =	vperm.xlane v3, v0;
	_ =	sdelay $0x1  }
0x119: {  	v3 =	vadd.s32 v1, v3;
	_ =	sdelay $0x4  }
0x11a: {  	[tilespmem:s16], [sflag:$0x1] =	stream.indirect_vreg.gather [hbm4b:s4+s3], $0x80, v3, vm0, $0xb8;
	[tilespmem:$0x14800] =	vst v63  }
0x11b: {  	_ = 	snop  }
0x11c: {  	[tilespmem:s17], [sflag:$0x1] =	stream.indirect_vreg.gather [hbm4b:s8+s3], $0x80, v3, vm1, $0xb8;
	[tilespmem:$0x14800] =	vst v63  }
0x11d: {  	_ =	swait.ge [sflag:s31], $0xC00  }
0x11e: {  	[sflag:s31] =	ssyncset.done $0x0  }
0x11f: {  	[sflag:s31] =	ssyncadd.s32 $0xFFFFF400  }
0x120: {  	_ =	swait.ge [sflag:s31], $0xC00  }
0x121: {  	s0 =	sld [smem:$0x7F8]  }
0x122: {  	[sflag:s31] =	ssyncset.done $0x0  }
0x123: {  	[sflag:s31] =	ssyncadd.s32 $0xFFFFF400  }
0x124: {  	[hbm4b:s0+s3] =	stream.linear.scatter [tilespmem:s14], [sflag:$0x2], $0xC00, $0x38;
	[tilespmem:$0x14800] =	vst v63  }
0x125: {  	s1 =	sadd.s32 $0x1, s1;
	_ =	swait.ge [sflag:s12], $0xC00  }
0x126: {  	p0 =	sne.s32 s1, s11;
	[sflag:s12] =	ssyncset.done $0x0  }
.Ltmp1:
0x127: {  	[sflag:s12] =	ssyncadd.s32 $0xFFFFF400;
	(pc) =	sbr.rel @p0 .LBB2_1-.Ltmp1, $4  }
0x128: {  	[hbm4b:s10+s3] =	stream.linear.scatter [tilespmem:s16], [sflag:$0x2], $0xC00, $0x38;
	[tilespmem:$0x14800] =	vst v63  }
0x129: {  	_ =	swait.ge [sflag:s12], $0xC00  }
0x12a: {  	[sflag:s12] =	ssyncset.done $0x0  }
0x12b: {  	[sflag:s12] =	ssyncadd.s32 $0xFFFFF400  }
0x12c: {  	_ =	sfence.sel $0x180000  }
0x12d: {  	[bflag:$0x0] =	sbarrier.arrive $0xFFFF  }
0x12e: {  	_ =	strace $0x90000050  }
0x12f: {  	s0 =	stileid.u32;
	[bflag:$0x2] =	sbarrier.arrive $0xFFFF  }
0x130: {  	p0 =	sne.s32 s0, $0x0;
	s0 =	rddreg [dreg:$0x2]  }
0x131: {  	s0 =	sadd.s32 @!p0 $0x100000, s0  }
0x132: {  	[sflag:s0] =	ssyncadd.tile.s32 @!p0 $0x1;
	_ =	shalt  }
.Lfunc_end2:
_tile_overlayer_lowered:
.L_overlay_start_2:
0x133: {  	(tag) =	ssettag $0x2  }
0x134: {  	s0 =	rddreg [dreg:$0x0];
	s2 =	stileid.u32  }
0x135: {  	s1 =	rddreg [dreg:$0x1];
	p0 =	sne.s32 s2, $0x0  }
0x136: {  	s3 =	rddreg [dreg:$0x2];
	[bflag:$0x3] =	sbarrier.arrive $0xFFFF;
	s2 =	simm.s32 @!p0 $0x1C02  }
0x137: {  	[timem:s3], [sflag:s2] =	dma.local @!p0 [hbm:s0], s1  }
0x138: {  	s0 =	simm.s32 @!p0 $0x2  }
0x139: {  	_ =	swait.ge @!p0 [sflag:s0], s1  }
0x13a: {  	s1 =	ssub.s32 @!p0 $0x0, s1;
	[sflag:s0] =	ssyncset.done @!p0 $0x0  }
0x13b: {  	[sflag:s0] =	ssyncadd.s32 @!p0 s1  }
0x13c: {  	[bflag:$0x3] =	sbarrier.arrive $0xFFFF  }
0x13d: {  	_ =	shalt  }

// kernel: kernel.8.cloned.1.call-start
scs
__scs_entry_jumppad:
0x0: {  	(pc) =	sbr.rel $0x88, $3  }
0x1: {  	(tag) =	ssettag $0x0;
	lr =	simm.s32 $0x1  }
0x2: {  	[smem:$0x3F81] =	sst lr;
	_ =	strace $0xD0000000  }
0x3: {  	_ = 	snop  }
0x4: {  	_ = 	snop  }
0x5: {  	_ = 	snop  }
0x6: {  	_ = 	snop  }
0x7: {  	_ = 	snop  }
__scs_overlays_trampoline_lowered:
0x8: {  	[smem:$0x3F90] =	sst s0  }
0x9: {  	[smem:$0x3F91] =	sst s1  }
0xa: {  	[smem:$0x3F92] =	sst s2  }
0xb: {  	[smem:$0x3F93] =	sst s3  }
0xc: {  	[smem:$0x3F94] =	sst s4  }
0xd: {  	[smem:$0x3F95] =	sst s5  }
0xe: {  	[smem:$0x3F96] =	sst s6  }
0xf: {  	[smem:$0x3F97] =	sst s7  }
0x10: {  	[smem:$0x3F98] =	sst s8  }
0x11: {  	[smem:$0x3F99] =	sst s9;
	s0 =	simm.s32 @!p0 $0x0  }
0x12: {  	s1 =	sld [smem:$0x3F7F];
	s0 =	simm.s32 @p0 $0x1  }
0x13: {  	[smem:$0x3F9A] =	sst s0;
	s0 =	simm.s32 @!p1 $0x0  }
0x14: {  	s2 =	sld [smem:$0x3F7E];
	s0 =	simm.s32 @p1 $0x1  }
0x15: {  	[smem:$0x3F9B] =	sst s0;
	s0 =	simm.s32 @!p2 $0x0  }
0x16: {  	s3 =	sld [smem:$0x3FDB];
	s0 =	simm.s32 @p2 $0x1  }
0x17: {  	s4 =	simm.s32 $0x1BF5;
	[smem:$0x3F9D] =	sst s0  }
0x18: {  	s0 =	sld [smem:$0x3F80];
	_ =	swait.ge [sflag:s4], $0x0  }
0x19: {  	s7 =	sld [smem:$0x3F81]  }
0x1a: {  	s8 =	sadd.s32 $0xFFFFE003, lr  }
0x1b: {  	s9 =	sadd.s32 $0xFFFFFEF7, lr;
	s5 =	simm.s32 $0xFFFFFFFF;
	p2 =	slt.u32 s8, $0xFFFFF086  }
0x1c: {  	p1 =	slt.u32 s9, $0xF7A;
	s5 =	simm.s32 @!p2 $0x0  }
0x1d: {  	s5 =	simm.s32 @p1 $0x1;
	p0 =	seq.s32 s7, s2  }
0x1e: {  	s7 =	smul.u32 @!p0 $0xF7A, s2;
	p2 =	seq.s32 @!p0 s5, $0x0  }
0x1f: {  	s9 =	smul.u32 $0xF7A, s1;
	s8 =	simm.s32 @!p0 $0x1BF5;
	p2 =	por !p2, p0  }
0x20: {  	[sflag:s8] =	ssyncset.s32 @!p0 $0xFFFFF086;
	s6 =	sadd.s32 @!p0 s3, s7;
	s7 =	simm.s32 @!p0 $0x108  }
0x21: {  	s3 =	sadd.s32 s3, s9;
	s6 =	sadd.s32 @!p0 $0x88, s6;
	s7 =	simm.s32 @p2 $0x1082  }
0x22: {  	[simem:s7], [sflag:s8] =	dma.local @!p0 [hbm:s6], $0xF7A  }
0x23: {  	s9 =	sor.u32 $0xD0000000, s2;
	s6 =	simm.s32 $0x108;
	_ =	swait.ge @!p0 [sflag:s8], $0x0  }
0x24: {  	s3 =	sadd.s32 $0x88, s3;
	s6 =	simm.s32 @!p1 $0x1082;
	[sflag:s4] =	ssyncset.s32 $0xFFFFF086  }
0x25: {  	[simem:s6], [sflag:s4] =	dma.local [hbm:s3], $0xF7A  }
0x26: {  	[smem:$0x3F81] =	sst s1;
	(tag) =	ssettag s2;
	_ =	strace s9  }
0x27: {  	s1 =	sld [smem:$0x3F91]  }
0x28: {  	s2 =	sld [smem:$0x3F92]  }
0x29: {  	s4 =	sld [smem:$0x3F94]  }
0x2a: {  	p0 =	seq.s32 s5, $0x0;
	s5 =	sld [smem:$0x3F95]  }
0x2b: {  	s6 =	sld [smem:$0x3F96]  }
0x2c: {  	s7 =	sld [smem:$0x3F97]  }
0x2d: {  	s3 =	simm.s32 $0x108;
	s8 =	sld [smem:$0x3F98]  }
0x2e: {  	s3 =	simm.s32 @!p0 $0x1082;
	s9 =	sld [smem:$0x3F99]  }
0x2f: {  	lr =	sadd.s32 s0, s3;
	s0 =	sld [smem:$0x3F90]  }
0x30: {  	s3 =	sld [smem:$0x3F93]  }
0x31: {  	[smem:$0x3F9C] =	sst s10  }
0x32: {  	s10 =	sld [smem:$0x3F9A];
	_ =	sdelay $0x3  }
0x33: {  	p0 =	seq.s32 s10, $0x1;
	s10 =	sld [smem:$0x3F9C];
	_ =	sdelay $0x3  }
0x34: {  	[smem:$0x3F9C] =	sst s10  }
0x35: {  	s10 =	sld [smem:$0x3F9B];
	_ =	sdelay $0x3  }
0x36: {  	p1 =	seq.s32 s10, $0x1;
	s10 =	sld [smem:$0x3F9C];
	_ =	sdelay $0x3  }
0x37: {  	[smem:$0x3F9C] =	sst s10  }
0x38: {  	s10 =	sld [smem:$0x3F9D]  }
0x39: {  	_ = 	snop;
	(pc) =	sbr.ind lr, $3  }
0x3a: {  	_ = 	snop  }
0x3b: {  	_ = 	snop  }
0x3c: {  	p2 =	seq.s32 s10, $0x1;
	s10 =	sld [smem:$0x3F9C]  }
0x3d: {  	_ =	shalt  }
0x3e: {  	_ =	shalt  }
0x3f: {  	_ =	shalt  }
0x40: {  	_ =	shalt  }
0x41: {  	_ =	shalt  }
0x42: {  	_ =	shalt  }
0x43: {  	_ =	shalt  }
0x44: {  	_ =	shalt  }
0x45: {  	_ =	shalt  }
0x46: {  	_ =	shalt  }
0x47: {  	_ =	shalt  }
0x48: {  	_ =	shalt  }
0x49: {  	_ =	shalt  }
0x4a: {  	_ =	shalt  }
0x4b: {  	_ =	shalt  }
0x4c: {  	_ =	shalt  }
0x4d: {  	_ =	shalt  }
0x4e: {  	_ =	shalt  }
0x4f: {  	_ =	shalt  }
0x50: {  	_ =	shalt  }
0x51: {  	_ =	shalt  }
0x52: {  	_ =	shalt  }
0x53: {  	_ =	shalt  }
0x54: {  	_ =	shalt  }
0x55: {  	_ =	shalt  }
0x56: {  	_ =	shalt  }
0x57: {  	_ =	shalt  }
0x58: {  	_ =	shalt  }
0x59: {  	_ =	shalt  }
0x5a: {  	_ =	shalt  }
0x5b: {  	_ =	shalt  }
0x5c: {  	_ =	shalt  }
0x5d: {  	_ =	shalt  }
0x5e: {  	_ =	shalt  }
0x5f: {  	_ =	shalt  }
0x60: {  	_ =	shalt  }
0x61: {  	_ =	shalt  }
0x62: {  	_ =	shalt  }
0x63: {  	_ =	shalt  }
0x64: {  	_ =	shalt  }
0x65: {  	_ =	shalt  }
0x66: {  	_ =	shalt  }
0x67: {  	_ =	shalt  }
0x68: {  	_ =	shalt  }
0x69: {  	_ =	shalt  }
0x6a: {  	_ =	shalt  }
0x6b: {  	_ =	shalt  }
0x6c: {  	_ =	shalt  }
0x6d: {  	_ =	shalt  }
0x6e: {  	_ =	shalt  }
0x6f: {  	_ =	shalt  }
0x70: {  	_ =	shalt  }
0x71: {  	_ =	shalt  }
0x72: {  	_ =	shalt  }
0x73: {  	_ =	shalt  }
0x74: {  	_ =	shalt  }
0x75: {  	_ =	shalt  }
0x76: {  	_ =	shalt  }
0x77: {  	_ =	shalt  }
0x78: {  	_ =	shalt  }
0x79: {  	_ =	shalt  }
0x7a: {  	_ =	shalt  }
0x7b: {  	_ =	shalt  }
0x7c: {  	_ =	shalt  }
0x7d: {  	_ =	shalt  }
0x7e: {  	_ =	shalt  }
0x7f: {  	_ =	shalt  }
0x80: {  	_ =	shalt  }
0x81: {  	_ =	shalt  }
0x82: {  	_ =	shalt  }
0x83: {  	_ =	shalt  }
0x84: {  	_ =	shalt  }
0x85: {  	_ =	shalt  }
0x86: {  	_ =	shalt  }
0x87: {  	_ =	shalt  }
.Lfunc_end0:
.L_simem_size_0:
called_computation.2_lowered:
.L_overlay_start_0:
0x88: {  	s2 =	sld [smem:$0x3FD9]  }
0x89: {  	s3 =	sld [smem:$0x3FFE];
	_ =	sdelay $0x1  }
0x8a: {  	s1 =	srdreg.scid  }
0x8b: {  	s0 =	sand.u32 $0x1, s1  }
0x8c: {  	s14 =	sshll.u32 s0, $0xA;
	s2 =	sadd.s32 s3, s2  }
0x8d: {  	s2 =	sadd.s32 s2, s14  }
0x8e: {  	[smem:$0x3FA8] =	sst s2  }
0x8f: {  	_ = 	snop  }
0x90: {  	s2 =	sld [smem:$0x3FD0];
	_ =	sdelay $0x2  }
0x91: {  	s15 =	simm.s32 $0xB;
	s4 =	simm.s32 $0x10  }
0x92: {  	[smem:s4], [sflag:s15] =	dma.local [hbm:s2], $0x1  }
0x93: {  	_ =	swait.eq [sflag:s15], $0x1  }
0x94: {  	[sflag:s15] =	ssyncset.done $0x0  }
0x95: {  	[sflag:s15] =	ssyncadd.s32 $0xFFFFFFFF  }
0x96: {  	s16 =	sld [smem:$0x11];
	(tm) =	ssettm $0x1  }
0x97: {  	s17 =	sld [smem:$0x3FFB];
	_ =	sdelay $0x3  }
0x98: {  	_ =	strace s17  }
0x99: {  	s3 =	sld [smem:$0x3FFC];
	_ =	sdelay $0x3  }
0x9a: {  	_ =	strace s3  }
0x9b: {  	s3 =	sld [smem:$0x3FFD];
	_ =	sdelay $0x3  }
0x9c: {  	_ =	strace s3  }
0x9d: {  	_ =	strace $0x8FFFFFFF  }
0x9e: {  	s18 =	sld [smem:$0x3FDB];
	_ =	sdelay $0x1  }
0x9f: {  	s19 =	simm.s32 $_scs_section_size  }
0xa0: {  	s5 =	simm.s32 $_size__tile_overlayer_lowered;
	s6 =	simm.s32 $_tile_overlayer_lowered  }
0xa1: {  	s22 =	simm.s32 $0x1BFF;
	s21 =	sshll.u32 s6, $0x1;
	s3 =	sadd.s32 s19, s18  }
0xa2: {  	s7 =	simm.s32 $0x0;
	s20 =	sshll.u32 s5, $0x1;
	s5 =	sadd.s32 s21, s3  }
0xa3: {  	[timem:s7], [sflag:s22] =	dma.local [hbm:s5], s20  }
0xa4: {  	_ =	swait.ge [sflag:s22], s20  }
0xa5: {  	s4 =	ssub.s32 $0x0, s20;
	[sflag:s22] =	ssyncset.done $0x0  }
0xa6: {  	[sflag:s22] =	ssyncadd.s32 s4;
	_ =	sdelay $0x1  }
0xa7: {  	s23 =	simm.s32 $0x1B8B  }
0xa8: {  	_ =	swait.ge [sflag:s23], $0x1  }
0xa9: {  	[sflag:s23] =	ssyncset.done $0x0  }
0xaa: {  	s25 =	simm.s32 $0x1B8E;
	s24 =	sld [smem:$0x3FFE];
	[sflag:s23] =	ssyncadd.s32 $0xFFFFFFFF  }
0xab: {  	s26 =	simm.s32 $execute0_lowered;
	[smem:$0x3FD2] =	sst s25  }
0xac: {  	s5 =	sshll.u32 s26, $0x1;
	_ =	strace $0x80000046;
	[dreg:$0x1] =	wrdreg $0xFFFFFFFF  }
0xad: {  	s28 =	simm.s32 $_size_execute0_lowered;
	s3 =	sadd.s32 s3, s5;
	[dreg:$0x0] =	wrdreg $0x0  }
0xae: {  	s5 =	sshll.u32 s28, $0x1;
	[dreg:$0x2] =	wrdreg s3  }
0xaf: {  	[dreg:$0x3] =	wrdreg s5  }
0xb0: {  	[dreg:$0x4] =	wrdreg $0xC0  }
0xb1: {  	_ =	task [dreg:s7], $0x5FFFF  }
0xb2: {  	[dreg:$0x1] =	wrdreg $0xFFFFFFFF  }
0xb3: {  	[dreg:$0x0] =	wrdreg $0x60  }
0xb4: {  	[dreg:$0x2] =	wrdreg s16  }
0xb5: {  	[dreg:$0x3] =	wrdreg s24  }
0xb6: {  	[dreg:$0x4] =	wrdreg $0x9  }
0xb7: {  	_ =	task.clear_ibuf [dreg:s7], $0x5FFFF;
	_ =	strace $0x90000046  }
0xb8: {  	s29 =	simm.s32 $0x9;
	_ =	strace $0x80000048  }
0xb9: {  	_ =	swait.ge [sflag:s29], $0x1  }
0xba: {  	[sflag:s29] =	ssyncadd.s32 $0xFFFFFFFF  }
0xbb: {  	_ =	strace $0x90000048  }
0xbc: {  	_ =	sfence  }
0xbd: {  	s30 =	sld [smem:$0x0];
	_ =	sdelay $0x2  }
0xbe: {  	s31 =	sshll.u32 s1, $0xD;
	s1 =	sshrl.u32 s1, $0x2  }
0xbf: {  	s3 =	sand.u32 $0x4000, s31;
	s1 =	sadd.s32 s1, s30  }
0xc0: {  	s0 =	sor.u32 s3, s0;
	s1 =	sshll.u32 s1, $0x11  }
0xc1: {  	s0 =	sor.u32 s1, s0  }
0xc2: {  	s0 =	sadd.s32 $0x8F2B, s0  }
0xc3: {  	[sflag:s0] =	ssyncadd.remote.s32 $0x1  }
0xc4: {  	_ =	sfence.sel $0xFFFF  }
0xc5: {  	[dreg:$0x0] =	wrdreg $0xFFFFFFFF;
	(pc) =	sbr.abs _section_cstart, $3  }
0xc6: {  	[dreg:$0x1] =	wrdreg $0xFFFFFFFF  }
0xc7: {  	_ =	task.clear_ibuf [dreg:s7], $0x2FFFF;
	_ =	strace $0x9FFFFFFF  }
0xc8: {  	(tm) =	ssettm $0x7FFFFFFF  }
0xc9: {  	_ =	shalt  }
tec
execute0_lowered:
.L_overlay_start_1:
0x0: {  	(tag) =	ssettag $0x1  }
0x1: {  	s0 =	srdreg.scid;
	s8 =	stileid.u32  }
0x2: {  	s6 =	sand.u32 $0x1, s0;
	s24 =	smul.u32 $0x2710, s8  }
0x3: {  	s2 =	rddreg [dreg:$0x0];
	s3 =	simm.s32 $0x0;
	s1 =	smul.u32 $0x1388, s6  }
0x4: {  	[smem:$0x7FF] =	sst s3  }
0x5: {  	s25 =	simm.s32 $0x3400;
	s0 =	sadd.s32 s1, s24;
	s1 =	rddreg [dreg:$0x1]  }
0x6: {  	s26 =	simm.s32 $0x3C00;
	_ =	strace $0x80000047;
	[dreg:$0x5] =	wrdreg s25  }
0x7: {  	s9 =	simm.s32 $0x4800;
	[dreg:$0x6] =	wrdreg s26  }
0x8: {  	s10 =	simm.s32 $0x4C00;
	[dreg:$0x8] =	wrdreg s9  }
0x9: {  	s11 =	simm.s32 $0x5400;
	[dreg:$0x9] =	wrdreg s10  }
0xa: {  	s12 =	simm.s32 $0x5800;
	[dreg:$0xa] =	wrdreg s11  }
0xb: {  	s13 =	simm.s32 $0x6000;
	[dreg:$0xb] =	wrdreg s12  }
0xc: {  	s15 =	simm.s32 $0x6400;
	[dreg:$0xc] =	wrdreg s13  }
0xd: {  	s16 =	simm.s32 $0x6C00;
	[dreg:$0xd] =	wrdreg s15  }
0xe: {  	s17 =	simm.s32 $0x7000;
	[dreg:$0xe] =	wrdreg s16  }
0xf: {  	s18 =	simm.s32 $0x7800;
	[dreg:$0xf] =	wrdreg s17  }
0x10: {  	s19 =	simm.s32 $0x7C00;
	[dreg:$0x10] =	wrdreg s18  }
0x11: {  	s21 =	simm.s32 $0x8400;
	[dreg:$0x11] =	wrdreg s19  }
0x12: {  	s22 =	simm.s32 $0x8800;
	[dreg:$0x12] =	wrdreg s21  }
0x13: {  	s23 =	simm.s32 $0x9000;
	[dreg:$0x13] =	wrdreg s22  }
0x14: {  	[dreg:$0x14] =	wrdreg s23;
	s24 =	simm.s32 $0x9400  }
0x15: {  	s28 =	simm.s32 $0x13800;
	s26 =	simm.s32 $0x9C00;
	[dreg:$0x15] =	wrdreg s24  }
0x16: {  	s29 =	simm.s32 $0x13C00;
	s12 =	simm.s32 $0xA000;
	[dreg:$0x16] =	wrdreg s26  }
0x17: {  	s30 =	simm.s32 $0x14400;
	s13 =	simm.s32 $0xA800;
	[dreg:$0x17] =	wrdreg s12  }
0x18: {  	s31 =	simm.s32 $0x1;
	s15 =	simm.s32 $0xB400;
	[dreg:$0x18] =	wrdreg s13  }
0x19: {  	s14 =	sshll.u32 s8, $0x1;
	s17 =	simm.s32 $0xC400;
	[dreg:$0x1a] =	wrdreg s15  }
0x1a: {  	s18 =	simm.s32 $0xCC00;
	s19 =	simm.s32 $0xD000;
	[dreg:$0x1b] =	wrdreg s17  }
0x1b: {  	s21 =	simm.s32 $0xDC00;
	s22 =	simm.s32 $0xE400;
	[dreg:$0x1c] =	wrdreg s18  }
0x1c: {  	s23 =	simm.s32 $0xE800;
	s0 =	sshrl.u32 s0, $0x3;
	[dreg:$0x1d] =	wrdreg s19  }
0x1d: {  	s5 =	sadd.s32 $0xAAC00, s1;
	s8 =	sadd.s32 $0x35900, s1;
	[dreg:$0x1f] =	wrdreg s21  }
0x1e: {  	s12 =	simm.s32 $0x2;
	[smem:$0x7F9] =	sst s22;
	s15 =	simm.s32 $0x3000  }
0x1f: {  	[smem:$0x7FA] =	sst s23;
	s24 =	simm.s32 $0xF000;
	s17 =	simm.s32 $0xC000  }
0x20: {  	s26 =	simm.s32 $0xFC00;
	s18 =	simm.s32 $0x10000;
	s19 =	simm.s32 $0x10800  }
0x21: {  	s21 =	simm.s32 $0x11400;
	s22 =	simm.s32 $0x11800;
	s4 =	smul.u32 $0x180, s0  }
0x22: {  	s23 =	simm.s32 $0x12000;
	s0 =	sadd.s32 $0x7FDC00, s1;
	[smem:$0x7FB] =	sst s24  }
0x23: {  	[smem:$0x7FD] =	sst s26;
	s24 =	simm.s32 $0x12400;
	s7 =	sadd.s32 s4, s0  }
0x24: {  	s26 =	simm.s32 $0x13000;
	[dreg:$0x3] =	wrdreg s7;
	s7 =	simm.s32 $0x4000  }
0x25: {  	s4 =	sadd.s32 s4, s5;
	[dreg:$0x7] =	wrdreg s7;
	s7 =	sor.u32 s6, s14  }
0x26: {  	[dreg:$0x4] =	wrdreg s4;
	s6 =	ssub.s32 $0x2, s6;
	s7 =	smul.u32 $0x1388, s7  }
0x27: {  	s4 =	sadd.s32 $0x35800, s1;
	s14 =	simm.s32 $0xAC00;
	s10 =	sshrl.u32 s6, $0x1  }
0x28: {  	[dreg:$0x19] =	wrdreg s14;
	s14 =	simm.s32 $0x2800;
	s9 =	sshrl.u32 s7, $0x3  }
0x29: {  	s11 =	ssub.s32 s6, s10;
	s7 =	sadd.s32 $0x100, s2;
	s20 =	sadd.s32 s9, s1  }
0x2a: {  	s11 =	smax.u32 s11, $0x1;
	s9 =	smul.u32 $0x180, s9;
	s25 =	sadd.s32 $0x30800, s20  }
0x2b: {  	s1 =	simm.s32 $0x0;
	s10 =	sadd.s32 $0x2B800, s20;
	[smem:$0x7F6] =	sst s25  }
0x2c: {  	s20 =	simm.s32 $0xD800;
	[smem:$0x7F7] =	sst s10;
	s16 =	sadd.s32 $0x3A800, s9  }
0x2d: {  	v2 =	vlaneseq.u32;
	[dreg:$0x1e] =	wrdreg s20;
	s25 =	simm.s32 $0xF400;
	s20 =	simm.s32 $0x10C00  }
0x2e: {  	vm0 =	vmmov $0xffff;
	vm1 =	vmmov $0xff;
	v1 =	vshrl.u32 v2, $0x3;
	s5 =	sadd.s32 s5, s16;
	s10 =	sadd.s32 s0, s16;
	[smem:$0x7FC] =	sst s25  }
0x2f: {  	v0 =	vand.u32 $0x7, v2;
	v2 =	vor.u32 $0x8, v2;
	v1 =	vmul.u32 $0x8, v1;
	s16 =	simm.s32 $0xB800;
	s25 =	simm.s32 $0x12C00;
	[smem:$0x7F8] =	sst s5  }
.LBB2_1:
0x30: {  	s0 =	sld [smem:$0x7F6];
	_ =	sdelay $0x2  }
0x31: {  	[tilespmem:s3], [sflag:$0x2] =	stream.linear.gather [hbm4b:s0+s3], $0x1388, $0x38;
	[tilespmem:$0x14800] =	vst v63  }
0x32: {  	_ =	swait.ge [sflag:s12], $0x1388  }
0x33: {  	s13 =	sld [smem:$0x7F7]  }
0x34: {  	[sflag:s12] =	ssyncset.done $0x0  }
0x35: {  	s5 =	simm.s32 $0x1400;
	[sflag:s12] =	ssyncadd.s32 $0xFFFFEC78  }
0x36: {  	[tilespmem:s5], [sflag:$0x2] =	stream.linear.gather [hbm4b:s13+s3], $0x1388, $0x38;
	[tilespmem:$0x14800] =	vst v63  }
0x37: {  	_ =	swait.ge [sflag:s12], $0x1388  }
0x38: {  	s0 =	simm.s32 $0x30;
	[sflag:s12] =	ssyncset.done $0x0  }
0x39: {  	s13 =	simm.s32 $0x1430;
	s5 =	simm.s32 $0x0;
	[sflag:s12] =	ssyncadd.s32 $0xFFFFEC78  }
.LBB2_2:
0x3a: {  	v3 =	vld [tilespmem:s0+$0xFFFFFFD0];
	_ =	sdelay $0x4  }
0x3b: {  	v4 =	vshrl.u32 v3, $0x3  }
0x3c: {  	v4 =	vmul.u32 $0x18, v4  }
0x3d: {  	v3 =	vand.u32 $0x7, v3  }
0x3e: {  	v3 =	vor.u32 v3, v4  }
0x3f: {  	v4 =	vperm.xlane v3, v0;
	_ =	sdelay $0x1  }
0x40: {  	v4 =	vadd.s32 v1, v4;
	_ =	sdelay $0x1  }
0x41: {  	v3 =	vperm.xlane v3, v2;
	_ =	sdelay $0x1  }
0x42: {  	v3 =	vadd.s32 v1, v3  }
0x43: {  	[tilespmem:s14], [sflag:$0x1] =	stream.indirect_vreg.gather [hbm4b:s2+s3], $0x80, v4, vm0, $0xb8;
	[tilespmem:$0x14800] =	vst v63  }
0x44: {  	_ = 	snop  }
0x45: {  	[tilespmem:s15], [sflag:$0x1] =	stream.indirect_vreg.gather [hbm4b:s7+s3], $0x80, v4, vm1, $0xb8;
	[tilespmem:$0x14800] =	vst v63  }
0x46: {  	s6 =	rddreg [dreg:$0x5]  }
0x47: {  	[tilespmem:s6], [sflag:$0x1] =	stream.indirect_vreg.gather [hbm4b:s2+s3], $0x80, v3, vm0, $0xb8;
	[tilespmem:$0x14800] =	vst v63  }
0x48: {  	s9 =	rddreg [dreg:$0x6]  }
0x49: {  	[tilespmem:s9], [sflag:$0x1] =	stream.indirect_vreg.gather [hbm4b:s7+s3], $0x80, v3, vm1, $0xb8;
	[tilespmem:$0x14800] =	vst v63  }
0x4a: {  	v3 =	vld [tilespmem:s0+$0xFFFFFFE0];
	_ =	sdelay $0x4  }
0x4b: {  	v53 =	vshrl.u32 v3, $0x3  }
0x4c: {  	v4 =	vmul.u32 $0x18, v53  }
0x4d: {  	v3 =	vand.u32 $0x7, v3  }
0x4e: {  	v3 =	vor.u32 v3, v4  }
0x4f: {  	v4 =	vperm.xlane v3, v0;
	_ =	sdelay $0x1  }
0x50: {  	v4 =	vadd.s32 v1, v4;
	_ =	sdelay $0x1  }
0x51: {  	v3 =	vperm.xlane v3, v2;
	_ =	sdelay $0x1  }
0x52: {  	s6 =	rddreg [dreg:$0x7];
	v3 =	vadd.s32 v1, v3  }
0x53: {  	[tilespmem:s6], [sflag:$0x1] =	stream.indirect_vreg.gather [hbm4b:s2+s3], $0x80, v4, vm0, $0xb8;
	[tilespmem:$0x14800] =	vst v63  }
0x54: {  	s9 =	rddreg [dreg:$0x8]  }
0x55: {  	[tilespmem:s9], [sflag:$0x1] =	stream.indirect_vreg.gather [hbm4b:s7+s3], $0x80, v4, vm1, $0xb8;
	[tilespmem:$0x14800] =	vst v63  }
0x56: {  	s6 =	rddreg [dreg:$0x9]  }
0x57: {  	[tilespmem:s6], [sflag:$0x1] =	stream.indirect_vreg.gather [hbm4b:s2+s3], $0x80, v3, vm0, $0xb8;
	[tilespmem:$0x14800] =	vst v63  }
0x58: {  	s9 =	rddreg [dreg:$0xa]  }
0x59: {  	[tilespmem:s9], [sflag:$0x1] =	stream.indirect_vreg.gather [hbm4b:s7+s3], $0x80, v3, vm1, $0xb8;
	[tilespmem:$0x14800] =	vst v63  }
0x5a: {  	v3 =	vld [tilespmem:s0+$0xFFFFFFF0];
	_ =	sdelay $0x4  }
0x5b: {  	v54 =	vshrl.u32 v3, $0x3  }
0x5c: {  	v4 =	vmul.u32 $0x18, v54  }
0x5d: {  	v3 =	vand.u32 $0x7, v3  }
0x5e: {  	v3 =	vor.u32 v3, v4  }
0x5f: {  	v4 =	vperm.xlane v3, v0;
	_ =	sdelay $0x1  }
0x60: {  	v4 =	vadd.s32 v1, v4;
	_ =	sdelay $0x1  }
0x61: {  	v3 =	vperm.xlane v3, v2;
	_ =	sdelay $0x1  }
0x62: {  	s6 =	rddreg [dreg:$0xb];
	v3 =	vadd.s32 v1, v3  }
0x63: {  	[tilespmem:s6], [sflag:$0x1] =	stream.indirect_vreg.gather [hbm4b:s2+s3], $0x80, v4, vm0, $0xb8;
	[tilespmem:$0x14800] =	vst v63  }
0x64: {  	s9 =	rddreg [dreg:$0xc]  }
0x65: {  	[tilespmem:s9], [sflag:$0x1] =	stream.indirect_vreg.gather [hbm4b:s7+s3], $0x80, v4, vm1, $0xb8;
	[tilespmem:$0x14800] =	vst v63  }
0x66: {  	s6 =	rddreg [dreg:$0xd]  }
0x67: {  	[tilespmem:s6], [sflag:$0x1] =	stream.indirect_vreg.gather [hbm4b:s2+s3], $0x80, v3, vm0, $0xb8;
	[tilespmem:$0x14800] =	vst v63  }
0x68: {  	s9 =	rddreg [dreg:$0xe]  }
0x69: {  	[tilespmem:s9], [sflag:$0x1] =	stream.indirect_vreg.gather [hbm4b:s7+s3], $0x80, v3, vm1, $0xb8;
	[tilespmem:$0x14800] =	vst v63  }
0x6a: {  	v3 =	vld [tilespmem:s0+$0x0];
	_ =	sdelay $0x4  }
0x6b: {  	v55 =	vshrl.u32 v3, $0x3  }
0x6c: {  	v4 =	vmul.u32 $0x18, v55  }
0x6d: {  	v3 =	vand.u32 $0x7, v3  }
0x6e: {  	v3 =	vor.u32 v3, v4  }
0x6f: {  	v4 =	vperm.xlane v3, v0;
	_ =	sdelay $0x1  }
0x70: {  	v4 =	vadd.s32 v1, v4;
	_ =	sdelay $0x1  }
0x71: {  	v3 =	vperm.xlane v3, v2;
	_ =	sdelay $0x1  }
0x72: {  	s6 =	rddreg [dreg:$0xf];
	v3 =	vadd.s32 v1, v3  }
0x73: {  	[tilespmem:s6], [sflag:$0x1] =	stream.indirect_vreg.gather [hbm4b:s2+s3], $0x80, v4, vm0, $0xb8;
	[tilespmem:$0x14800] =	vst v63  }
0x74: {  	s9 =	rddreg [dreg:$0x10]  }
0x75: {  	[tilespmem:s9], [sflag:$0x1] =	stream.indirect_vreg.gather [hbm4b:s7+s3], $0x80, v4, vm1, $0xb8;
	[tilespmem:$0x14800] =	vst v63  }
0x76: {  	s6 =	rddreg [dreg:$0x11]  }
0x77: {  	[tilespmem:s6], [sflag:$0x1] =	stream.indirect_vreg.gather [hbm4b:s2+s3], $0x80, v3, vm0, $0xb8;
	[tilespmem:$0x14800] =	vst v63  }
0x78: {  	s9 =	rddreg [dreg:$0x12]  }
0x79: {  	[tilespmem:s9], [sflag:$0x1] =	stream.indirect_vreg.gather [hbm4b:s7+s3], $0x80, v3, vm1, $0xb8;
	[tilespmem:$0x14800] =	vst v63  }
0x7a: {  	v3 =	vld [tilespmem:s0+$0x10];
	_ =	sdelay $0x4  }
0x7b: {  	v56 =	vshrl.u32 v3, $0x3  }
0x7c: {  	v4 =	vmul.u32 $0x18, v56  }
0x7d: {  	v3 =	vand.u32 $0x7, v3  }
0x7e: {  	v3 =	vor.u32 v3, v4  }
0x7f: {  	v4 =	vperm.xlane v3, v0;
	_ =	sdelay $0x1  }
0x80: {  	v4 =	vadd.s32 v1, v4;
	_ =	sdelay $0x1  }
0x81: {  	v3 =	vperm.xlane v3, v2;
	_ =	sdelay $0x1  }
0x82: {  	s6 =	rddreg [dreg:$0x13];
	v3 =	vadd.s32 v1, v3  }
0x83: {  	[tilespmem:s6], [sflag:$0x1] =	stream.indirect_vreg.gather [hbm4b:s2+s3], $0x80, v4, vm0, $0xb8;
	[tilespmem:$0x14800] =	vst v63  }
0x84: {  	s9 =	rddreg [dreg:$0x14]  }
0x85: {  	[tilespmem:s9], [sflag:$0x1] =	stream.indirect_vreg.gather [hbm4b:s7+s3], $0x80, v4, vm1, $0xb8;
	[tilespmem:$0x14800] =	vst v63  }
0x86: {  	s6 =	rddreg [dreg:$0x15]  }
0x87: {  	[tilespmem:s6], [sflag:$0x1] =	stream.indirect_vreg.gather [hbm4b:s2+s3], $0x80, v3, vm0, $0xb8;
	[tilespmem:$0x14800] =	vst v63  }
0x88: {  	s9 =	rddreg [dreg:$0x16]  }
0x89: {  	[tilespmem:s9], [sflag:$0x1] =	stream.indirect_vreg.gather [hbm4b:s7+s3], $0x80, v3, vm1, $0xb8;
	[tilespmem:$0x14800] =	vst v63  }
0x8a: {  	v3 =	vld [tilespmem:s0+$0x20];
	_ =	sdelay $0x4  }
0x8b: {  	v57 =	vshrl.u32 v3, $0x3  }
0x8c: {  	v4 =	vmul.u32 $0x18, v57  }
0x8d: {  	v3 =	vand.u32 $0x7, v3  }
0x8e: {  	v3 =	vor.u32 v3, v4  }
0x8f: {  	v4 =	vperm.xlane v3, v0;
	_ =	sdelay $0x1  }
0x90: {  	v4 =	vadd.s32 v1, v4;
	_ =	sdelay $0x1  }
0x91: {  	v3 =	vperm.xlane v3, v2;
	_ =	sdelay $0x1  }
0x92: {  	s6 =	rddreg [dreg:$0x17];
	v3 =	vadd.s32 v1, v3  }
0x93: {  	[tilespmem:s6], [sflag:$0x1] =	stream.indirect_vreg.gather [hbm4b:s2+s3], $0x80, v4, vm0, $0xb8;
	[tilespmem:$0x14800] =	vst v63  }
0x94: {  	s9 =	rddreg [dreg:$0x18]  }
0x95: {  	[tilespmem:s9], [sflag:$0x1] =	stream.indirect_vreg.gather [hbm4b:s7+s3], $0x80, v4, vm1, $0xb8;
	[tilespmem:$0x14800] =	vst v63  }
0x96: {  	s6 =	rddreg [dreg:$0x19]  }
0x97: {  	[tilespmem:s6], [sflag:$0x1] =	stream.indirect_vreg.gather [hbm4b:s2+s3], $0x80, v3, vm0, $0xb8;
	[tilespmem:$0x14800] =	vst v63  }
0x98: {  	s9 =	rddreg [dreg:$0x1a]  }
0x99: {  	[tilespmem:s9], [sflag:$0x1] =	stream.indirect_vreg.gather [hbm4b:s7+s3], $0x80, v3, vm1, $0xb8;
	[tilespmem:$0x14800] =	vst v63  }
0x9a: {  	v3 =	vld [tilespmem:s13+$0xFFFFFFD0];
	_ =	sdelay $0x4  }
0x9b: {  	v58 =	vshrl.u32 v3, $0x3  }
0x9c: {  	v4 =	vmul.u32 $0x18, v58  }
0x9d: {  	v3 =	vand.u32 $0x7, v3  }
0x9e: {  	v3 =	vor.u32 v3, v4  }
0x9f: {  	v4 =	vperm.xlane v3, v0;
	_ =	sdelay $0x1  }
0xa0: {  	v4 =	vadd.s32 v1, v4;
	_ =	sdelay $0x1  }
0xa1: {  	v3 =	vperm.xlane v3, v2;
	_ =	sdelay $0x1  }
0xa2: {  	v3 =	vadd.s32 v1, v3  }
0xa3: {  	[tilespmem:s16], [sflag:$0x1] =	stream.indirect_vreg.gather [hbm4b:s4+s3], $0x80, v4, vm0, $0xb8;
	[tilespmem:$0x14800] =	vst v63  }
0xa4: {  	_ = 	snop  }
0xa5: {  	[tilespmem:s17], [sflag:$0x1] =	stream.indirect_vreg.gather [hbm4b:s8+s3], $0x80, v4, vm1, $0xb8;
	[tilespmem:$0x14800] =	vst v63  }
0xa6: {  	s6 =	rddreg [dreg:$0x1b]  }
0xa7: {  	[tilespmem:s6], [sflag:$0x1] =	stream.indirect_vreg.gather [hbm4b:s4+s3], $0x80, v3, vm0, $0xb8;
	[tilespmem:$0x14800] =	vst v63  }
0xa8: {  	s9 =	rddreg [dreg:$0x1c]  }
0xa9: {  	[tilespmem:s9], [sflag:$0x1] =	stream.indirect_vreg.gather [hbm4b:s8+s3], $0x80, v3, vm1, $0xb8;
	[tilespmem:$0x14800] =	vst v63  }
0xaa: {  	v3 =	vld [tilespmem:s13+$0xFFFFFFE0];
	_ =	sdelay $0x4  }
0xab: {  	v59 =	vshrl.u32 v3, $0x3  }
0xac: {  	v4 =	vmul.u32 $0x18, v59  }
0xad: {  	v3 =	vand.u32 $0x7, v3  }
0xae: {  	v3 =	vor.u32 v3, v4  }
0xaf: {  	v4 =	vperm.xlane v3, v0;
	_ =	sdelay $0x1  }
0xb0: {  	v4 =	vadd.s32 v1, v4;
	_ =	sdelay $0x1  }
0xb1: {  	v3 =	vperm.xlane v3, v2  }
0xb2: {  	s6 =	rddreg [dreg:$0x1d]  }
0xb3: {  	s9 =	rddreg [dreg:$0x1e];
	v3 =	vadd.s32 v1, v3  }
0xb4: {  	[tilespmem:s6], [sflag:$0x1] =	stream.indirect_vreg.gather [hbm4b:s4+s3], $0x80, v4, vm0, $0xb8;
	[tilespmem:$0x14800] =	vst v63  }
0xb5: {  	s6 =	rddreg [dreg:$0x1f]  }
0xb6: {  	[tilespmem:s9], [sflag:$0x1] =	stream.indirect_vreg.gather [hbm4b:s8+s3], $0x80, v4, vm1, $0xb8;
	[tilespmem:$0x14800] =	vst v63  }
0xb7: {  	s9 =	sld [smem:$0x7F9]  }
0xb8: {  	[tilespmem:s6], [sflag:$0x1] =	stream.indirect_vreg.gather [hbm4b:s4+s3], $0x80, v3, vm0, $0xb8;
	[tilespmem:$0x14800] =	vst v63  }
0xb9: {  	_ = 	snop  }
0xba: {  	[tilespmem:s9], [sflag:$0x1] =	stream.indirect_vreg.gather [hbm4b:s8+s3], $0x80, v3, vm1, $0xb8;
	[tilespmem:$0x14800] =	vst v63  }
0xbb: {  	v3 =	vld [tilespmem:s13+$0xFFFFFFF0];
	_ =	sdelay $0x4  }
0xbc: {  	v60 =	vshrl.u32 v3, $0x3  }
0xbd: {  	v4 =	vmul.u32 $0x18, v60  }
0xbe: {  	v3 =	vand.u32 $0x7, v3  }
0xbf: {  	v3 =	vor.u32 v3, v4  }
0xc0: {  	v4 =	vperm.xlane v3, v0;
	_ =	sdelay $0x1  }
0xc1: {  	v4 =	vadd.s32 v1, v4;
	_ =	sdelay $0x1  }
0xc2: {  	s6 =	sld [smem:$0x7FA];
	v3 =	vperm.xlane v3, v2;
	_ =	sdelay $0x1  }
0xc3: {  	s9 =	sld [smem:$0x7FB];
	v3 =	vadd.s32 v1, v3  }
0xc4: {  	[tilespmem:s6], [sflag:$0x1] =	stream.indirect_vreg.gather [hbm4b:s4+s3], $0x80, v4, vm0, $0xb8;
	[tilespmem:$0x14800] =	vst v63  }
0xc5: {  	s6 =	sld [smem:$0x7FC]  }
0xc6: {  	[tilespmem:s9], [sflag:$0x1] =	stream.indirect_vreg.gather [hbm4b:s8+s3], $0x80, v4, vm1, $0xb8;
	[tilespmem:$0x14800] =	vst v63  }
0xc7: {  	s9 =	sld [smem:$0x7FD]  }
0xc8: {  	[tilespmem:s6], [sflag:$0x1] =	stream.indirect_vreg.gather [hbm4b:s4+s3], $0x80, v3, vm0, $0xb8;
	[tilespmem:$0x14800] =	vst v63  }
0xc9: {  	_ = 	snop  }
0xca: {  	[tilespmem:s9], [sflag:$0x1] =	stream.indirect_vreg.gather [hbm4b:s8+s3], $0x80, v3, vm1, $0xb8;
	[tilespmem:$0x14800] =	vst v63  }
0xcb: {  	v3 =	vld [tilespmem:s13+$0x0];
	_ =	sdelay $0x4  }
0xcc: {  	v61 =	vshrl.u32 v3, $0x3  }
0xcd: {  	v4 =	vmul.u32 $0x18, v61  }
0xce: {  	v3 =	vand.u32 $0x7, v3  }
0xcf: {  	v3 =	vor.u32 v3, v4  }
0xd0: {  	v4 =	vperm.xlane v3, v0;
	_ =	sdelay $0x1  }
0xd1: {  	v4 =	vadd.s32 v1, v4;
	_ =	sdelay $0x1  }
0xd2: {  	v3 =	vperm.xlane v3, v2;
	_ =	sdelay $0x1  }
0xd3: {  	v3 =	vadd.s32 v1, v3  }
0xd4: {  	[tilespmem:s18], [sflag:$0x1] =	stream.indirect_vreg.gather [hbm4b:s4+s3], $0x80, v4, vm0, $0xb8;
	[tilespmem:$0x14800] =	vst v63  }
0xd5: {  	_ = 	snop  }
0xd6: {  	[tilespmem:s19], [sflag:$0x1] =	stream.indirect_vreg.gather [hbm4b:s8+s3], $0x80, v4, vm1, $0xb8;
	[tilespmem:$0x14800] =	vst v63  }
0xd7: {  	_ = 	snop  }
0xd8: {  	[tilespmem:s20], [sflag:$0x1] =	stream.indirect_vreg.gather [hbm4b:s4+s3], $0x80, v3, vm0, $0xb8;
	[tilespmem:$0x14800] =	vst v63  }
0xd9: {  	_ = 	snop  }
0xda: {  	[tilespmem:s21], [sflag:$0x1] =	stream.indirect_vreg.gather [hbm4b:s8+s3], $0x80, v3, vm1, $0xb8;
	[tilespmem:$0x14800] =	vst v63  }
0xdb: {  	v3 =	vld [tilespmem:s13+$0x10];
	_ =	sdelay $0x4  }
0xdc: {  	v62 =	vshrl.u32 v3, $0x3  }
0xdd: {  	v4 =	vmul.u32 $0x18, v62  }
0xde: {  	v3 =	vand.u32 $0x7, v3  }
0xdf: {  	v3 =	vor.u32 v3, v4  }
0xe0: {  	v4 =	vperm.xlane v3, v0;
	_ =	sdelay $0x1  }
0xe1: {  	v4 =	vadd.s32 v1, v4;
	_ =	sdelay $0x1  }
0xe2: {  	v3 =	vperm.xlane v3, v2;
	_ =	sdelay $0x1  }
0xe3: {  	v3 =	vadd.s32 v1, v3  }
0xe4: {  	[tilespmem:s22], [sflag:$0x1] =	stream.indirect_vreg.gather [hbm4b:s4+s3], $0x80, v4, vm0, $0xb8;
	[tilespmem:$0x14800] =	vst v63  }
0xe5: {  	_ = 	snop  }
0xe6: {  	[tilespmem:s23], [sflag:$0x1] =	stream.indirect_vreg.gather [hbm4b:s8+s3], $0x80, v4, vm1, $0xb8;
	[tilespmem:$0x14800] =	vst v63  }
0xe7: {  	_ = 	snop  }
0xe8: {  	[tilespmem:s24], [sflag:$0x1] =	stream.indirect_vreg.gather [hbm4b:s4+s3], $0x80, v3, vm0, $0xb8;
	[tilespmem:$0x14800] =	vst v63  }
0xe9: {  	_ = 	snop  }
0xea: {  	[tilespmem:s25], [sflag:$0x1] =	stream.indirect_vreg.gather [hbm4b:s8+s3], $0x80, v3, vm1, $0xb8;
	[tilespmem:$0x14800] =	vst v63  }
0xeb: {  	v3 =	vld [tilespmem:s13+$0x20];
	_ =	sdelay $0x4  }
0xec: {  	v63 =	vshrl.u32 v3, $0x3  }
0xed: {  	v4 =	vmul.u32 $0x18, v63  }
0xee: {  	v3 =	vand.u32 $0x7, v3  }
0xef: {  	v3 =	vor.u32 v3, v4  }
0xf0: {  	v4 =	vperm.xlane v3, v0;
	_ =	sdelay $0x1  }
0xf1: {  	v4 =	vadd.s32 v1, v4;
	_ =	sdelay $0x1  }
0xf2: {  	v3 =	vperm.xlane v3, v2;
	_ =	sdelay $0x1  }
0xf3: {  	v3 =	vadd.s32 v1, v3  }
0xf4: {  	[tilespmem:s26], [sflag:$0x1] =	stream.indirect_vreg.gather [hbm4b:s4+s3], $0x80, v4, vm0, $0xb8;
	[tilespmem:$0x14800] =	vst v63  }
0xf5: {  	_ = 	snop  }
0xf6: {  	[tilespmem:s28], [sflag:$0x1] =	stream.indirect_vreg.gather [hbm4b:s8+s3], $0x80, v4, vm1, $0xb8;
	[tilespmem:$0x14800] =	vst v63  }
0xf7: {  	_ = 	snop  }
0xf8: {  	[tilespmem:s29], [sflag:$0x1] =	stream.indirect_vreg.gather [hbm4b:s4+s3], $0x80, v3, vm0, $0xb8;
	[tilespmem:$0x14800] =	vst v63  }
0xf9: {  	_ = 	snop  }
0xfa: {  	[tilespmem:s30], [sflag:$0x1] =	stream.indirect_vreg.gather [hbm4b:s8+s3], $0x80, v3, vm1, $0xb8;
	[tilespmem:$0x14800] =	vst v63  }
0xfb: {  	_ =	swait.ge [sflag:s31], $0x9000  }
0xfc: {  	[sflag:s31] =	ssyncset.done $0x0  }
0xfd: {  	[sflag:s31] =	ssyncadd.s32 $0xFFFF7000  }
0xfe: {  	_ =	swait.ge [sflag:s31], $0x9000  }
0xff: {  	s9 =	rddreg [dreg:$0x4];
	[sflag:s31] =	ssyncset.done $0x0  }
0x100: {  	[sflag:s31] =	ssyncadd.s32 $0xFFFF7000;
	s6 =	sadd.s32 s5, s9  }
0x101: {  	[hbm4b:s6+s3] =	stream.linear.scatter [tilespmem:s14], [sflag:$0x2], $0x9000, $0x38;
	[tilespmem:$0x14800] =	vst v63  }
0x102: {  	_ =	swait.ge [sflag:s12], $0x9000  }
0x103: {  	p0 =	sne.s32 s5, $0x39600;
	s9 =	rddreg [dreg:$0x3];
	[sflag:s12] =	ssyncset.done $0x0  }
.Ltmp0:
0x104: {  	[sflag:s12] =	ssyncadd.s32 $0xFFFF7000;
	s6 =	sadd.s32 s5, s9;
	(pc) =	sbr.rel @p0 .LBB2_2-.Ltmp0, $4  }
0x105: {  	[hbm4b:s6+s3] =	stream.linear.scatter [tilespmem:s16], [sflag:$0x2], $0x9000, $0x38;
	[tilespmem:$0x14800] =	vst v63  }
0x106: {  	_ =	swait.ge [sflag:s12], $0x9000  }
0x107: {  	s0 =	sadd.s32 $0x60, s0;
	[sflag:s12] =	ssyncset.done $0x0  }
0x108: {  	s13 =	sadd.s32 $0x60, s13;
	s5 =	sadd.s32 $0x1200, s5;
	[sflag:s12] =	ssyncadd.s32 $0xFFFF7000  }
0x109: {  	v3 =	vld.msk [tilespmem:$0x1380], $0xff;
	_ =	sdelay $0x4  }
0x10a: {  	v4 =	vshrl.u32 v3, $0x3  }
0x10b: {  	v4 =	vmul.u32 $0x18, v4  }
0x10c: {  	v3 =	vand.u32 $0x7, v3  }
0x10d: {  	v3 =	vor.u32 v3, v4  }
0x10e: {  	v3 =	vperm.xlane v3, v0;
	_ =	sdelay $0x1  }
0x10f: {  	v3 =	vadd.s32 v1, v3;
	_ =	sdelay $0x4  }
0x110: {  	[tilespmem:s14], [sflag:$0x1] =	stream.indirect_vreg.gather [hbm4b:s2+s3], $0x80, v3, vm0, $0xb8;
	[tilespmem:$0x14800] =	vst v63  }
0x111: {  	_ = 	snop  }
0x112: {  	[tilespmem:s15], [sflag:$0x1] =	stream.indirect_vreg.gather [hbm4b:s7+s3], $0x80, v3, vm1, $0xb8;
	[tilespmem:$0x14800] =	vst v63  }
0x113: {  	v3 =	vld.msk [tilespmem:$0x2780], $0xff;
	_ =	sdelay $0x4  }
0x114: {  	v63 =	vshrl.u32 v3, $0x3  }
0x115: {  	v4 =	vmul.u32 $0x18, v63  }
0x116: {  	v3 =	vand.u32 $0x7, v3  }
0x117: {  	v3 =	vor.u32 v3, v4  }
0x118: {  	v3 =	vperm.xlane v3, v0;
	_ =	sdelay $0x1  }
0x119: {  	v3 =	vadd.s32 v1, v3;
	_ =	sdelay $0x4  }
0x11a: {  	[tilespmem:s16], [sflag:$0x1] =	stream.indirect_vreg.gather [hbm4b:s4+s3], $0x80, v3, vm0, $0xb8;
	[tilespmem:$0x14800] =	vst v63  }
0x11b: {  	_ = 	snop  }
0x11c: {  	[tilespmem:s17], [sflag:$0x1] =	stream.indirect_vreg.gather [hbm4b:s8+s3], $0x80, v3, vm1, $0xb8;
	[tilespmem:$0x14800] =	vst v63  }
0x11d: {  	_ =	swait.ge [sflag:s31], $0xC00  }
0x11e: {  	[sflag:s31] =	ssyncset.done $0x0  }
0x11f: {  	[sflag:s31] =	ssyncadd.s32 $0xFFFFF400  }
0x120: {  	_ =	swait.ge [sflag:s31], $0xC00  }
0x121: {  	s0 =	sld [smem:$0x7F8]  }
0x122: {  	[sflag:s31] =	ssyncset.done $0x0  }
0x123: {  	[sflag:s31] =	ssyncadd.s32 $0xFFFFF400  }
0x124: {  	[hbm4b:s0+s3] =	stream.linear.scatter [tilespmem:s14], [sflag:$0x2], $0xC00, $0x38;
	[tilespmem:$0x14800] =	vst v63  }
0x125: {  	s1 =	sadd.s32 $0x1, s1;
	_ =	swait.ge [sflag:s12], $0xC00  }
0x126: {  	p0 =	sne.s32 s1, s11;
	[sflag:s12] =	ssyncset.done $0x0  }
.Ltmp1:
0x127: {  	[sflag:s12] =	ssyncadd.s32 $0xFFFFF400;
	(pc) =	sbr.rel @p0 .LBB2_1-.Ltmp1, $4  }
0x128: {  	[hbm4b:s10+s3] =	stream.linear.scatter [tilespmem:s16], [sflag:$0x2], $0xC00, $0x38;
	[tilespmem:$0x14800] =	vst v63  }
0x129: {  	_ =	swait.ge [sflag:s12], $0xC00  }
0x12a: {  	[sflag:s12] =	ssyncset.done $0x0  }
0x12b: {  	[sflag:s12] =	ssyncadd.s32 $0xFFFFF400  }
0x12c: {  	_ =	sfence.sel $0x180000  }
0x12d: {  	[bflag:$0x0] =	sbarrier.arrive $0xFFFF  }
0x12e: {  	_ =	strace $0x90000047  }
0x12f: {  	s0 =	stileid.u32;
	[bflag:$0x2] =	sbarrier.arrive $0xFFFF  }
0x130: {  	p0 =	sne.s32 s0, $0x0;
	s0 =	rddreg [dreg:$0x2]  }
0x131: {  	s0 =	sadd.s32 @!p0 $0x100000, s0  }
0x132: {  	[sflag:s0] =	ssyncadd.tile.s32 @!p0 $0x1;
	_ =	shalt  }
.Lfunc_end2:
_tile_overlayer_lowered:
.L_overlay_start_2:
0x133: {  	(tag) =	ssettag $0x2  }
0x134: {  	s0 =	rddreg [dreg:$0x0];
	s2 =	stileid.u32  }
0x135: {  	s1 =	rddreg [dreg:$0x1];
	p0 =	sne.s32 s2, $0x0  }
0x136: {  	s3 =	rddreg [dreg:$0x2];
	[bflag:$0x3] =	sbarrier.arrive $0xFFFF;
	s2 =	simm.s32 @!p0 $0x1C02  }
0x137: {  	[timem:s3], [sflag:s2] =	dma.local @!p0 [hbm:s0], s1  }
0x138: {  	s0 =	simm.s32 @!p0 $0x2  }
0x139: {  	_ =	swait.ge @!p0 [sflag:s0], s1  }
0x13a: {  	s1 =	ssub.s32 @!p0 $0x0, s1;
	[sflag:s0] =	ssyncset.done @!p0 $0x0  }
0x13b: {  	[sflag:s0] =	ssyncadd.s32 @!p0 s1  }
0x13c: {  	[bflag:$0x3] =	sbarrier.arrive $0xFFFF  }
0x13d: {  	_ =	shalt  }

// kernel: scatter_offload_async_start.1
scs
__scs_entry_jumppad:
0x0: {  	(pc) =	sbr.rel $0x88, $3  }
0x1: {  	(tag) =	ssettag $0x0;
	lr =	simm.s32 $0x1  }
0x2: {  	[smem:$0x3F81] =	sst lr;
	_ =	strace $0xD0000000  }
0x3: {  	_ = 	snop  }
0x4: {  	_ = 	snop  }
0x5: {  	_ = 	snop  }
0x6: {  	_ = 	snop  }
0x7: {  	_ = 	snop  }
__scs_overlays_trampoline_lowered:
0x8: {  	[smem:$0x3F90] =	sst s0  }
0x9: {  	[smem:$0x3F91] =	sst s1  }
0xa: {  	[smem:$0x3F92] =	sst s2  }
0xb: {  	[smem:$0x3F93] =	sst s3  }
0xc: {  	[smem:$0x3F94] =	sst s4  }
0xd: {  	[smem:$0x3F95] =	sst s5  }
0xe: {  	[smem:$0x3F96] =	sst s6  }
0xf: {  	[smem:$0x3F97] =	sst s7  }
0x10: {  	[smem:$0x3F98] =	sst s8  }
0x11: {  	[smem:$0x3F99] =	sst s9;
	s0 =	simm.s32 @!p0 $0x0  }
0x12: {  	s1 =	sld [smem:$0x3F7F];
	s0 =	simm.s32 @p0 $0x1  }
0x13: {  	[smem:$0x3F9A] =	sst s0;
	s0 =	simm.s32 @!p1 $0x0  }
0x14: {  	s2 =	sld [smem:$0x3F7E];
	s0 =	simm.s32 @p1 $0x1  }
0x15: {  	[smem:$0x3F9B] =	sst s0;
	s0 =	simm.s32 @!p2 $0x0  }
0x16: {  	s3 =	sld [smem:$0x3FDB];
	s0 =	simm.s32 @p2 $0x1  }
0x17: {  	s4 =	simm.s32 $0x1BF5;
	[smem:$0x3F9D] =	sst s0  }
0x18: {  	s0 =	sld [smem:$0x3F80];
	_ =	swait.ge [sflag:s4], $0x0  }
0x19: {  	s7 =	sld [smem:$0x3F81]  }
0x1a: {  	s8 =	sadd.s32 $0xFFFFE003, lr  }
0x1b: {  	s9 =	sadd.s32 $0xFFFFFEF7, lr;
	s5 =	simm.s32 $0xFFFFFFFF;
	p2 =	slt.u32 s8, $0xFFFFF086  }
0x1c: {  	p1 =	slt.u32 s9, $0xF7A;
	s5 =	simm.s32 @!p2 $0x0  }
0x1d: {  	s5 =	simm.s32 @p1 $0x1;
	p0 =	seq.s32 s7, s2  }
0x1e: {  	s7 =	smul.u32 @!p0 $0xF7A, s2;
	p2 =	seq.s32 @!p0 s5, $0x0  }
0x1f: {  	s9 =	smul.u32 $0xF7A, s1;
	s8 =	simm.s32 @!p0 $0x1BF5;
	p2 =	por !p2, p0  }
0x20: {  	[sflag:s8] =	ssyncset.s32 @!p0 $0xFFFFF086;
	s6 =	sadd.s32 @!p0 s3, s7;
	s7 =	simm.s32 @!p0 $0x108  }
0x21: {  	s3 =	sadd.s32 s3, s9;
	s6 =	sadd.s32 @!p0 $0x88, s6;
	s7 =	simm.s32 @p2 $0x1082  }
0x22: {  	[simem:s7], [sflag:s8] =	dma.local @!p0 [hbm:s6], $0xF7A  }
0x23: {  	s9 =	sor.u32 $0xD0000000, s2;
	s6 =	simm.s32 $0x108;
	_ =	swait.ge @!p0 [sflag:s8], $0x0  }
0x24: {  	s3 =	sadd.s32 $0x88, s3;
	s6 =	simm.s32 @!p1 $0x1082;
	[sflag:s4] =	ssyncset.s32 $0xFFFFF086  }
0x25: {  	[simem:s6], [sflag:s4] =	dma.local [hbm:s3], $0xF7A  }
0x26: {  	[smem:$0x3F81] =	sst s1;
	(tag) =	ssettag s2;
	_ =	strace s9  }
0x27: {  	s1 =	sld [smem:$0x3F91]  }
0x28: {  	s2 =	sld [smem:$0x3F92]  }
0x29: {  	s4 =	sld [smem:$0x3F94]  }
0x2a: {  	p0 =	seq.s32 s5, $0x0;
	s5 =	sld [smem:$0x3F95]  }
0x2b: {  	s6 =	sld [smem:$0x3F96]  }
0x2c: {  	s7 =	sld [smem:$0x3F97]  }
0x2d: {  	s3 =	simm.s32 $0x108;
	s8 =	sld [smem:$0x3F98]  }
0x2e: {  	s3 =	simm.s32 @!p0 $0x1082;
	s9 =	sld [smem:$0x3F99]  }
0x2f: {  	lr =	sadd.s32 s0, s3;
	s0 =	sld [smem:$0x3F90]  }
0x30: {  	s3 =	sld [smem:$0x3F93]  }
0x31: {  	[smem:$0x3F9C] =	sst s10  }
0x32: {  	s10 =	sld [smem:$0x3F9A];
	_ =	sdelay $0x3  }
0x33: {  	p0 =	seq.s32 s10, $0x1;
	s10 =	sld [smem:$0x3F9C];
	_ =	sdelay $0x3  }
0x34: {  	[smem:$0x3F9C] =	sst s10  }
0x35: {  	s10 =	sld [smem:$0x3F9B];
	_ =	sdelay $0x3  }
0x36: {  	p1 =	seq.s32 s10, $0x1;
	s10 =	sld [smem:$0x3F9C];
	_ =	sdelay $0x3  }
0x37: {  	[smem:$0x3F9C] =	sst s10  }
0x38: {  	s10 =	sld [smem:$0x3F9D]  }
0x39: {  	_ = 	snop;
	(pc) =	sbr.ind lr, $3  }
0x3a: {  	_ = 	snop  }
0x3b: {  	_ = 	snop  }
0x3c: {  	p2 =	seq.s32 s10, $0x1;
	s10 =	sld [smem:$0x3F9C]  }
0x3d: {  	_ =	shalt  }
0x3e: {  	_ =	shalt  }
0x3f: {  	_ =	shalt  }
0x40: {  	_ =	shalt  }
0x41: {  	_ =	shalt  }
0x42: {  	_ =	shalt  }
0x43: {  	_ =	shalt  }
0x44: {  	_ =	shalt  }
0x45: {  	_ =	shalt  }
0x46: {  	_ =	shalt  }
0x47: {  	_ =	shalt  }
0x48: {  	_ =	shalt  }
0x49: {  	_ =	shalt  }
0x4a: {  	_ =	shalt  }
0x4b: {  	_ =	shalt  }
0x4c: {  	_ =	shalt  }
0x4d: {  	_ =	shalt  }
0x4e: {  	_ =	shalt  }
0x4f: {  	_ =	shalt  }
0x50: {  	_ =	shalt  }
0x51: {  	_ =	shalt  }
0x52: {  	_ =	shalt  }
0x53: {  	_ =	shalt  }
0x54: {  	_ =	shalt  }
0x55: {  	_ =	shalt  }
0x56: {  	_ =	shalt  }
0x57: {  	_ =	shalt  }
0x58: {  	_ =	shalt  }
0x59: {  	_ =	shalt  }
0x5a: {  	_ =	shalt  }
0x5b: {  	_ =	shalt  }
0x5c: {  	_ =	shalt  }
0x5d: {  	_ =	shalt  }
0x5e: {  	_ =	shalt  }
0x5f: {  	_ =	shalt  }
0x60: {  	_ =	shalt  }
0x61: {  	_ =	shalt  }
0x62: {  	_ =	shalt  }
0x63: {  	_ =	shalt  }
0x64: {  	_ =	shalt  }
0x65: {  	_ =	shalt  }
0x66: {  	_ =	shalt  }
0x67: {  	_ =	shalt  }
0x68: {  	_ =	shalt  }
0x69: {  	_ =	shalt  }
0x6a: {  	_ =	shalt  }
0x6b: {  	_ =	shalt  }
0x6c: {  	_ =	shalt  }
0x6d: {  	_ =	shalt  }
0x6e: {  	_ =	shalt  }
0x6f: {  	_ =	shalt  }
0x70: {  	_ =	shalt  }
0x71: {  	_ =	shalt  }
0x72: {  	_ =	shalt  }
0x73: {  	_ =	shalt  }
0x74: {  	_ =	shalt  }
0x75: {  	_ =	shalt  }
0x76: {  	_ =	shalt  }
0x77: {  	_ =	shalt  }
0x78: {  	_ =	shalt  }
0x79: {  	_ =	shalt  }
0x7a: {  	_ =	shalt  }
0x7b: {  	_ =	shalt  }
0x7c: {  	_ =	shalt  }
0x7d: {  	_ =	shalt  }
0x7e: {  	_ =	shalt  }
0x7f: {  	_ =	shalt  }
0x80: {  	_ =	shalt  }
0x81: {  	_ =	shalt  }
0x82: {  	_ =	shalt  }
0x83: {  	_ =	shalt  }
0x84: {  	_ =	shalt  }
0x85: {  	_ =	shalt  }
0x86: {  	_ =	shalt  }
0x87: {  	_ =	shalt  }
.Lfunc_end0:
.L_simem_size_0:
called_computation.1_lowered:
.L_overlay_start_0:
0x88: {  	s0 =	sld [smem:$0x3FD9]  }
0x89: {  	s1 =	sld [smem:$0x3FFE];
	_ =	sdelay $0x3  }
0x8a: {  	s0 =	sadd.s32 s1, s0  }
0x8b: {  	[smem:$0x3FA8] =	sst s0  }
0x8c: {  	_ = 	snop  }
0x8d: {  	s0 =	sld [smem:$0x3FD0];
	_ =	sdelay $0x2  }
0x8e: {  	s13 =	simm.s32 $0xB;
	s2 =	simm.s32 $0x10  }
0x8f: {  	[smem:s2], [sflag:s13] =	dma.local [hbm:s0], $0x1  }
0x90: {  	_ =	swait.eq [sflag:s13], $0x1  }
0x91: {  	[sflag:s13] =	ssyncset.done $0x0  }
0x92: {  	[sflag:s13] =	ssyncadd.s32 $0xFFFFFFFF  }
0x93: {  	s14 =	sld [smem:$0x11];
	(tm) =	ssettm $0x1  }
0x94: {  	s15 =	sld [smem:$0x3FFB];
	_ =	sdelay $0x3  }
0x95: {  	_ =	strace s15  }
0x96: {  	s1 =	sld [smem:$0x3FFC];
	_ =	sdelay $0x3  }
0x97: {  	_ =	strace s1  }
0x98: {  	s1 =	sld [smem:$0x3FFD];
	_ =	sdelay $0x3  }
0x99: {  	_ =	strace s1  }
0x9a: {  	_ =	strace $0x8FFFFFFF  }
0x9b: {  	s16 =	sld [smem:$0x3FDB];
	_ =	sdelay $0x1  }
0x9c: {  	s17 =	simm.s32 $_scs_section_size  }
0x9d: {  	s3 =	simm.s32 $_size__tile_overlayer_lowered;
	s4 =	simm.s32 $_tile_overlayer_lowered  }
0x9e: {  	s20 =	simm.s32 $0x1BFF;
	s19 =	sshll.u32 s4, $0x1;
	s1 =	sadd.s32 s17, s16  }
0x9f: {  	s5 =	simm.s32 $0x0;
	s18 =	sshll.u32 s3, $0x1;
	s3 =	sadd.s32 s19, s1  }
0xa0: {  	[timem:s5], [sflag:s20] =	dma.local [hbm:s3], s18  }
0xa1: {  	_ =	swait.ge [sflag:s20], s18  }
0xa2: {  	s2 =	ssub.s32 $0x0, s18;
	[sflag:s20] =	ssyncset.done $0x0  }
0xa3: {  	[sflag:s20] =	ssyncadd.s32 s2;
	_ =	sdelay $0x1  }
0xa4: {  	s21 =	simm.s32 $0x1B8B  }
0xa5: {  	_ =	swait.ge [sflag:s21], $0x1  }
0xa6: {  	[sflag:s21] =	ssyncset.done $0x0  }
0xa7: {  	s23 =	simm.s32 $0x1B8E;
	s22 =	sld [smem:$0x3FFE];
	[sflag:s21] =	ssyncadd.s32 $0xFFFFFFFF  }
0xa8: {  	s24 =	simm.s32 $execute0_lowered;
	[smem:$0x3FD2] =	sst s23  }
0xa9: {  	s3 =	sshll.u32 s24, $0x1;
	_ =	strace $0x80000049;
	[dreg:$0x1] =	wrdreg $0xFFFFFFFF  }
0xaa: {  	s25 =	simm.s32 $_size_execute0_lowered;
	s1 =	sadd.s32 s1, s3;
	[dreg:$0x0] =	wrdreg $0x0  }
0xab: {  	s3 =	sshll.u32 s25, $0x1;
	[dreg:$0x2] =	wrdreg s1  }
0xac: {  	[dreg:$0x3] =	wrdreg s3  }
0xad: {  	[dreg:$0x4] =	wrdreg $0xC0  }
0xae: {  	_ =	task [dreg:s5], $0x5FFFF  }
0xaf: {  	[dreg:$0x1] =	wrdreg $0xFFFFFFFF  }
0xb0: {  	[dreg:$0x0] =	wrdreg $0x60  }
0xb1: {  	[dreg:$0x2] =	wrdreg s14  }
0xb2: {  	[dreg:$0x3] =	wrdreg s22  }
0xb3: {  	[dreg:$0x4] =	wrdreg $0xA  }
0xb4: {  	_ =	task.clear_ibuf [dreg:s5], $0x5FFFF;
	_ =	strace $0x90000049  }
0xb5: {  	s26 =	simm.s32 $0xA;
	_ =	strace $0x8000004B  }
0xb6: {  	_ =	swait.ge [sflag:s26], $0x1  }
0xb7: {  	[sflag:s26] =	ssyncadd.s32 $0xFFFFFFFF  }
0xb8: {  	_ =	strace $0x9000004B  }
0xb9: {  	_ =	sfence  }
0xba: {  	s28 =	sld [smem:$0x0];
	_ =	sdelay $0x1  }
0xbb: {  	s29 =	srdreg.scid  }
0xbc: {  	s30 =	sshll.u32 s29, $0xD;
	s31 =	sshrl.u32 s29, $0x2  }
0xbd: {  	s2 =	sand.u32 $0x4000, s30;
	s1 =	sand.u32 $0x1, s29;
	s0 =	sadd.s32 s31, s28  }
0xbe: {  	s1 =	sor.u32 s2, s1;
	s0 =	sshll.u32 s0, $0x11  }
0xbf: {  	s0 =	sor.u32 s0, s1  }
0xc0: {  	s0 =	sadd.s32 $0x8F2B, s0  }
0xc1: {  	[sflag:s0] =	ssyncadd.remote.s32 $0x1  }
0xc2: {  	_ =	sfence.sel $0xFFFF  }
0xc3: {  	[dreg:$0x0] =	wrdreg $0xFFFFFFFF;
	(pc) =	sbr.abs _section_cstart, $3  }
0xc4: {  	[dreg:$0x1] =	wrdreg $0xFFFFFFFF  }
0xc5: {  	_ =	task.clear_ibuf [dreg:s5], $0x2FFFF;
	_ =	strace $0x9FFFFFFF  }
0xc6: {  	(tm) =	ssettm $0x7FFFFFFF  }
0xc7: {  	_ =	shalt  }
tec
execute0_lowered:
.L_overlay_start_1:
0x0: {  	(tag) =	ssettag $0x1  }
0x1: {  	s1 =	rddreg [dreg:$0x0]  }
0x2: {  	s0 =	rddreg [dreg:$0x1];
	s14 =	stileid.u32  }
0x3: {  	_ =	strace $0x8000004A;
	s2 =	simm.s32 $0x1;
	s3 =	smin.u32 s14, $0x4  }
0x4: {  	v1 =	vimm.s32 $0xFFFFFFFF;
	[sflag:s2] =	ssyncpa.u1 $0x0;
	s3 =	sadd.s32 s14, s3  }
0x5: {  	s4 =	simm.s32 $0x3E80;
	p0 =	slt.u32 s14, $0x4;
	[tilespmem:$0x10] =	vst v1;
	s3 =	smul.u32 $0x1F40, s3  }
0x6: {  	v0 =	vimm.f32 $0.0e+00;
	[tilespmem:$0x20] =	vst v1;
	s4 =	simm.s32 @!p0 $0x1F40  }
0x7: {  	[tilespmem:$0x30] =	vst v0;
	s4 =	sadd.s32 s4, s3  }
0x8: {  	[tilespmem:$0x40] =	vst v0;
	s4 =	smin.u32 s4, $0x27100  }
0x9: {  	[tilespmem:$0x50] =	vst v0;
	s9 =	ssub.s32 s4, s3  }
0xa: {  	s7 =	simm.s32 $0x2;
	[tilespmem:$0x60] =	vst v1;
	p0 =	sgt.s32 s9, $0x0  }
0xb: {  	s8 =	simm.s32 $0x8;
	s31 =	simm.s32 $0x9;
	[tilespmem:$0x70] =	vst v1;
	s9 =	simm.s32 @!p0 $0x0  }
0xc: {  	s16 =	simm.s32 $0x0;
	s17 =	simm.s32 $0xF0;
	[tilespmem:$0x80] =	vst v1;
	s5 =	smulhi.u32 $0x10624DD3, s9  }
0xd: {  	s18 =	simm.s32 $0xFFFFFFFF;
	s19 =	simm.s32 $0xFFFFC280;
	s20 =	simm.s32 $0xFFFFFFFE;
	v1 =	vimm.s32 $0x0;
	[tilespmem:$0xB0] =	vst v0  }
0xe: {  	s21 =	simm.s32 $0xF;
	s25 =	simm.s32 $0x0;
	[tilespmem:$0x90] =	vst v1;
	s10 =	sshrl.u32 s5, $0x9  }
0xf: {  	[tilespmem:$0xA0] =	vst v1;
	[sflag:s7] =	ssyncpa.u1 $0x0;
	s7 =	simm.s32 $0x7;
	s11 =	smul.u32 $0x1F40, s10  }
0x10: {  	s24 =	simm.s32 $0x0;
	s6 =	sadd.s32 $0xF5FC00, s0;
	[sflag:s7] =	ssyncpa.u1 $0x0  }
.Ltmp0:
0x11: {  	[sflag:s8] =	ssyncpa.u1 $0x0;
	p0 =	sne.s32 s9, s11;
	(pc) =	sbr.rel .LBB2_1-.Ltmp0, $4  }
0x12: {  	s23 =	smov.u32 s3;
	[sflag:s31] =	ssyncpa.u1 $0x0;
	s2 =	simm.s32 @!p0 $0x0  }
0x13: {  	s5 =	sadd.s32 $0xF5AC00, s0;
	p0 =	por $0x0, $0x0;
	s9 =	sadd.s32 s2, s10  }
0x14: {  	vm0 =	vmmov $0xffff;
	v2 =	vlaneseq.u32;
	s10 =	sshll.u32 s14, $0x1;
	s14 =	sshllo.u32 s14, $0x1;
	s11 =	sadd.s32 $0x1, s9  }
0x15: {  	vm1 =	vmxor vm1, vm1;
	vm2 =	vmmov $0x1;
	vm3 =	vcmask $0x3F3C;
	s12 =	sadd.s32 $0x2, s9;
	s13 =	sor.u32 $0x81, s10;
	s15 =	sor.u32 $0x80, s10  }
.LBB2_9:
0x16: {  	p1 =	slt.u32 s24, $0x3  }
0x17: {  	s0 =	simm.s32 @!p1 $0x2  }
0x18: {  	_ =	swait.ge @!p1 [sflag:s0], $0x1F40  }
0x19: {  	[sflag:s0] =	ssyncset.done @!p1 $0x0  }
0x1a: {  	[sflag:s0] =	ssyncadd.s32 @!p1 $0xFFFFE0C0;
	s0 =	simm.s32 @!p1 $0x9  }
0x1b: {  	_ =	swait.ge @!p1 [sflag:s0], $0x10  }
0x1c: {  	[sflag:s0] =	ssyncset.done @!p1 $0x0  }
0x1d: {  	[sflag:s0] =	ssyncadd.s32 @!p1 $0xFFFFFFF0;
	p1 =	sne.s32 s24, s12  }
.Ltmp1:
0x1e: {  	s2 =	sadd.s32 $0x1F40, s23;
	(pc) =	sbr.rel @!p1 .LBB2_10-.Ltmp1, $4  }
0x1f: {  	s22 =	smov.u32 s3;
	s31 =	sadd.s32 $0x1, s24;
	s17 =	sadd.s32 $0x1F40, s17  }
0x20: {  	s18 =	sadd.s32 $0x1, s18;
	s25 =	smov.u32 s23;
	p2 =	slt.s32 s2, s4  }
0x21: {  	p0 =	por !p0, !p0;
	s19 =	sadd.s32 $0x1F40, s19;
	s22 =	smov.u32 @p2 s2  }
0x22: {  	s20 =	sadd.s32 $0x1, s20;
	s23 =	smov.u32 s22;
	s24 =	smov.u32 s31  }
.LBB2_1:
0x23: {  	p1 =	sge.u32 s24, s9  }
0x24: {  	s0 =	smulhi.u32 @!p1 $0xAAAAAAAB, s24;
	_ =	sdelay $0x1  }
0x25: {  	s0 =	sshrl.u32 @!p1 s0, $0x1  }
0x26: {  	s0 =	smul.u32 @!p1 $0x3, s0;
	_ =	sdelay $0x1  }
0x27: {  	s0 =	ssub.s32 @!p1 s24, s0  }
0x28: {  	s0 =	smul.u32 @!p1 $0x7D00, s0;
	_ =	sdelay $0x1  }
0x29: {  	s2 =	sshrl.u32 @!p1 s23, $0x3;
	s0 =	sshrl.u32 @!p1 s0, $0x2  }
0x2a: {  	s22 =	sand.u32 @!p1 $0x7, s23;
	s2 =	sadd.s32 @!p1 s5, s2;
	s0 =	sadd.s32 @!p1 $0x100, s0  }
0x2b: {  	[tilespmem:s0], [sflag:$0x7] =	stream.linear.gather @!p1 [hbm4b:s2+s22], $0x1F40, $0x38;
	[tilespmem:$0x11A60] =	vst v63  }
0x2c: {  	s0 =	sadd.s32 $0xFFFFFFFF, s24  }
0x2d: {  	p1 =	sge.u32 s0, s9  }
.Ltmp2:
0x2e: {  	_ = 	snop;
	(pc) =	sbr.rel @p1 .LBB2_5-.Ltmp2, $1  }
0x2f: {  	_ =	sdelay $0x3  }
0x30: {  	s2 =	smulhi.u32 $0xAAAAAAAB, s0;
	_ =	sdelay $0x1  }
0x31: {  	s2 =	sshrl.u32 s2, $0x1  }
0x32: {  	s2 =	smul.u32 $0x3, s2;
	_ =	sdelay $0x1  }
0x33: {  	s2 =	ssub.s32 s0, s2  }
0x34: {  	s2 =	smul.u32 $0x7D00, s2  }
0x35: {  	_ =	swait.ge [sflag:s7], $0x1F40  }
0x36: {  	[sflag:s7] =	ssyncset.done $0x0;
	s2 =	sshrl.u32 s2, $0x2  }
0x37: {  	[sflag:s7] =	ssyncadd.s32 $0xFFFFE0C0;
	(ifvalue) =	ssetifvalue $0xFFFFFFFF;
	v3 =	vld.msk [tilespmem:s2+$0x100 ss:$0x1], $0xffff;
	_ =	sdelay $0x2  }
0x38: {  	s30 =	smulhi.u32 $0xAAAAAAAB, s18;
	p1 =	sne.s32 s24, $0x1  }
0x39: {  	v4 =	vimm.s32 @!p1 $0x0  }
0x3a: {  	s2 =	sshrl.u32 s30, $0x1;
	v4 =	vperm.xlane @!p1 v3, v4  }
0x3b: {  	s22 =	sshll.u32 s24, $0x4;
	s2 =	smul.u32 $0xFFFE8900, s2;
	vm4 =	vlt.u32 v3, $0x2800  }
0x3c: {  	s22 =	sand.u32 $0x10, s22;
	v3 =	vnsel vm4, $0xFFFFFFFE, v3;
	vm4 =	vlt.u32 @!p1 v4, $0x2800  }
0x3d: {  	s2 =	sshra.s32 s2, $0x2;
	[tilespmem:s22+$0x60] =	vst v3;
	v3 =	vnsel @!p1 vm4, $0xFFFFFFFE, v4  }
0x3e: {  	s28 =	sadd.s32 s2, s17;
	[tilespmem:$0x80] =	vst @!p1 v3  }
0x3f: {  	v3 =	vld.msk [tilespmem:s28+$0x0 ss:$0x1], $0xffff;
	_ =	sdelay $0x4  }
0x40: {  	(xrf1) =	vunique.msk.u32 $0xffff, v3;
	_ =	sdelay $0xd  }
0x41: {  	v4 =	vimm.s32 $0xFFFFFFFF;
	v5, _, _ =	vpop (xrf1)  }
0x42: {  	vm5 =	vne.s32 v3, v4;
	vm4 =	veq.s32 v5, v2  }
0x43: {  	vm6 =	vlt.u32 v3, $0x2800;
	vm4 =	vmand vm5, vm4  }
0x44: {  	vm4 =	vmand vm6, vm4  }
0x45: {  	v4 =	vnsel vm4, $0xFFFFFFFF, v3  }
0x46: {  	s31 =	sand.u32 $0x1, s0  }
0x47: {  	s0 =	simm.s32 $0x1F40;
	p1 =	seq.s32 s31, $0x1  }
0x48: {  	s0 =	simm.s32 @!p1 $0x0  }
0x49: {  	s26 =	sadd.s32 $0x7DF0, s0;
	(ifvalue) =	ssetifvalue $0xFFFFFFFF  }
0x4a: {  	v3 =	vperm.xlane v3, v1;
	[tilespmem:s26], [sflag:$0x8] =	stream.indirect_vreg.gather [hbm4b:s1+s16], $0x1, v4, vm0, $0x4038;
	v4 =	vnsel vm6, $0xFFFFFFFE, v4;
	[tilespmem:$0x11A60] =	vst v63  }
0x4b: {  	s2 =	simm.s32 $0x0;
	s22 =	sadd.s32 $0xFFFFFFF0, s28;
	[tilespmem:s28+$0x0] =	vst v4  }
.LBB2_3:
0x4c: {  	v4 =	vld.msk [tilespmem:s22+$0x0 ss:$0x1], $0xffff;
	s2 =	sadd.s32 $0x10, s2;
	v5 =	vmov v3;
	s28 =	smov.u32 s22  }
0x4d: {  	p1 =	slt.u32 s2, $0x1F30;
	_ =	sdelay $0x4  }
0x4e: {  	v3 =	vperm.xlane v4, v1;
	(xrf1) =	vunique.msk.u32 $0xffff, v4;
	_ =	sdelay $0xd  }
0x4f: {  	v6, _, _ =	vpop (xrf1)  }
0x50: {  	vm5 =	vne.s32 v4, v5;
	vm4 =	veq.s32 v6, v2  }
0x51: {  	vm6 =	vlt.u32 v4, $0x2800;
	vm4 =	vmand vm5, vm4  }
0x52: {  	vm4 =	vmand vm6, vm4  }
0x53: {  	v4 =	vnsel vm4, $0xFFFFFFFF, v4  }
.Ltmp3:
0x54: {  	v5 =	vnsel vm6, $0xFFFFFFFE, v4;
	(pc) =	sbr.rel @p1 .LBB2_3-.Ltmp3, $3  }
0x55: {  	_ =	sdelay $0x1  }
0x56: {  	s22 =	sadd.s32 $0xFFFFFFF0, s22;
	s26 =	sadd.s32 $0xFFFFFFF0, s26;
	(ifvalue) =	ssetifvalue $0xFFFFFFFF  }
0x57: {  	[tilespmem:s26], [sflag:$0x8] =	stream.indirect_vreg.gather [hbm4b:s1+s16], $0x1, v4, vm0, $0x4038;
	[tilespmem:s28+$0x0] =	vst v5  }
0x58: {  	s2 =	sshrl.u32 s25, $0x3  }
0x59: {  	s0 =	sadd.s32 $0x9D40, s0;
	s2 =	sadd.s32 s6, s2  }
0x5a: {  	[tilespmem:s0], [sflag:$0x8] =	stream.linear.gather [hbm:s2], $0x1F40, $0x38;
	[tilespmem:$0x11A60] =	vst v63  }
.LBB2_5:
0x5b: {  	p1 =	slt.u32 s24, $0x2  }
0x5c: {  	p2 =	sge.u32 @!p1 s24, s12  }
0x5d: {  	p1 =	por p1, p2  }
.Ltmp4:
0x5e: {  	_ = 	snop;
	(pc) =	sbr.rel @p1 .LBB2_9-.Ltmp4, $1  }
0x5f: {  	_ =	sdelay $0x3  }
0x60: {  	s0 =	sadd.s32 $0xFFFFFFFE, s24  }
0x61: {  	s2 =	smulhi.u32 $0xAAAAAAAB, s0;
	_ =	sdelay $0x1  }
0x62: {  	s2 =	sshrl.u32 s2, $0x1  }
0x63: {  	s2 =	smul.u32 $0x3, s2;
	_ =	sdelay $0x1  }
0x64: {  	s0 =	ssub.s32 s0, s2  }
0x65: {  	_ =	swait.ge [sflag:s8], $0x3E80;
	s0 =	smul.u32 $0x1F40, s0  }
0x66: {  	p1 =	sne.s32 s24, s11;
	[sflag:s8] =	ssyncset.done $0x0  }
0x67: {  	[sflag:s8] =	ssyncadd.s32 $0xFFFFC180;
	s2 =	sadd.s32 @!p1 $0x203F, s0  }
0x68: {  	[spmem:s13] =	stream.linear.scatter @!p1 [tilespmem:s2], [sflag:$0x1], $0x1, $0x38;
	[tilespmem:$0x11A60] =	vst v63  }
0x69: {  	s2 =	simm.s32 @!p1 $0x1  }
0x6a: {  	_ =	swait.ge @!p1 [sflag:s2], $0x1  }
0x6b: {  	s22 =	sshll.u32 s24, $0x4;
	[sflag:s2] =	ssyncset.done @!p1 $0x0  }
0x6c: {  	s25 =	sand.u32 $0x10, s22;
	[sflag:s2] =	ssyncadd.s32 @!p1 $0xFFFFFFFF  }
0x6d: {  	s2 =	sxor.u32 $0x10, s25;
	v4 =	vld [tilespmem:s25+$0x10]  }
0x6e: {  	v5 =	vld [tilespmem:s2+$0x60]  }
0x6f: {  	v3 =	vld [tilespmem:$0x80];
	_ =	sdelay $0x2  }
0x70: {  	(v2sf) =	vpush v4, $0x0  }
0x71: {  	(v2sf) =	vpush v5, $0x0  }
0x72: {  	(v2sf) =	vpush v3, $0x0;
	_ =	sdelay $0xc  }
0x73: {  	s22 =	spop (v2sf)  }
0x74: {  	s26 =	spop (v2sf)  }
0x75: {  	s28 =	spop (v2sf)  }
0x76: {  	p2 =	seq.s32 s22, s26;
	p3 =	seq.s32 s28, s22  }
0x77: {  	p3 =	por p2, p3  }
0x78: {  	s26 =	sand.u32 $0x1, s24;
	v4 =	vpsel p3, $0xFFFFFFFF, v4  }
0x79: {  	s29 =	smul.u32 $0x1F40, s26;
	[tilespmem:s25+$0x10] =	vst.msk $0x1, v4  }
0x7a: {  	v4 =	vld [tilespmem:$0x30]  }
0x7b: {  	v5 =	vld [tilespmem:s29+$0x9D40]  }
0x7c: {  	v6 =	vld [tilespmem:s25+$0x40];
	_ =	sdelay $0x3  }
0x7d: {  	vm4 =	vmmov vm1;
	v5 =	vadd.f32 v5, v4  }
0x7e: {  	vm5 =	vmmov vm2;
	vm4 =	vmmov @p2 vm2;
	s22 =	sshll.u32 s26, $0x4;
	v4 =	vadd.f32 v6, v4  }
0x7f: {  	s26 =	sor.u32 $0x11A40, s22;
	vm5 =	vmmov @p3 vm1;
	[tilespmem:s29+$0x9D40] =	vst.msk vm4, v5  }
0x80: {  	[tilespmem:s26+$0x0] =	vst.msk vm5, v4  }
0x81: {  	v4 =	vld [tilespmem:s29+$0x7DF0];
	_ =	sdelay $0x3  }
0x82: {  	v5 =	vimm.f32 $0.0e+00  }
0x83: {  	v4 =	vshift.insert v4, v5, s21  }
0x84: {  	s22 =	sor.u32 $0x40, s2  }
0x85: {  	[tilespmem:s22+$0x0] =	vst.msk $0x1, v4  }
0x86: {  	[tilespmem:s29+$0x7DFF] =	vst.msk $0x1, v5  }
0x87: {  	v4 =	vld [tilespmem:s0+$0x2030];
	_ =	sdelay $0x1  }
0x88: {  	s22 =	smulhi.u32 $0xAAAAAAAB, s20;
	s0 =	simm.s32 $0x1  }
0x89: {  	s0 =	simm.s32 @!p0 $0x0  }
0x8a: {  	s22 =	sshrl.u32 s22, $0x1;
	s0 =	smul.u32 $0x7D00, s0  }
0x8b: {  	s22 =	smul.u32 $0xFFFE8900, s22;
	v4 =	vshift.insert v4, v1, s21  }
0x8c: {  	s0 =	sshrl.u32 s0, $0x2  }
0x8d: {  	s22 =	sshra.s32 s22, $0x2;
	s30 =	sadd.s32 $0x9D40, s0;
	[tilespmem:s2+$0x10] =	vst.msk $0x1, v4  }
0x8e: {  	s22 =	sadd.s32 s22, s19;
	v6 =	vld [tilespmem:s30+$0x0]  }
0x8f: {  	v7 =	vld [tilespmem:s22+$0x0];
	_ =	sdelay $0x3  }
0x90: {  	v5 =	vadd.f32 v6, v5  }
0x91: {  	vm4 =	vne.s32 v7, $0xFFFFFFFF  }
0x92: {  	(xrf2) =	vadd.seg.scan.f32 vm4, v5;
	_ =	sdelay $0x3  }
0x93: {  	s31 =	sadd.s32 $0x5EC0, s0;
	v5 =	vperm.xlane v4, v1  }
0x94: {  	v6 =	vld [tilespmem:s31+$0x0]  }
0x95: {  	vm5 =	veq.s32 v7, v3;
	vm6 =	veq.s32 v7, v5  }
0x96: {  	vm7 =	vgt.u32 v7, $0xFFFFFFFD;
	vm6 =	vmor vm6, vm5  }
0x97: {  	vm6 =	vmor vm6, vm7  }
0x98: {  	v9 =	vld [tilespmem:$0xA0];
	v7 =	vsel vm6, $0xFFFFFFFF, v7  }
0x99: {  	v10 =	vld [tilespmem:$0x90];
	v6 =	vsel vm5, $0x0, v6;
	v8, _, _ =	vpop (xrf2)  }
0x9a: {  	v6 =	vadd.f32 v8, v6  }
0x9b: {  	s0 =	sadd.s32 $0xDBC0, s0  }
0x9c: {  	vm4 =	vmand vm4, vm3;
	[tilespmem:s0+$0x0] =	vst v6;
	(ifvalue) =	ssetifvalue $0xFFFFFFFF  }
0x9d: {  	vm6 =	veq.s32 v9, $0x1;
	[hbm4b:s1+s16] =	stream.indirect_vreg.scatter [tilespmem:s0], [sflag:$0x2], $0x1, v7, vm0, $0x4038;
	v7 =	vsel vm4, $0x0, v8;
	[tilespmem:$0x11A60] =	vst v63  }
0x9e: {  	s2 =	simm.s32 $0x0;
	s22 =	sadd.s32 $0x10, s22;
	vm4 =	vmor vm6, vm5;
	v6 =	vsel vm5, v8, v10;
	v7 =	vshift.insert v7, v0, s21  }
.LBB2_7:
0x9f: {  	v8 =	vld [tilespmem:s22+$0x0];
	s30 =	sadd.s32 $0x10, s30  }
0xa0: {  	s31 =	sadd.s32 $0x10, s31;
	v9 =	vld [tilespmem:s30+$0x0]  }
0xa1: {  	s2 =	sadd.s32 $0x10, s2;
	v10 =	vld [tilespmem:s31+$0x0]  }
0xa2: {  	p2 =	slt.u32 s2, $0x1F30;
	_ =	sdelay $0x2  }
0xa3: {  	v7 =	vadd.f32 v9, v7  }
0xa4: {  	vm5 =	vne.s32 v8, $0xFFFFFFFF  }
0xa5: {  	vm6 =	vmand vm5, vm3;
	(xrf2) =	vadd.seg.scan.f32 vm5, v7;
	_ =	sdelay $0x5  }
0xa6: {  	vm7 =	veq.s32 v8, v5;
	vm5 =	veq.s32 v8, v3  }
0xa7: {  	vm8 =	vgt.u32 v8, $0xFFFFFFFD;
	vm4 =	vmor vm4, vm5;
	vm7 =	vmor vm7, vm5  }
0xa8: {  	vm7 =	vmor vm7, vm8  }
0xa9: {  	v8 =	vsel vm7, $0xFFFFFFFF, v8  }
.Ltmp5:
0xaa: {  	v7 =	vsel vm5, $0x0, v10;
	v9, _, _ =	vpop (xrf2);
	(pc) =	sbr.rel @p2 .LBB2_7-.Ltmp5, $4  }
0xab: {  	v6 =	vsel vm5, v9, v6;
	v10 =	vadd.f32 v9, v7;
	v7 =	vsel vm6, $0x0, v9  }
0xac: {  	s0 =	sadd.s32 $0x10, s0;
	v7 =	vshift.insert v7, v0, s21  }
0xad: {  	s22 =	sadd.s32 $0x10, s22;
	[tilespmem:s0+$0x0] =	vst v10;
	(ifvalue) =	ssetifvalue $0xFFFFFFFF  }
0xae: {  	[hbm4b:s1+s16] =	stream.indirect_vreg.scatter [tilespmem:s0], [sflag:$0x2], $0x1, v8, vm0, $0x4038;
	[tilespmem:$0x11A60] =	vst v63  }
0xaf: {  	v3 =	vld [tilespmem:s29+$0xFAF0];
	_ =	sdelay $0x4  }
0xb0: {  	v3 =	vshift.insert v3, v0, s21  }
0xb1: {  	s0 =	simm.s32 $0x30  }
0xb2: {  	[tilespmem:s0+$0x0] =	vst.msk $0x1, v3  }
0xb3: {  	v3 =	vsel vm4, $0x1, v1;
	[tilespmem:$0x90] =	vst v6  }
0xb4: {  	s0 =	sadd.s32 @!p1 $0xFAFF, s29;
	[tilespmem:$0xA0] =	vst v3  }
0xb5: {  	[spmem:s14] =	stream.linear.scatter @!p1 [tilespmem:s0], [sflag:$0x1], $0x1, $0x38;
	[tilespmem:$0x11A60] =	vst v63  }
0xb6: {  	s0 =	simm.s32 @!p1 $0x1  }
0xb7: {  	v3 =	vmctz.xlane @!p1 vm4;
	_ =	swait.ge @!p1 [sflag:s0], $0x1  }
0xb8: {  	(v2sf) =	vpush @!p1 v4, $0x0  }
0xb9: {  	(v2sf) =	vpush @!p1 v3, $0x0;
	_ =	sdelay $0xd  }
0xba: {  	s2 =	spop @!p1 (v2sf)  }
0xbb: {  	s22 =	spop @!p1 (v2sf)  }
0xbc: {  	p2 =	sne.s32 @!p1 s28, s2;
	p3 =	slt.s32 @!p1 s22, $0xF  }
0xbd: {  	[sflag:s0] =	ssyncset.done @!p1 $0x0;
	p2 =	por p2, p1;
	p3 =	por !p3, p1  }
0xbe: {  	[sflag:s0] =	ssyncadd.s32 @!p1 $0xFFFFFFFF;
	v3 =	vimm.s32 @!p2 $0xFFFFFFFF;
	s22 =	simm.s32 @p3 $0xF  }
0xbf: {  	[tilespmem:$0x80] =	vst @!p2 v3;
	s2 =	sadd.s32 @!p1 $0x90, s22  }
0xc0: {  	[spmem:s10] =	stream.linear.scatter @!p1 [tilespmem:s2], [sflag:$0x1], $0x1, $0x38;
	[tilespmem:$0x11A60] =	vst v63  }
0xc1: {  	_ =	swait.ge @!p1 [sflag:s0], $0x1  }
0xc2: {  	[sflag:s0] =	ssyncset.done @!p1 $0x0  }
0xc3: {  	s2 =	simm.s32 @!p1 $0x80;
	[sflag:s0] =	ssyncadd.s32 @!p1 $0xFFFFFFFF  }
0xc4: {  	[spmem:s15] =	stream.linear.scatter @!p1 [tilespmem:s2], [sflag:$0x1], $0x1, $0x38;
	[tilespmem:$0x11A60] =	vst v63  }
0xc5: {  	_ =	swait.ge @!p1 [sflag:s0], $0x1  }
0xc6: {  	[sflag:s0] =	ssyncset.done @!p1 $0x0  }
0xc7: {  	[sflag:s0] =	ssyncadd.s32 @!p1 $0xFFFFFFFF;
	(ifvalue) =	ssetifvalue $0xFFFFFFFF;
	v3 =	vld [tilespmem:s25+$0x10];
	_ =	sdelay $0x3  }
.Ltmp6:
0xc8: {  	_ = 	snop;
	(pc) =	sbr.rel .LBB2_9-.Ltmp6, $3  }
0xc9: {  	_ =	sdelay $0x1  }
0xca: {  	(ifvalue) =	ssetifvalue $0xFFFFFFFF  }
0xcb: {  	[hbm4b:s1+s16] =	stream.indirect_vreg.scatter [tilespmem:s26], [sflag:$0x9], $0x1, v3, vm0, $0x4038;
	[tilespmem:$0x11A60] =	vst v63  }
.LBB2_10:
0xcc: {  	_ =	sfence.sel $0x180000  }
0xcd: {  	s0 =	simm.s32 $0x7;
	[bflag:$0x0] =	sbarrier.arrive $0xFFFF  }
0xce: {  	s26 =	simm.s32 $0x8;
	[sflag:s0] =	ssyncpa.u1 $0x1  }
0xcf: {  	s28 =	simm.s32 $0x9;
	[sflag:s26] =	ssyncpa.u1 $0x1  }
0xd0: {  	[sflag:s28] =	ssyncpa.u1 $0x1  }
0xd1: {  	_ =	sfence.stream.spmem  }
0xd2: {  	s29 =	simm.s32 $0x3;
	[bflag:$0x0] =	sbarrier.arrive $0xFFFF  }
0xd3: {  	s30 =	simm.s32 $0x4;
	[sflag:s29] =	ssyncpa.u1 $0x1  }
0xd4: {  	s31 =	simm.s32 $0x3C;
	s2 =	stileid.u32;
	[sflag:s30] =	ssyncpa.u1 $0x1  }
0xd5: {  	p0 =	sne.s32 s2, $0x0;
	[sflag:s31] =	ssyncpa.u1 $0x1  }
0xd6: {  	s0 =	simm.s32 @p0 $0x1;
	_ =	sfence @p0  }
0xd7: {  	[sflag:s0] =	ssyncpa.u1 @p0 $0x1;
	s0 =	simm.s32 @p0 $0x2  }
0xd8: {  	[sflag:s0] =	ssyncpa.u1 @p0 $0x1  }
0xd9: {  	_ =	strace @p0 $0x9000004A  }
0xda: {  	[bflag:$0x2] =	sbarrier.arrive @p0 $0xFFFF  }
0xdb: {  	_ =	shalt @p0  }
.LBB2_11:
0xdc: {  	_ =	sfence.stream.spmem;
	s0 =	simm.s32 $0x5  }
0xdd: {  	s2 =	simm.s32 $0x80;
	s3 =	simm.s32 $0xC0;
	[sflag:s0] =	ssyncpa.u1 $0x0  }
0xde: {  	[tilespmem:s3], [sflag:$0x5] =	stream.linear.gather [spmem:s2], $0x20, $0x38;
	[tilespmem:$0x11A60] =	vst v63  }
0xdf: {  	s2 =	simm.s32 $0x0;
	s3 =	simm.s32 $0xE0  }
0xe0: {  	[tilespmem:s3], [sflag:$0x5] =	stream.linear.gather [spmem:s2], $0x20, $0x38;
	[tilespmem:$0x11A60] =	vst v63  }
.Ltmp7:
0xe1: {  	_ = 	snop;
	(pc) =	sbr.rel .LBB2_12-.Ltmp7, $4  }
0xe2: {  	_ =	swait.ge [sflag:s0], $0x40  }
0xe3: {  	[sflag:s0] =	ssyncset.done $0x0  }
0xe4: {  	s31 =	simm.s32 $0x6;
	[sflag:s0] =	ssyncadd.s32 $0xFFFFFFC0  }
0xe5: {  	s4 =	simm.s32 $0x0;
	[sflag:s31] =	ssyncpa.u1 $0x0  }
.LBB2_17:
0xe6: {  	p0 =	sgt.u32 s5, $0x27FF  }
0xe7: {  	s0 =	sshrl.u32 @!p0 s5, $0x3  }
0xe8: {  	s5 =	sand.u32 @!p0 $0x7, s5;
	s6 =	simm.s32 @!p0 $0xB0;
	s0 =	sadd.s32 @!p0 s1, s0  }
0xe9: {  	[tilespmem:s6], [sflag:$0x6] =	stream.linear.gather @!p0 [hbm4b:s0+s5], $0x1, $0x38;
	[tilespmem:$0x11A60] =	vst v63  }
0xea: {  	s0 =	simm.s32 @!p0 $0x6  }
0xeb: {  	_ =	swait.ge @!p0 [sflag:s0], $0x1  }
0xec: {  	[sflag:s0] =	ssyncset.done @!p0 $0x0  }
0xed: {  	[sflag:s0] =	ssyncadd.s32 @!p0 $0xFFFFFFFF  }
0xee: {  	v2 =	vmov @!p0 s4;
	v1 =	vld.msk @!p0 [tilespmem:$0xB0], $0x1;
	_ =	sdelay $0x3  }
0xef: {  	s0 =	simm.s32 @!p0 $0xE0  }
0xf0: {  	[tilespmem:v2+s0+$0x0], v1 =	vst.idx.ret.add.f32.msk @!p0 $0x1, v1  }
0xf1: {  	[tilespmem:s2+$0xC0] =	vst.msk $0x1, v0  }
0xf2: {  	v0 =	vld.msk [tilespmem:s4+$0xE0], $0x1;
	_ =	sdelay $0x4  }
0xf3: {  	[tilespmem:s2+$0xE0] =	vst.msk $0x1, v0;
	s2 =	sadd.s32 $0x1, s2  }
.LBB2_19:
0xf4: {  	s4 =	sadd.s32 $0x1, s4  }
0xf5: {  	p0 =	sne.s32 s4, $0x20  }
.Ltmp8:
0xf6: {  	_ = 	snop;
	(pc) =	sbr.rel @!p0 .LBB2_20-.Ltmp8, $1  }
0xf7: {  	_ =	sdelay $0x3  }
.LBB2_12:
0xf8: {  	v0 =	vld.msk [tilespmem:s4+$0xC0], $0x1;
	_ =	sdelay $0x4  }
0xf9: {  	(v2sf) =	vpush v0, $0x0;
	_ =	sdelay $0xe  }
0xfa: {  	s5 =	spop (v2sf)  }
0xfb: {  	p0 =	seq.s32 s5, $0xFFFFFFFF  }
.Ltmp9:
0xfc: {  	_ = 	snop;
	(pc) =	sbr.rel @p0 .LBB2_19-.Ltmp9, $1  }
0xfd: {  	_ =	sdelay $0x3  }
0xfe: {  	p0 =	slt.s32 s2, $0x1  }
.Ltmp10:
0xff: {  	_ = 	snop;
	(pc) =	sbr.rel @p0 .LBB2_17-.Ltmp10, $1  }
0x100: {  	_ =	sdelay $0x3  }
0x101: {  	s0 =	simm.s32 $0xC0;
	p0 =	por $0x0, $0x0  }
0x102: {  	v1 =	vld.msk @!p0 [tilespmem:s0+$0x0], $0x1;
	_ =	sdelay $0x4  }
0x103: {  	(v2sf) =	vpush @!p0 v1, $0x0;
	_ =	sdelay $0xd  }
0x104: {  	p2 =	sne.s32 s2, $0x1  }
.Ltmp11:
0x105: {  	s6 =	spop @!p0 (v2sf);
	(pc) =	sbr.rel @!p2 .LBB2_16-.Ltmp11, $4  }
0x106: {  	p1 =	seq.s32 @!p0 s5, s6  }
0x107: {  	s6 =	simm.s32 $0x0;
	p1 =	por !p1, p0  }
0x108: {  	s8 =	simm.s32 $0xFFFFFFFF;
	s6 =	simm.s32 @p1 $0xFFFFFFFF  }
0x109: {  	s7 =	simm.s32 $0x1;
	s6 =	smov.u32 @p0 s8  }
.LBB2_15:
0x10a: {  	s8 =	smov.u32 s6;
	p0 =	sne.s32 s6, $0xFFFFFFFF  }
0x10b: {  	s0 =	sadd.s32 $0x1, s0;
	s6 =	smov.u32 s7;
	s7 =	sadd.s32 $0x1, s7  }
0x10c: {  	p1 =	sne.s32 s2, s7;
	v1 =	vld.msk @!p0 [tilespmem:s0+$0x0], $0x1;
	_ =	sdelay $0x4  }
0x10d: {  	(v2sf) =	vpush @!p0 v1, $0x0;
	_ =	sdelay $0xe  }
.Ltmp12:
0x10e: {  	s9 =	spop @!p0 (v2sf);
	(pc) =	sbr.rel @p1 .LBB2_15-.Ltmp12, $4  }
0x10f: {  	p2 =	seq.s32 @!p0 s5, s9  }
0x110: {  	p2 =	por !p2, p0  }
0x111: {  	s6 =	simm.s32 @p2 $0xFFFFFFFF  }
0x112: {  	s6 =	smov.u32 @p0 s8  }
.LBB2_16:
0x113: {  	p0 =	sne.s32 s6, $0xFFFFFFFF  }
.Ltmp13:
0x114: {  	_ = 	snop;
	(pc) =	sbr.rel @!p0 .LBB2_17-.Ltmp13, $1  }
0x115: {  	_ =	sdelay $0x3  }
0x116: {  	v0 =	vld.msk [tilespmem:s4+$0xE0], $0x1;
	v1 =	vmov s6  }
.Ltmp14:
0x117: {  	_ = 	snop;
	(pc) =	sbr.rel .LBB2_19-.Ltmp14, $2  }
0x118: {  	_ =	sdelay $0x2  }
0x119: {  	[tilespmem:v1+s3+$0x0], v0 =	vst.idx.ret.add.f32.msk $0x1, v0  }
.LBB2_20:
0x11a: {  	p0 =	slt.s32 s2, $0x1  }
.Ltmp15:
0x11b: {  	_ = 	snop;
	(pc) =	sbr.rel @p0 .LBB2_24-.Ltmp15, $3  }
0x11c: {  	_ =	sdelay $0x1  }
0x11d: {  	s0 =	simm.s32 $0x6  }
0x11e: {  	s3 =	simm.s32 $0x0;
	[sflag:s0] =	ssyncpa.u1 $0x1  }
0x11f: {  	s0 =	simm.s32 $0xC0  }
0x120: {  	v0 =	vld.msk [tilespmem:s0+$0x0], $0x1;
	_ =	sdelay $0x4  }
0x121: {  	(v2sf) =	vpush v0, $0x0;
	_ =	sdelay $0xe  }
0x122: {  	s2 =	sadd.s32 $0xFFFFFFFF, s2;
	s4 =	spop (v2sf)  }
0x123: {  	p1 =	sne.s32 s2, $0x0;
	p0 =	sgt.u32 s4, $0x27FF  }
.Ltmp16:
0x124: {  	s5 =	sshrl.u32 @!p0 s4, $0x3;
	(pc) =	sbr.rel @!p1 .LBB2_23-.Ltmp16, $4  }
0x125: {  	s0 =	simm.s32 $0xE0;
	s4 =	sand.u32 @!p0 $0x7, s4;
	s5 =	sadd.s32 @!p0 s1, s5  }
0x126: {  	[hbm4b:s5+s4] =	stream.linear.scatter @!p0 [tilespmem:s0], [sflag:$0x5], $0x1, $0x38;
	[tilespmem:$0x11A60] =	vst v63  }
0x127: {  	s5 =	simm.s32 $0x0  }
0x128: {  	s4 =	simm.s32 $0xC1;
	s5 =	simm.s32 @!p0 $0x4  }
.LBB2_22:
0x129: {  	v0 =	vld.msk [tilespmem:s4+$0x0], $0x1;
	s2 =	sadd.s32 $0xFFFFFFFF, s2;
	s3 =	sadd.s32 s3, s5  }
0x12a: {  	p0 =	sne.s32 s2, $0x0;
	_ =	sdelay $0x3  }
0x12b: {  	(v2sf) =	vpush v0, $0x0;
	_ =	sdelay $0xe  }
.Ltmp17:
0x12c: {  	s6 =	spop (v2sf);
	(pc) =	sbr.rel @p0 .LBB2_22-.Ltmp17, $4  }
0x12d: {  	s5 =	simm.s32 $0x0;
	p1 =	sgt.u32 s6, $0x27FF  }
0x12e: {  	s0 =	sadd.s32 $0x1, s0;
	s5 =	simm.s32 @!p1 $0x4;
	s7 =	sshrl.u32 @!p1 s6, $0x3  }
0x12f: {  	s4 =	sadd.s32 $0x1, s4;
	s6 =	sand.u32 @!p1 $0x7, s6;
	s7 =	sadd.s32 @!p1 s1, s7  }
0x130: {  	[hbm4b:s7+s6] =	stream.linear.scatter @!p1 [tilespmem:s0], [sflag:$0x5], $0x1, $0x38;
	[tilespmem:$0x11A60] =	vst v63  }
.LBB2_23:
0x131: {  	s0 =	sadd.s32 s3, s5  }
0x132: {  	s3 =	sshrl.u32 s0, $0x2  }
.LBB2_24:
0x133: {  	s0 =	simm.s32 $0x5  }
0x134: {  	_ =	swait.ge [sflag:s0], s3  }
0x135: {  	s1 =	ssub.s32 $0x0, s3;
	[sflag:s0] =	ssyncset.done $0x0  }
0x136: {  	[sflag:s0] =	ssyncadd.s32 s1  }
0x137: {  	[sflag:s0] =	ssyncpa.u1 $0x1  }
0x138: {  	s29 =	simm.s32 $0x1;
	_ =	sfence  }
0x139: {  	s30 =	simm.s32 $0x2;
	[sflag:s29] =	ssyncpa.u1 $0x1  }
0x13a: {  	[sflag:s30] =	ssyncpa.u1 $0x1  }
0x13b: {  	_ =	strace $0x9000004A  }
0x13c: {  	[bflag:$0x2] =	sbarrier.arrive $0xFFFF  }
0x13d: {  	s31 =	rddreg [dreg:$0x2]  }
0x13e: {  	s0 =	sadd.s32 $0x100000, s31  }
0x13f: {  	[sflag:s0] =	ssyncadd.tile.s32 $0x1;
	_ =	shalt  }
.Lfunc_end2:
_tile_overlayer_lowered:
.L_overlay_start_2:
0x140: {  	(tag) =	ssettag $0x2  }
0x141: {  	s0 =	rddreg [dreg:$0x0];
	s2 =	stileid.u32  }
0x142: {  	s1 =	rddreg [dreg:$0x1];
	p0 =	sne.s32 s2, $0x0  }
0x143: {  	s3 =	rddreg [dreg:$0x2];
	[bflag:$0x3] =	sbarrier.arrive $0xFFFF;
	s2 =	simm.s32 @!p0 $0x1C01  }
0x144: {  	[timem:s3], [sflag:s2] =	dma.local @!p0 [hbm:s0], s1  }
0x145: {  	s0 =	simm.s32 @!p0 $0x1  }
0x146: {  	_ =	swait.ge @!p0 [sflag:s0], s1  }
0x147: {  	s1 =	ssub.s32 @!p0 $0x0, s1;
	[sflag:s0] =	ssyncset.done @!p0 $0x0  }
0x148: {  	[sflag:s0] =	ssyncadd.s32 @!p0 s1  }
0x149: {  	[bflag:$0x3] =	sbarrier.arrive $0xFFFF  }
0x14a: {  	_ =	shalt  }

// kernel: scatter_offload_async_start
scs
__scs_entry_jumppad:
0x0: {  	(pc) =	sbr.rel $0x88, $3  }
0x1: {  	(tag) =	ssettag $0x0;
	lr =	simm.s32 $0x1  }
0x2: {  	[smem:$0x3F81] =	sst lr;
	_ =	strace $0xD0000000  }
0x3: {  	_ = 	snop  }
0x4: {  	_ = 	snop  }
0x5: {  	_ = 	snop  }
0x6: {  	_ = 	snop  }
0x7: {  	_ = 	snop  }
__scs_overlays_trampoline_lowered:
0x8: {  	[smem:$0x3F90] =	sst s0  }
0x9: {  	[smem:$0x3F91] =	sst s1  }
0xa: {  	[smem:$0x3F92] =	sst s2  }
0xb: {  	[smem:$0x3F93] =	sst s3  }
0xc: {  	[smem:$0x3F94] =	sst s4  }
0xd: {  	[smem:$0x3F95] =	sst s5  }
0xe: {  	[smem:$0x3F96] =	sst s6  }
0xf: {  	[smem:$0x3F97] =	sst s7  }
0x10: {  	[smem:$0x3F98] =	sst s8  }
0x11: {  	[smem:$0x3F99] =	sst s9;
	s0 =	simm.s32 @!p0 $0x0  }
0x12: {  	s1 =	sld [smem:$0x3F7F];
	s0 =	simm.s32 @p0 $0x1  }
0x13: {  	[smem:$0x3F9A] =	sst s0;
	s0 =	simm.s32 @!p1 $0x0  }
0x14: {  	s2 =	sld [smem:$0x3F7E];
	s0 =	simm.s32 @p1 $0x1  }
0x15: {  	[smem:$0x3F9B] =	sst s0;
	s0 =	simm.s32 @!p2 $0x0  }
0x16: {  	s3 =	sld [smem:$0x3FDB];
	s0 =	simm.s32 @p2 $0x1  }
0x17: {  	s4 =	simm.s32 $0x1BF5;
	[smem:$0x3F9D] =	sst s0  }
0x18: {  	s0 =	sld [smem:$0x3F80];
	_ =	swait.ge [sflag:s4], $0x0  }
0x19: {  	s7 =	sld [smem:$0x3F81]  }
0x1a: {  	s8 =	sadd.s32 $0xFFFFE003, lr  }
0x1b: {  	s9 =	sadd.s32 $0xFFFFFEF7, lr;
	s5 =	simm.s32 $0xFFFFFFFF;
	p2 =	slt.u32 s8, $0xFFFFF086  }
0x1c: {  	p1 =	slt.u32 s9, $0xF7A;
	s5 =	simm.s32 @!p2 $0x0  }
0x1d: {  	s5 =	simm.s32 @p1 $0x1;
	p0 =	seq.s32 s7, s2  }
0x1e: {  	s7 =	smul.u32 @!p0 $0xF7A, s2;
	p2 =	seq.s32 @!p0 s5, $0x0  }
0x1f: {  	s9 =	smul.u32 $0xF7A, s1;
	s8 =	simm.s32 @!p0 $0x1BF5;
	p2 =	por !p2, p0  }
0x20: {  	[sflag:s8] =	ssyncset.s32 @!p0 $0xFFFFF086;
	s6 =	sadd.s32 @!p0 s3, s7;
	s7 =	simm.s32 @!p0 $0x108  }
0x21: {  	s3 =	sadd.s32 s3, s9;
	s6 =	sadd.s32 @!p0 $0x88, s6;
	s7 =	simm.s32 @p2 $0x1082  }
0x22: {  	[simem:s7], [sflag:s8] =	dma.local @!p0 [hbm:s6], $0xF7A  }
0x23: {  	s9 =	sor.u32 $0xD0000000, s2;
	s6 =	simm.s32 $0x108;
	_ =	swait.ge @!p0 [sflag:s8], $0x0  }
0x24: {  	s3 =	sadd.s32 $0x88, s3;
	s6 =	simm.s32 @!p1 $0x1082;
	[sflag:s4] =	ssyncset.s32 $0xFFFFF086  }
0x25: {  	[simem:s6], [sflag:s4] =	dma.local [hbm:s3], $0xF7A  }
0x26: {  	[smem:$0x3F81] =	sst s1;
	(tag) =	ssettag s2;
	_ =	strace s9  }
0x27: {  	s1 =	sld [smem:$0x3F91]  }
0x28: {  	s2 =	sld [smem:$0x3F92]  }
0x29: {  	s4 =	sld [smem:$0x3F94]  }
0x2a: {  	p0 =	seq.s32 s5, $0x0;
	s5 =	sld [smem:$0x3F95]  }
0x2b: {  	s6 =	sld [smem:$0x3F96]  }
0x2c: {  	s7 =	sld [smem:$0x3F97]  }
0x2d: {  	s3 =	simm.s32 $0x108;
	s8 =	sld [smem:$0x3F98]  }
0x2e: {  	s3 =	simm.s32 @!p0 $0x1082;
	s9 =	sld [smem:$0x3F99]  }
0x2f: {  	lr =	sadd.s32 s0, s3;
	s0 =	sld [smem:$0x3F90]  }
0x30: {  	s3 =	sld [smem:$0x3F93]  }
0x31: {  	[smem:$0x3F9C] =	sst s10  }
0x32: {  	s10 =	sld [smem:$0x3F9A];
	_ =	sdelay $0x3  }
0x33: {  	p0 =	seq.s32 s10, $0x1;
	s10 =	sld [smem:$0x3F9C];
	_ =	sdelay $0x3  }
0x34: {  	[smem:$0x3F9C] =	sst s10  }
0x35: {  	s10 =	sld [smem:$0x3F9B];
	_ =	sdelay $0x3  }
0x36: {  	p1 =	seq.s32 s10, $0x1;
	s10 =	sld [smem:$0x3F9C];
	_ =	sdelay $0x3  }
0x37: {  	[smem:$0x3F9C] =	sst s10  }
0x38: {  	s10 =	sld [smem:$0x3F9D]  }
0x39: {  	_ = 	snop;
	(pc) =	sbr.ind lr, $3  }
0x3a: {  	_ = 	snop  }
0x3b: {  	_ = 	snop  }
0x3c: {  	p2 =	seq.s32 s10, $0x1;
	s10 =	sld [smem:$0x3F9C]  }
0x3d: {  	_ =	shalt  }
0x3e: {  	_ =	shalt  }
0x3f: {  	_ =	shalt  }
0x40: {  	_ =	shalt  }
0x41: {  	_ =	shalt  }
0x42: {  	_ =	shalt  }
0x43: {  	_ =	shalt  }
0x44: {  	_ =	shalt  }
0x45: {  	_ =	shalt  }
0x46: {  	_ =	shalt  }
0x47: {  	_ =	shalt  }
0x48: {  	_ =	shalt  }
0x49: {  	_ =	shalt  }
0x4a: {  	_ =	shalt  }
0x4b: {  	_ =	shalt  }
0x4c: {  	_ =	shalt  }
0x4d: {  	_ =	shalt  }
0x4e: {  	_ =	shalt  }
0x4f: {  	_ =	shalt  }
0x50: {  	_ =	shalt  }
0x51: {  	_ =	shalt  }
0x52: {  	_ =	shalt  }
0x53: {  	_ =	shalt  }
0x54: {  	_ =	shalt  }
0x55: {  	_ =	shalt  }
0x56: {  	_ =	shalt  }
0x57: {  	_ =	shalt  }
0x58: {  	_ =	shalt  }
0x59: {  	_ =	shalt  }
0x5a: {  	_ =	shalt  }
0x5b: {  	_ =	shalt  }
0x5c: {  	_ =	shalt  }
0x5d: {  	_ =	shalt  }
0x5e: {  	_ =	shalt  }
0x5f: {  	_ =	shalt  }
0x60: {  	_ =	shalt  }
0x61: {  	_ =	shalt  }
0x62: {  	_ =	shalt  }
0x63: {  	_ =	shalt  }
0x64: {  	_ =	shalt  }
0x65: {  	_ =	shalt  }
0x66: {  	_ =	shalt  }
0x67: {  	_ =	shalt  }
0x68: {  	_ =	shalt  }
0x69: {  	_ =	shalt  }
0x6a: {  	_ =	shalt  }
0x6b: {  	_ =	shalt  }
0x6c: {  	_ =	shalt  }
0x6d: {  	_ =	shalt  }
0x6e: {  	_ =	shalt  }
0x6f: {  	_ =	shalt  }
0x70: {  	_ =	shalt  }
0x71: {  	_ =	shalt  }
0x72: {  	_ =	shalt  }
0x73: {  	_ =	shalt  }
0x74: {  	_ =	shalt  }
0x75: {  	_ =	shalt  }
0x76: {  	_ =	shalt  }
0x77: {  	_ =	shalt  }
0x78: {  	_ =	shalt  }
0x79: {  	_ =	shalt  }
0x7a: {  	_ =	shalt  }
0x7b: {  	_ =	shalt  }
0x7c: {  	_ =	shalt  }
0x7d: {  	_ =	shalt  }
0x7e: {  	_ =	shalt  }
0x7f: {  	_ =	shalt  }
0x80: {  	_ =	shalt  }
0x81: {  	_ =	shalt  }
0x82: {  	_ =	shalt  }
0x83: {  	_ =	shalt  }
0x84: {  	_ =	shalt  }
0x85: {  	_ =	shalt  }
0x86: {  	_ =	shalt  }
0x87: {  	_ =	shalt  }
.Lfunc_end0:
.L_simem_size_0:
called_computation_lowered:
.L_overlay_start_0:
0x88: {  	s2 =	sld [smem:$0x3FD9]  }
0x89: {  	s3 =	sld [smem:$0x3FFE];
	_ =	sdelay $0x1  }
0x8a: {  	s1 =	srdreg.scid  }
0x8b: {  	s0 =	sand.u32 $0x1, s1  }
0x8c: {  	s17 =	sshll.u32 s0, $0xA;
	s2 =	sadd.s32 s3, s2  }
0x8d: {  	s2 =	sadd.s32 s2, s17  }
0x8e: {  	[smem:$0x3FA8] =	sst s2  }
0x8f: {  	_ = 	snop  }
0x90: {  	(tm) =	ssettm $0x1  }
0x91: {  	s18 =	sld [smem:$0x3FFB];
	_ =	sdelay $0x3  }
0x92: {  	_ =	strace s18  }
0x93: {  	s2 =	sld [smem:$0x3FFC];
	_ =	sdelay $0x3  }
0x94: {  	_ =	strace s2  }
0x95: {  	s2 =	sld [smem:$0x3FFD];
	_ =	sdelay $0x3  }
0x96: {  	_ =	strace s2  }
0x97: {  	_ =	strace $0x8FFFFFFF  }
0x98: {  	s19 =	sld [smem:$0x3FDB];
	_ =	sdelay $0x1  }
0x99: {  	s20 =	simm.s32 $_scs_section_size  }
0x9a: {  	s4 =	simm.s32 $_size__tile_overlayer_lowered;
	s5 =	simm.s32 $_tile_overlayer_lowered  }
0x9b: {  	s6 =	simm.s32 $0x1BFF;
	s21 =	sshll.u32 s5, $0x1;
	s3 =	sadd.s32 s20, s19  }
0x9c: {  	s22 =	simm.s32 $0x0;
	s4 =	sshll.u32 s4, $0x1;
	s5 =	sadd.s32 s21, s3  }
0x9d: {  	[timem:s22], [sflag:s6] =	dma.local [hbm:s5], s4  }
0x9e: {  	_ =	swait.ge [sflag:s6], s4  }
0x9f: {  	s4 =	ssub.s32 $0x0, s4;
	[sflag:s6] =	ssyncset.done $0x0  }
0xa0: {  	[sflag:s6] =	ssyncadd.s32 s4;
	_ =	sdelay $0x1  }
0xa1: {  	s23 =	simm.s32 $0x1B8B  }
0xa2: {  	_ =	swait.ge [sflag:s23], $0x1  }
0xa3: {  	[sflag:s23] =	ssyncset.done $0x0  }
0xa4: {  	[sflag:s23] =	ssyncadd.s32 $0xFFFFFFFF  }
0xa5: {  	s4 =	sld [smem:$0x0]  }
0xa6: {  	s5 =	sand.u32 $0xFFFFFFFE, s1  }
0xa7: {  	p0 =	sne.s32 s1, s5  }
0xa8: {  	s5 =	sshll.u32 @p0 s5, $0xE  }
0xa9: {  	s5 =	sadd.s32 @p0 $0x11B8D, s5;
	s6 =	sshll.u32 @p0 s4, $0x11  }
0xaa: {  	s5 =	sor.u32 @p0 s6, s5  }
0xab: {  	[sflag:s5] =	ssyncadd.remote.s32 @p0 $0x1;
	_ =	sdelay $0x1  }
0xac: {  	s5 =	simm.s32 @p0 $0x1B8D  }
0xad: {  	_ =	swait.eq @p0 [sflag:s5], $0x1  }
0xae: {  	[sflag:s5] =	ssyncadd.s32 @p0 $0xFFFFFFFF  }
0xaf: {  	s6 =	sshll.u32 @!p0 s1, $0xE  }
0xb0: {  	s6 =	sor.u32 @!p0 $0x4000, s6;
	s5 =	simm.s32 @!p0 $0x1B8D  }
0xb1: {  	s7 =	sshll.u32 @!p0 s4, $0x11;
	s6 =	sadd.s32 @!p0 $0x11B8D, s6;
	_ =	swait.eq @!p0 [sflag:s5], $0x1  }
0xb2: {  	[sflag:s5] =	ssyncadd.s32 @!p0 $0xFFFFFFFF;
	s5 =	sor.u32 @!p0 s7, s6  }
0xb3: {  	s25 =	simm.s32 $0x1B8E;
	s24 =	sld [smem:$0x3FFE];
	[sflag:s5] =	ssyncadd.remote.s32 @!p0 $0x1  }
0xb4: {  	s26 =	simm.s32 $execute0_lowered;
	[smem:$0x3FD2] =	sst s25  }
0xb5: {  	s6 =	sshll.u32 s26, $0x1;
	_ =	strace $0x8000004C;
	[dreg:$0x1] =	wrdreg $0xFFFFFFFF  }
0xb6: {  	s28 =	simm.s32 $_size_execute0_lowered;
	s3 =	sadd.s32 s3, s6;
	[dreg:$0x0] =	wrdreg $0x0  }
0xb7: {  	s6 =	sshll.u32 s28, $0x1;
	[dreg:$0x2] =	wrdreg s3  }
0xb8: {  	[dreg:$0x3] =	wrdreg s6  }
0xb9: {  	[dreg:$0x4] =	wrdreg $0xC0  }
0xba: {  	_ =	task [dreg:s22], $0x5FFFF  }
0xbb: {  	[dreg:$0x1] =	wrdreg $0xFFFFFFFF  }
0xbc: {  	[dreg:$0x0] =	wrdreg $0x60  }
0xbd: {  	[dreg:$0x2] =	wrdreg s24  }
0xbe: {  	[dreg:$0x3] =	wrdreg s1  }
0xbf: {  	[dreg:$0x4] =	wrdreg s4  }
0xc0: {  	[dreg:$0x5] =	wrdreg $0x9  }
0xc1: {  	_ =	task.clear_ibuf [dreg:s22], $0x6FFFF;
	_ =	strace $0x9000004C  }
0xc2: {  	s29 =	simm.s32 $0x9;
	_ =	strace $0x8000004E  }
0xc3: {  	_ =	swait.ge [sflag:s29], $0x1  }
0xc4: {  	[sflag:s29] =	ssyncadd.s32 $0xFFFFFFFF  }
0xc5: {  	_ =	strace $0x9000004E  }
0xc6: {  	_ =	sfence  }
0xc7: {  	s30 =	sld [smem:$0x0];
	_ =	sdelay $0x2  }
0xc8: {  	s31 =	sshll.u32 s1, $0xD;
	s1 =	sshrl.u32 s1, $0x2  }
0xc9: {  	s4 =	sand.u32 $0x4000, s31;
	s1 =	sadd.s32 s1, s30  }
0xca: {  	s0 =	sor.u32 s4, s0;
	s1 =	sshll.u32 s1, $0x11  }
0xcb: {  	s0 =	sor.u32 s1, s0  }
0xcc: {  	s0 =	sadd.s32 $0x8F2B, s0  }
0xcd: {  	[sflag:s0] =	ssyncadd.remote.s32 $0x1  }
0xce: {  	_ =	sfence.sel $0xFFFF  }
0xcf: {  	[dreg:$0x0] =	wrdreg $0xFFFFFFFF;
	(pc) =	sbr.abs _section_cstart, $3  }
0xd0: {  	[dreg:$0x1] =	wrdreg $0xFFFFFFFF  }
0xd1: {  	_ =	task.clear_ibuf [dreg:s22], $0x2FFFF;
	_ =	strace $0x9FFFFFFF  }
0xd2: {  	(tm) =	ssettm $0x7FFFFFFF  }
0xd3: {  	_ =	shalt  }
tec
execute0_lowered:
.L_overlay_start_1:
0x0: {  	(tag) =	ssettag $0x1  }
0x1: {  	s2 =	rddreg [dreg:$0x0]  }
0x2: {  	s3 =	rddreg [dreg:$0x1];
	_ =	strace $0x8000004D;
	s0 =	simm.s32 $0x1  }
0x3: {  	s5 =	simm.s32 $0x208;
	v0 =	vimm.s32 $0x0;
	[sflag:s0] =	ssyncpa.u1 $0x0  }
0x4: {  	[tilespmem:s5+$0x70] =	vst v0  }
0x5: {  	[tilespmem:s5+$0x60] =	vst v0  }
0x6: {  	[tilespmem:s5+$0x50] =	vst v0  }
0x7: {  	[tilespmem:s5+$0x40] =	vst v0  }
0x8: {  	s1 =	sadd.s32 $0x35800, s2;
	[tilespmem:s5+$0x30] =	vst v0  }
0x9: {  	s0 =	sadd.s32 $0xF50C00, s2;
	s6 =	sadd.s32 $0xF64C00, s2;
	[tilespmem:s5+$0x20] =	vst v0  }
0xa: {  	s4 =	sadd.s32 $0xF55C00, s2;
	s10 =	sand.u32 $0x1, s3;
	s2 =	simm.s32 $0x40;
	[tilespmem:s5+$0x10] =	vst v0  }
.LBB2_1:
0xb: {  	s2 =	sadd.s32 $0x40, s2;
	[tilespmem:s5+$0x0] =	vst v0;
	s5 =	sadd.s32 $0x80, s5  }
0xc: {  	p0 =	slt.u32 s2, $0x3880;
	[tilespmem:s5+$0x70] =	vst v0  }
0xd: {  	[tilespmem:s5+$0x60] =	vst v0  }
.Ltmp0:
0xe: {  	[tilespmem:s5+$0x50] =	vst v0;
	(pc) =	sbr.rel @p0 .LBB2_1-.Ltmp0, $4  }
0xf: {  	[tilespmem:s5+$0x40] =	vst v0  }
0x10: {  	[tilespmem:s5+$0x30] =	vst v0  }
0x11: {  	[tilespmem:s5+$0x20] =	vst v0  }
0x12: {  	[tilespmem:s5+$0x10] =	vst v0  }
0x13: {  	s11 =	stileid.u32  }
0x14: {  	s2 =	smul.u32 $0x2C, s11  }
0x15: {  	s3 =	smin.u32 s11, $0xB  }
0x16: {  	s2 =	sadd.s32 s3, s2  }
0x17: {  	p0 =	slt.u32 s11, $0xB;
	s20 =	smul.u32 $0x70, s2;
	s2 =	simm.s32 $0x13B0  }
0x18: {  	s2 =	simm.s32 @!p0 $0x1340  }
0x19: {  	s2 =	sadd.s32 s2, s20  }
0x1a: {  	s8 =	smin.u32 s2, $0x13880  }
0x1b: {  	s26 =	simm.s32 $0x2;
	s2 =	ssub.s32 s8, s20  }
0x1c: {  	s9 =	simm.s32 $0x9;
	s29 =	simm.s32 $0xA;
	p0 =	sgt.s32 s2, $0x0  }
0x1d: {  	s30 =	simm.s32 $0xB;
	s31 =	smul.u32 $0x2710, s10;
	s2 =	simm.s32 @!p0 $0x0  }
0x1e: {  	[dreg:$0x4] =	wrdreg s10;
	s12 =	simm.s32 $0x1;
	s25 =	smulhi.u32 $0x92492493, s2  }
0x1f: {  	s24 =	simm.s32 $0x0;
	p1 =	por $0x0, $0x0;
	s18 =	simm.s32 $0x80  }
0x20: {  	s19 =	simm.s32 $0x400;
	s17 =	simm.s32 $0xC;
	s3 =	sshrl.u32 s25, $0x6  }
0x21: {  	s21 =	simm.s32 $0x0;
	s23 =	simm.s32 $0x0;
	s28 =	smul.u32 $0x70, s3  }
.Ltmp1:
0x22: {  	[tilespmem:s5+$0x0] =	vst v0;
	v0 =	vimm.s32 $0xFFFFFFFF;
	[sflag:s26] =	ssyncpa.u1 $0x0;
	s16 =	sshll.u32 s11, $0x9;
	(pc) =	sbr.rel .LBB2_3-.Ltmp1, $4  }
0x23: {  	[tilespmem:$0xE408] =	vst v0;
	[sflag:s9] =	ssyncpa.u1 $0x0;
	p0 =	sne.s32 s2, s28;
	s2 =	simm.s32 $0x1  }
0x24: {  	s14 =	sadd.s32 s31, s4;
	[sflag:s29] =	ssyncpa.u1 $0x0;
	s2 =	simm.s32 @!p0 $0x0  }
0x25: {  	s15 =	sadd.s32 s31, s0;
	[sflag:s30] =	ssyncpa.u1 $0x0;
	s13 =	sadd.s32 s2, s3  }
0x26: {  	v0 =	vlaneseq.u32;
	s22 =	smov.u32 s20;
	p0 =	por $0x1, $0x1;
	s11 =	sadd.s32 $0x1, s13  }
.LBB2_24:
0x27: {  	s2 =	sshrl.u32 s4, $0x2  }
.LBB2_26:
0x28: {  	_ =	swait.ge [sflag:s17], s2  }
0x29: {  	s31 =	ssub.s32 $0x0, s2;
	v1 =	vmov s26;
	vm0 =	veq.s32 v0, $0x0;
	[sflag:s17] =	ssyncset.done $0x0  }
0x2a: {  	vm15 =	veq.s32 v0, $0x2;
	v1 =	vsel vm0, s0, v1;
	[sflag:s17] =	ssyncadd.s32 s31  }
0x2b: {  	v1 =	vsel vm15, s24, v1;
	[sflag:s17] =	ssyncpa.u1 $0x1  }
0x2c: {  	[tilespmem:$0xE408] =	vst v1  }
.LBB2_27:
0x2d: {  	s0 =	sadd.s32 $0x70, s22  }
0x2e: {  	s2 =	smov.u32 s20;
	p2 =	slt.s32 s0, s8  }
0x2f: {  	s2 =	smov.u32 @p2 s0;
	p2 =	sne.s32 s23, s11  }
.Ltmp2:
0x30: {  	_ = 	snop;
	(pc) =	sbr.rel @!p2 .LBB2_28-.Ltmp2, $4  }
0x31: {  	_ = 	snop  }
0x32: {  	s24 =	smov.u32 s21  }
0x33: {  	s31 =	sadd.s32 $0x1, s23;
	s21 =	smov.u32 s22;
	p0 =	por !p0, !p0  }
0x34: {  	p1 =	por !p1, !p1;
	s23 =	smov.u32 s31;
	s22 =	smov.u32 s2  }
.LBB2_3:
0x35: {  	p2 =	sge.u32 s23, s13  }
0x36: {  	s0 =	smulhi.u32 @!p2 $0xAAAAAAAB, s23  }
0x37: {  	s2 =	smov.u32 s22;
	p3 =	sgt.s32 @!p2 s22, $0x13810  }
0x38: {  	s3 =	sshra.s32 @!p2 s22, $0x1F;
	p3 =	por !p3, p2;
	s0 =	sshrl.u32 @!p2 s0, $0x1  }
0x39: {  	s3 =	sand.u32 @!p2 s3, s22;
	s2 =	simm.s32 @p3 $0x13810;
	s0 =	smul.u32 @!p2 $0x3, s0  }
0x3a: {  	s2 =	ssub.s32 @!p2 s2, s3  }
0x3b: {  	s2 =	sadd.s32 @!p2 $0xFFFEC7F0, s2;
	s0 =	ssub.s32 @!p2 s23, s0  }
0x3c: {  	s3 =	sshll.u32 @!p2 s2, $0x2;
	p3 =	sgt.s32 @!p2 s2, $0x6F;
	s0 =	smul.u32 @!p2 $0x1C0, s0  }
0x3d: {  	s4 =	sand.u32 @!p2 $0x7, s22;
	s2 =	ssub.s32 @!p2 $0x1C0, s3;
	p3 =	por !p3, p2  }
0x3e: {  	s3 =	sshrl.u32 @!p2 s22, $0x3;
	s2 =	sshrl.u32 @!p2 s2, $0x2;
	s0 =	sshrl.u32 @!p2 s0, $0x2  }
0x3f: {  	s3 =	sadd.s32 @!p2 s3, s14;
	s2 =	simm.s32 @!p3 $0x0;
	s0 =	sadd.s32 @!p2 $0x10448, s0  }
0x40: {  	[tilespmem:s0], [sflag:$0xA] =	stream.linear.gather @!p2 [hbm4b:s3+s4], s2, $0x38;
	[tilespmem:$0x1E678] =	vst v63  }
0x41: {  	s2 =	sadd.s32 $0xFFFFFFFF, s23  }
0x42: {  	p2 =	sge.u32 s2, s13  }
0x43: {  	p3 =	sgt.s32 @!p2 s21, $0x13810  }
0x44: {  	s0 =	smov.u32 s21;
	s3 =	sshra.s32 @!p2 s21, $0x1F;
	p3 =	por !p3, p2  }
0x45: {  	s3 =	sand.u32 @!p2 s3, s21;
	s0 =	simm.s32 @p3 $0x13810  }
0x46: {  	s0 =	ssub.s32 @!p2 s0, s3  }
0x47: {  	s0 =	sadd.s32 @!p2 $0xFFFEC7F0, s0  }
0x48: {  	s3 =	sshll.u32 @!p2 s0, $0x2  }
0x49: {  	p3 =	sgt.s32 @!p2 s0, $0x6F;
	s0 =	ssub.s32 @!p2 $0x1C0, s3  }
0x4a: {  	p3 =	por !p3, p2;
	s0 =	sshrl.u32 @!p2 s0, $0x2  }
0x4b: {  	s4 =	simm.s32 @!p2 $0xA;
	s3 =	sand.u32 @!p2 $0x1, s2;
	s0 =	simm.s32 @!p3 $0x0  }
0x4c: {  	s3 =	smul.u32 @!p2 $0x1C0, s3;
	_ =	swait.ge @!p2 [sflag:s4], s0  }
0x4d: {  	s5 =	ssub.s32 @!p2 $0x0, s0;
	[sflag:s4] =	ssyncset.done @!p2 $0x0  }
0x4e: {  	s3 =	sshrl.u32 @!p2 s3, $0x2;
	[sflag:s4] =	ssyncadd.s32 @!p2 s5;
	s4 =	sshrl.u32 @!p2 s21, $0x3  }
0x4f: {  	s3 =	sadd.s32 @!p2 $0x10598, s3;
	s5 =	sand.u32 @!p2 $0x7, s21;
	s4 =	sadd.s32 @!p2 s4, s15  }
0x50: {  	[tilespmem:s3], [sflag:$0xB] =	stream.linear.gather @!p2 [hbm4b:s4+s5], s0, $0x38;
	[tilespmem:$0x1E678] =	vst v63  }
0x51: {  	s0 =	ssub.s32 @!p2 $0x13880, s21  }
0x52: {  	p3 =	slt.s32 @!p2 s0, $0x1  }
0x53: {  	p3 =	por p2, p3  }
.Ltmp3:
0x54: {  	_ = 	snop;
	(pc) =	sbr.rel @p3 .LBB2_9-.Ltmp3, $1  }
0x55: {  	_ =	sdelay $0x3  }
0x56: {  	s3 =	smulhi.u32 $0xAAAAAAAB, s2;
	_ =	sdelay $0x1  }
0x57: {  	s3 =	sshrl.u32 s3, $0x1  }
0x58: {  	s3 =	smul.u32 $0x3, s3;
	_ =	sdelay $0x1  }
0x59: {  	s30 =	ssub.s32 s2, s3  }
0x5a: {  	s4 =	simm.s32 $0x1;
	s2 =	smul.u32 $0x1C0, s30  }
.Ltmp4:
0x5b: {  	s4 =	simm.s32 @!p0 $0x0;
	(pc) =	sbr.rel .LBB2_6-.Ltmp4, $4  }
0x5c: {  	s31 =	smul.u32 $0x1C000, s4  }
0x5d: {  	p3 =	slt.s32 @!p2 s0, $0x70;
	s2 =	sshrl.u32 s2, $0x2  }
0x5e: {  	p2 =	por !p3, p2;
	s3 =	sshrl.u32 s31, $0x2;
	s5 =	sadd.s32 $0x10448, s2  }
0x5f: {  	s0 =	simm.s32 @p2 $0x70;
	s4 =	sor.u32 $0x10678, s3;
	s2 =	simm.s32 $0x0;
	v1 =	vmov s5  }
.LBB2_5:
0x60: {  	p2 =	sge.s32 s2, s0  }
.Ltmp5:
0x61: {  	_ = 	snop;
	(pc) =	sbr.rel @p2 .LBB2_9-.Ltmp5, $2  }
0x62: {  	_ =	sdelay $0x2  }
0x63: {  	s4 =	sadd.s32 $0x1000, s4  }
.LBB2_6:
0x64: {  	p2 =	sle.s32 s0, s2  }
.Ltmp6:
0x65: {  	_ = 	snop;
	(pc) =	sbr.rel @p2 .LBB2_5-.Ltmp6, $2  }
0x66: {  	_ =	sdelay $0x2  }
0x67: {  	s5 =	smov.u32 s2;
	s2 =	sadd.s32 $0x10, s2  }
0x68: {  	s3 =	ssub.s32 s0, s5  }
0x69: {  	p2 =	slt.s32 s3, $0x10  }
0x6a: {  	s3 =	simm.s32 @!p2 $0x10  }
0x6b: {  	v2 =	vmov s3  }
0x6c: {  	vm0 =	vgt.s32 v2, v0;
	_ =	sdelay $0x5  }
0x6d: {  	v2 =	vld.idx.msk [tilespmem:v1+s5+$0x0 ss:$0x1], vm0;
	_ =	sdelay $0x2  }
0x6e: {  	p2 =	slt.s32 s2, s0;
	s3 =	smov.u32 s0  }
0x6f: {  	s9 =	smov.u32 s4;
	s25 =	simm.s32 $0x0;
	s3 =	smov.u32 @p2 s2  }
.LBB2_8:
0x70: {  	(v2sf) =	vpush v2, s25;
	_ =	sdelay $0xe  }
0x71: {  	s25 =	sadd.s32 $0x1, s25;
	s10 =	spop (v2sf)  }
0x72: {  	s31 =	sadd.s32 s25, s5;
	s26 =	sshll.u32 s10, $0x8;
	s10 =	sshll.u32 s10, $0x7  }
0x73: {  	p2 =	slt.s32 s31, s3;
	s26 =	sand.u32 $0xFFFFF800, s26;
	s10 =	sand.u32 $0x380, s10  }
.Ltmp7:
0x74: {  	s10 =	sor.u32 s10, s26;
	(pc) =	sbr.rel @p2 .LBB2_8-.Ltmp7, $4  }
0x75: {  	s10 =	sshrl.u32 s10, $0x3  }
0x76: {  	s10 =	sadd.s32 s6, s10  }
0x77: {  	[tilespmem:s9], [sflag:$0x9] =	stream.strided.gather [hbm4b:s10+s18], $0x100, s19, s18, $0x38;
	[tilespmem:$0x1E678] =	vst v63  }
0x78: {  	s9 =	sadd.s32 $0x100, s9  }
.Ltmp8:
0x79: {  	_ = 	snop;
	(pc) =	sbr.rel .LBB2_5-.Ltmp8, $1  }
0x7a: {  	_ =	sdelay $0x3  }
.LBB2_9:
0x7b: {  	p2 =	slt.u32 s23, $0x2  }
.Ltmp9:
0x7c: {  	_ = 	snop;
	(pc) =	sbr.rel @p2 .LBB2_27-.Ltmp9, $1  }
0x7d: {  	_ =	sdelay $0x3  }
0x7e: {  	p2 =	sgt.s32 s24, $0x13810  }
0x7f: {  	s0 =	smov.u32 s24;
	s2 =	sshra.s32 s24, $0x1F;
	s3 =	ssub.s32 $0x13880, s24  }
0x80: {  	s0 =	simm.s32 @!p2 $0x13810;
	s2 =	sand.u32 s2, s24;
	p2 =	slt.s32 s3, $0x70  }
0x81: {  	s0 =	ssub.s32 s0, s2;
	s3 =	simm.s32 @!p2 $0x70  }
0x82: {  	s0 =	sadd.s32 $0xFFFEC7F0, s0;
	s9 =	sshll.u32 s3, $0x8  }
0x83: {  	s26 =	simm.s32 $0x9;
	s10 =	sshll.u32 s0, $0x2;
	s2 =	sand.u32 $0x3FFFFF00, s9  }
0x84: {  	p2 =	sgt.s32 s0, $0x6F;
	s25 =	ssub.s32 $0x1C0, s10;
	_ =	swait.ge [sflag:s26], s2  }
0x85: {  	s2 =	ssub.s32 $0x0, s2;
	[sflag:s26] =	ssyncset.done $0x0;
	s0 =	sshrl.u32 s25, $0x2  }
0x86: {  	s29 =	simm.s32 $0xB;
	[sflag:s26] =	ssyncadd.s32 s2;
	s0 =	simm.s32 @p2 $0x0  }
0x87: {  	_ =	swait.ge [sflag:s29], s0  }
0x88: {  	s0 =	ssub.s32 $0x0, s0;
	[sflag:s29] =	ssyncset.done $0x0  }
0x89: {  	[sflag:s29] =	ssyncadd.s32 s0  }
0x8a: {  	v1 =	vld [tilespmem:$0xE408];
	_ =	sdelay $0x4  }
0x8b: {  	(v2sf) =	vpush v1, $0x0  }
0x8c: {  	(v2sf) =	vpush v1, $0x1  }
0x8d: {  	(v2sf) =	vpush v1, $0x2;
	_ =	sdelay $0x3  }
0x8e: {  	s0 =	sadd.s32 $0x70, s24  }
0x8f: {  	s2 =	ssub.s32 $0x27100, s24;
	p2 =	slt.s32 s8, s0  }
0x90: {  	s0 =	smov.u32 @p2 s8;
	p2 =	sgt.s32 s2, $0x0  }
0x91: {  	s0 =	ssub.s32 s0, s24;
	s2 =	simm.s32 @!p2 $0x0  }
0x92: {  	p2 =	slt.s32 s2, s0  }
0x93: {  	s0 =	smov.u32 @p2 s2  }
0x94: {  	s4 =	simm.s32 $0x1;
	p2 =	slt.s32 s0, $0x1  }
.Ltmp10:
0x95: {  	s4 =	simm.s32 @!p1 $0x0;
	(pc) =	sbr.rel @p2 .LBB2_14-.Ltmp10, $4  }
0x96: {  	s30 =	smul.u32 $0x1C0, s4  }
0x97: {  	s5 =	spop (v2sf)  }
0x98: {  	s31 =	sshrl.u32 s30, $0x2;
	s28 =	spop (v2sf)  }
0x99: {  	s25 =	sadd.s32 $0x10598, s31;
	s24 =	spop (v2sf)  }
0x9a: {  	s2 =	smin.u32 s0, $0x10  }
0x9b: {  	v1 =	vmov s2  }
0x9c: {  	vm1 =	vgt.u32 v1, v0  }
0x9d: {  	p3 =	sgt.s32 s0, $0x10  }
.Ltmp11:
0x9e: {  	_ = 	snop;
	(pc) =	sbr.rel @!p3 .LBB2_13-.Ltmp11, $2  }
0x9f: {  	_ =	sdelay $0x2  }
0xa0: {  	s26 =	simm.s32 $0x10;
	s29 =	sadd.s32 $0xFFFFFFF0, s0;
	s2 =	smov.u32 s25;
	vm0 =	vmmov vm1;
	v1 =	vld.msk [tilespmem:s25+$0x0 ss:$0x1], vm1  }
.LBB2_12:
0xa1: {  	s3 =	smin.u32 s29, $0x10;
	s26 =	sadd.s32 $0x10, s26  }
0xa2: {  	v2 =	vmov s3;
	p3 =	slt.s32 s26, s0  }
0xa3: {  	vm1 =	vgt.u32 v2, v0;
	_ =	sdelay $0x1  }
0xa4: {  	v2 =	vshll.u32 v1, $0x5;
	v1 =	vshll.u32 v1, $0x4  }
.Ltmp12:
0xa5: {  	v2 =	vand.u32 $0xFFFFFF00, v2;
	v1 =	vand.u32 $0x70, v1;
	(pc) =	sbr.rel @p3 .LBB2_12-.Ltmp12, $4  }
0xa6: {  	v1 =	vor.u32 v1, v2  }
0xa7: {  	[tilespmem:s2+$0x0] =	vst.msk vm0, v1;
	s2 =	sadd.s32 $0x10, s2;
	vm0 =	vmmov vm1  }
0xa8: {  	v1 =	vld.msk [tilespmem:s2+$0x0 ss:$0x1], vm1  }
0xa9: {  	s29 =	sadd.s32 $0xFFFFFFF0, s29  }
.LBB2_13:
0xaa: {  	_ =	sdelay $0x3  }
0xab: {  	v2 =	vshll.u32 v1, $0x5;
	v1 =	vshll.u32 v1, $0x4  }
0xac: {  	v2 =	vand.u32 $0xFFFFFF00, v2;
	v1 =	vand.u32 $0x70, v1  }
0xad: {  	v1 =	vor.u32 v1, v2  }
0xae: {  	[tilespmem:s2+$0x0] =	vst.msk vm0, v1  }
.LBB2_14:
0xaf: {  	s2 =	sand.u32 $0x1, s23  }
0xb0: {  	s2 =	smul.u32 $0x70, s2  }
0xb1: {  	p3 =	sne.s32 s28, $0xFFFFFFFF  }
0xb2: {  	v1 =	vld.msk @!p3 [tilespmem:s2+$0x10598], $0x1;
	_ =	sdelay $0x4  }
0xb3: {  	(v2sf) =	vpush @!p3 v1, $0x0;
	_ =	sdelay $0xc  }
.Ltmp13:
0xb4: {  	_ = 	snop;
	(pc) =	sbr.rel @p2 .LBB2_25-.Ltmp13, $4  }
0xb5: {  	_ = 	snop  }
0xb6: {  	s31 =	spop @!p3 (v2sf)  }
0xb7: {  	s24 =	simm.s32 @!p3 $0x0;
	s26 =	smov.u32 s31  }
0xb8: {  	[sflag:s17] =	ssyncpa.u1 $0x0;
	s31 =	smov.u32 @p3 s5;
	s26 =	smov.u32 @p3 s28  }
0xb9: {  	v1 =	vld.msk [tilespmem:s25+$0x0], $0x1;
	_ =	sdelay $0x4  }
0xba: {  	(v2sf) =	vpush v1, $0x0;
	_ =	sdelay $0xe  }
0xbb: {  	s7 =	smov.u32 s11;
	s5 =	spop (v2sf)  }
0xbc: {  	s17 =	smov.u32 s15;
	s2 =	smul.u32 $0x1C000, s4;
	p2 =	seq.s32 s31, s5  }
0xbd: {  	s3 =	smov.u32 s31;
	s29 =	ssub.s32 $0x0, s0;
	p3 =	sgt.s32 @!p2 s31, $0x0  }
0xbe: {  	s30 =	simm.s32 $0x0;
	s2 =	sshrl.u32 s2, $0x2;
	p3 =	por !p3, p2  }
0xbf: {  	s0 =	sadd.s32 $0x1, s29;
	s28 =	sor.u32 $0x106F8, s2;
	s3 =	simm.s32 @p3 $0x0  }
0xc0: {  	s2 =	simm.s32 @!p2 $0x1;
	p3 =	seq.s32 s0, $0x0;
	s3 =	smin.u32 @!p2 s3, $0x4E170  }
.Ltmp14:
0xc1: {  	s4 =	simm.s32 @!p2 $0x7308;
	s9 =	sand.u32 @!p2 $0x7FFF8, s3;
	(pc) =	sbr.rel @p3 .LBB2_17-.Ltmp14, $4  }
0xc2: {  	s10 =	sadd.s32 @!p2 $0x80, s3;
	s11 =	sadd.s32 @!p2 s1, s9;
	s9 =	sand.u32 @!p2 $0x7, s3  }
0xc3: {  	[tilespmem:s4], [sflag:$0x2] =	stream.linear.gather @!p2 [hbm4b:s11+s9], $0x80, $0x38;
	[tilespmem:$0x1E678] =	vst v63  }
0xc4: {  	s15 =	smov.u32 s14;
	s2 =	smov.u32 @p2 s30;
	s4 =	sand.u32 @!p2 $0xFFFF8, s10  }
0xc5: {  	s3 =	simm.s32 @!p2 $0x7388;
	s10 =	sadd.s32 @!p2 s1, s4;
	s4 =	sadd.s32 $0x1, s25  }
.LBB2_16:
0xc6: {  	s11 =	smov.u32 s2  }
0xc7: {  	[tilespmem:s3], [sflag:$0x2] =	stream.linear.gather @!p2 [hbm4b:s10+s9], $0x80, $0x38;
	[tilespmem:$0x1E678] =	vst v63  }
0xc8: {  	s0 =	sadd.s32 $0x1, s0;
	s9 =	smov.u32 s5;
	v1 =	vld.msk [tilespmem:s4+$0x0], $0x1  }
0xc9: {  	p3 =	seq.s32 s0, $0x0;
	_ =	sdelay $0x3  }
0xca: {  	(v2sf) =	vpush v1, $0x0;
	_ =	sdelay $0xe  }
0xcb: {  	s5 =	spop (v2sf)  }
0xcc: {  	p2 =	seq.s32 s9, s5  }
0xcd: {  	p4 =	sgt.s32 @!p2 s9, $0x0;
	s3 =	sshll.u32 @!p2 s2, $0xA;
	s2 =	sadd.s32 @!p2 $0x1, s2  }
0xce: {  	p4 =	por !p4, p2;
	s3 =	sshra.s32 @!p2 s3, $0x2;
	s2 =	smov.u32 @p2 s11  }
0xcf: {  	s9 =	simm.s32 @p4 $0x0;
	s10 =	sadd.s32 @!p2 $0x7308, s3;
	s3 =	sadd.s32 @!p2 $0x7388, s3  }
.Ltmp15:
0xd0: {  	s9 =	smin.u32 @!p2 s9, $0x4E170;
	(pc) =	sbr.rel @!p3 .LBB2_16-.Ltmp15, $4  }
0xd1: {  	s11 =	sand.u32 @!p2 $0x7FFF8, s9;
	s14 =	sadd.s32 @!p2 $0x80, s9  }
0xd2: {  	s9 =	sand.u32 @!p2 $0x7, s9;
	s11 =	sadd.s32 @!p2 s1, s11;
	s14 =	sand.u32 @!p2 $0xFFFF8, s14  }
0xd3: {  	[tilespmem:s10], [sflag:$0x2] =	stream.linear.gather @!p2 [hbm4b:s11+s9], $0x80, $0x38;
	[tilespmem:$0x1E678] =	vst v63  }
0xd4: {  	s4 =	sadd.s32 $0x1, s4;
	s10 =	sadd.s32 @!p2 s1, s14  }
.LBB2_17:
0xd5: {  	[tilespmem:s3], [sflag:$0x2] =	stream.linear.gather @!p2 [hbm4b:s10+s9], $0x80, $0x38;
	[tilespmem:$0x1E678] =	vst v63  }
0xd6: {  	s0 =	sshll.u32 s2, $0x8  }
.Ltmp16:
0xd7: {  	s14 =	simm.s32 $0x2;
	s0 =	sand.u32 $0x3FFFFF00, s0;
	(pc) =	sbr.rel .LBB2_18-.Ltmp16, $4  }
0xd8: {  	_ =	swait.ge [sflag:s14], s0  }
0xd9: {  	s0 =	ssub.s32 $0x0, s0;
	[sflag:s14] =	ssyncset.done $0x0  }
0xda: {  	s4 =	simm.s32 $0x0;
	s11 =	smov.u32 s7;
	[sflag:s14] =	ssyncadd.s32 s0  }
0xdb: {  	s14 =	smov.u32 s15;
	s15 =	smov.u32 s17;
	s17 =	simm.s32 $0xC  }
.LBB2_19:
0xdc: {  	v1 =	vld [tilespmem:s28+$0xFFFFFF80];
	_ =	sdelay $0x4  }
0xdd: {  	[tilespmem:s5+$0x208] =	vst.add.f32.msk $0xffff, v1  }
0xde: {  	v1 =	vld [tilespmem:s28+$0xFFFFFF90];
	_ =	sdelay $0x4  }
0xdf: {  	[tilespmem:s5+$0x218] =	vst.add.f32.msk $0xffff, v1  }
0xe0: {  	v1 =	vld [tilespmem:s28+$0xFFFFFFA0];
	_ =	sdelay $0x4  }
0xe1: {  	[tilespmem:s5+$0x228] =	vst.add.f32.msk $0xffff, v1  }
0xe2: {  	v1 =	vld [tilespmem:s28+$0xFFFFFFB0];
	_ =	sdelay $0x4  }
0xe3: {  	[tilespmem:s5+$0x238] =	vst.add.f32.msk $0xffff, v1  }
0xe4: {  	v1 =	vld [tilespmem:s28+$0xFFFFFFC0];
	_ =	sdelay $0x4  }
0xe5: {  	[tilespmem:s5+$0x248] =	vst.add.f32.msk $0xffff, v1  }
0xe6: {  	v1 =	vld [tilespmem:s28+$0xFFFFFFD0];
	_ =	sdelay $0x4  }
0xe7: {  	[tilespmem:s5+$0x258] =	vst.add.f32.msk $0xffff, v1  }
0xe8: {  	v1 =	vld [tilespmem:s28+$0xFFFFFFE0];
	_ =	sdelay $0x4  }
0xe9: {  	[tilespmem:s5+$0x268] =	vst.add.f32.msk $0xffff, v1  }
0xea: {  	v1 =	vld [tilespmem:s28+$0xFFFFFFF0];
	_ =	sdelay $0x4  }
0xeb: {  	[tilespmem:s5+$0x278] =	vst.add.f32.msk $0xffff, v1  }
0xec: {  	v1 =	vld [tilespmem:s28+$0x0];
	_ =	sdelay $0x4  }
0xed: {  	[tilespmem:s5+$0x288] =	vst.add.f32.msk $0xffff, v1  }
0xee: {  	v1 =	vld [tilespmem:s28+$0x10];
	_ =	sdelay $0x4  }
0xef: {  	[tilespmem:s5+$0x298] =	vst.add.f32.msk $0xffff, v1  }
0xf0: {  	v1 =	vld [tilespmem:s28+$0x20];
	_ =	sdelay $0x4  }
0xf1: {  	[tilespmem:s5+$0x2A8] =	vst.add.f32.msk $0xffff, v1  }
0xf2: {  	v1 =	vld [tilespmem:s28+$0x30];
	_ =	sdelay $0x4  }
0xf3: {  	[tilespmem:s5+$0x2B8] =	vst.add.f32.msk $0xffff, v1  }
0xf4: {  	v1 =	vld [tilespmem:s28+$0x40];
	_ =	sdelay $0x4  }
0xf5: {  	[tilespmem:s5+$0x2C8] =	vst.add.f32.msk $0xffff, v1  }
0xf6: {  	v1 =	vld [tilespmem:s28+$0x50];
	_ =	sdelay $0x4  }
0xf7: {  	[tilespmem:s5+$0x2D8] =	vst.add.f32.msk $0xffff, v1  }
0xf8: {  	v1 =	vld [tilespmem:s28+$0x60];
	_ =	sdelay $0x4  }
0xf9: {  	[tilespmem:s5+$0x2E8] =	vst.add.f32.msk $0xffff, v1  }
0xfa: {  	v1 =	vld [tilespmem:s28+$0x70];
	_ =	sdelay $0x4  }
0xfb: {  	[tilespmem:s5+$0x2F8] =	vst.add.f32.msk $0xffff, v1  }
.LBB2_23:
0xfc: {  	s29 =	sadd.s32 $0x1, s29  }
0xfd: {  	p2 =	seq.s32 s29, $0x0  }
.Ltmp17:
0xfe: {  	_ = 	snop;
	(pc) =	sbr.rel @p2 .LBB2_24-.Ltmp17, $2  }
0xff: {  	_ =	sdelay $0x2  }
0x100: {  	s25 =	sadd.s32 $0x1, s25;
	s28 =	sadd.s32 $0x100, s28;
	s31 =	smov.u32 s0  }
.LBB2_18:
0x101: {  	v1 =	vld.msk [tilespmem:s25+$0x0], $0x1;
	_ =	sdelay $0x4  }
0x102: {  	(v2sf) =	vpush v1, $0x0;
	_ =	sdelay $0xe  }
0x103: {  	s0 =	spop (v2sf)  }
0x104: {  	p2 =	sne.s32 s31, s0  }
.Ltmp18:
0x105: {  	_ = 	snop;
	(pc) =	sbr.rel @!p2 .LBB2_19-.Ltmp18, $3  }
0x106: {  	_ =	sdelay $0x1  }
0x107: {  	s2 =	sshll.u32 s24, $0xA  }
0x108: {  	s5 =	sshra.s32 s2, $0x2  }
0x109: {  	p2 =	seq.s32 s31, s26  }
.Ltmp19:
0x10a: {  	_ = 	snop;
	(pc) =	sbr.rel @!p2 .LBB2_21-.Ltmp19, $1  }
0x10b: {  	_ =	sdelay $0x3  }
.Ltmp20:
0x10c: {  	s2 =	sadd.s32 $0x208, s5;
	(pc) =	sbr.rel .LBB2_22-.Ltmp20, $4  }
0x10d: {  	[spmem:s16] =	stream.linear.scatter [tilespmem:s2], [sflag:$0x1], $0x100, $0x38;
	[tilespmem:$0x1E678] =	vst v63  }
0x10e: {  	_ =	swait.ge [sflag:s12], $0x100  }
0x10f: {  	[sflag:s12] =	ssyncset.done $0x0  }
0x110: {  	[sflag:s12] =	ssyncadd.s32 $0xFFFFFF00  }
.LBB2_21:
0x111: {  	s2 =	sshll.u32 s30, $0xA  }
0x112: {  	s2 =	sshra.s32 s2, $0x2  }
0x113: {  	v1 =	vld [tilespmem:s2+$0x7308];
	_ =	sdelay $0x4  }
0x114: {  	[tilespmem:s5+$0x208] =	vst.add.f32.msk $0xffff, v1  }
0x115: {  	v1 =	vld [tilespmem:s2+$0x7318];
	_ =	sdelay $0x4  }
0x116: {  	[tilespmem:s5+$0x218] =	vst.add.f32.msk $0xffff, v1  }
0x117: {  	v1 =	vld [tilespmem:s2+$0x7328];
	_ =	sdelay $0x4  }
0x118: {  	[tilespmem:s5+$0x228] =	vst.add.f32.msk $0xffff, v1  }
0x119: {  	v1 =	vld [tilespmem:s2+$0x7338];
	_ =	sdelay $0x4  }
0x11a: {  	[tilespmem:s5+$0x238] =	vst.add.f32.msk $0xffff, v1  }
0x11b: {  	v1 =	vld [tilespmem:s2+$0x7348];
	_ =	sdelay $0x4  }
0x11c: {  	[tilespmem:s5+$0x248] =	vst.add.f32.msk $0xffff, v1  }
0x11d: {  	v1 =	vld [tilespmem:s2+$0x7358];
	_ =	sdelay $0x4  }
0x11e: {  	[tilespmem:s5+$0x258] =	vst.add.f32.msk $0xffff, v1  }
0x11f: {  	v1 =	vld [tilespmem:s2+$0x7368];
	_ =	sdelay $0x4  }
0x120: {  	[tilespmem:s5+$0x268] =	vst.add.f32.msk $0xffff, v1  }
0x121: {  	v1 =	vld [tilespmem:s2+$0x7378];
	_ =	sdelay $0x4  }
0x122: {  	[tilespmem:s5+$0x278] =	vst.add.f32.msk $0xffff, v1  }
0x123: {  	v1 =	vld [tilespmem:s2+$0x7388];
	_ =	sdelay $0x4  }
0x124: {  	[tilespmem:s5+$0x288] =	vst.add.f32.msk $0xffff, v1  }
0x125: {  	v1 =	vld [tilespmem:s2+$0x7398];
	_ =	sdelay $0x4  }
0x126: {  	[tilespmem:s5+$0x298] =	vst.add.f32.msk $0xffff, v1  }
0x127: {  	v1 =	vld [tilespmem:s2+$0x73A8];
	_ =	sdelay $0x4  }
0x128: {  	[tilespmem:s5+$0x2A8] =	vst.add.f32.msk $0xffff, v1  }
0x129: {  	v1 =	vld [tilespmem:s2+$0x73B8];
	_ =	sdelay $0x4  }
0x12a: {  	[tilespmem:s5+$0x2B8] =	vst.add.f32.msk $0xffff, v1  }
0x12b: {  	v1 =	vld [tilespmem:s2+$0x73C8];
	_ =	sdelay $0x4  }
0x12c: {  	[tilespmem:s5+$0x2C8] =	vst.add.f32.msk $0xffff, v1  }
0x12d: {  	v1 =	vld [tilespmem:s2+$0x73D8];
	_ =	sdelay $0x4  }
0x12e: {  	[tilespmem:s5+$0x2D8] =	vst.add.f32.msk $0xffff, v1  }
0x12f: {  	v1 =	vld [tilespmem:s2+$0x73E8];
	_ =	sdelay $0x4  }
0x130: {  	[tilespmem:s5+$0x2E8] =	vst.add.f32.msk $0xffff, v1  }
0x131: {  	v1 =	vld [tilespmem:s2+$0x73F8];
	_ =	sdelay $0x2  }
0x132: {  	p2 =	sgt.u32 s31, $0x4E170  }
0x133: {  	s2 =	sand.u32 @!p2 $0x7FFF8, s31  }
0x134: {  	s3 =	sadd.s32 $0x208, s5;
	s9 =	sand.u32 @!p2 $0x7, s31;
	s2 =	sadd.s32 @!p2 s1, s2;
	[tilespmem:s5+$0x2F8] =	vst.add.f32.msk $0xffff, v1  }
0x135: {  	[hbm4b:s2+s9] =	stream.linear.scatter @!p2 [tilespmem:s3], [sflag:$0xC], $0x80, $0x38;
	[tilespmem:$0x1E678] =	vst v63  }
0x136: {  	s2 =	sadd.s32 @!p2 $0x80, s31  }
0x137: {  	s2 =	sand.u32 @!p2 $0xFFFF8, s2  }
0x138: {  	s3 =	sadd.s32 $0x288, s5;
	s2 =	sadd.s32 @!p2 s1, s2  }
0x139: {  	[hbm4b:s2+s9] =	stream.linear.scatter @!p2 [tilespmem:s3], [sflag:$0xC], $0x80, $0x38;
	[tilespmem:$0x1E678] =	vst v63  }
0x13a: {  	s2 =	simm.s32 $0x0  }
0x13b: {  	s2 =	simm.s32 @!p2 $0x400  }
0x13c: {  	s4 =	sadd.s32 s2, s4  }
.LBB2_22:
0x13d: {  	s2 =	sadd.s32 $0x1, s24  }
0x13e: {  	s3 =	sshrl.u32 s2, $0x4  }
0x13f: {  	s3 =	smulhi.u32 $0x24924925, s3  }
0x140: {  	v1 =	vld [tilespmem:s28+$0xFFFFFF80]  }
0x141: {  	s3 =	smul.u32 $0x70, s3;
	_ =	sdelay $0x1  }
0x142: {  	s24 =	ssub.s32 s2, s3  }
0x143: {  	s2 =	sshll.u32 s24, $0x8  }
0x144: {  	[tilespmem:s2+$0x208] =	vst v1  }
0x145: {  	v1 =	vld [tilespmem:s28+$0xFFFFFF90];
	_ =	sdelay $0x4  }
0x146: {  	[tilespmem:s2+$0x218] =	vst v1  }
0x147: {  	v1 =	vld [tilespmem:s28+$0xFFFFFFA0];
	_ =	sdelay $0x4  }
0x148: {  	[tilespmem:s2+$0x228] =	vst v1  }
0x149: {  	v1 =	vld [tilespmem:s28+$0xFFFFFFB0];
	_ =	sdelay $0x4  }
0x14a: {  	[tilespmem:s2+$0x238] =	vst v1  }
0x14b: {  	v1 =	vld [tilespmem:s28+$0xFFFFFFC0];
	_ =	sdelay $0x4  }
0x14c: {  	[tilespmem:s2+$0x248] =	vst v1  }
0x14d: {  	v1 =	vld [tilespmem:s28+$0xFFFFFFD0];
	_ =	sdelay $0x4  }
0x14e: {  	[tilespmem:s2+$0x258] =	vst v1  }
0x14f: {  	v1 =	vld [tilespmem:s28+$0xFFFFFFE0];
	_ =	sdelay $0x4  }
0x150: {  	[tilespmem:s2+$0x268] =	vst v1  }
0x151: {  	v1 =	vld [tilespmem:s28+$0xFFFFFFF0];
	_ =	sdelay $0x4  }
0x152: {  	[tilespmem:s2+$0x278] =	vst v1  }
0x153: {  	v1 =	vld [tilespmem:s28+$0x0];
	_ =	sdelay $0x4  }
0x154: {  	[tilespmem:s2+$0x288] =	vst v1  }
0x155: {  	v1 =	vld [tilespmem:s28+$0x10];
	_ =	sdelay $0x4  }
0x156: {  	[tilespmem:s2+$0x298] =	vst v1  }
0x157: {  	v1 =	vld [tilespmem:s28+$0x20];
	_ =	sdelay $0x4  }
0x158: {  	[tilespmem:s2+$0x2A8] =	vst v1  }
0x159: {  	v1 =	vld [tilespmem:s28+$0x30];
	_ =	sdelay $0x4  }
0x15a: {  	[tilespmem:s2+$0x2B8] =	vst v1  }
0x15b: {  	v1 =	vld [tilespmem:s28+$0x40];
	_ =	sdelay $0x4  }
0x15c: {  	[tilespmem:s2+$0x2C8] =	vst v1  }
0x15d: {  	v1 =	vld [tilespmem:s28+$0x50];
	_ =	sdelay $0x4  }
0x15e: {  	[tilespmem:s2+$0x2D8] =	vst v1  }
0x15f: {  	v1 =	vld [tilespmem:s28+$0x60];
	_ =	sdelay $0x4  }
0x160: {  	[tilespmem:s2+$0x2E8] =	vst v1  }
0x161: {  	v1 =	vld [tilespmem:s28+$0x70]  }
.Ltmp21:
0x162: {  	_ = 	snop;
	(pc) =	sbr.rel .LBB2_23-.Ltmp21, $2  }
0x163: {  	_ =	sdelay $0x2  }
0x164: {  	s30 =	sadd.s32 $0x1, s30;
	[tilespmem:s2+$0x2F8] =	vst v1  }
.LBB2_25:
.Ltmp22:
0x165: {  	(pc) =	sbr.rel .LBB2_26-.Ltmp22, $4  }
0x166: {  	_ = 	snop  }
0x167: {  	s0 =	simm.s32 $0x2  }
0x168: {  	_ =	swait.ge [sflag:s0], $0x0  }
0x169: {  	s2 =	simm.s32 $0x0;
	[sflag:s0] =	ssyncset.done $0x0;
	s0 =	smov.u32 s31  }
.LBB2_28:
0x16a: {  	_ =	sfence.sel $0x180000  }
0x16b: {  	s0 =	simm.s32 $0x9;
	[bflag:$0x0] =	sbarrier.arrive $0xFFFF  }
0x16c: {  	s24 =	simm.s32 $0xA;
	[sflag:s0] =	ssyncpa.u1 $0x1  }
0x16d: {  	s25 =	simm.s32 $0xB;
	[sflag:s24] =	ssyncpa.u1 $0x1  }
0x16e: {  	s26 =	simm.s32 $0x2;
	[sflag:s25] =	ssyncpa.u1 $0x1  }
0x16f: {  	[sflag:s26] =	ssyncpa.u1 $0x1  }
0x170: {  	v0 =	vld [tilespmem:$0xE408];
	_ =	sdelay $0x4  }
0x171: {  	(v2sf) =	vpush v0, $0x0  }
0x172: {  	(v2sf) =	vpush v0, $0x1;
	_ =	sdelay $0x1  }
0x173: {  	(v2sf) =	vpush v0, $0x2;
	_ =	sdelay $0xb  }
0x174: {  	s0 =	spop (v2sf)  }
0x175: {  	s2 =	spop (v2sf)  }
0x176: {  	s3 =	smov.u32 s0;
	p0 =	sne.s32 s0, s2  }
0x177: {  	s4 =	spop (v2sf);
	s3 =	simm.s32 @!p0 $0xFFFFFFFF  }
0x178: {  	v2 =	vimm.s32 $0x1;
	v3 =	vlaneseq.u32;
	p0 =	seq.s32 s4, $0xFFFFFFFF;
	v1 =	vmov s3  }
0x179: {  	s15 =	stileid.u32;
	v0 =	vperm.xlane v0, v2;
	p1 =	sne.s32 @!p0 s0, s2;
	v1 =	vperm.xlane v1, v3  }
0x17a: {  	vm0 =	vcmask $0x3F04;
	s6 =	simm.s32 $0xE408;
	s0 =	simm.s32 @!p0 $0x1;
	p1 =	por !p1, p0  }
0x17b: {  	s3 =	sshll.u32 s15, $0x1;
	s2 =	sshll.u32 @!p0 s4, $0xA;
	s0 =	simm.s32 @p1 $0x0;
	v0 =	vsel vm0, v1, v0  }
0x17c: {  	s5 =	sor.u32 $0x2000, s3;
	s2 =	sshra.s32 @!p0 s2, $0x2;
	s0 =	sor.u32 @!p0 s0, s3;
	[tilespmem:$0xE408] =	vst v0  }
0x17d: {  	[spmem:s5] =	stream.linear.scatter [tilespmem:s6], [sflag:$0x1], $0x2, $0x38;
	[tilespmem:$0x1E678] =	vst v63  }
0x17e: {  	s2 =	sadd.s32 @!p0 $0x208, s2;
	s0 =	sshll.u32 @!p0 s0, $0x8  }
0x17f: {  	[spmem:s0] =	stream.linear.scatter @!p0 [tilespmem:s2], [sflag:$0x1], $0x100, $0x38;
	[tilespmem:$0x1E678] =	vst v63  }
0x180: {  	s0 =	simm.s32 @!p0 $0x102  }
0x181: {  	s28 =	simm.s32 $0x1;
	s0 =	simm.s32 @p0 $0x2  }
0x182: {  	_ =	swait.ge [sflag:s28], s0  }
0x183: {  	s0 =	ssub.s32 $0x0, s0;
	[sflag:s28] =	ssyncset.done $0x0  }
0x184: {  	p0 =	sne.s32 s15, $0x0;
	[sflag:s28] =	ssyncadd.s32 s0  }
.Ltmp23:
0x185: {  	_ =	sfence.stream.spmem;
	(pc) =	sbr.rel @p0 .LBB2_45-.Ltmp23, $4  }
0x186: {  	s29 =	simm.s32 $0x3;
	[bflag:$0x0] =	sbarrier.arrive $0xFFFF  }
0x187: {  	s30 =	simm.s32 $0x4;
	[sflag:s29] =	ssyncpa.u1 $0x1  }
0x188: {  	s31 =	simm.s32 $0x3C;
	[sflag:s30] =	ssyncpa.u1 $0x1  }
0x189: {  	s14 =	rddreg [dreg:$0x4];
	[sflag:s31] =	ssyncpa.u1 $0x1  }
0x18a: {  	_ =	sfence.stream.spmem;
	s0 =	simm.s32 $0x5  }
0x18b: {  	s2 =	simm.s32 $0x2000;
	s3 =	simm.s32 $0xE418;
	[sflag:s0] =	ssyncpa.u1 $0x0  }
0x18c: {  	[tilespmem:s3], [sflag:$0x5] =	stream.linear.gather [spmem:s2], $0x20, $0x38;
	[tilespmem:$0x1E678] =	vst v63  }
0x18d: {  	s26 =	simm.s32 $0x0;
	s28 =	simm.s32 $0xE438  }
0x18e: {  	[tilespmem:s28], [sflag:$0x5] =	stream.linear.gather [spmem:s26], $0x2000, $0x38;
	[tilespmem:$0x1E678] =	vst v63  }
0x18f: {  	_ =	swait.ge [sflag:s0], $0x2020  }
0x190: {  	[sflag:s0] =	ssyncset.done $0x0  }
0x191: {  	s29 =	simm.s32 $0x0;
	[sflag:s0] =	ssyncadd.s32 $0xFFFFDFE0  }
0x192: {  	v0 =	vld.msk [tilespmem:s29+$0xE418], $0x1;
	_ =	sdelay $0x1  }
0x193: {  	s30 =	simm.s32 $0x1  }
0x194: {  	v1 =	vld.msk [tilespmem:s30+$0xE418], $0x1;
	_ =	sdelay $0x1  }
0x195: {  	(v2sf) =	vpush v0, $0x0;
	_ =	sdelay $0x2  }
0x196: {  	(v2sf) =	vpush v1, $0x0;
	_ =	sdelay $0x2  }
0x197: {  	s31 =	simm.s32 $0x2  }
0x198: {  	v0 =	vld.msk [tilespmem:s31+$0xE418], $0x1;
	_ =	sdelay $0x2  }
0x199: {  	s2 =	simm.s32 $0xFFFFFFFF;
	s3 =	simm.s32 $0xFFFFFFFF;
	s0 =	simm.s32 $0xC  }
.LBB2_30:
0x19a: {  	s4 =	smov.u32 s3;
	s5 =	smov.u32 s2  }
0x19b: {  	s2 =	sshra.s32 s0, $0x2;
	p1 =	sne.s32 s0, $0x7C;
	s0 =	sadd.s32 $0x4, s0;
	(v2sf) =	vpush v0, $0x0  }
0x19c: {  	v0 =	vld.msk [tilespmem:s2+$0xE418], $0x1  }
.Ltmp24:
0x19d: {  	(pc) =	sbr.rel @p1 .LBB2_30-.Ltmp24, $4  }
0x19e: {  	s3 =	spop (v2sf)  }
0x19f: {  	p2 =	sne.s32 s5, $0xFFFFFFFF;
	s2 =	smov.u32 s3  }
0x1a0: {  	p3 =	seq.s32 s3, $0xFFFFFFFF;
	s2 =	smov.u32 @p2 s5  }
0x1a1: {  	s3 =	smov.u32 @p3 s4;
	s2 =	smov.u32 @p3 s5  }
0x1a2: {  	(v2sf) =	vpush v0, $0x0;
	_ =	sdelay $0x8  }
0x1a3: {  	s0 =	spop (v2sf)  }
0x1a4: {  	p1 =	sne.s32 s2, $0xFFFFFFFF;
	s9 =	simm.s32 $0x6;
	s4 =	smov.u32 s0  }
0x1a5: {  	s6 =	simm.s32 $0x0;
	p2 =	seq.s32 s0, $0xFFFFFFFF;
	s4 =	smov.u32 @p1 s2  }
0x1a6: {  	s10 =	simm.s32 $0xE308;
	s4 =	smov.u32 @p2 s2;
	s2 =	spop (v2sf)  }
0x1a7: {  	s0 =	smov.u32 @p2 s3;
	p1 =	sne.s32 s4, $0xFFFFFFFF;
	s5 =	smov.u32 s2  }
.Ltmp25:
0x1a8: {  	p2 =	seq.s32 s2, $0xFFFFFFFF;
	s5 =	smov.u32 @p1 s4;
	(pc) =	sbr.rel .LBB2_32-.Ltmp25, $4  }
0x1a9: {  	s11 =	simm.s32 $0xE388;
	s5 =	smov.u32 @p2 s4;
	s7 =	spop (v2sf)  }
0x1aa: {  	s12 =	simm.s32 $0x0;
	p1 =	sne.s32 s5, $0xFFFFFFFF;
	s8 =	smov.u32 s7  }
0x1ab: {  	s2 =	smov.u32 @p2 s0;
	p2 =	seq.s32 s7, $0xFFFFFFFF;
	s8 =	smov.u32 @p1 s5  }
0x1ac: {  	[sflag:s9] =	ssyncpa.u1 $0x0;
	s7 =	smov.u32 @p2 s2;
	s8 =	smov.u32 @p2 s5  }
.LBB2_38:
0x1ad: {  	p1 =	sgt.u32 s0, $0x4E170  }
0x1ae: {  	p2 =	seq.s32 @!p1 s0, s8  }
0x1af: {  	p1 =	por p1, p2  }
0x1b0: {  	p2 =	sne.s32 @!p1 s0, s7  }
0x1b1: {  	p1 =	por p1, !p2  }
0x1b2: {  	s0 =	sshll.u32 @p1 s12, $0xA  }
0x1b3: {  	s2 =	sand.u32 @!p1 $0x7FFF8, s0;
	s3 =	sand.u32 @!p1 $0x7, s0;
	s0 =	sadd.s32 @!p1 $0x80, s0  }
0x1b4: {  	s2 =	sadd.s32 @!p1 s1, s2;
	s0 =	sand.u32 @!p1 $0xFFFF8, s0  }
0x1b5: {  	[tilespmem:s10], [sflag:$0x6] =	stream.linear.gather @!p1 [hbm4b:s2+s3], $0x80, $0x38;
	[tilespmem:$0x1E678] =	vst v63  }
0x1b6: {  	s0 =	sadd.s32 @!p1 s1, s0  }
0x1b7: {  	[tilespmem:s11], [sflag:$0x6] =	stream.linear.gather @!p1 [hbm4b:s0+s3], $0x80, $0x38;
	[tilespmem:$0x1E678] =	vst v63  }
0x1b8: {  	_ =	swait.ge @!p1 [sflag:s9], $0x100  }
0x1b9: {  	[sflag:s9] =	ssyncset.done @!p1 $0x0  }
0x1ba: {  	[sflag:s9] =	ssyncadd.s32 @!p1 $0xFFFFFF00  }
0x1bb: {  	v1 =	vld @!p1 [tilespmem:$0xE308];
	_ =	sdelay $0x2  }
0x1bc: {  	s0 =	sshll.u32 @!p1 s12, $0xA  }
0x1bd: {  	s2 =	sshrl.u32 @!p1 s0, $0x2  }
0x1be: {  	[tilespmem:s2+$0xE438] =	vst.add.f32.msk @!p1 $0xffff, v1  }
0x1bf: {  	v1 =	vld @!p1 [tilespmem:$0xE318];
	_ =	sdelay $0x4  }
0x1c0: {  	[tilespmem:s2+$0xE448] =	vst.add.f32.msk @!p1 $0xffff, v1  }
0x1c1: {  	v1 =	vld @!p1 [tilespmem:$0xE328];
	_ =	sdelay $0x4  }
0x1c2: {  	[tilespmem:s2+$0xE458] =	vst.add.f32.msk @!p1 $0xffff, v1  }
0x1c3: {  	v1 =	vld @!p1 [tilespmem:$0xE338];
	_ =	sdelay $0x4  }
0x1c4: {  	[tilespmem:s2+$0xE468] =	vst.add.f32.msk @!p1 $0xffff, v1  }
0x1c5: {  	v1 =	vld @!p1 [tilespmem:$0xE348];
	_ =	sdelay $0x4  }
0x1c6: {  	[tilespmem:s2+$0xE478] =	vst.add.f32.msk @!p1 $0xffff, v1  }
0x1c7: {  	v1 =	vld @!p1 [tilespmem:$0xE358];
	_ =	sdelay $0x4  }
0x1c8: {  	[tilespmem:s2+$0xE488] =	vst.add.f32.msk @!p1 $0xffff, v1  }
0x1c9: {  	v1 =	vld @!p1 [tilespmem:$0xE368];
	_ =	sdelay $0x4  }
0x1ca: {  	[tilespmem:s2+$0xE498] =	vst.add.f32.msk @!p1 $0xffff, v1  }
0x1cb: {  	v1 =	vld @!p1 [tilespmem:$0xE378];
	_ =	sdelay $0x4  }
0x1cc: {  	[tilespmem:s2+$0xE4A8] =	vst.add.f32.msk @!p1 $0xffff, v1  }
0x1cd: {  	v1 =	vld @!p1 [tilespmem:$0xE388];
	_ =	sdelay $0x4  }
0x1ce: {  	[tilespmem:s2+$0xE4B8] =	vst.add.f32.msk @!p1 $0xffff, v1  }
0x1cf: {  	v1 =	vld @!p1 [tilespmem:$0xE398];
	_ =	sdelay $0x4  }
0x1d0: {  	[tilespmem:s2+$0xE4C8] =	vst.add.f32.msk @!p1 $0xffff, v1  }
0x1d1: {  	v1 =	vld @!p1 [tilespmem:$0xE3A8];
	_ =	sdelay $0x4  }
0x1d2: {  	[tilespmem:s2+$0xE4D8] =	vst.add.f32.msk @!p1 $0xffff, v1  }
0x1d3: {  	v1 =	vld @!p1 [tilespmem:$0xE3B8];
	_ =	sdelay $0x4  }
0x1d4: {  	[tilespmem:s2+$0xE4E8] =	vst.add.f32.msk @!p1 $0xffff, v1  }
0x1d5: {  	v1 =	vld @!p1 [tilespmem:$0xE3C8];
	_ =	sdelay $0x4  }
0x1d6: {  	[tilespmem:s2+$0xE4F8] =	vst.add.f32.msk @!p1 $0xffff, v1  }
0x1d7: {  	v1 =	vld @!p1 [tilespmem:$0xE3D8];
	_ =	sdelay $0x4  }
0x1d8: {  	[tilespmem:s2+$0xE508] =	vst.add.f32.msk @!p1 $0xffff, v1  }
0x1d9: {  	v1 =	vld @!p1 [tilespmem:$0xE3E8];
	_ =	sdelay $0x4  }
0x1da: {  	[tilespmem:s2+$0xE518] =	vst.add.f32.msk @!p1 $0xffff, v1  }
0x1db: {  	v1 =	vld @!p1 [tilespmem:$0xE3F8];
	_ =	sdelay $0x4  }
0x1dc: {  	[tilespmem:s2+$0xE528] =	vst.add.f32.msk @!p1 $0xffff, v1  }
0x1dd: {  	s0 =	sshrl.u32 s0, $0x2;
	[tilespmem:s6+$0xE418] =	vst.msk $0x1, v0  }
0x1de: {  	v0 =	vld [tilespmem:s0+$0xE438];
	_ =	sdelay $0x2  }
0x1df: {  	s31 =	sshll.u32 s6, $0xA  }
0x1e0: {  	s2 =	sshra.s32 s31, $0x2  }
0x1e1: {  	[tilespmem:s2+$0xE438] =	vst v0  }
0x1e2: {  	v0 =	vld [tilespmem:s0+$0xE448];
	_ =	sdelay $0x4  }
0x1e3: {  	[tilespmem:s2+$0xE448] =	vst v0  }
0x1e4: {  	v0 =	vld [tilespmem:s0+$0xE458];
	_ =	sdelay $0x4  }
0x1e5: {  	[tilespmem:s2+$0xE458] =	vst v0  }
0x1e6: {  	v0 =	vld [tilespmem:s0+$0xE468];
	_ =	sdelay $0x4  }
0x1e7: {  	[tilespmem:s2+$0xE468] =	vst v0  }
0x1e8: {  	v0 =	vld [tilespmem:s0+$0xE478];
	_ =	sdelay $0x4  }
0x1e9: {  	[tilespmem:s2+$0xE478] =	vst v0  }
0x1ea: {  	v0 =	vld [tilespmem:s0+$0xE488];
	_ =	sdelay $0x4  }
0x1eb: {  	[tilespmem:s2+$0xE488] =	vst v0  }
0x1ec: {  	v0 =	vld [tilespmem:s0+$0xE498];
	_ =	sdelay $0x4  }
0x1ed: {  	[tilespmem:s2+$0xE498] =	vst v0  }
0x1ee: {  	v0 =	vld [tilespmem:s0+$0xE4A8];
	_ =	sdelay $0x4  }
0x1ef: {  	[tilespmem:s2+$0xE4A8] =	vst v0  }
0x1f0: {  	v0 =	vld [tilespmem:s0+$0xE4B8];
	_ =	sdelay $0x4  }
0x1f1: {  	[tilespmem:s2+$0xE4B8] =	vst v0  }
0x1f2: {  	v0 =	vld [tilespmem:s0+$0xE4C8];
	_ =	sdelay $0x4  }
0x1f3: {  	[tilespmem:s2+$0xE4C8] =	vst v0  }
0x1f4: {  	v0 =	vld [tilespmem:s0+$0xE4D8];
	_ =	sdelay $0x4  }
0x1f5: {  	[tilespmem:s2+$0xE4D8] =	vst v0  }
0x1f6: {  	v0 =	vld [tilespmem:s0+$0xE4E8];
	_ =	sdelay $0x4  }
0x1f7: {  	[tilespmem:s2+$0xE4E8] =	vst v0  }
0x1f8: {  	v0 =	vld [tilespmem:s0+$0xE4F8];
	_ =	sdelay $0x4  }
0x1f9: {  	[tilespmem:s2+$0xE4F8] =	vst v0  }
0x1fa: {  	v0 =	vld [tilespmem:s0+$0xE508];
	_ =	sdelay $0x4  }
0x1fb: {  	[tilespmem:s2+$0xE508] =	vst v0  }
0x1fc: {  	v0 =	vld [tilespmem:s0+$0xE518];
	_ =	sdelay $0x4  }
0x1fd: {  	[tilespmem:s2+$0xE518] =	vst v0  }
0x1fe: {  	v0 =	vld [tilespmem:s0+$0xE528];
	_ =	sdelay $0x4  }
0x1ff: {  	s6 =	sadd.s32 $0x1, s6;
	[tilespmem:s2+$0xE528] =	vst v0  }
.LBB2_39:
0x200: {  	s12 =	sadd.s32 $0x1, s12  }
0x201: {  	p1 =	sne.s32 s12, $0x20  }
.Ltmp26:
0x202: {  	_ = 	snop;
	(pc) =	sbr.rel @!p1 .LBB2_40-.Ltmp26, $1  }
0x203: {  	_ =	sdelay $0x3  }
.LBB2_32:
0x204: {  	v0 =	vld.msk [tilespmem:s12+$0xE418], $0x1;
	_ =	sdelay $0x4  }
0x205: {  	(v2sf) =	vpush v0, $0x0;
	_ =	sdelay $0xe  }
0x206: {  	s0 =	spop (v2sf)  }
0x207: {  	p1 =	seq.s32 s0, $0xFFFFFFFF  }
.Ltmp27:
0x208: {  	_ = 	snop;
	(pc) =	sbr.rel @p1 .LBB2_39-.Ltmp27, $1  }
0x209: {  	_ =	sdelay $0x3  }
0x20a: {  	p1 =	slt.s32 s6, $0x1  }
.Ltmp28:
0x20b: {  	_ = 	snop;
	(pc) =	sbr.rel @p1 .LBB2_38-.Ltmp28, $1  }
0x20c: {  	_ =	sdelay $0x3  }
0x20d: {  	s4 =	simm.s32 $0xE418;
	p1 =	por $0x0, $0x0  }
0x20e: {  	v1 =	vld.msk @!p1 [tilespmem:s4+$0x0], $0x1;
	_ =	sdelay $0x4  }
0x20f: {  	(v2sf) =	vpush @!p1 v1, $0x0;
	_ =	sdelay $0xd  }
0x210: {  	p3 =	sne.s32 s6, $0x1  }
.Ltmp29:
0x211: {  	s2 =	spop @!p1 (v2sf);
	(pc) =	sbr.rel @!p3 .LBB2_36-.Ltmp29, $4  }
0x212: {  	p2 =	seq.s32 @!p1 s0, s2  }
0x213: {  	s5 =	simm.s32 $0x0;
	p2 =	por !p2, p1  }
0x214: {  	s2 =	simm.s32 $0xFFFFFFFF;
	s5 =	simm.s32 @p2 $0xFFFFFFFF  }
0x215: {  	s13 =	simm.s32 $0x1;
	s5 =	smov.u32 @p1 s2  }
.LBB2_35:
0x216: {  	s2 =	smov.u32 s5;
	p1 =	sne.s32 s5, $0xFFFFFFFF  }
0x217: {  	s4 =	sadd.s32 $0x1, s4;
	s5 =	smov.u32 s13;
	s13 =	sadd.s32 $0x1, s13  }
0x218: {  	p2 =	sne.s32 s6, s13;
	v1 =	vld.msk @!p1 [tilespmem:s4+$0x0], $0x1;
	_ =	sdelay $0x4  }
0x219: {  	(v2sf) =	vpush @!p1 v1, $0x0;
	_ =	sdelay $0xe  }
.Ltmp30:
0x21a: {  	s3 =	spop @!p1 (v2sf);
	(pc) =	sbr.rel @p2 .LBB2_35-.Ltmp30, $4  }
0x21b: {  	p3 =	seq.s32 @!p1 s0, s3  }
0x21c: {  	p3 =	por !p3, p1  }
0x21d: {  	s5 =	simm.s32 @p3 $0xFFFFFFFF  }
0x21e: {  	s5 =	smov.u32 @p1 s2  }
.LBB2_36:
0x21f: {  	p1 =	seq.s32 s5, $0xFFFFFFFF  }
.Ltmp31:
0x220: {  	_ = 	snop;
	(pc) =	sbr.rel @p1 .LBB2_38-.Ltmp31, $1  }
0x221: {  	_ =	sdelay $0x3  }
0x222: {  	s0 =	sshll.u32 s12, $0x8  }
0x223: {  	s0 =	sand.u32 $0x3FFFFF00, s0  }
0x224: {  	v0 =	vld [tilespmem:s0+$0xE438];
	_ =	sdelay $0x2  }
0x225: {  	s2 =	sshll.u32 s5, $0xA  }
0x226: {  	s2 =	sshra.s32 s2, $0x2  }
0x227: {  	[tilespmem:s2+$0xE438] =	vst.add.f32.msk $0xffff, v0  }
0x228: {  	v0 =	vld [tilespmem:s0+$0xE448];
	_ =	sdelay $0x4  }
0x229: {  	[tilespmem:s2+$0xE448] =	vst.add.f32.msk $0xffff, v0  }
0x22a: {  	v0 =	vld [tilespmem:s0+$0xE458];
	_ =	sdelay $0x4  }
0x22b: {  	[tilespmem:s2+$0xE458] =	vst.add.f32.msk $0xffff, v0  }
0x22c: {  	v0 =	vld [tilespmem:s0+$0xE468];
	_ =	sdelay $0x4  }
0x22d: {  	[tilespmem:s2+$0xE468] =	vst.add.f32.msk $0xffff, v0  }
0x22e: {  	v0 =	vld [tilespmem:s0+$0xE478];
	_ =	sdelay $0x4  }
0x22f: {  	[tilespmem:s2+$0xE478] =	vst.add.f32.msk $0xffff, v0  }
0x230: {  	v0 =	vld [tilespmem:s0+$0xE488];
	_ =	sdelay $0x4  }
0x231: {  	[tilespmem:s2+$0xE488] =	vst.add.f32.msk $0xffff, v0  }
0x232: {  	v0 =	vld [tilespmem:s0+$0xE498];
	_ =	sdelay $0x4  }
0x233: {  	[tilespmem:s2+$0xE498] =	vst.add.f32.msk $0xffff, v0  }
0x234: {  	v0 =	vld [tilespmem:s0+$0xE4A8];
	_ =	sdelay $0x4  }
0x235: {  	[tilespmem:s2+$0xE4A8] =	vst.add.f32.msk $0xffff, v0  }
0x236: {  	v0 =	vld [tilespmem:s0+$0xE4B8];
	_ =	sdelay $0x4  }
0x237: {  	[tilespmem:s2+$0xE4B8] =	vst.add.f32.msk $0xffff, v0  }
0x238: {  	v0 =	vld [tilespmem:s0+$0xE4C8];
	_ =	sdelay $0x4  }
0x239: {  	[tilespmem:s2+$0xE4C8] =	vst.add.f32.msk $0xffff, v0  }
0x23a: {  	v0 =	vld [tilespmem:s0+$0xE4D8];
	_ =	sdelay $0x4  }
0x23b: {  	[tilespmem:s2+$0xE4D8] =	vst.add.f32.msk $0xffff, v0  }
0x23c: {  	v0 =	vld [tilespmem:s0+$0xE4E8];
	_ =	sdelay $0x4  }
0x23d: {  	[tilespmem:s2+$0xE4E8] =	vst.add.f32.msk $0xffff, v0  }
0x23e: {  	v0 =	vld [tilespmem:s0+$0xE4F8];
	_ =	sdelay $0x4  }
0x23f: {  	[tilespmem:s2+$0xE4F8] =	vst.add.f32.msk $0xffff, v0  }
0x240: {  	v0 =	vld [tilespmem:s0+$0xE508];
	_ =	sdelay $0x4  }
0x241: {  	[tilespmem:s2+$0xE508] =	vst.add.f32.msk $0xffff, v0  }
0x242: {  	v0 =	vld [tilespmem:s0+$0xE518];
	_ =	sdelay $0x4  }
0x243: {  	[tilespmem:s2+$0xE518] =	vst.add.f32.msk $0xffff, v0  }
0x244: {  	v0 =	vld [tilespmem:s0+$0xE528]  }
.Ltmp32:
0x245: {  	_ = 	snop;
	(pc) =	sbr.rel .LBB2_39-.Ltmp32, $2  }
0x246: {  	_ =	sdelay $0x2  }
0x247: {  	[tilespmem:s2+$0xE528] =	vst.add.f32.msk $0xffff, v0  }
.LBB2_40:
0x248: {  	s0 =	simm.s32 $0x6;
	p1 =	seq.s32 s6, $0x0  }
0x249: {  	[sflag:s0] =	ssyncpa.u1 $0x1;
	v0 =	vimm.s32 @p1 $0xFFFFFFFF  }
0x24a: {  	s0 =	sadd.s32 $0xFFFFFFFF, s6;
	[tilespmem:$0x10438] =	vst @p1 v0  }
0x24b: {  	v0 =	vld.msk @!p1 [tilespmem:s0+$0xE418], $0x1;
	_ =	sdelay $0x1  }
0x24c: {  	v1 =	vld.msk @!p1 [tilespmem:$0xE418], $0x1;
	_ =	sdelay $0x2  }
0x24d: {  	p2 =	seq.s32 @!p1 s0, $0x0;
	v0 =	vbroadcast @!p1 v0, $0x0  }
0x24e: {  	vm0 =	vmmov @!p1 $0x1;
	p2 =	por !p2, p1  }
0x24f: {  	v1 =	vnsel @!p1 vm0, $0xFFFFFFFF, v1;
	vm0 =	vcmask @!p1 $0x308;
	v0 =	vpsel !p2, $0xFFFFFFFF, v0  }
0x250: {  	p2 =	sne.s32 @!p1 s8, s7;
	v0 =	vsel @!p1 vm0, v1, v0  }
0x251: {  	s2 =	simm.s32 @!p1 $0xE438;
	s3 =	simm.s32 @!p1 $0x0;
	p3 =	por !p2, p1;
	[tilespmem:$0x10438] =	vst @!p1 v0  }
0x252: {  	[spmem:s3] =	stream.linear.scatter @!p1 [tilespmem:s2], [sflag:$0x1], $0x100, $0x38;
	[tilespmem:$0x1E678] =	vst v63  }
0x253: {  	s2 =	sshll.u32 @!p3 s0, $0xA  }
0x254: {  	s2 =	sshra.s32 @!p3 s2, $0x2  }
0x255: {  	s3 =	simm.s32 @!p3 $0x100;
	s2 =	sadd.s32 @!p3 $0xE438, s2  }
0x256: {  	[spmem:s3] =	stream.linear.scatter @!p3 [tilespmem:s2], [sflag:$0x1], $0x100, $0x38;
	[tilespmem:$0x1E678] =	vst v63  }
0x257: {  	s2 =	simm.s32 @!p3 $0x1  }
0x258: {  	_ =	swait.ge @!p3 [sflag:s2], $0x200  }
0x259: {  	p1 =	por p2, p1;
	[sflag:s2] =	ssyncset.done @!p3 $0x0  }
0x25a: {  	[sflag:s2] =	ssyncadd.s32 @!p3 $0xFFFFFE00;
	s2 =	simm.s32 @!p1 $0x1  }
0x25b: {  	_ =	swait.ge @!p1 [sflag:s2], $0x100  }
0x25c: {  	s29 =	simm.s32 $0x10438;
	[sflag:s2] =	ssyncset.done @!p1 $0x0  }
0x25d: {  	s30 =	simm.s32 $0x2000;
	s31 =	simm.s32 $0x1;
	[sflag:s2] =	ssyncadd.s32 @!p1 $0xFFFFFF00  }
0x25e: {  	[spmem:s30] =	stream.linear.scatter [tilespmem:s29], [sflag:$0x1], $0x10, $0x38;
	[tilespmem:$0x1E678] =	vst v63  }
0x25f: {  	_ =	swait.ge [sflag:s31], $0x10  }
0x260: {  	[sflag:s31] =	ssyncset.done $0x0  }
0x261: {  	p1 =	seq.s32 s14, $0x0;
	s9 =	rddreg [dreg:$0x1];
	[sflag:s31] =	ssyncadd.s32 $0xFFFFFFF0  }
0x262: {  	s3 =	sshll.u32 @p1 s9, $0xE;
	s8 =	rddreg [dreg:$0x2]  }
0x263: {  	s2 =	sadd.s32 @p1 $0x15C3C, s3;
	s3 =	sshll.u32 @p1 s8, $0x11  }
0x264: {  	_ =	sfence.stream.spmem;
	s2 =	sor.u32 @p1 s3, s2  }
0x265: {  	[sflag:s2] =	ssyncadd.remote.s32 @p1 $0x1;
	s2 =	simm.s32 @p1 $0x4  }
0x266: {  	s4 =	simm.s32 @!p1 $0x3C;
	s3 =	sand.u32 $0xFFFFFFFE, s9;
	_ =	swait.ge @p1 [sflag:s2], $0x42  }
0x267: {  	s5 =	simm.s32 @!p1 $0x0;
	s3 =	sadd.s32 @!p1 $0x4, s3;
	[sflag:s2] =	ssyncset.done @p1 $0x0  }
0x268: {  	s7 =	simm.s32 @!p1 $0x200;
	[sflag:s2] =	ssyncadd.s32 @p1 $0xFFFFFFBE;
	s2 =	sshll.u32 @!p1 s3, $0x1A  }
0x269: {  	s3 =	sshll.u32 @!p1 s3, $0xD;
	s2 =	sor.u32 @!p1 s2, s8;
	_ =	swait.eq @!p1 [sflag:s4], $0x1  }
0x26a: {  	s3 =	sor.u32 @!p1 $0x1C04, s3;
	s4 =	simm.s32 @!p1 $0x1C03;
	s2 =	sor.u32 @!p1 $0x80004000, s2  }
0x26b: {  	[spmem:s7], [sflag:s3] =	dma.general @!p1 [spmem:s5], [sflag:s4], length:$0x40, [dreg:$0x0], stride_count:$0x0, ici_dest:s2, dma_misc:DstOpCode:WRITE  }
0x26c: {  	p2 =	slt.s32 s0, $0x2;
	s5 =	simm.s32 @!p1 $0x400;
	s7 =	simm.s32 @!p1 $0x402  }
0x26d: {  	[spmem:s7], [sflag:s3] =	dma.general @!p1 [spmem:s5], [sflag:s4], length:$0x2, [dreg:$0x0], stride_count:$0x0, ici_dest:s2, dma_misc:DstOpCode:WRITE  }
.Ltmp33:
0x26e: {  	s2 =	simm.s32 @!p1 $0x3;
	(pc) =	sbr.rel @p2 .LBB2_44-.Ltmp33, $4  }
0x26f: {  	s3 =	sshll.u32 @!p1 s9, $0xE;
	_ =	swait.ge @!p1 [sflag:s2], $0x42  }
0x270: {  	s4 =	sshll.u32 @!p1 s8, $0x11;
	s3 =	sadd.s32 @!p1 $0x11C3C, s3;
	[sflag:s2] =	ssyncset.done @!p1 $0x0  }
0x271: {  	[sflag:s2] =	ssyncadd.s32 @!p1 $0xFFFFFFBE;
	s2 =	sor.u32 @!p1 s4, s3  }
0x272: {  	s0 =	simm.s32 $0x0;
	[sflag:s2] =	ssyncadd.remote.s32 @!p1 $0xFFFFFFFF  }
0x273: {  	s0 =	simm.s32 $0xE419  }
0x274: {  	v0 =	vld.msk [tilespmem:s0+$0x0], $0x1;
	_ =	sdelay $0x4  }
0x275: {  	(v2sf) =	vpush v0, $0x0;
	_ =	sdelay $0xd  }
0x276: {  	s31 =	sadd.s32 $0xFFFFFFFE, s6  }
0x277: {  	s6 =	simm.s32 $0x0;
	s0 =	sadd.s32 $0xFFFFFFFF, s31;
	s2 =	spop (v2sf)  }
0x278: {  	s3 =	simm.s32 $0xE538;
	p1 =	sne.s32 s0, $0x0;
	p2 =	sgt.u32 s2, $0x4E170  }
.Ltmp34:
0x279: {  	s4 =	simm.s32 $0xE638;
	s5 =	sand.u32 @!p2 $0x7FFF8, s2;
	(pc) =	sbr.rel @!p1 .LBB2_43-.Ltmp34, $4  }
0x27a: {  	s7 =	sadd.s32 @!p2 $0x80, s2;
	s2 =	sand.u32 @!p2 $0x7, s2;
	s6 =	simm.s32 @!p2 $0x400  }
0x27b: {  	s5 =	sadd.s32 @!p2 s1, s5;
	s7 =	sand.u32 @!p2 $0xFFFF8, s7;
	s6 =	sadd.s32 $0x0, s6  }
0x27c: {  	[hbm4b:s5+s2] =	stream.linear.scatter @!p2 [tilespmem:s3], [sflag:$0x5], $0x80, $0x38;
	[tilespmem:$0x1E678] =	vst v63  }
0x27d: {  	s5 =	simm.s32 $0xE41A;
	s3 =	simm.s32 @!p2 $0xE5B8;
	s7 =	sadd.s32 @!p2 s1, s7  }
.LBB2_42:
0x27e: {  	[hbm4b:s7+s2] =	stream.linear.scatter @!p2 [tilespmem:s3], [sflag:$0x5], $0x80, $0x38;
	[tilespmem:$0x1E678] =	vst v63  }
0x27f: {  	s0 =	sadd.s32 $0xFFFFFFFF, s0;
	s3 =	smov.u32 s4;
	v0 =	vld.msk [tilespmem:s5+$0x0], $0x1  }
0x280: {  	p1 =	sne.s32 s0, $0x0;
	_ =	sdelay $0x3  }
0x281: {  	(v2sf) =	vpush v0, $0x0;
	_ =	sdelay $0xe  }
0x282: {  	s4 =	sadd.s32 $0x100, s4;
	s8 =	simm.s32 $0x0;
	s2 =	spop (v2sf)  }
.Ltmp35:
0x283: {  	s5 =	sadd.s32 $0x1, s5;
	p2 =	sgt.u32 s2, $0x4E170;
	(pc) =	sbr.rel @p1 .LBB2_42-.Ltmp35, $4  }
0x284: {  	s8 =	simm.s32 @!p2 $0x400;
	s7 =	sand.u32 @!p2 $0x7FFF8, s2;
	s9 =	sadd.s32 @!p2 $0x80, s2  }
0x285: {  	s2 =	sand.u32 @!p2 $0x7, s2;
	s7 =	sadd.s32 @!p2 s1, s7;
	s9 =	sand.u32 @!p2 $0xFFFF8, s9  }
0x286: {  	[hbm4b:s7+s2] =	stream.linear.scatter @!p2 [tilespmem:s3], [sflag:$0x5], $0x80, $0x38;
	[tilespmem:$0x1E678] =	vst v63  }
0x287: {  	s6 =	sadd.s32 s6, s8;
	s3 =	sadd.s32 @!p2 $0x80, s3;
	s7 =	sadd.s32 @!p2 s1, s9  }
.LBB2_43:
0x288: {  	[hbm4b:s7+s2] =	stream.linear.scatter @!p2 [tilespmem:s3], [sflag:$0x5], $0x80, $0x38;
	[tilespmem:$0x1E678] =	vst v63  }
0x289: {  	s0 =	sshrl.u32 s6, $0x2  }
.LBB2_44:
0x28a: {  	s2 =	simm.s32 $0x5  }
0x28b: {  	_ =	swait.ge [sflag:s2], s0  }
0x28c: {  	s31 =	ssub.s32 $0x0, s0;
	[sflag:s2] =	ssyncset.done $0x0  }
0x28d: {  	[sflag:s2] =	ssyncadd.s32 s31  }
0x28e: {  	[sflag:s2] =	ssyncpa.u1 $0x1  }
.LBB2_45:
0x28f: {  	s0 =	sor.u32 s14, s15  }
0x290: {  	p1 =	sne.s32 s0, $0x0  }
.Ltmp36:
0x291: {  	_ = 	snop;
	(pc) =	sbr.rel @p1 .LBB2_60-.Ltmp36, $3  }
0x292: {  	_ =	sdelay $0x1  }
0x293: {  	[bflag:$0x0] =	sbarrier.arrive $0xFFFF  }
0x294: {  	_ =	sfence  }
0x295: {  	s0 =	simm.s32 $0x7  }
0x296: {  	s2 =	simm.s32 $0x2000;
	s3 =	simm.s32 $0xE418;
	[sflag:s0] =	ssyncpa.u1 $0x0  }
0x297: {  	[tilespmem:s3], [sflag:$0x7] =	stream.linear.gather [spmem:s2], $0x20, $0x38;
	[tilespmem:$0x1E678] =	vst v63  }
0x298: {  	s30 =	simm.s32 $0xE438;
	s2 =	simm.s32 $0x0  }
0x299: {  	[tilespmem:s30], [sflag:$0x7] =	stream.linear.gather [spmem:s2], $0x2000, $0x38;
	[tilespmem:$0x1E678] =	vst v63  }
.Ltmp37:
0x29a: {  	_ = 	snop;
	(pc) =	sbr.rel .LBB2_47-.Ltmp37, $4  }
0x29b: {  	_ =	swait.ge [sflag:s0], $0x2020  }
0x29c: {  	[sflag:s0] =	ssyncset.done $0x0  }
0x29d: {  	s31 =	simm.s32 $0x8;
	[sflag:s0] =	ssyncadd.s32 $0xFFFFDFE0  }
0x29e: {  	s3 =	simm.s32 $0x0;
	[sflag:s31] =	ssyncpa.u1 $0x0  }
.LBB2_53:
0x29f: {  	p1 =	slt.u32 s0, $0x4E171  }
0x2a0: {  	s4 =	sand.u32 @p1 $0x7FFF8, s0;
	s5 =	sand.u32 @p1 $0x7, s0;
	s0 =	sadd.s32 @p1 $0x80, s0  }
0x2a1: {  	s6 =	simm.s32 @p1 $0xE308;
	s4 =	sadd.s32 @p1 s1, s4;
	s0 =	sand.u32 @p1 $0xFFFF8, s0  }
0x2a2: {  	[tilespmem:s6], [sflag:$0x8] =	stream.linear.gather @p1 [hbm4b:s4+s5], $0x80, $0x38;
	[tilespmem:$0x1E678] =	vst v63  }
0x2a3: {  	s0 =	sadd.s32 @p1 s1, s0;
	s4 =	simm.s32 @p1 $0xE388  }
0x2a4: {  	[tilespmem:s4], [sflag:$0x8] =	stream.linear.gather @p1 [hbm4b:s0+s5], $0x80, $0x38;
	[tilespmem:$0x1E678] =	vst v63  }
0x2a5: {  	s0 =	simm.s32 @p1 $0x8  }
0x2a6: {  	_ =	swait.ge @p1 [sflag:s0], $0x100  }
0x2a7: {  	[sflag:s0] =	ssyncset.done @p1 $0x0  }
0x2a8: {  	[sflag:s0] =	ssyncadd.s32 @p1 $0xFFFFFF00  }
0x2a9: {  	v1 =	vld @p1 [tilespmem:$0xE308];
	_ =	sdelay $0x2  }
0x2aa: {  	s0 =	sshll.u32 @p1 s3, $0xA  }
0x2ab: {  	s4 =	sshrl.u32 @p1 s0, $0x2  }
0x2ac: {  	[tilespmem:s4+$0xE438] =	vst.add.f32.msk @p1 $0xffff, v1  }
0x2ad: {  	v1 =	vld @p1 [tilespmem:$0xE318];
	_ =	sdelay $0x4  }
0x2ae: {  	[tilespmem:s4+$0xE448] =	vst.add.f32.msk @p1 $0xffff, v1  }
0x2af: {  	v1 =	vld @p1 [tilespmem:$0xE328];
	_ =	sdelay $0x4  }
0x2b0: {  	[tilespmem:s4+$0xE458] =	vst.add.f32.msk @p1 $0xffff, v1  }
0x2b1: {  	v1 =	vld @p1 [tilespmem:$0xE338];
	_ =	sdelay $0x4  }
0x2b2: {  	[tilespmem:s4+$0xE468] =	vst.add.f32.msk @p1 $0xffff, v1  }
0x2b3: {  	v1 =	vld @p1 [tilespmem:$0xE348];
	_ =	sdelay $0x4  }
0x2b4: {  	[tilespmem:s4+$0xE478] =	vst.add.f32.msk @p1 $0xffff, v1  }
0x2b5: {  	v1 =	vld @p1 [tilespmem:$0xE358];
	_ =	sdelay $0x4  }
0x2b6: {  	[tilespmem:s4+$0xE488] =	vst.add.f32.msk @p1 $0xffff, v1  }
0x2b7: {  	v1 =	vld @p1 [tilespmem:$0xE368];
	_ =	sdelay $0x4  }
0x2b8: {  	[tilespmem:s4+$0xE498] =	vst.add.f32.msk @p1 $0xffff, v1  }
0x2b9: {  	v1 =	vld @p1 [tilespmem:$0xE378];
	_ =	sdelay $0x4  }
0x2ba: {  	[tilespmem:s4+$0xE4A8] =	vst.add.f32.msk @p1 $0xffff, v1  }
0x2bb: {  	v1 =	vld @p1 [tilespmem:$0xE388];
	_ =	sdelay $0x4  }
0x2bc: {  	[tilespmem:s4+$0xE4B8] =	vst.add.f32.msk @p1 $0xffff, v1  }
0x2bd: {  	v1 =	vld @p1 [tilespmem:$0xE398];
	_ =	sdelay $0x4  }
0x2be: {  	[tilespmem:s4+$0xE4C8] =	vst.add.f32.msk @p1 $0xffff, v1  }
0x2bf: {  	v1 =	vld @p1 [tilespmem:$0xE3A8];
	_ =	sdelay $0x4  }
0x2c0: {  	[tilespmem:s4+$0xE4D8] =	vst.add.f32.msk @p1 $0xffff, v1  }
0x2c1: {  	v1 =	vld @p1 [tilespmem:$0xE3B8];
	_ =	sdelay $0x4  }
0x2c2: {  	[tilespmem:s4+$0xE4E8] =	vst.add.f32.msk @p1 $0xffff, v1  }
0x2c3: {  	v1 =	vld @p1 [tilespmem:$0xE3C8];
	_ =	sdelay $0x4  }
0x2c4: {  	[tilespmem:s4+$0xE4F8] =	vst.add.f32.msk @p1 $0xffff, v1  }
0x2c5: {  	v1 =	vld @p1 [tilespmem:$0xE3D8];
	_ =	sdelay $0x4  }
0x2c6: {  	[tilespmem:s4+$0xE508] =	vst.add.f32.msk @p1 $0xffff, v1  }
0x2c7: {  	v1 =	vld @p1 [tilespmem:$0xE3E8];
	_ =	sdelay $0x4  }
0x2c8: {  	[tilespmem:s4+$0xE518] =	vst.add.f32.msk @p1 $0xffff, v1  }
0x2c9: {  	v1 =	vld @p1 [tilespmem:$0xE3F8];
	_ =	sdelay $0x3  }
0x2ca: {  	s5 =	sshll.u32 @!p1 s3, $0xA  }
0x2cb: {  	s5 =	smov.u32 @p1 s0;
	[tilespmem:s4+$0xE528] =	vst.add.f32.msk @p1 $0xffff, v1  }
0x2cc: {  	s0 =	sshrl.u32 s5, $0x2;
	[tilespmem:s2+$0xE418] =	vst.msk $0x1, v0  }
0x2cd: {  	v0 =	vld [tilespmem:s0+$0xE438];
	_ =	sdelay $0x2  }
0x2ce: {  	s31 =	sshll.u32 s2, $0xA  }
0x2cf: {  	s4 =	sshra.s32 s31, $0x2  }
0x2d0: {  	[tilespmem:s4+$0xE438] =	vst v0  }
0x2d1: {  	v0 =	vld [tilespmem:s0+$0xE448];
	_ =	sdelay $0x4  }
0x2d2: {  	[tilespmem:s4+$0xE448] =	vst v0  }
0x2d3: {  	v0 =	vld [tilespmem:s0+$0xE458];
	_ =	sdelay $0x4  }
0x2d4: {  	[tilespmem:s4+$0xE458] =	vst v0  }
0x2d5: {  	v0 =	vld [tilespmem:s0+$0xE468];
	_ =	sdelay $0x4  }
0x2d6: {  	[tilespmem:s4+$0xE468] =	vst v0  }
0x2d7: {  	v0 =	vld [tilespmem:s0+$0xE478];
	_ =	sdelay $0x4  }
0x2d8: {  	[tilespmem:s4+$0xE478] =	vst v0  }
0x2d9: {  	v0 =	vld [tilespmem:s0+$0xE488];
	_ =	sdelay $0x4  }
0x2da: {  	[tilespmem:s4+$0xE488] =	vst v0  }
0x2db: {  	v0 =	vld [tilespmem:s0+$0xE498];
	_ =	sdelay $0x4  }
0x2dc: {  	[tilespmem:s4+$0xE498] =	vst v0  }
0x2dd: {  	v0 =	vld [tilespmem:s0+$0xE4A8];
	_ =	sdelay $0x4  }
0x2de: {  	[tilespmem:s4+$0xE4A8] =	vst v0  }
0x2df: {  	v0 =	vld [tilespmem:s0+$0xE4B8];
	_ =	sdelay $0x4  }
0x2e0: {  	[tilespmem:s4+$0xE4B8] =	vst v0  }
0x2e1: {  	v0 =	vld [tilespmem:s0+$0xE4C8];
	_ =	sdelay $0x4  }
0x2e2: {  	[tilespmem:s4+$0xE4C8] =	vst v0  }
0x2e3: {  	v0 =	vld [tilespmem:s0+$0xE4D8];
	_ =	sdelay $0x4  }
0x2e4: {  	[tilespmem:s4+$0xE4D8] =	vst v0  }
0x2e5: {  	v0 =	vld [tilespmem:s0+$0xE4E8];
	_ =	sdelay $0x4  }
0x2e6: {  	[tilespmem:s4+$0xE4E8] =	vst v0  }
0x2e7: {  	v0 =	vld [tilespmem:s0+$0xE4F8];
	_ =	sdelay $0x4  }
0x2e8: {  	[tilespmem:s4+$0xE4F8] =	vst v0  }
0x2e9: {  	v0 =	vld [tilespmem:s0+$0xE508];
	_ =	sdelay $0x4  }
0x2ea: {  	[tilespmem:s4+$0xE508] =	vst v0  }
0x2eb: {  	v0 =	vld [tilespmem:s0+$0xE518];
	_ =	sdelay $0x4  }
0x2ec: {  	[tilespmem:s4+$0xE518] =	vst v0  }
0x2ed: {  	v0 =	vld [tilespmem:s0+$0xE528];
	_ =	sdelay $0x4  }
0x2ee: {  	s2 =	sadd.s32 $0x1, s2;
	[tilespmem:s4+$0xE528] =	vst v0  }
.LBB2_54:
0x2ef: {  	s3 =	sadd.s32 $0x1, s3  }
0x2f0: {  	p1 =	sne.s32 s3, $0x20  }
.Ltmp38:
0x2f1: {  	_ = 	snop;
	(pc) =	sbr.rel @!p1 .LBB2_55-.Ltmp38, $1  }
0x2f2: {  	_ =	sdelay $0x3  }
.LBB2_47:
0x2f3: {  	v0 =	vld.msk [tilespmem:s3+$0xE418], $0x1;
	_ =	sdelay $0x4  }
0x2f4: {  	(v2sf) =	vpush v0, $0x0;
	_ =	sdelay $0xe  }
0x2f5: {  	s0 =	spop (v2sf)  }
0x2f6: {  	p1 =	seq.s32 s0, $0xFFFFFFFF  }
.Ltmp39:
0x2f7: {  	_ = 	snop;
	(pc) =	sbr.rel @p1 .LBB2_54-.Ltmp39, $1  }
0x2f8: {  	_ =	sdelay $0x3  }
0x2f9: {  	p1 =	slt.s32 s2, $0x1  }
.Ltmp40:
0x2fa: {  	_ = 	snop;
	(pc) =	sbr.rel @p1 .LBB2_53-.Ltmp40, $1  }
0x2fb: {  	_ =	sdelay $0x3  }
0x2fc: {  	s4 =	simm.s32 $0xE418;
	p1 =	por $0x0, $0x0  }
0x2fd: {  	v1 =	vld.msk @!p1 [tilespmem:s4+$0x0], $0x1;
	_ =	sdelay $0x4  }
0x2fe: {  	(v2sf) =	vpush @!p1 v1, $0x0;
	_ =	sdelay $0xd  }
0x2ff: {  	p3 =	sne.s32 s2, $0x1  }
.Ltmp41:
0x300: {  	s5 =	spop @!p1 (v2sf);
	(pc) =	sbr.rel @!p3 .LBB2_51-.Ltmp41, $4  }
0x301: {  	p2 =	seq.s32 @!p1 s0, s5  }
0x302: {  	s5 =	simm.s32 $0x0;
	p2 =	por !p2, p1  }
0x303: {  	s7 =	simm.s32 $0xFFFFFFFF;
	s5 =	simm.s32 @p2 $0xFFFFFFFF  }
0x304: {  	s6 =	simm.s32 $0x1;
	s5 =	smov.u32 @p1 s7  }
.LBB2_50:
0x305: {  	s7 =	smov.u32 s5;
	p1 =	sne.s32 s5, $0xFFFFFFFF  }
0x306: {  	s4 =	sadd.s32 $0x1, s4;
	s5 =	smov.u32 s6;
	s6 =	sadd.s32 $0x1, s6  }
0x307: {  	p2 =	sne.s32 s2, s6;
	v1 =	vld.msk @!p1 [tilespmem:s4+$0x0], $0x1;
	_ =	sdelay $0x4  }
0x308: {  	(v2sf) =	vpush @!p1 v1, $0x0;
	_ =	sdelay $0xe  }
.Ltmp42:
0x309: {  	s8 =	spop @!p1 (v2sf);
	(pc) =	sbr.rel @p2 .LBB2_50-.Ltmp42, $4  }
0x30a: {  	p3 =	seq.s32 @!p1 s0, s8  }
0x30b: {  	p3 =	por !p3, p1  }
0x30c: {  	s5 =	simm.s32 @p3 $0xFFFFFFFF  }
0x30d: {  	s5 =	smov.u32 @p1 s7  }
.LBB2_51:
0x30e: {  	p1 =	seq.s32 s5, $0xFFFFFFFF  }
.Ltmp43:
0x30f: {  	_ = 	snop;
	(pc) =	sbr.rel @p1 .LBB2_53-.Ltmp43, $1  }
0x310: {  	_ =	sdelay $0x3  }
0x311: {  	s0 =	sshll.u32 s3, $0x8  }
0x312: {  	s0 =	sand.u32 $0x3FFFFF00, s0  }
0x313: {  	v0 =	vld [tilespmem:s0+$0xE438];
	_ =	sdelay $0x2  }
0x314: {  	s4 =	sshll.u32 s5, $0xA  }
0x315: {  	s4 =	sshra.s32 s4, $0x2  }
0x316: {  	[tilespmem:s4+$0xE438] =	vst.add.f32.msk $0xffff, v0  }
0x317: {  	v0 =	vld [tilespmem:s0+$0xE448];
	_ =	sdelay $0x4  }
0x318: {  	[tilespmem:s4+$0xE448] =	vst.add.f32.msk $0xffff, v0  }
0x319: {  	v0 =	vld [tilespmem:s0+$0xE458];
	_ =	sdelay $0x4  }
0x31a: {  	[tilespmem:s4+$0xE458] =	vst.add.f32.msk $0xffff, v0  }
0x31b: {  	v0 =	vld [tilespmem:s0+$0xE468];
	_ =	sdelay $0x4  }
0x31c: {  	[tilespmem:s4+$0xE468] =	vst.add.f32.msk $0xffff, v0  }
0x31d: {  	v0 =	vld [tilespmem:s0+$0xE478];
	_ =	sdelay $0x4  }
0x31e: {  	[tilespmem:s4+$0xE478] =	vst.add.f32.msk $0xffff, v0  }
0x31f: {  	v0 =	vld [tilespmem:s0+$0xE488];
	_ =	sdelay $0x4  }
0x320: {  	[tilespmem:s4+$0xE488] =	vst.add.f32.msk $0xffff, v0  }
0x321: {  	v0 =	vld [tilespmem:s0+$0xE498];
	_ =	sdelay $0x4  }
0x322: {  	[tilespmem:s4+$0xE498] =	vst.add.f32.msk $0xffff, v0  }
0x323: {  	v0 =	vld [tilespmem:s0+$0xE4A8];
	_ =	sdelay $0x4  }
0x324: {  	[tilespmem:s4+$0xE4A8] =	vst.add.f32.msk $0xffff, v0  }
0x325: {  	v0 =	vld [tilespmem:s0+$0xE4B8];
	_ =	sdelay $0x4  }
0x326: {  	[tilespmem:s4+$0xE4B8] =	vst.add.f32.msk $0xffff, v0  }
0x327: {  	v0 =	vld [tilespmem:s0+$0xE4C8];
	_ =	sdelay $0x4  }
0x328: {  	[tilespmem:s4+$0xE4C8] =	vst.add.f32.msk $0xffff, v0  }
0x329: {  	v0 =	vld [tilespmem:s0+$0xE4D8];
	_ =	sdelay $0x4  }
0x32a: {  	[tilespmem:s4+$0xE4D8] =	vst.add.f32.msk $0xffff, v0  }
0x32b: {  	v0 =	vld [tilespmem:s0+$0xE4E8];
	_ =	sdelay $0x4  }
0x32c: {  	[tilespmem:s4+$0xE4E8] =	vst.add.f32.msk $0xffff, v0  }
0x32d: {  	v0 =	vld [tilespmem:s0+$0xE4F8];
	_ =	sdelay $0x4  }
0x32e: {  	[tilespmem:s4+$0xE4F8] =	vst.add.f32.msk $0xffff, v0  }
0x32f: {  	v0 =	vld [tilespmem:s0+$0xE508];
	_ =	sdelay $0x4  }
0x330: {  	[tilespmem:s4+$0xE508] =	vst.add.f32.msk $0xffff, v0  }
0x331: {  	v0 =	vld [tilespmem:s0+$0xE518];
	_ =	sdelay $0x4  }
0x332: {  	[tilespmem:s4+$0xE518] =	vst.add.f32.msk $0xffff, v0  }
0x333: {  	v0 =	vld [tilespmem:s0+$0xE528]  }
.Ltmp44:
0x334: {  	_ = 	snop;
	(pc) =	sbr.rel .LBB2_54-.Ltmp44, $2  }
0x335: {  	_ =	sdelay $0x2  }
0x336: {  	[tilespmem:s4+$0xE528] =	vst.add.f32.msk $0xffff, v0  }
.LBB2_55:
0x337: {  	p1 =	slt.s32 s2, $0x1  }
.Ltmp45:
0x338: {  	_ = 	snop;
	(pc) =	sbr.rel @p1 .LBB2_59-.Ltmp45, $3  }
0x339: {  	_ =	sdelay $0x1  }
0x33a: {  	s0 =	simm.s32 $0x8  }
0x33b: {  	s4 =	simm.s32 $0x0;
	[sflag:s0] =	ssyncpa.u1 $0x1  }
0x33c: {  	s0 =	simm.s32 $0xE418  }
0x33d: {  	v0 =	vld.msk [tilespmem:s0+$0x0], $0x1;
	_ =	sdelay $0x4  }
0x33e: {  	(v2sf) =	vpush v0, $0x0;
	_ =	sdelay $0xe  }
0x33f: {  	s0 =	sadd.s32 $0xFFFFFFFF, s2;
	s3 =	spop (v2sf)  }
0x340: {  	s6 =	simm.s32 $0xE438;
	p1 =	sne.s32 s0, $0x0;
	p2 =	sgt.u32 s3, $0x4E170  }
.Ltmp46:
0x341: {  	s2 =	simm.s32 $0xE538;
	s5 =	sand.u32 @!p2 $0x7FFF8, s3;
	(pc) =	sbr.rel @!p1 .LBB2_58-.Ltmp46, $4  }
0x342: {  	s7 =	sadd.s32 @!p2 $0x80, s3;
	s4 =	simm.s32 @!p2 $0x400;
	s8 =	sadd.s32 @!p2 s1, s5  }
0x343: {  	s5 =	sand.u32 @!p2 $0x7, s3;
	s3 =	simm.s32 $0xE419;
	s7 =	sand.u32 @!p2 $0xFFFF8, s7  }
0x344: {  	[hbm4b:s8+s5] =	stream.linear.scatter @!p2 [tilespmem:s6], [sflag:$0x7], $0x80, $0x38;
	[tilespmem:$0x1E678] =	vst v63  }
0x345: {  	s4 =	sadd.s32 $0x0, s4;
	s6 =	simm.s32 @!p2 $0xE4B8;
	s7 =	sadd.s32 @!p2 s1, s7  }
.LBB2_57:
0x346: {  	[hbm4b:s7+s5] =	stream.linear.scatter @!p2 [tilespmem:s6], [sflag:$0x7], $0x80, $0x38;
	[tilespmem:$0x1E678] =	vst v63  }
0x347: {  	s0 =	sadd.s32 $0xFFFFFFFF, s0;
	s6 =	smov.u32 s2;
	v0 =	vld.msk [tilespmem:s3+$0x0], $0x1  }
0x348: {  	p1 =	sne.s32 s0, $0x0;
	_ =	sdelay $0x3  }
0x349: {  	(v2sf) =	vpush v0, $0x0;
	_ =	sdelay $0xe  }
0x34a: {  	s2 =	sadd.s32 $0x100, s2;
	s8 =	simm.s32 $0x0;
	s5 =	spop (v2sf)  }
.Ltmp47:
0x34b: {  	s3 =	sadd.s32 $0x1, s3;
	p2 =	sgt.u32 s5, $0x4E170;
	(pc) =	sbr.rel @p1 .LBB2_57-.Ltmp47, $4  }
0x34c: {  	s8 =	simm.s32 @!p2 $0x400;
	s7 =	sand.u32 @!p2 $0x7FFF8, s5;
	s9 =	sadd.s32 @!p2 $0x80, s5  }
0x34d: {  	s5 =	sand.u32 @!p2 $0x7, s5;
	s7 =	sadd.s32 @!p2 s1, s7;
	s9 =	sand.u32 @!p2 $0xFFFF8, s9  }
0x34e: {  	[hbm4b:s7+s5] =	stream.linear.scatter @!p2 [tilespmem:s6], [sflag:$0x7], $0x80, $0x38;
	[tilespmem:$0x1E678] =	vst v63  }
0x34f: {  	s4 =	sadd.s32 s4, s8;
	s6 =	sadd.s32 @!p2 $0x80, s6;
	s7 =	sadd.s32 @!p2 s1, s9  }
.LBB2_58:
0x350: {  	[hbm4b:s7+s5] =	stream.linear.scatter @!p2 [tilespmem:s6], [sflag:$0x7], $0x80, $0x38;
	[tilespmem:$0x1E678] =	vst v63  }
0x351: {  	s4 =	sshrl.u32 s4, $0x2  }
.LBB2_59:
0x352: {  	s0 =	simm.s32 $0x7  }
0x353: {  	_ =	swait.ge [sflag:s0], s4  }
0x354: {  	s1 =	ssub.s32 $0x0, s4;
	[sflag:s0] =	ssyncset.done $0x0  }
0x355: {  	[sflag:s0] =	ssyncadd.s32 s1  }
0x356: {  	[sflag:s0] =	ssyncpa.u1 $0x1  }
.LBB2_60:
0x357: {  	_ =	sfence;
	s0 =	simm.s32 $0x1  }
0x358: {  	[sflag:s0] =	ssyncpa.u1 $0x1  }
0x359: {  	_ =	strace $0x9000004D  }
0x35a: {  	[bflag:$0x2] =	sbarrier.arrive $0xFFFF  }
0x35b: {  	s0 =	rddreg [dreg:$0x3]  }
0x35c: {  	s0 =	sadd.s32 @!p0 $0x100000, s0  }
0x35d: {  	[sflag:s0] =	ssyncadd.tile.s32 @!p0 $0x1;
	_ =	shalt  }
.Lfunc_end2:
_tile_overlayer_lowered:
.L_overlay_start_2:
0x35e: {  	(tag) =	ssettag $0x2  }
0x35f: {  	s0 =	rddreg [dreg:$0x0];
	s2 =	stileid.u32  }
0x360: {  	s1 =	rddreg [dreg:$0x1];
	p0 =	sne.s32 s2, $0x0  }
0x361: {  	s3 =	rddreg [dreg:$0x2];
	[bflag:$0x3] =	sbarrier.arrive $0xFFFF;
	s2 =	simm.s32 @!p0 $0x1C01  }
0x362: {  	[timem:s3], [sflag:s2] =	dma.local @!p0 [hbm:s0], s1  }
0x363: {  	s0 =	simm.s32 @!p0 $0x1  }
0x364: {  	_ =	swait.ge @!p0 [sflag:s0], s1  }
0x365: {  	s1 =	ssub.s32 @!p0 $0x0, s1;
	[sflag:s0] =	ssyncset.done @!p0 $0x0  }
0x366: {  	[sflag:s0] =	ssyncadd.s32 @!p0 s1  }
0x367: {  	[bflag:$0x3] =	sbarrier.arrive $0xFFFF  }
0x368: {  	_ =	shalt  }

</sc_bundles>
